<compile_context>
chip_gen: v7x
topology: tpu7x:2x2x1
jax: 0.10.2.dev20260603
libtpu: 0.0.44.dev20260713+nightly
codegen_flags: <defaults>
</compile_context>

<pallas_src>
import functools

import jax
import jax.numpy as jnp
from jax import lax
from jax.experimental import pallas as pl
from jax.experimental.pallas import tpu as pltpu
from jax.experimental.pallas import tpu_sc as plsc

BATCH = 16384
EMBED = 128
D2 = EMBED // 2

NUM_CORES = 2
NUM_SUBCORES = 16
NUM_WORKERS = NUM_CORES * NUM_SUBCORES
ROWS_PER_WORKER = BATCH // NUM_WORKERS
CHUNK = 128
CHUNKS_PER_WORKER = ROWS_PER_WORKER // CHUNK
LANES = 16


def _cos_sin_body(rel_ref, out_ref):
    ph = rel_ref[...]
    out_ref[...] = jnp.concatenate([jnp.cos(ph), jnp.sin(ph)], axis=1)


def _cos_sin_table(relation_emb):
    n, d2 = relation_emb.shape
    return pl.pallas_call(
        _cos_sin_body,
        out_shape=jax.ShapeDtypeStruct((n, 2 * d2), jnp.float32),
    )(relation_emb)


def _vsqrt(s2):
    i = lax.bitcast_convert_type(s2, jnp.int32)
    i = jnp.int32(0x5F3759DF) - lax.shift_right_logical(i, 1)
    y0 = lax.bitcast_convert_type(i, jnp.float32)
    a = s2 * y0
    return 1.5 * a - (0.5 * y0) * (a * a)


def _sc_body(h_idx, r_idx, t_idx, ent, cs, out,
             idxh, idxr, idxt, hbuf0, tbuf0, csbuf0,
             hbuf1, tbuf1, csbuf1, obuf, semh, semt, semr):
    wid = lax.axis_index("s") * NUM_CORES + lax.axis_index("c")
    base = wid * ROWS_PER_WORKER
    lane15 = lax.iota(jnp.int32, LANES) == (LANES - 1)
    sets = ((hbuf0, tbuf0, csbuf0), (hbuf1, tbuf1, csbuf1))

    pltpu.sync_copy(h_idx.at[pl.ds(base, ROWS_PER_WORKER)], idxh)
    pltpu.sync_copy(t_idx.at[pl.ds(base, ROWS_PER_WORKER)], idxt)
    pltpu.sync_copy(r_idx.at[pl.ds(base, ROWS_PER_WORKER)], idxr)

    def issue(chunk):
        hbuf, tbuf, csbuf = sets[chunk % 2]
        sl = pl.ds(chunk * CHUNK, CHUNK)
        return (pltpu.async_copy(ent.at[idxh.at[sl]], hbuf, semh),
                pltpu.async_copy(ent.at[idxt.at[sl]], tbuf, semt),
                pltpu.async_copy(cs.at[idxr.at[sl]], csbuf, semr))

    pending = issue(0)
    for chunk in range(CHUNKS_PER_WORKER):
        for cp in pending:
            cp.wait()
        if chunk + 1 < CHUNKS_PER_WORKER:
            pending = issue(chunk + 1)
        hbuf, tbuf, csbuf = sets[chunk % 2]

        def row_body(r, carry, _chunk=chunk, hbuf=hbuf, tbuf=tbuf,
                     csbuf=csbuf):
            accs = [jnp.zeros((LANES,), jnp.float32) for _ in range(2)]
            for j in range(D2 // LANES):
                re_h = hbuf[r, pl.ds(j * LANES, LANES)]
                im_h = hbuf[r, pl.ds(D2 + j * LANES, LANES)]
                re_t = tbuf[r, pl.ds(j * LANES, LANES)]
                im_t = tbuf[r, pl.ds(D2 + j * LANES, LANES)]
                c = csbuf[r, pl.ds(j * LANES, LANES)]
                s = csbuf[r, pl.ds(D2 + j * LANES, LANES)]
                re_s = re_h * c - im_h * s - re_t
                im_s = re_h * s + im_h * c - im_t
                s2 = re_s * re_s + im_s * im_s
                accs[j % 2] = accs[j % 2] + _vsqrt(s2)
            csum = plsc.cumsum(accs[0] + accs[1])
            idx = jnp.full((LANES,), 0, jnp.int32) + (_chunk * CHUNK + r)
            plsc.store_scatter(obuf, [idx], -csum, mask=lane15)
            return carry

        lax.fori_loop(0, CHUNK, row_body, jnp.int32(0), unroll=4)

    pltpu.sync_copy(obuf, out.at[pl.ds(base, ROWS_PER_WORKER)])


@functools.partial(jax.jit, static_argnames=())
def kernel(h_idx, r_idx, t_idx, entity_emb, relation_emb):
    cs = _cos_sin_table(relation_emb)
    mesh = plsc.VectorSubcoreMesh(core_axis_name="c", subcore_axis_name="s")
    run = pl.kernel(
        _sc_body,
        out_type=jax.ShapeDtypeStruct((BATCH,), jnp.float32),
        mesh=mesh,
        compiler_params=pltpu.CompilerParams(needs_layout_passes=False),
        scratch_types=(
            [pltpu.VMEM((ROWS_PER_WORKER,), jnp.int32)] * 3
            + [pltpu.VMEM((CHUNK, EMBED), jnp.float32)] * 6
            + [pltpu.VMEM((ROWS_PER_WORKER,), jnp.float32)]
            + [pltpu.SemaphoreType.DMA] * 3
        ),
    )
    return run(h_idx.astype(jnp.int32), r_idx.astype(jnp.int32),
               t_idx.astype(jnp.int32), entity_emb, cs)

# --- scband reference (transcript-rebuilt; emitter-appended) ---
"""Pipeline reference for scband-rotat-ebase-77945066488379 (READ-ONLY COPY).

The authoritative reference and input builder live on the scoring server;
editing this copy changes nothing except your own understanding.
"""

import jax, jax.numpy as jnp
import numpy as np
import math

NUM_ENTITIES = 1000000
NUM_RELATIONS = 1000
EMBED_DIM = 128
BATCH = 16384

def setup_inputs(seed: int = 0) -> dict:
    key = jax.random.key(seed)
    k1, k2, k3, k4, k5 = jax.random.split(key, 5)
    h_idx = jax.random.randint(k1, (BATCH,), 0, NUM_ENTITIES, dtype=jnp.int64) if jax.config.jax_enable_x64 else jax.random.randint(k1, (BATCH,), 0, NUM_ENTITIES, dtype=jnp.int32)
    r_idx = jax.random.randint(k2, (BATCH,), 0, NUM_RELATIONS, dtype=jnp.int32)
    t_idx = jax.random.randint(k3, (BATCH,), 0, NUM_ENTITIES, dtype=jnp.int32)
    entity_emb = jax.random.uniform(k4, (NUM_ENTITIES, EMBED_DIM), dtype=jnp.float32, minval=-1.0, maxval=1.0)
    relation_emb = jax.random.uniform(k5, (NUM_RELATIONS, EMBED_DIM // 2), dtype=jnp.float32, minval=-math.pi, maxval=math.pi)
    return {"h_idx": h_idx, "r_idx": r_idx, "t_idx": t_idx, "entity_emb": entity_emb, "relation_emb": relation_emb}

def reference(h_idx, r_idx, t_idx, entity_emb, relation_emb):
    # RotatE score: -|| h \circ r - t || with complex rotation
    h = jnp.take(entity_emb, h_idx, axis=0)
    t = jnp.take(entity_emb, t_idx, axis=0)
    phase = jnp.take(relation_emb, r_idx, axis=0)
    re_r = jnp.cos(phase)
    im_r = jnp.sin(phase)
    d2 = entity_emb.shape[1] // 2
    re_h, im_h = h[:, :d2], h[:, d2:]
    re_t, im_t = t[:, :d2], t[:, d2:]
    re_score = re_h * re_r - im_h * im_r - re_t
    im_score = re_h * im_r + im_h * re_r - im_t
    dist = jnp.linalg.norm(jnp.stack([re_score, im_score], axis=0), axis=0)
    return -dist.sum(axis=-1)

if __name__ == "__main__":
    import jax
    _d = setup_inputs()
    print(jax.jit(kernel)(*tuple(_d.values())))

</pallas_src>

<mosaic_0001>
#map = affine_map<(d0, d1) -> (0)>
#map1 = affine_map<(d0, d1) -> (0, 0)>
module attributes {stable_mosaic.version = 14 : i64} {
  func.func @_sc_body(%arg0: i32, %arg1: i32, %arg2: memref<16384xi32, #tpu.memory_space<hbm>>, %arg3: memref<16384xi32, #tpu.memory_space<hbm>>, %arg4: memref<16384xi32, #tpu.memory_space<hbm>>, %arg5: memref<1000000x128xf32, #tpu.memory_space<hbm>>, %arg6: memref<1000x128xf32, #tpu.memory_space<hbm>>, %arg7: memref<16384xf32, #tpu.memory_space<hbm>>, %arg8: memref<512xi32, #tpu.memory_space<vmem>>, %arg9: memref<512xi32, #tpu.memory_space<vmem>>, %arg10: memref<512xi32, #tpu.memory_space<vmem>>, %arg11: memref<128x128xf32, #tpu.memory_space<vmem>>, %arg12: memref<128x128xf32, #tpu.memory_space<vmem>>, %arg13: memref<128x128xf32, #tpu.memory_space<vmem>>, %arg14: memref<128x128xf32, #tpu.memory_space<vmem>>, %arg15: memref<128x128xf32, #tpu.memory_space<vmem>>, %arg16: memref<128x128xf32, #tpu.memory_space<vmem>>, %arg17: memref<512xf32, #tpu.memory_space<vmem>>, %arg18: memref<!tpu.dma_semaphore, #tpu.memory_space<semaphore_mem>>, %arg19: memref<!tpu.dma_semaphore, #tpu.memory_space<semaphore_mem>>, %arg20: memref<!tpu.dma_semaphore, #tpu.memory_space<semaphore_mem>>) attributes {dimension_semantics = [#tpu.dimension_semantics<core_parallel>, #tpu.dimension_semantics<subcore_parallel>], iteration_bounds = array<i64: 2, 16>, scalar_prefetch = 0 : i64, scratch_operands = 13 : i64, tpu.core_type = #tpu.core_type<sc_vector_subcore>, window_params = [{transform_indices = #map}, {transform_indices = #map}, {transform_indices = #map}, {transform_indices = #map1}, {transform_indices = #map1}, {transform_indices = #map}]} {
    %mul3A = arith.constant 2 : i32
    %mul3A_0 = arith.muli %arg1, %mul3A : i32
    %add3A = arith.addi %mul3A_0, %arg0 : i32
    %mul3A_1 = arith.constant 512 : i32
    %mul3A_2 = arith.muli %add3A, %mul3A_1 : i32
    %iota3A = tpu.iota {dimensions = array<i32: 0>} : vector<16xi32>
    %eq3A = arith.constant 15 : i32
    %eq3A_3 = vector.broadcast %eq3A : i32 to vector<16xi32>
    %eq3A_4 = arith.cmpi eq, %iota3A, %eq3A_3 : vector<16xi32>
    "tpu.region"() ({
      %run_scoped3A = tpu.sem_alloc : memref<!tpu.dma_semaphore, #tpu.memory_space<semaphore_mem>>
      %dma_start3A_146 = tpu.memref_slice %arg2[%mul3A_2] : memref<16384xi32, #tpu.memory_space<hbm>> -> memref<512xi32, #tpu.memory_space<hbm>>
      %dma_start3A_147 = tpu.memref_slice %arg2[%mul3A_2] : memref<16384xi32, #tpu.memory_space<hbm>> -> memref<512xi32, #tpu.memory_space<hbm>>
      tpu.enqueue_dma source(%dma_start3A_147 : memref<512xi32, #tpu.memory_space<hbm>>) target(%arg8 : memref<512xi32, #tpu.memory_space<vmem>>) target_semaphore(%run_scoped3A : memref<!tpu.dma_semaphore, #tpu.memory_space<semaphore_mem>>)
      %dma_wait3A_148 = tpu.memref_slice %arg2[%mul3A_2] : memref<16384xi32, #tpu.memory_space<hbm>> -> memref<512xi32, #tpu.memory_space<hbm>>
      %dma_wait3A_149 = tpu.memref_slice %arg2[%mul3A_2] : memref<16384xi32, #tpu.memory_space<hbm>> -> memref<512xi32, #tpu.memory_space<hbm>>
      tpu.wait_dma2 semaphore(%run_scoped3A : memref<!tpu.dma_semaphore, #tpu.memory_space<semaphore_mem>>) src(%dma_wait3A_149 : memref<512xi32, #tpu.memory_space<hbm>>) dst(%arg8 : memref<512xi32, #tpu.memory_space<vmem>>)
      tpu.yield
    }) : () -> ()
    "tpu.region"() ({
      %run_scoped3A = tpu.sem_alloc : memref<!tpu.dma_semaphore, #tpu.memory_space<semaphore_mem>>
      %dma_start3A_146 = tpu.memref_slice %arg4[%mul3A_2] : memref<16384xi32, #tpu.memory_space<hbm>> -> memref<512xi32, #tpu.memory_space<hbm>>
      %dma_start3A_147 = tpu.memref_slice %arg4[%mul3A_2] : memref<16384xi32, #tpu.memory_space<hbm>> -> memref<512xi32, #tpu.memory_space<hbm>>
      tpu.enqueue_dma source(%dma_start3A_147 : memref<512xi32, #tpu.memory_space<hbm>>) target(%arg10 : memref<512xi32, #tpu.memory_space<vmem>>) target_semaphore(%run_scoped3A : memref<!tpu.dma_semaphore, #tpu.memory_space<semaphore_mem>>)
      %dma_wait3A_148 = tpu.memref_slice %arg4[%mul3A_2] : memref<16384xi32, #tpu.memory_space<hbm>> -> memref<512xi32, #tpu.memory_space<hbm>>
      %dma_wait3A_149 = tpu.memref_slice %arg4[%mul3A_2] : memref<16384xi32, #tpu.memory_space<hbm>> -> memref<512xi32, #tpu.memory_space<hbm>>
      tpu.wait_dma2 semaphore(%run_scoped3A : memref<!tpu.dma_semaphore, #tpu.memory_space<semaphore_mem>>) src(%dma_wait3A_149 : memref<512xi32, #tpu.memory_space<hbm>>) dst(%arg10 : memref<512xi32, #tpu.memory_space<vmem>>)
      tpu.yield
    }) : () -> ()
    "tpu.region"() ({
      %run_scoped3A = tpu.sem_alloc : memref<!tpu.dma_semaphore, #tpu.memory_space<semaphore_mem>>
      %dma_start3A_146 = tpu.memref_slice %arg3[%mul3A_2] : memref<16384xi32, #tpu.memory_space<hbm>> -> memref<512xi32, #tpu.memory_space<hbm>>
      %dma_start3A_147 = tpu.memref_slice %arg3[%mul3A_2] : memref<16384xi32, #tpu.memory_space<hbm>> -> memref<512xi32, #tpu.memory_space<hbm>>
      tpu.enqueue_dma source(%dma_start3A_147 : memref<512xi32, #tpu.memory_space<hbm>>) target(%arg9 : memref<512xi32, #tpu.memory_space<vmem>>) target_semaphore(%run_scoped3A : memref<!tpu.dma_semaphore, #tpu.memory_space<semaphore_mem>>)
      %dma_wait3A_148 = tpu.memref_slice %arg3[%mul3A_2] : memref<16384xi32, #tpu.memory_space<hbm>> -> memref<512xi32, #tpu.memory_space<hbm>>
      %dma_wait3A_149 = tpu.memref_slice %arg3[%mul3A_2] : memref<16384xi32, #tpu.memory_space<hbm>> -> memref<512xi32, #tpu.memory_space<hbm>>
      tpu.wait_dma2 semaphore(%run_scoped3A : memref<!tpu.dma_semaphore, #tpu.memory_space<semaphore_mem>>) src(%dma_wait3A_149 : memref<512xi32, #tpu.memory_space<hbm>>) dst(%arg9 : memref<512xi32, #tpu.memory_space<vmem>>)
      tpu.yield
    }) : () -> ()
    %dma_start3A = arith.constant 0 : i32
    %dma_start3A_5 = tpu.memref_slice %arg8[%dma_start3A] : memref<512xi32, #tpu.memory_space<vmem>> -> memref<128xi32, #tpu.memory_space<vmem>>
    %dma_start3A_6 = arith.constant 0 : i32
    %dma_start3A_7 = arith.constant 0 : i32
    %dma_start3A_8 = tpu.memref_slice %arg5[%dma_start3A_6, %dma_start3A_7] : memref<1000000x128xf32, #tpu.memory_space<hbm>> -> memref<1000000x128xf32, #tpu.memory_space<hbm>>
    tpu.enqueue_indirect_dma source(%dma_start3A_8 : memref<1000000x128xf32, #tpu.memory_space<hbm>>) target(%arg11 : memref<128x128xf32, #tpu.memory_space<vmem>>) offsets(%dma_start3A_5 : memref<128xi32, #tpu.memory_space<vmem>>) semaphore(%arg18 : memref<!tpu.dma_semaphore, #tpu.memory_space<semaphore_mem>>)
    %dma_start3A_9 = arith.constant 0 : i32
    %dma_start3A_10 = tpu.memref_slice %arg10[%dma_start3A_9] : memref<512xi32, #tpu.memory_space<vmem>> -> memref<128xi32, #tpu.memory_space<vmem>>
    %dma_start3A_11 = arith.constant 0 : i32
    %dma_start3A_12 = arith.constant 0 : i32
    %dma_start3A_13 = tpu.memref_slice %arg5[%dma_start3A_11, %dma_start3A_12] : memref<1000000x128xf32, #tpu.memory_space<hbm>> -> memref<1000000x128xf32, #tpu.memory_space<hbm>>
    tpu.enqueue_indirect_dma source(%dma_start3A_13 : memref<1000000x128xf32, #tpu.memory_space<hbm>>) target(%arg12 : memref<128x128xf32, #tpu.memory_space<vmem>>) offsets(%dma_start3A_10 : memref<128xi32, #tpu.memory_space<vmem>>) semaphore(%arg19 : memref<!tpu.dma_semaphore, #tpu.memory_space<semaphore_mem>>)
    %dma_start3A_14 = arith.constant 0 : i32
    %dma_start3A_15 = tpu.memref_slice %arg9[%dma_start3A_14] : memref<512xi32, #tpu.memory_space<vmem>> -> memref<128xi32, #tpu.memory_space<vmem>>
    %dma_start3A_16 = arith.constant 0 : i32
    %dma_start3A_17 = arith.constant 0 : i32
    %dma_start3A_18 = tpu.memref_slice %arg6[%dma_start3A_16, %dma_start3A_17] : memref<1000x128xf32, #tpu.memory_space<hbm>> -> memref<1000x128xf32, #tpu.memory_space<hbm>>
    tpu.enqueue_indirect_dma source(%dma_start3A_18 : memref<1000x128xf32, #tpu.memory_space<hbm>>) target(%arg13 : memref<128x128xf32, #tpu.memory_space<vmem>>) offsets(%dma_start3A_15 : memref<128xi32, #tpu.memory_space<vmem>>) semaphore(%arg20 : memref<!tpu.dma_semaphore, #tpu.memory_space<semaphore_mem>>)
    %dma_wait3A = arith.constant 0 : i32
    %dma_wait3A_19 = tpu.memref_slice %arg8[%dma_wait3A] : memref<512xi32, #tpu.memory_space<vmem>> -> memref<128xi32, #tpu.memory_space<vmem>>
    %dma_wait3A_20 = arith.constant 0 : i32
    %dma_wait3A_21 = arith.constant 0 : i32
    %dma_wait3A_22 = tpu.memref_slice %arg5[%dma_wait3A_20, %dma_wait3A_21] : memref<1000000x128xf32, #tpu.memory_space<hbm>> -> memref<1000000x128xf32, #tpu.memory_space<hbm>>
    tpu.wait_indirect_dma semaphore(%arg18 : memref<!tpu.dma_semaphore, #tpu.memory_space<semaphore_mem>>) src(%dma_wait3A_22 : memref<1000000x128xf32, #tpu.memory_space<hbm>>) dst(%arg11 : memref<128x128xf32, #tpu.memory_space<vmem>>)
    %dma_wait3A_23 = arith.constant 0 : i32
    %dma_wait3A_24 = tpu.memref_slice %arg10[%dma_wait3A_23] : memref<512xi32, #tpu.memory_space<vmem>> -> memref<128xi32, #tpu.memory_space<vmem>>
    %dma_wait3A_25 = arith.constant 0 : i32
    %dma_wait3A_26 = arith.constant 0 : i32
    %dma_wait3A_27 = tpu.memref_slice %arg5[%dma_wait3A_25, %dma_wait3A_26] : memref<1000000x128xf32, #tpu.memory_space<hbm>> -> memref<1000000x128xf32, #tpu.memory_space<hbm>>
    tpu.wait_indirect_dma semaphore(%arg19 : memref<!tpu.dma_semaphore, #tpu.memory_space<semaphore_mem>>) src(%dma_wait3A_27 : memref<1000000x128xf32, #tpu.memory_space<hbm>>) dst(%arg12 : memref<128x128xf32, #tpu.memory_space<vmem>>)
    %dma_wait3A_28 = arith.constant 0 : i32
    %dma_wait3A_29 = tpu.memref_slice %arg9[%dma_wait3A_28] : memref<512xi32, #tpu.memory_space<vmem>> -> memref<128xi32, #tpu.memory_space<vmem>>
    %dma_wait3A_30 = arith.constant 0 : i32
    %dma_wait3A_31 = arith.constant 0 : i32
    %dma_wait3A_32 = tpu.memref_slice %arg6[%dma_wait3A_30, %dma_wait3A_31] : memref<1000x128xf32, #tpu.memory_space<hbm>> -> memref<1000x128xf32, #tpu.memory_space<hbm>>
    tpu.wait_indirect_dma semaphore(%arg20 : memref<!tpu.dma_semaphore, #tpu.memory_space<semaphore_mem>>) src(%dma_wait3A_32 : memref<1000x128xf32, #tpu.memory_space<hbm>>) dst(%arg13 : memref<128x128xf32, #tpu.memory_space<vmem>>)
    %dma_start3A_33 = arith.constant 128 : i32
    %dma_start3A_34 = tpu.memref_slice %arg8[%dma_start3A_33] : memref<512xi32, #tpu.memory_space<vmem>> -> memref<128xi32, #tpu.memory_space<vmem>>
    %dma_start3A_35 = arith.constant 0 : i32
    %dma_start3A_36 = arith.constant 0 : i32
    %dma_start3A_37 = tpu.memref_slice %arg5[%dma_start3A_35, %dma_start3A_36] : memref<1000000x128xf32, #tpu.memory_space<hbm>> -> memref<1000000x128xf32, #tpu.memory_space<hbm>>
    tpu.enqueue_indirect_dma source(%dma_start3A_37 : memref<1000000x128xf32, #tpu.memory_space<hbm>>) target(%arg14 : memref<128x128xf32, #tpu.memory_space<vmem>>) offsets(%dma_start3A_34 : memref<128xi32, #tpu.memory_space<vmem>>) semaphore(%arg18 : memref<!tpu.dma_semaphore, #tpu.memory_space<semaphore_mem>>)
    %dma_start3A_38 = arith.constant 128 : i32
    %dma_start3A_39 = tpu.memref_slice %arg10[%dma_start3A_38] : memref<512xi32, #tpu.memory_space<vmem>> -> memref<128xi32, #tpu.memory_space<vmem>>
    %dma_start3A_40 = arith.constant 0 : i32
    %dma_start3A_41 = arith.constant 0 : i32
    %dma_start3A_42 = tpu.memref_slice %arg5[%dma_start3A_40, %dma_start3A_41] : memref<1000000x128xf32, #tpu.memory_space<hbm>> -> memref<1000000x128xf32, #tpu.memory_space<hbm>>
    tpu.enqueue_indirect_dma source(%dma_start3A_42 : memref<1000000x128xf32, #tpu.memory_space<hbm>>) target(%arg15 : memref<128x128xf32, #tpu.memory_space<vmem>>) offsets(%dma_start3A_39 : memref<128xi32, #tpu.memory_space<vmem>>) semaphore(%arg19 : memref<!tpu.dma_semaphore, #tpu.memory_space<semaphore_mem>>)
    %dma_start3A_43 = arith.constant 128 : i32
    %dma_start3A_44 = tpu.memref_slice %arg9[%dma_start3A_43] : memref<512xi32, #tpu.memory_space<vmem>> -> memref<128xi32, #tpu.memory_space<vmem>>
    %dma_start3A_45 = arith.constant 0 : i32
    %dma_start3A_46 = arith.constant 0 : i32
    %dma_start3A_47 = tpu.memref_slice %arg6[%dma_start3A_45, %dma_start3A_46] : memref<1000x128xf32, #tpu.memory_space<hbm>> -> memref<1000x128xf32, #tpu.memory_space<hbm>>
    tpu.enqueue_indirect_dma source(%dma_start3A_47 : memref<1000x128xf32, #tpu.memory_space<hbm>>) target(%arg16 : memref<128x128xf32, #tpu.memory_space<vmem>>) offsets(%dma_start3A_44 : memref<128xi32, #tpu.memory_space<vmem>>) semaphore(%arg20 : memref<!tpu.dma_semaphore, #tpu.memory_space<semaphore_mem>>)
    %scan3A = arith.constant 0 : i32
    %scan3A_48 = arith.constant 0 : i32
    %scan3A_49 = arith.constant 128 : i32
    %scan3A_50 = arith.addi %scan3A_48, %scan3A_49 : i32
    %scan3A_51 = arith.constant 4 : i32
    scf.for %scan3A_146 = %scan3A_48 to %scan3A_50 step %scan3A_51  : i32 {
      %broadcast_in_dim3A = arith.constant 0.000000e+00 : f32
      %broadcast_in_dim3A_147 = vector.broadcast %broadcast_in_dim3A : f32 to vector<16xf32>
      %broadcast_in_dim3A_148 = arith.constant 0.000000e+00 : f32
      %broadcast_in_dim3A_149 = vector.broadcast %broadcast_in_dim3A_148 : f32 to vector<16xf32>
      %get3A = arith.index_cast %scan3A_146 : i32 to index
      %get3A_150 = arith.constant 0 : index
      %get3A_151 = tpu.vector_load %arg11[%get3A, %get3A_150] {strides = array<i32>} : memref<128x128xf32, #tpu.memory_space<vmem>>, vector<16xf32>,
      %get3A_152 = arith.index_cast %scan3A_146 : i32 to index
      %get3A_153 = arith.constant 64 : index
      %get3A_154 = tpu.vector_load %arg11[%get3A_152, %get3A_153] {strides = array<i32>} : memref<128x128xf32, #tpu.memory_space<vmem>>, vector<16xf32>,
      %get3A_155 = arith.index_cast %scan3A_146 : i32 to index
      %get3A_156 = arith.constant 0 : index
      %get3A_157 = tpu.vector_load %arg12[%get3A_155, %get3A_156] {strides = array<i32>} : memref<128x128xf32, #tpu.memory_space<vmem>>, vector<16xf32>,
      %get3A_158 = arith.index_cast %scan3A_146 : i32 to index
      %get3A_159 = arith.constant 64 : index
      %get3A_160 = tpu.vector_load %arg12[%get3A_158, %get3A_159] {strides = array<i32>} : memref<128x128xf32, #tpu.memory_space<vmem>>, vector<16xf32>,
      %get3A_161 = arith.index_cast %scan3A_146 : i32 to index
      %get3A_162 = arith.constant 0 : index
      %get3A_163 = tpu.vector_load %arg13[%get3A_161, %get3A_162] {strides = array<i32>} : memref<128x128xf32, #tpu.memory_space<vmem>>, vector<16xf32>,
      %get3A_164 = arith.index_cast %scan3A_146 : i32 to index
      %get3A_165 = arith.constant 64 : index
      %get3A_166 = tpu.vector_load %arg13[%get3A_164, %get3A_165] {strides = array<i32>} : memref<128x128xf32, #tpu.memory_space<vmem>>, vector<16xf32>,
      %mul3A_167 = arith.mulf %get3A_151, %get3A_163 : vector<16xf32>
      %mul3A_168 = arith.mulf %get3A_154, %get3A_166 : vector<16xf32>
      %sub3A = arith.subf %mul3A_167, %mul3A_168 : vector<16xf32>
      %sub3A_169 = arith.subf %sub3A, %get3A_157 : vector<16xf32>
      %mul3A_170 = arith.mulf %get3A_151, %get3A_166 : vector<16xf32>
      %mul3A_171 = arith.mulf %get3A_154, %get3A_163 : vector<16xf32>
      %add3A_172 = arith.addf %mul3A_170, %mul3A_171 : vector<16xf32>
      %sub3A_173 = arith.subf %add3A_172, %get3A_160 : vector<16xf32>
      %mul3A_174 = arith.mulf %sub3A_169, %sub3A_169 : vector<16xf32>
      %mul3A_175 = arith.mulf %sub3A_173, %sub3A_173 : vector<16xf32>
      %add3A_176 = arith.addf %mul3A_174, %mul3A_175 : vector<16xf32>
      %bitcast_convert_type3A = tpu.bitcast %add3A_176 : vector<16xf32> -> vector<16xi32>
      %shift_right_logical3A = arith.constant 1 : i32
      %shift_right_logical3A_177 = vector.broadcast %shift_right_logical3A : i32 to vector<16xi32>
      %shift_right_logical3A_178 = arith.shrui %bitcast_convert_type3A, %shift_right_logical3A_177 : vector<16xi32>
      %sub3A_179 = arith.constant 1597463007 : i32
      %sub3A_180 = vector.broadcast %sub3A_179 : i32 to vector<16xi32>
      %sub3A_181 = arith.subi %sub3A_180, %shift_right_logical3A_178 : vector<16xi32>
      %bitcast_convert_type3A_182 = tpu.bitcast %sub3A_181 : vector<16xi32> -> vector<16xf32>
      %mul3A_183 = arith.mulf %add3A_176, %bitcast_convert_type3A_182 : vector<16xf32>
      %mul3A_184 = arith.constant 1.500000e+00 : f32
      %mul3A_185 = vector.broadcast %mul3A_184 : f32 to vector<16xf32>
      %mul3A_186 = arith.mulf %mul3A_185, %mul3A_183 : vector<16xf32>
      %mul3A_187 = arith.constant 5.000000e-01 : f32
      %mul3A_188 = vector.broadcast %mul3A_187 : f32 to vector<16xf32>
      %mul3A_189 = arith.mulf %mul3A_188, %bitcast_convert_type3A_182 : vector<16xf32>
      %mul3A_190 = arith.mulf %mul3A_183, %mul3A_183 : vector<16xf32>
      %mul3A_191 = arith.mulf %mul3A_189, %mul3A_190 : vector<16xf32>
      %sub3A_192 = arith.subf %mul3A_186, %mul3A_191 : vector<16xf32>
      %add3A_193 = arith.addf %broadcast_in_dim3A_147, %sub3A_192 : vector<16xf32>
      %get3A_194 = arith.index_cast %scan3A_146 : i32 to index
      %get3A_195 = arith.constant 16 : index
      %get3A_196 = tpu.vector_load %arg11[%get3A_194, %get3A_195] {strides = array<i32>} : memref<128x128xf32, #tpu.memory_space<vmem>>, vector<16xf32>,
      %get3A_197 = arith.index_cast %scan3A_146 : i32 to index
      %get3A_198 = arith.constant 80 : index
      %get3A_199 = tpu.vector_load %arg11[%get3A_197, %get3A_198] {strides = array<i32>} : memref<128x128xf32, #tpu.memory_space<vmem>>, vector<16xf32>,
      %get3A_200 = arith.index_cast %scan3A_146 : i32 to index
      %get3A_201 = arith.constant 16 : index
      %get3A_202 = tpu.vector_load %arg12[%get3A_200, %get3A_201] {strides = array<i32>} : memref<128x128xf32, #tpu.memory_space<vmem>>, vector<16xf32>,
      %get3A_203 = arith.index_cast %scan3A_146 : i32 to index
      %get3A_204 = arith.constant 80 : index
      %get3A_205 = tpu.vector_load %arg12[%get3A_203, %get3A_204] {strides = array<i32>} : memref<128x128xf32, #tpu.memory_space<vmem>>, vector<16xf32>,
      %get3A_206 = arith.index_cast %scan3A_146 : i32 to index
      %get3A_207 = arith.constant 16 : index
      %get3A_208 = tpu.vector_load %arg13[%get3A_206, %get3A_207] {strides = array<i32>} : memref<128x128xf32, #tpu.memory_space<vmem>>, vector<16xf32>,
      %get3A_209 = arith.index_cast %scan3A_146 : i32 to index
      %get3A_210 = arith.constant 80 : index
      %get3A_211 = tpu.vector_load %arg13[%get3A_209, %get3A_210] {strides = array<i32>} : memref<128x128xf32, #tpu.memory_space<vmem>>, vector<16xf32>,
      %mul3A_212 = arith.mulf %get3A_196, %get3A_208 : vector<16xf32>
      %mul3A_213 = arith.mulf %get3A_199, %get3A_211 : vector<16xf32>
      %sub3A_214 = arith.subf %mul3A_212, %mul3A_213 : vector<16xf32>
      %sub3A_215 = arith.subf %sub3A_214, %get3A_202 : vector<16xf32>
      %mul3A_216 = arith.mulf %get3A_196, %get3A_211 : vector<16xf32>
      %mul3A_217 = arith.mulf %get3A_199, %get3A_208 : vector<16xf32>
      %add3A_218 = arith.addf %mul3A_216, %mul3A_217 : vector<16xf32>
      %sub3A_219 = arith.subf %add3A_218, %get3A_205 : vector<16xf32>
      %mul3A_220 = arith.mulf %sub3A_215, %sub3A_215 : vector<16xf32>
      %mul3A_221 = arith.mulf %sub3A_219, %sub3A_219 : vector<16xf32>
      %add3A_222 = arith.addf %mul3A_220, %mul3A_221 : vector<16xf32>
      %bitcast_convert_type3A_223 = tpu.bitcast %add3A_222 : vector<16xf32> -> vector<16xi32>
      %shift_right_logical3A_224 = arith.constant 1 : i32
      %shift_right_logical3A_225 = vector.broadcast %shift_right_logical3A_224 : i32 to vector<16xi32>
      %shift_right_logical3A_226 = arith.shrui %bitcast_convert_type3A_223, %shift_right_logical3A_225 : vector<16xi32>
      %sub3A_227 = arith.constant 1597463007 : i32
      %sub3A_228 = vector.broadcast %sub3A_227 : i32 to vector<16xi32>
      %sub3A_229 = arith.subi %sub3A_228, %shift_right_logical3A_226 : vector<16xi32>
      %bitcast_convert_type3A_230 = tpu.bitcast %sub3A_229 : vector<16xi32> -> vector<16xf32>
      %mul3A_231 = arith.mulf %add3A_222, %bitcast_convert_type3A_230 : vector<16xf32>
      %mul3A_232 = arith.constant 1.500000e+00 : f32
      %mul3A_233 = vector.broadcast %mul3A_232 : f32 to vector<16xf32>
      %mul3A_234 = arith.mulf %mul3A_233, %mul3A_231 : vector<16xf32>
      %mul3A_235 = arith.constant 5.000000e-01 : f32
      %mul3A_236 = vector.broadcast %mul3A_235 : f32 to vector<16xf32>
      %mul3A_237 = arith.mulf %mul3A_236, %bitcast_convert_type3A_230 : vector<16xf32>
      %mul3A_238 = arith.mulf %mul3A_231, %mul3A_231 : vector<16xf32>
      %mul3A_239 = arith.mulf %mul3A_237, %mul3A_238 : vector<16xf32>
      %sub3A_240 = arith.subf %mul3A_234, %mul3A_239 : vector<16xf32>
      %add3A_241 = arith.addf %broadcast_in_dim3A_149, %sub3A_240 : vector<16xf32>
      %get3A_242 = arith.index_cast %scan3A_146 : i32 to index
      %get3A_243 = arith.constant 32 : index
      %get3A_244 = tpu.vector_load %arg11[%get3A_242, %get3A_243] {strides = array<i32>} : memref<128x128xf32, #tpu.memory_space<vmem>>, vector<16xf32>,
      %get3A_245 = arith.index_cast %scan3A_146 : i32 to index
      %get3A_246 = arith.constant 96 : index
      %get3A_247 = tpu.vector_load %arg11[%get3A_245, %get3A_246] {strides = array<i32>} : memref<128x128xf32, #tpu.memory_space<vmem>>, vector<16xf32>,
      %get3A_248 = arith.index_cast %scan3A_146 : i32 to index
      %get3A_249 = arith.constant 32 : index
      %get3A_250 = tpu.vector_load %arg12[%get3A_248, %get3A_249] {strides = array<i32>} : memref<128x128xf32, #tpu.memory_space<vmem>>, vector<16xf32>,
      %get3A_251 = arith.index_cast %scan3A_146 : i32 to index
      %get3A_252 = arith.constant 96 : index
      %get3A_253 = tpu.vector_load %arg12[%get3A_251, %get3A_252] {strides = array<i32>} : memref<128x128xf32, #tpu.memory_space<vmem>>, vector<16xf32>,
      %get3A_254 = arith.index_cast %scan3A_146 : i32 to index
      %get3A_255 = arith.constant 32 : index
      %get3A_256 = tpu.vector_load %arg13[%get3A_254, %get3A_255] {strides = array<i32>} : memref<128x128xf32, #tpu.memory_space<vmem>>, vector<16xf32>,
      %get3A_257 = arith.index_cast %scan3A_146 : i32 to index
      %get3A_258 = arith.constant 96 : index
      %get3A_259 = tpu.vector_load %arg13[%get3A_257, %get3A_258] {strides = array<i32>} : memref<128x128xf32, #tpu.memory_space<vmem>>, vector<16xf32>,
      %mul3A_260 = arith.mulf %get3A_244, %get3A_256 : vector<16xf32>
      %mul3A_261 = arith.mulf %get3A_247, %get3A_259 : vector<16xf32>
      %sub3A_262 = arith.subf %mul3A_260, %mul3A_261 : vector<16xf32>
      %sub3A_263 = arith.subf %sub3A_262, %get3A_250 : vector<16xf32>
      %mul3A_264 = arith.mulf %get3A_244, %get3A_259 : vector<16xf32>
      %mul3A_265 = arith.mulf %get3A_247, %get3A_256 : vector<16xf32>
      %add3A_266 = arith.addf %mul3A_264, %mul3A_265 : vector<16xf32>
      %sub3A_267 = arith.subf %add3A_266, %get3A_253 : vector<16xf32>
      %mul3A_268 = arith.mulf %sub3A_263, %sub3A_263 : vector<16xf32>
      %mul3A_269 = arith.mulf %sub3A_267, %sub3A_267 : vector<16xf32>
      %add3A_270 = arith.addf %mul3A_268, %mul3A_269 : vector<16xf32>
      %bitcast_convert_type3A_271 = tpu.bitcast %add3A_270 : vector<16xf32> -> vector<16xi32>
      %shift_right_logical3A_272 = arith.constant 1 : i32
      %shift_right_logical3A_273 = vector.broadcast %shift_right_logical3A_272 : i32 to vector<16xi32>
      %shift_right_logical3A_274 = arith.shrui %bitcast_convert_type3A_271, %shift_right_logical3A_273 : vector<16xi32>
      %sub3A_275 = arith.constant 1597463007 : i32
      %sub3A_276 = vector.broadcast %sub3A_275 : i32 to vector<16xi32>
      %sub3A_277 = arith.subi %sub3A_276, %shift_right_logical3A_274 : vector<16xi32>
      %bitcast_convert_type3A_278 = tpu.bitcast %sub3A_277 : vector<16xi32> -> vector<16xf32>
      %mul3A_279 = arith.mulf %add3A_270, %bitcast_convert_type3A_278 : vector<16xf32>
      %mul3A_280 = arith.constant 1.500000e+00 : f32
      %mul3A_281 = vector.broadcast %mul3A_280 : f32 to vector<16xf32>
      %mul3A_282 = arith.mulf %mul3A_281, %mul3A_279 : vector<16xf32>
      %mul3A_283 = arith.constant 5.000000e-01 : f32
      %mul3A_284 = vector.broadcast %mul3A_283 : f32 to vector<16xf32>
      %mul3A_285 = arith.mulf %mul3A_284, %bitcast_convert_type3A_278 : vector<16xf32>
      %mul3A_286 = arith.mulf %mul3A_279, %mul3A_279 : vector<16xf32>
      %mul3A_287 = arith.mulf %mul3A_285, %mul3A_286 : vector<16xf32>
      %sub3A_288 = arith.subf %mul3A_282, %mul3A_287 : vector<16xf32>
      %add3A_289 = arith.addf %add3A_193, %sub3A_288 : vector<16xf32>
      %get3A_290 = arith.index_cast %scan3A_146 : i32 to index
      %get3A_291 = arith.constant 48 : index
      %get3A_292 = tpu.vector_load %arg11[%get3A_290, %get3A_291] {strides = array<i32>} : memref<128x128xf32, #tpu.memory_space<vmem>>, vector<16xf32>,
      %get3A_293 = arith.index_cast %scan3A_146 : i32 to index
      %get3A_294 = arith.constant 112 : index
      %get3A_295 = tpu.vector_load %arg11[%get3A_293, %get3A_294] {strides = array<i32>} : memref<128x128xf32, #tpu.memory_space<vmem>>, vector<16xf32>,
      %get3A_296 = arith.index_cast %scan3A_146 : i32 to index
      %get3A_297 = arith.constant 48 : index
      %get3A_298 = tpu.vector_load %arg12[%get3A_296, %get3A_297] {strides = array<i32>} : memref<128x128xf32, #tpu.memory_space<vmem>>, vector<16xf32>,
      %get3A_299 = arith.index_cast %scan3A_146 : i32 to index
      %get3A_300 = arith.constant 112 : index
      %get3A_301 = tpu.vector_load %arg12[%get3A_299, %get3A_300] {strides = array<i32>} : memref<128x128xf32, #tpu.memory_space<vmem>>, vector<16xf32>,
      %get3A_302 = arith.index_cast %scan3A_146 : i32 to index
      %get3A_303 = arith.constant 48 : index
      %get3A_304 = tpu.vector_load %arg13[%get3A_302, %get3A_303] {strides = array<i32>} : memref<128x128xf32, #tpu.memory_space<vmem>>, vector<16xf32>,
      %get3A_305 = arith.index_cast %scan3A_146 : i32 to index
      %get3A_306 = arith.constant 112 : index
      %get3A_307 = tpu.vector_load %arg13[%get3A_305, %get3A_306] {strides = array<i32>} : memref<128x128xf32, #tpu.memory_space<vmem>>, vector<16xf32>,
      %mul3A_308 = arith.mulf %get3A_292, %get3A_304 : vector<16xf32>
      %mul3A_309 = arith.mulf %get3A_295, %get3A_307 : vector<16xf32>
      %sub3A_310 = arith.subf %mul3A_308, %mul3A_309 : vector<16xf32>
      %sub3A_311 = arith.subf %sub3A_310, %get3A_298 : vector<16xf32>
      %mul3A_312 = arith.mulf %get3A_292, %get3A_307 : vector<16xf32>
      %mul3A_313 = arith.mulf %get3A_295, %get3A_304 : vector<16xf32>
      %add3A_314 = arith.addf %mul3A_312, %mul3A_313 : vector<16xf32>
      %sub3A_315 = arith.subf %add3A_314, %get3A_301 : vector<16xf32>
      %mul3A_316 = arith.mulf %sub3A_311, %sub3A_311 : vector<16xf32>
      %mul3A_317 = arith.mulf %sub3A_315, %sub3A_315 : vector<16xf32>
      %add3A_318 = arith.addf %mul3A_316, %mul3A_317 : vector<16xf32>
      %bitcast_convert_type3A_319 = tpu.bitcast %add3A_318 : vector<16xf32> -> vector<16xi32>
      %shift_right_logical3A_320 = arith.constant 1 : i32
      %shift_right_logical3A_321 = vector.broadcast %shift_right_logical3A_320 : i32 to vector<16xi32>
      %shift_right_logical3A_322 = arith.shrui %bitcast_convert_type3A_319, %shift_right_logical3A_321 : vector<16xi32>
      %sub3A_323 = arith.constant 1597463007 : i32
      %sub3A_324 = vector.broadcast %sub3A_323 : i32 to vector<16xi32>
      %sub3A_325 = arith.subi %sub3A_324, %shift_right_logical3A_322 : vector<16xi32>
      %bitcast_convert_type3A_326 = tpu.bitcast %sub3A_325 : vector<16xi32> -> vector<16xf32>
      %mul3A_327 = arith.mulf %add3A_318, %bitcast_convert_type3A_326 : vector<16xf32>
      %mul3A_328 = arith.constant 1.500000e+00 : f32
      %mul3A_329 = vector.broadcast %mul3A_328 : f32 to vector<16xf32>
      %mul3A_330 = arith.mulf %mul3A_329, %mul3A_327 : vector<16xf32>
      %mul3A_331 = arith.constant 5.000000e-01 : f32
      %mul3A_332 = vector.broadcast %mul3A_331 : f32 to vector<16xf32>
      %mul3A_333 = arith.mulf %mul3A_332, %bitcast_convert_type3A_326 : vector<16xf32>
      %mul3A_334 = arith.mulf %mul3A_327, %mul3A_327 : vector<16xf32>
      %mul3A_335 = arith.mulf %mul3A_333, %mul3A_334 : vector<16xf32>
      %sub3A_336 = arith.subf %mul3A_330, %mul3A_335 : vector<16xf32>
      %add3A_337 = arith.addf %add3A_241, %sub3A_336 : vector<16xf32>
      %add3A_338 = arith.addf %add3A_289, %add3A_337 : vector<16xf32>
      %broadcast_in_dim3A_339 = arith.constant true
      %broadcast_in_dim3A_340 = vector.broadcast %broadcast_in_dim3A_339 : i1 to vector<16xi1>
      %masked_cumsum3A = tpu.scan <sum>, %add3A_338 masked %broadcast_in_dim3A_340 : vector<16xf32>, vector<16xi1> -> vector<16xf32>
      %broadcast_in_dim3A_341 = arith.constant 0 : i32
      %broadcast_in_dim3A_342 = vector.broadcast %broadcast_in_dim3A_341 : i32 to vector<16xi32>
      %add3A_343 = arith.constant 0 : i32
      %add3A_344 = arith.addi %add3A_343, %scan3A_146 : i32
      %add3A_345 = vector.broadcast %add3A_344 : i32 to vector<16xi32>
      %add3A_346 = arith.addi %broadcast_in_dim3A_342, %add3A_345 : vector<16xi32>
      %neg3A = arith.constant 0.000000e+00 : f32
      %neg3A_347 = vector.broadcast %neg3A : f32 to vector<16xf32>
      %neg3A_348 = arith.subf %neg3A_347, %masked_cumsum3A : vector<16xf32>
      tpu.vector_store_idx %arg17[%add3A_346], %neg3A_348 masked %eq3A_4 : memref<512xf32, #tpu.memory_space<vmem>>[vector<16xi32>], vector<16xf32>, vector<16xi1>
      %scan3A_349 = arith.constant 1 : i32
      %scan3A_350 = arith.addi %scan3A_146, %scan3A_349 : i32
      %broadcast_in_dim3A_351 = arith.constant 0.000000e+00 : f32
      %broadcast_in_dim3A_352 = vector.broadcast %broadcast_in_dim3A_351 : f32 to vector<16xf32>
      %broadcast_in_dim3A_353 = arith.constant 0.000000e+00 : f32
      %broadcast_in_dim3A_354 = vector.broadcast %broadcast_in_dim3A_353 : f32 to vector<16xf32>
      %get3A_355 = arith.index_cast %scan3A_350 : i32 to index
      %get3A_356 = arith.constant 0 : index
      %get3A_357 = tpu.vector_load %arg11[%get3A_355, %get3A_356] {strides = array<i32>} : memref<128x128xf32, #tpu.memory_space<vmem>>, vector<16xf32>,
      %get3A_358 = arith.index_cast %scan3A_350 : i32 to index
      %get3A_359 = arith.constant 64 : index
      %get3A_360 = tpu.vector_load %arg11[%get3A_358, %get3A_359] {strides = array<i32>} : memref<128x128xf32, #tpu.memory_space<vmem>>, vector<16xf32>,
      %get3A_361 = arith.index_cast %scan3A_350 : i32 to index
      %get3A_362 = arith.constant 0 : index
      %get3A_363 = tpu.vector_load %arg12[%get3A_361, %get3A_362] {strides = array<i32>} : memref<128x128xf32, #tpu.memory_space<vmem>>, vector<16xf32>,
      %get3A_364 = arith.index_cast %scan3A_350 : i32 to index
      %get3A_365 = arith.constant 64 : index
      %get3A_366 = tpu.vector_load %arg12[%get3A_364, %get3A_365] {strides = array<i32>} : memref<128x128xf32, #tpu.memory_space<vmem>>, vector<16xf32>,
      %get3A_367 = arith.index_cast %scan3A_350 : i32 to index
      %get3A_368 = arith.constant 0 : index
      %get3A_369 = tpu.vector_load %arg13[%get3A_367, %get3A_368] {strides = array<i32>} : memref<128x128xf32, #tpu.memory_space<vmem>>, vector<16xf32>,
      %get3A_370 = arith.index_cast %scan3A_350 : i32 to index
      %get3A_371 = arith.constant 64 : index
      %get3A_372 = tpu.vector_load %arg13[%get3A_370, %get3A_371] {strides = array<i32>} : memref<128x128xf32, #tpu.memory_space<vmem>>, vector<16xf32>,
      %mul3A_373 = arith.mulf %get3A_357, %get3A_369 : vector<16xf32>
      %mul3A_374 = arith.mulf %get3A_360, %get3A_372 : vector<16xf32>
      %sub3A_375 = arith.subf %mul3A_373, %mul3A_374 : vector<16xf32>
      %sub3A_376 = arith.subf %sub3A_375, %get3A_363 : vector<16xf32>
      %mul3A_377 = arith.mulf %get3A_357, %get3A_372 : vector<16xf32>
      %mul3A_378 = arith.mulf %get3A_360, %get3A_369 : vector<16xf32>
      %add3A_379 = arith.addf %mul3A_377, %mul3A_378 : vector<16xf32>
      %sub3A_380 = arith.subf %add3A_379, %get3A_366 : vector<16xf32>
      %mul3A_381 = arith.mulf %sub3A_376, %sub3A_376 : vector<16xf32>
      %mul3A_382 = arith.mulf %sub3A_380, %sub3A_380 : vector<16xf32>
      %add3A_383 = arith.addf %mul3A_381, %mul3A_382 : vector<16xf32>
      %bitcast_convert_type3A_384 = tpu.bitcast %add3A_383 : vector<16xf32> -> vector<16xi32>
      %shift_right_logical3A_385 = arith.constant 1 : i32
      %shift_right_logical3A_386 = vector.broadcast %shift_right_logical3A_385 : i32 to vector<16xi32>
      %shift_right_logical3A_387 = arith.shrui %bitcast_convert_type3A_384, %shift_right_logical3A_386 : vector<16xi32>
      %sub3A_388 = arith.constant 1597463007 : i32
      %sub3A_389 = vector.broadcast %sub3A_388 : i32 to vector<16xi32>
      %sub3A_390 = arith.subi %sub3A_389, %shift_right_logical3A_387 : vector<16xi32>
      %bitcast_convert_type3A_391 = tpu.bitcast %sub3A_390 : vector<16xi32> -> vector<16xf32>
      %mul3A_392 = arith.mulf %add3A_383, %bitcast_convert_type3A_391 : vector<16xf32>
      %mul3A_393 = arith.constant 1.500000e+00 : f32
      %mul3A_394 = vector.broadcast %mul3A_393 : f32 to vector<16xf32>
      %mul3A_395 = arith.mulf %mul3A_394, %mul3A_392 : vector<16xf32>
      %mul3A_396 = arith.constant 5.000000e-01 : f32
      %mul3A_397 = vector.broadcast %mul3A_396 : f32 to vector<16xf32>
      %mul3A_398 = arith.mulf %mul3A_397, %bitcast_convert_type3A_391 : vector<16xf32>
      %mul3A_399 = arith.mulf %mul3A_392, %mul3A_392 : vector<16xf32>
      %mul3A_400 = arith.mulf %mul3A_398, %mul3A_399 : vector<16xf32>
      %sub3A_401 = arith.subf %mul3A_395, %mul3A_400 : vector<16xf32>
      %add3A_402 = arith.addf %broadcast_in_dim3A_352, %sub3A_401 : vector<16xf32>
      %get3A_403 = arith.index_cast %scan3A_350 : i32 to index
      %get3A_404 = arith.constant 16 : index
      %get3A_405 = tpu.vector_load %arg11[%get3A_403, %get3A_404] {strides = array<i32>} : memref<128x128xf32, #tpu.memory_space<vmem>>, vector<16xf32>,
      %get3A_406 = arith.index_cast %scan3A_350 : i32 to index
      %get3A_407 = arith.constant 80 : index
      %get3A_408 = tpu.vector_load %arg11[%get3A_406, %get3A_407] {strides = array<i32>} : memref<128x128xf32, #tpu.memory_space<vmem>>, vector<16xf32>,
      %get3A_409 = arith.index_cast %scan3A_350 : i32 to index
      %get3A_410 = arith.constant 16 : index
      %get3A_411 = tpu.vector_load %arg12[%get3A_409, %get3A_410] {strides = array<i32>} : memref<128x128xf32, #tpu.memory_space<vmem>>, vector<16xf32>,
      %get3A_412 = arith.index_cast %scan3A_350 : i32 to index
      %get3A_413 = arith.constant 80 : index
      %get3A_414 = tpu.vector_load %arg12[%get3A_412, %get3A_413] {strides = array<i32>} : memref<128x128xf32, #tpu.memory_space<vmem>>, vector<16xf32>,
      %get3A_415 = arith.index_cast %scan3A_350 : i32 to index
      %get3A_416 = arith.constant 16 : index
      %get3A_417 = tpu.vector_load %arg13[%get3A_415, %get3A_416] {strides = array<i32>} : memref<128x128xf32, #tpu.memory_space<vmem>>, vector<16xf32>,
      %get3A_418 = arith.index_cast %scan3A_350 : i32 to index
      %get3A_419 = arith.constant 80 : index
      %get3A_420 = tpu.vector_load %arg13[%get3A_418, %get3A_419] {strides = array<i32>} : memref<128x128xf32, #tpu.memory_space<vmem>>, vector<16xf32>,
      %mul3A_421 = arith.mulf %get3A_405, %get3A_417 : vector<16xf32>
      %mul3A_422 = arith.mulf %get3A_408, %get3A_420 : vector<16xf32>
      %sub3A_423 = arith.subf %mul3A_421, %mul3A_422 : vector<16xf32>
      %sub3A_424 = arith.subf %sub3A_423, %get3A_411 : vector<16xf32>
      %mul3A_425 = arith.mulf %get3A_405, %get3A_420 : vector<16xf32>
      %mul3A_426 = arith.mulf %get3A_408, %get3A_417 : vector<16xf32>
      %add3A_427 = arith.addf %mul3A_425, %mul3A_426 : vector<16xf32>
      %sub3A_428 = arith.subf %add3A_427, %get3A_414 : vector<16xf32>
      %mul3A_429 = arith.mulf %sub3A_424, %sub3A_424 : vector<16xf32>
      %mul3A_430 = arith.mulf %sub3A_428, %sub3A_428 : vector<16xf32>
      %add3A_431 = arith.addf %mul3A_429, %mul3A_430 : vector<16xf32>
      %bitcast_convert_type3A_432 = tpu.bitcast %add3A_431 : vector<16xf32> -> vector<16xi32>
      %shift_right_logical3A_433 = arith.constant 1 : i32
      %shift_right_logical3A_434 = vector.broadcast %shift_right_logical3A_433 : i32 to vector<16xi32>
      %shift_right_logical3A_435 = arith.shrui %bitcast_convert_type3A_432, %shift_right_logical3A_434 : vector<16xi32>
      %sub3A_436 = arith.constant 1597463007 : i32
      %sub3A_437 = vector.broadcast %sub3A_436 : i32 to vector<16xi32>
      %sub3A_438 = arith.subi %sub3A_437, %shift_right_logical3A_435 : vector<16xi32>
      %bitcast_convert_type3A_439 = tpu.bitcast %sub3A_438 : vector<16xi32> -> vector<16xf32>
      %mul3A_440 = arith.mulf %add3A_431, %bitcast_convert_type3A_439 : vector<16xf32>
      %mul3A_441 = arith.constant 1.500000e+00 : f32
      %mul3A_442 = vector.broadcast %mul3A_441 : f32 to vector<16xf32>
      %mul3A_443 = arith.mulf %mul3A_442, %mul3A_440 : vector<16xf32>
      %mul3A_444 = arith.constant 5.000000e-01 : f32
      %mul3A_445 = vector.broadcast %mul3A_444 : f32 to vector<16xf32>
      %mul3A_446 = arith.mulf %mul3A_445, %bitcast_convert_type3A_439 : vector<16xf32>
      %mul3A_447 = arith.mulf %mul3A_440, %mul3A_440 : vector<16xf32>
      %mul3A_448 = arith.mulf %mul3A_446, %mul3A_447 : vector<16xf32>
      %sub3A_449 = arith.subf %mul3A_443, %mul3A_448 : vector<16xf32>
      %add3A_450 = arith.addf %broadcast_in_dim3A_354, %sub3A_449 : vector<16xf32>
      %get3A_451 = arith.index_cast %scan3A_350 : i32 to index
      %get3A_452 = arith.constant 32 : index
      %get3A_453 = tpu.vector_load %arg11[%get3A_451, %get3A_452] {strides = array<i32>} : memref<128x128xf32, #tpu.memory_space<vmem>>, vector<16xf32>,
      %get3A_454 = arith.index_cast %scan3A_350 : i32 to index
      %get3A_455 = arith.constant 96 : index
      %get3A_456 = tpu.vector_load %arg11[%get3A_454, %get3A_455] {strides = array<i32>} : memref<128x128xf32, #tpu.memory_space<vmem>>, vector<16xf32>,
      %get3A_457 = arith.index_cast %scan3A_350 : i32 to index
      %get3A_458 = arith.constant 32 : index
      %get3A_459 = tpu.vector_load %arg12[%get3A_457, %get3A_458] {strides = array<i32>} : memref<128x128xf32, #tpu.memory_space<vmem>>, vector<16xf32>,
      %get3A_460 = arith.index_cast %scan3A_350 : i32 to index
      %get3A_461 = arith.constant 96 : index
      %get3A_462 = tpu.vector_load %arg12[%get3A_460, %get3A_461] {strides = array<i32>} : memref<128x128xf32, #tpu.memory_space<vmem>>, vector<16xf32>,
      %get3A_463 = arith.index_cast %scan3A_350 : i32 to index
      %get3A_464 = arith.constant 32 : index
      %get3A_465 = tpu.vector_load %arg13[%get3A_463, %get3A_464] {strides = array<i32>} : memref<128x128xf32, #tpu.memory_space<vmem>>, vector<16xf32>,
      %get3A_466 = arith.index_cast %scan3A_350 : i32 to index
      %get3A_467 = arith.constant 96 : index
      %get3A_468 = tpu.vector_load %arg13[%get3A_466, %get3A_467] {strides = array<i32>} : memref<128x128xf32, #tpu.memory_space<vmem>>, vector<16xf32>,
      %mul3A_469 = arith.mulf %get3A_453, %get3A_465 : vector<16xf32>
      %mul3A_470 = arith.mulf %get3A_456, %get3A_468 : vector<16xf32>
      %sub3A_471 = arith.subf %mul3A_469, %mul3A_470 : vector<16xf32>
      %sub3A_472 = arith.subf %sub3A_471, %get3A_459 : vector<16xf32>
      %mul3A_473 = arith.mulf %get3A_453, %get3A_468 : vector<16xf32>
      %mul3A_474 = arith.mulf %get3A_456, %get3A_465 : vector<16xf32>
      %add3A_475 = arith.addf %mul3A_473, %mul3A_474 : vector<16xf32>
      %sub3A_476 = arith.subf %add3A_475, %get3A_462 : vector<16xf32>
      %mul3A_477 = arith.mulf %sub3A_472, %sub3A_472 : vector<16xf32>
      %mul3A_478 = arith.mulf %sub3A_476, %sub3A_476 : vector<16xf32>
      %add3A_479 = arith.addf %mul3A_477, %mul3A_478 : vector<16xf32>
      %bitcast_convert_type3A_480 = tpu.bitcast %add3A_479 : vector<16xf32> -> vector<16xi32>
      %shift_right_logical3A_481 = arith.constant 1 : i32
      %shift_right_logical3A_482 = vector.broadcast %shift_right_logical3A_481 : i32 to vector<16xi32>
      %shift_right_logical3A_483 = arith.shrui %bitcast_convert_type3A_480, %shift_right_logical3A_482 : vector<16xi32>
      %sub3A_484 = arith.constant 1597463007 : i32
      %sub3A_485 = vector.broadcast %sub3A_484 : i32 to vector<16xi32>
      %sub3A_486 = arith.subi %sub3A_485, %shift_right_logical3A_483 : vector<16xi32>
      %bitcast_convert_type3A_487 = tpu.bitcast %sub3A_486 : vector<16xi32> -> vector<16xf32>
      %mul3A_488 = arith.mulf %add3A_479, %bitcast_convert_type3A_487 : vector<16xf32>
      %mul3A_489 = arith.constant 1.500000e+00 : f32
      %mul3A_490 = vector.broadcast %mul3A_489 : f32 to vector<16xf32>
      %mul3A_491 = arith.mulf %mul3A_490, %mul3A_488 : vector<16xf32>
      %mul3A_492 = arith.constant 5.000000e-01 : f32
      %mul3A_493 = vector.broadcast %mul3A_492 : f32 to vector<16xf32>
      %mul3A_494 = arith.mulf %mul3A_493, %bitcast_convert_type3A_487 : vector<16xf32>
      %mul3A_495 = arith.mulf %mul3A_488, %mul3A_488 : vector<16xf32>
      %mul3A_496 = arith.mulf %mul3A_494, %mul3A_495 : vector<16xf32>
      %sub3A_497 = arith.subf %mul3A_491, %mul3A_496 : vector<16xf32>
      %add3A_498 = arith.addf %add3A_402, %sub3A_497 : vector<16xf32>
      %get3A_499 = arith.index_cast %scan3A_350 : i32 to index
      %get3A_500 = arith.constant 48 : index
      %get3A_501 = tpu.vector_load %arg11[%get3A_499, %get3A_500] {strides = array<i32>} : memref<128x128xf32, #tpu.memory_space<vmem>>, vector<16xf32>,
      %get3A_502 = arith.index_cast %scan3A_350 : i32 to index
      %get3A_503 = arith.constant 112 : index
      %get3A_504 = tpu.vector_load %arg11[%get3A_502, %get3A_503] {strides = array<i32>} : memref<128x128xf32, #tpu.memory_space<vmem>>, vector<16xf32>,
      %get3A_505 = arith.index_cast %scan3A_350 : i32 to index
      %get3A_506 = arith.constant 48 : index
      %get3A_507 = tpu.vector_load %arg12[%get3A_505, %get3A_506] {strides = array<i32>} : memref<128x128xf32, #tpu.memory_space<vmem>>, vector<16xf32>,
      %get3A_508 = arith.index_cast %scan3A_350 : i32 to index
      %get3A_509 = arith.constant 112 : index
      %get3A_510 = tpu.vector_load %arg12[%get3A_508, %get3A_509] {strides = array<i32>} : memref<128x128xf32, #tpu.memory_space<vmem>>, vector<16xf32>,
      %get3A_511 = arith.index_cast %scan3A_350 : i32 to index
      %get3A_512 = arith.constant 48 : index
      %get3A_513 = tpu.vector_load %arg13[%get3A_511, %get3A_512] {strides = array<i32>} : memref<128x128xf32, #tpu.memory_space<vmem>>, vector<16xf32>,
      %get3A_514 = arith.index_cast %scan3A_350 : i32 to index
      %get3A_515 = arith.constant 112 : index
      %get3A_516 = tpu.vector_load %arg13[%get3A_514, %get3A_515] {strides = array<i32>} : memref<128x128xf32, #tpu.memory_space<vmem>>, vector<16xf32>,
      %mul3A_517 = arith.mulf %get3A_501, %get3A_513 : vector<16xf32>
      %mul3A_518 = arith.mulf %get3A_504, %get3A_516 : vector<16xf32>
      %sub3A_519 = arith.subf %mul3A_517, %mul3A_518 : vector<16xf32>
      %sub3A_520 = arith.subf %sub3A_519, %get3A_507 : vector<16xf32>
      %mul3A_521 = arith.mulf %get3A_501, %get3A_516 : vector<16xf32>
      %mul3A_522 = arith.mulf %get3A_504, %get3A_513 : vector<16xf32>
      %add3A_523 = arith.addf %mul3A_521, %mul3A_522 : vector<16xf32>
      %sub3A_524 = arith.subf %add3A_523, %get3A_510 : vector<16xf32>
      %mul3A_525 = arith.mulf %sub3A_520, %sub3A_520 : vector<16xf32>
      %mul3A_526 = arith.mulf %sub3A_524, %sub3A_524 : vector<16xf32>
      %add3A_527 = arith.addf %mul3A_525, %mul3A_526 : vector<16xf32>
      %bitcast_convert_type3A_528 = tpu.bitcast %add3A_527 : vector<16xf32> -> vector<16xi32>
      %shift_right_logical3A_529 = arith.constant 1 : i32
      %shift_right_logical3A_530 = vector.broadcast %shift_right_logical3A_529 : i32 to vector<16xi32>
      %shift_right_logical3A_531 = arith.shrui %bitcast_convert_type3A_528, %shift_right_logical3A_530 : vector<16xi32>
      %sub3A_532 = arith.constant 1597463007 : i32
      %sub3A_533 = vector.broadcast %sub3A_532 : i32 to vector<16xi32>
      %sub3A_534 = arith.subi %sub3A_533, %shift_right_logical3A_531 : vector<16xi32>
      %bitcast_convert_type3A_535 = tpu.bitcast %sub3A_534 : vector<16xi32> -> vector<16xf32>
      %mul3A_536 = arith.mulf %add3A_527, %bitcast_convert_type3A_535 : vector<16xf32>
      %mul3A_537 = arith.constant 1.500000e+00 : f32
      %mul3A_538 = vector.broadcast %mul3A_537 : f32 to vector<16xf32>
      %mul3A_539 = arith.mulf %mul3A_538, %mul3A_536 : vector<16xf32>
      %mul3A_540 = arith.constant 5.000000e-01 : f32
      %mul3A_541 = vector.broadcast %mul3A_540 : f32 to vector<16xf32>
      %mul3A_542 = arith.mulf %mul3A_541, %bitcast_convert_type3A_535 : vector<16xf32>
      %mul3A_543 = arith.mulf %mul3A_536, %mul3A_536 : vector<16xf32>
      %mul3A_544 = arith.mulf %mul3A_542, %mul3A_543 : vector<16xf32>
      %sub3A_545 = arith.subf %mul3A_539, %mul3A_544 : vector<16xf32>
      %add3A_546 = arith.addf %add3A_450, %sub3A_545 : vector<16xf32>
      %add3A_547 = arith.addf %add3A_498, %add3A_546 : vector<16xf32>
      %broadcast_in_dim3A_548 = arith.constant true
      %broadcast_in_dim3A_549 = vector.broadcast %broadcast_in_dim3A_548 : i1 to vector<16xi1>
      %masked_cumsum3A_550 = tpu.scan <sum>, %add3A_547 masked %broadcast_in_dim3A_549 : vector<16xf32>, vector<16xi1> -> vector<16xf32>
      %broadcast_in_dim3A_551 = arith.constant 0 : i32
      %broadcast_in_dim3A_552 = vector.broadcast %broadcast_in_dim3A_551 : i32 to vector<16xi32>
      %add3A_553 = arith.constant 0 : i32
      %add3A_554 = arith.addi %add3A_553, %scan3A_350 : i32
      %add3A_555 = vector.broadcast %add3A_554 : i32 to vector<16xi32>
      %add3A_556 = arith.addi %broadcast_in_dim3A_552, %add3A_555 : vector<16xi32>
      %neg3A_557 = arith.constant 0.000000e+00 : f32
      %neg3A_558 = vector.broadcast %neg3A_557 : f32 to vector<16xf32>
      %neg3A_559 = arith.subf %neg3A_558, %masked_cumsum3A_550 : vector<16xf32>
      tpu.vector_store_idx %arg17[%add3A_556], %neg3A_559 masked %eq3A_4 : memref<512xf32, #tpu.memory_space<vmem>>[vector<16xi32>], vector<16xf32>, vector<16xi1>
      %scan3A_560 = arith.constant 2 : i32
      %scan3A_561 = arith.addi %scan3A_146, %scan3A_560 : i32
      %broadcast_in_dim3A_562 = arith.constant 0.000000e+00 : f32
      %broadcast_in_dim3A_563 = vector.broadcast %broadcast_in_dim3A_562 : f32 to vector<16xf32>
      %broadcast_in_dim3A_564 = arith.constant 0.000000e+00 : f32
      %broadcast_in_dim3A_565 = vector.broadcast %broadcast_in_dim3A_564 : f32 to vector<16xf32>
      %get3A_566 = arith.index_cast %scan3A_561 : i32 to index
      %get3A_567 = arith.constant 0 : index
      %get3A_568 = tpu.vector_load %arg11[%get3A_566, %get3A_567] {strides = array<i32>} : memref<128x128xf32, #tpu.memory_space<vmem>>, vector<16xf32>,
      %get3A_569 = arith.index_cast %scan3A_561 : i32 to index
      %get3A_570 = arith.constant 64 : index
      %get3A_571 = tpu.vector_load %arg11[%get3A_569, %get3A_570] {strides = array<i32>} : memref<128x128xf32, #tpu.memory_space<vmem>>, vector<16xf32>,
      %get3A_572 = arith.index_cast %scan3A_561 : i32 to index
      %get3A_573 = arith.constant 0 : index
      %get3A_574 = tpu.vector_load %arg12[%get3A_572, %get3A_573] {strides = array<i32>} : memref<128x128xf32, #tpu.memory_space<vmem>>, vector<16xf32>,
      %get3A_575 = arith.index_cast %scan3A_561 : i32 to index
      %get3A_576 = arith.constant 64 : index
      %get3A_577 = tpu.vector_load %arg12[%get3A_575, %get3A_576] {strides = array<i32>} : memref<128x128xf32, #tpu.memory_space<vmem>>, vector<16xf32>,
      %get3A_578 = arith.index_cast %scan3A_561 : i32 to index
      %get3A_579 = arith.constant 0 : index
      %get3A_580 = tpu.vector_load %arg13[%get3A_578, %get3A_579] {strides = array<i32>} : memref<128x128xf32, #tpu.memory_space<vmem>>, vector<16xf32>,
      %get3A_581 = arith.index_cast %scan3A_561 : i32 to index
      %get3A_582 = arith.constant 64 : index
      %get3A_583 = tpu.vector_load %arg13[%get3A_581, %get3A_582] {strides = array<i32>} : memref<128x128xf32, #tpu.memory_space<vmem>>, vector<16xf32>,
      %mul3A_584 = arith.mulf %get3A_568, %get3A_580 : vector<16xf32>
      %mul3A_585 = arith.mulf %get3A_571, %get3A_583 : vector<16xf32>
      %sub3A_586 = arith.subf %mul3A_584, %mul3A_585 : vector<16xf32>
      %sub3A_587 = arith.subf %sub3A_586, %get3A_574 : vector<16xf32>
      %mul3A_588 = arith.mulf %get3A_568, %get3A_583 : vector<16xf32>
      %mul3A_589 = arith.mulf %get3A_571, %get3A_580 : vector<16xf32>
      %add3A_590 = arith.addf %mul3A_588, %mul3A_589 : vector<16xf32>
      %sub3A_591 = arith.subf %add3A_590, %get3A_577 : vector<16xf32>
      %mul3A_592 = arith.mulf %sub3A_587, %sub3A_587 : vector<16xf32>
      %mul3A_593 = arith.mulf %sub3A_591, %sub3A_591 : vector<16xf32>
      %add3A_594 = arith.addf %mul3A_592, %mul3A_593 : vector<16xf32>
      %bitcast_convert_type3A_595 = tpu.bitcast %add3A_594 : vector<16xf32> -> vector<16xi32>
      %shift_right_logical3A_596 = arith.constant 1 : i32
      %shift_right_logical3A_597 = vector.broadcast %shift_right_logical3A_596 : i32 to vector<16xi32>
      %shift_right_logical3A_598 = arith.shrui %bitcast_convert_type3A_595, %shift_right_logical3A_597 : vector<16xi32>
      %sub3A_599 = arith.constant 1597463007 : i32
      %sub3A_600 = vector.broadcast %sub3A_599 : i32 to vector<16xi32>
      %sub3A_601 = arith.subi %sub3A_600, %shift_right_logical3A_598 : vector<16xi32>
      %bitcast_convert_type3A_602 = tpu.bitcast %sub3A_601 : vector<16xi32> -> vector<16xf32>
      %mul3A_603 = arith.mulf %add3A_594, %bitcast_convert_type3A_602 : vector<16xf32>
      %mul3A_604 = arith.constant 1.500000e+00 : f32
      %mul3A_605 = vector.broadcast %mul3A_604 : f32 to vector<16xf32>
      %mul3A_606 = arith.mulf %mul3A_605, %mul3A_603 : vector<16xf32>
      %mul3A_607 = arith.constant 5.000000e-01 : f32
      %mul3A_608 = vector.broadcast %mul3A_607 : f32 to vector<16xf32>
      %mul3A_609 = arith.mulf %mul3A_608, %bitcast_convert_type3A_602 : vector<16xf32>
      %mul3A_610 = arith.mulf %mul3A_603, %mul3A_603 : vector<16xf32>
      %mul3A_611 = arith.mulf %mul3A_609, %mul3A_610 : vector<16xf32>
      %sub3A_612 = arith.subf %mul3A_606, %mul3A_611 : vector<16xf32>
      %add3A_613 = arith.addf %broadcast_in_dim3A_563, %sub3A_612 : vector<16xf32>
      %get3A_614 = arith.index_cast %scan3A_561 : i32 to index
      %get3A_615 = arith.constant 16 : index
      %get3A_616 = tpu.vector_load %arg11[%get3A_614, %get3A_615] {strides = array<i32>} : memref<128x128xf32, #tpu.memory_space<vmem>>, vector<16xf32>,
      %get3A_617 = arith.index_cast %scan3A_561 : i32 to index
      %get3A_618 = arith.constant 80 : index
      %get3A_619 = tpu.vector_load %arg11[%get3A_617, %get3A_618] {strides = array<i32>} : memref<128x128xf32, #tpu.memory_space<vmem>>, vector<16xf32>,
      %get3A_620 = arith.index_cast %scan3A_561 : i32 to index
      %get3A_621 = arith.constant 16 : index
      %get3A_622 = tpu.vector_load %arg12[%get3A_620, %get3A_621] {strides = array<i32>} : memref<128x128xf32, #tpu.memory_space<vmem>>, vector<16xf32>,
      %get3A_623 = arith.index_cast %scan3A_561 : i32 to index
      %get3A_624 = arith.constant 80 : index
      %get3A_625 = tpu.vector_load %arg12[%get3A_623, %get3A_624] {strides = array<i32>} : memref<128x128xf32, #tpu.memory_space<vmem>>, vector<16xf32>,
      %get3A_626 = arith.index_cast %scan3A_561 : i32 to index
      %get3A_627 = arith.constant 16 : index
      %get3A_628 = tpu.vector_load %arg13[%get3A_626, %get3A_627] {strides = array<i32>} : memref<128x128xf32, #tpu.memory_space<vmem>>, vector<16xf32>,
      %get3A_629 = arith.index_cast %scan3A_561 : i32 to index
      %get3A_630 = arith.constant 80 : index
      %get3A_631 = tpu.vector_load %arg13[%get3A_629, %get3A_630] {strides = array<i32>} : memref<128x128xf32, #tpu.memory_space<vmem>>, vector<16xf32>,
      %mul3A_632 = arith.mulf %get3A_616, %get3A_628 : vector<16xf32>
      %mul3A_633 = arith.mulf %get3A_619, %get3A_631 : vector<16xf32>
      %sub3A_634 = arith.subf %mul3A_632, %mul3A_633 : vector<16xf32>
      %sub3A_635 = arith.subf %sub3A_634, %get3A_622 : vector<16xf32>
      %mul3A_636 = arith.mulf %get3A_616, %get3A_631 : vector<16xf32>
      %mul3A_637 = arith.mulf %get3A_619, %get3A_628 : vector<16xf32>
      %add3A_638 = arith.addf %mul3A_636, %mul3A_637 : vector<16xf32>
      %sub3A_639 = arith.subf %add3A_638, %get3A_625 : vector<16xf32>
      %mul3A_640 = arith.mulf %sub3A_635, %sub3A_635 : vector<16xf32>
      %mul3A_641 = arith.mulf %sub3A_639, %sub3A_639 : vector<16xf32>
      %add3A_642 = arith.addf %mul3A_640, %mul3A_641 : vector<16xf32>
      %bitcast_convert_type3A_643 = tpu.bitcast %add3A_642 : vector<16xf32> -> vector<16xi32>
      %shift_right_logical3A_644 = arith.constant 1 : i32
      %shift_right_logical3A_645 = vector.broadcast %shift_right_logical3A_644 : i32 to vector<16xi32>
      %shift_right_logical3A_646 = arith.shrui %bitcast_convert_type3A_643, %shift_right_logical3A_645 : vector<16xi32>
      %sub3A_647 = arith.constant 1597463007 : i32
      %sub3A_648 = vector.broadcast %sub3A_647 : i32 to vector<16xi32>
      %sub3A_649 = arith.subi %sub3A_648, %shift_right_logical3A_646 : vector<16xi32>
      %bitcast_convert_type3A_650 = tpu.bitcast %sub3A_649 : vector<16xi32> -> vector<16xf32>
      %mul3A_651 = arith.mulf %add3A_642, %bitcast_convert_type3A_650 : vector<16xf32>
      %mul3A_652 = arith.constant 1.500000e+00 : f32
      %mul3A_653 = vector.broadcast %mul3A_652 : f32 to vector<16xf32>
      %mul3A_654 = arith.mulf %mul3A_653, %mul3A_651 : vector<16xf32>
      %mul3A_655 = arith.constant 5.000000e-01 : f32
      %mul3A_656 = vector.broadcast %mul3A_655 : f32 to vector<16xf32>
      %mul3A_657 = arith.mulf %mul3A_656, %bitcast_convert_type3A_650 : vector<16xf32>
      %mul3A_658 = arith.mulf %mul3A_651, %mul3A_651 : vector<16xf32>
      %mul3A_659 = arith.mulf %mul3A_657, %mul3A_658 : vector<16xf32>
      %sub3A_660 = arith.subf %mul3A_654, %mul3A_659 : vector<16xf32>
      %add3A_661 = arith.addf %broadcast_in_dim3A_565, %sub3A_660 : vector<16xf32>
      %get3A_662 = arith.index_cast %scan3A_561 : i32 to index
      %get3A_663 = arith.constant 32 : index
      %get3A_664 = tpu.vector_load %arg11[%get3A_662, %get3A_663] {strides = array<i32>} : memref<128x128xf32, #tpu.memory_space<vmem>>, vector<16xf32>,
      %get3A_665 = arith.index_cast %scan3A_561 : i32 to index
      %get3A_666 = arith.constant 96 : index
      %get3A_667 = tpu.vector_load %arg11[%get3A_665, %get3A_666] {strides = array<i32>} : memref<128x128xf32, #tpu.memory_space<vmem>>, vector<16xf32>,
      %get3A_668 = arith.index_cast %scan3A_561 : i32 to index
      %get3A_669 = arith.constant 32 : index
      %get3A_670 = tpu.vector_load %arg12[%get3A_668, %get3A_669] {strides = array<i32>} : memref<128x128xf32, #tpu.memory_space<vmem>>, vector<16xf32>,
      %get3A_671 = arith.index_cast %scan3A_561 : i32 to index
      %get3A_672 = arith.constant 96 : index
      %get3A_673 = tpu.vector_load %arg12[%get3A_671, %get3A_672] {strides = array<i32>} : memref<128x128xf32, #tpu.memory_space<vmem>>, vector<16xf32>,
      %get3A_674 = arith.index_cast %scan3A_561 : i32 to index
      %get3A_675 = arith.constant 32 : index
      %get3A_676 = tpu.vector_load %arg13[%get3A_674, %get3A_675] {strides = array<i32>} : memref<128x128xf32, #tpu.memory_space<vmem>>, vector<16xf32>,
      %get3A_677 = arith.index_cast %scan3A_561 : i32 to index
      %get3A_678 = arith.constant 96 : index
      %get3A_679 = tpu.vector_load %arg13[%get3A_677, %get3A_678] {strides = array<i32>} : memref<128x128xf32, #tpu.memory_space<vmem>>, vector<16xf32>,
      %mul3A_680 = arith.mulf %get3A_664, %get3A_676 : vector<16xf32>
      %mul3A_681 = arith.mulf %get3A_667, %get3A_679 : vector<16xf32>
      %sub3A_682 = arith.subf %mul3A_680, %mul3A_681 : vector<16xf32>
      %sub3A_683 = arith.subf %sub3A_682, %get3A_670 : vector<16xf32>
      %mul3A_684 = arith.mulf %get3A_664, %get3A_679 : vector<16xf32>
      %mul3A_685 = arith.mulf %get3A_667, %get3A_676 : vector<16xf32>
      %add3A_686 = arith.addf %mul3A_684, %mul3A_685 : vector<16xf32>
      %sub3A_687 = arith.subf %add3A_686, %get3A_673 : vector<16xf32>
      %mul3A_688 = arith.mulf %sub3A_683, %sub3A_683 : vector<16xf32>
      %mul3A_689 = arith.mulf %sub3A_687, %sub3A_687 : vector<16xf32>
      %add3A_690 = arith.addf %mul3A_688, %mul3A_689 : vector<16xf32>
      %bitcast_convert_type3A_691 = tpu.bitcast %add3A_690 : vector<16xf32> -> vector<16xi32>
      %shift_right_logical3A_692 = arith.constant 1 : i32
      %shift_right_logical3A_693 = vector.broadcast %shift_right_logical3A_692 : i32 to vector<16xi32>
      %shift_right_logical3A_694 = arith.shrui %bitcast_convert_type3A_691, %shift_right_logical3A_693 : vector<16xi32>
      %sub3A_695 = arith.constant 1597463007 : i32
      %sub3A_696 = vector.broadcast %sub3A_695 : i32 to vector<16xi32>
      %sub3A_697 = arith.subi %sub3A_696, %shift_right_logical3A_694 : vector<16xi32>
      %bitcast_convert_type3A_698 = tpu.bitcast %sub3A_697 : vector<16xi32> -> vector<16xf32>
      %mul3A_699 = arith.mulf %add3A_690, %bitcast_convert_type3A_698 : vector<16xf32>
      %mul3A_700 = arith.constant 1.500000e+00 : f32
      %mul3A_701 = vector.broadcast %mul3A_700 : f32 to vector<16xf32>
      %mul3A_702 = arith.mulf %mul3A_701, %mul3A_699 : vector<16xf32>
      %mul3A_703 = arith.constant 5.000000e-01 : f32
      %mul3A_704 = vector.broadcast %mul3A_703 : f32 to vector<16xf32>
      %mul3A_705 = arith.mulf %mul3A_704, %bitcast_convert_type3A_698 : vector<16xf32>
      %mul3A_706 = arith.mulf %mul3A_699, %mul3A_699 : vector<16xf32>
      %mul3A_707 = arith.mulf %mul3A_705, %mul3A_706 : vector<16xf32>
      %sub3A_708 = arith.subf %mul3A_702, %mul3A_707 : vector<16xf32>
      %add3A_709 = arith.addf %add3A_613, %sub3A_708 : vector<16xf32>
      %get3A_710 = arith.index_cast %scan3A_561 : i32 to index
      %get3A_711 = arith.constant 48 : index
      %get3A_712 = tpu.vector_load %arg11[%get3A_710, %get3A_711] {strides = array<i32>} : memref<128x128xf32, #tpu.memory_space<vmem>>, vector<16xf32>,
      %get3A_713 = arith.index_cast %scan3A_561 : i32 to index
      %get3A_714 = arith.constant 112 : index
      %get3A_715 = tpu.vector_load %arg11[%get3A_713, %get3A_714] {strides = array<i32>} : memref<128x128xf32, #tpu.memory_space<vmem>>, vector<16xf32>,
      %get3A_716 = arith.index_cast %scan3A_561 : i32 to index
      %get3A_717 = arith.constant 48 : index
      %get3A_718 = tpu.vector_load %arg12[%get3A_716, %get3A_717] {strides = array<i32>} : memref<128x128xf32, #tpu.memory_space<vmem>>, vector<16xf32>,
      %get3A_719 = arith.index_cast %scan3A_561 : i32 to index
      %get3A_720 = arith.constant 112 : index
      %get3A_721 = tpu.vector_load %arg12[%get3A_719, %get3A_720] {strides = array<i32>} : memref<128x128xf32, #tpu.memory_space<vmem>>, vector<16xf32>,
      %get3A_722 = arith.index_cast %scan3A_561 : i32 to index
      %get3A_723 = arith.constant 48 : index
      %get3A_724 = tpu.vector_load %arg13[%get3A_722, %get3A_723] {strides = array<i32>} : memref<128x128xf32, #tpu.memory_space<vmem>>, vector<16xf32>,
      %get3A_725 = arith.index_cast %scan3A_561 : i32 to index
      %get3A_726 = arith.constant 112 : index
      %get3A_727 = tpu.vector_load %arg13[%get3A_725, %get3A_726] {strides = array<i32>} : memref<128x128xf32, #tpu.memory_space<vmem>>, vector<16xf32>,
      %mul3A_728 = arith.mulf %get3A_712, %get3A_724 : vector<16xf32>
      %mul3A_729 = arith.mulf %get3A_715, %get3A_727 : vector<16xf32>
      %sub3A_730 = arith.subf %mul3A_728, %mul3A_729 : vector<16xf32>
      %sub3A_731 = arith.subf %sub3A_730, %get3A_718 : vector<16xf32>
      %mul3A_732 = arith.mulf %get3A_712, %get3A_727 : vector<16xf32>
      %mul3A_733 = arith.mulf %get3A_715, %get3A_724 : vector<16xf32>
      %add3A_734 = arith.addf %mul3A_732, %mul3A_733 : vector<16xf32>
      %sub3A_735 = arith.subf %add3A_734, %get3A_721 : vector<16xf32>
      %mul3A_736 = arith.mulf %sub3A_731, %sub3A_731 : vector<16xf32>
      %mul3A_737 = arith.mulf %sub3A_735, %sub3A_735 : vector<16xf32>
      %add3A_738 = arith.addf %mul3A_736, %mul3A_737 : vector<16xf32>
      %bitcast_convert_type3A_739 = tpu.bitcast %add3A_738 : vector<16xf32> -> vector<16xi32>
      %shift_right_logical3A_740 = arith.constant 1 : i32
      %shift_right_logical3A_741 = vector.broadcast %shift_right_logical3A_740 : i32 to vector<16xi32>
      %shift_right_logical3A_742 = arith.shrui %bitcast_convert_type3A_739, %shift_right_logical3A_741 : vector<16xi32>
      %sub3A_743 = arith.constant 1597463007 : i32
      %sub3A_744 = vector.broadcast %sub3A_743 : i32 to vector<16xi32>
      %sub3A_745 = arith.subi %sub3A_744, %shift_right_logical3A_742 : vector<16xi32>
      %bitcast_convert_type3A_746 = tpu.bitcast %sub3A_745 : vector<16xi32> -> vector<16xf32>
      %mul3A_747 = arith.mulf %add3A_738, %bitcast_convert_type3A_746 : vector<16xf32>
      %mul3A_748 = arith.constant 1.500000e+00 : f32
      %mul3A_749 = vector.broadcast %mul3A_748 : f32 to vector<16xf32>
      %mul3A_750 = arith.mulf %mul3A_749, %mul3A_747 : vector<16xf32>
      %mul3A_751 = arith.constant 5.000000e-01 : f32
      %mul3A_752 = vector.broadcast %mul3A_751 : f32 to vector<16xf32>
      %mul3A_753 = arith.mulf %mul3A_752, %bitcast_convert_type3A_746 : vector<16xf32>
      %mul3A_754 = arith.mulf %mul3A_747, %mul3A_747 : vector<16xf32>
      %mul3A_755 = arith.mulf %mul3A_753, %mul3A_754 : vector<16xf32>
      %sub3A_756 = arith.subf %mul3A_750, %mul3A_755 : vector<16xf32>
      %add3A_757 = arith.addf %add3A_661, %sub3A_756 : vector<16xf32>
      %add3A_758 = arith.addf %add3A_709, %add3A_757 : vector<16xf32>
      %broadcast_in_dim3A_759 = arith.constant true
      %broadcast_in_dim3A_760 = vector.broadcast %broadcast_in_dim3A_759 : i1 to vector<16xi1>
      %masked_cumsum3A_761 = tpu.scan <sum>, %add3A_758 masked %broadcast_in_dim3A_760 : vector<16xf32>, vector<16xi1> -> vector<16xf32>
      %broadcast_in_dim3A_762 = arith.constant 0 : i32
      %broadcast_in_dim3A_763 = vector.broadcast %broadcast_in_dim3A_762 : i32 to vector<16xi32>
      %add3A_764 = arith.constant 0 : i32
      %add3A_765 = arith.addi %add3A_764, %scan3A_561 : i32
      %add3A_766 = vector.broadcast %add3A_765 : i32 to vector<16xi32>
      %add3A_767 = arith.addi %broadcast_in_dim3A_763, %add3A_766 : vector<16xi32>
      %neg3A_768 = arith.constant 0.000000e+00 : f32
      %neg3A_769 = vector.broadcast %neg3A_768 : f32 to vector<16xf32>
      %neg3A_770 = arith.subf %neg3A_769, %masked_cumsum3A_761 : vector<16xf32>
      tpu.vector_store_idx %arg17[%add3A_767], %neg3A_770 masked %eq3A_4 : memref<512xf32, #tpu.memory_space<vmem>>[vector<16xi32>], vector<16xf32>, vector<16xi1>
      %scan3A_771 = arith.constant 3 : i32
      %scan3A_772 = arith.addi %scan3A_146, %scan3A_771 : i32
      %broadcast_in_dim3A_773 = arith.constant 0.000000e+00 : f32
      %broadcast_in_dim3A_774 = vector.broadcast %broadcast_in_dim3A_773 : f32 to vector<16xf32>
      %broadcast_in_dim3A_775 = arith.constant 0.000000e+00 : f32
      %broadcast_in_dim3A_776 = vector.broadcast %broadcast_in_dim3A_775 : f32 to vector<16xf32>
      %get3A_777 = arith.index_cast %scan3A_772 : i32 to index
      %get3A_778 = arith.constant 0 : index
      %get3A_779 = tpu.vector_load %arg11[%get3A_777, %get3A_778] {strides = array<i32>} : memref<128x128xf32, #tpu.memory_space<vmem>>, vector<16xf32>,
      %get3A_780 = arith.index_cast %scan3A_772 : i32 to index
      %get3A_781 = arith.constant 64 : index
      %get3A_782 = tpu.vector_load %arg11[%get3A_780, %get3A_781] {strides = array<i32>} : memref<128x128xf32, #tpu.memory_space<vmem>>, vector<16xf32>,
      %get3A_783 = arith.index_cast %scan3A_772 : i32 to index
      %get3A_784 = arith.constant 0 : index
      %get3A_785 = tpu.vector_load %arg12[%get3A_783, %get3A_784] {strides = array<i32>} : memref<128x128xf32, #tpu.memory_space<vmem>>, vector<16xf32>,
      %get3A_786 = arith.index_cast %scan3A_772 : i32 to index
      %get3A_787 = arith.constant 64 : index
      %get3A_788 = tpu.vector_load %arg12[%get3A_786, %get3A_787] {strides = array<i32>} : memref<128x128xf32, #tpu.memory_space<vmem>>, vector<16xf32>,
      %get3A_789 = arith.index_cast %scan3A_772 : i32 to index
      %get3A_790 = arith.constant 0 : index
      %get3A_791 = tpu.vector_load %arg13[%get3A_789, %get3A_790] {strides = array<i32>} : memref<128x128xf32, #tpu.memory_space<vmem>>, vector<16xf32>,
      %get3A_792 = arith.index_cast %scan3A_772 : i32 to index
      %get3A_793 = arith.constant 64 : index
      %get3A_794 = tpu.vector_load %arg13[%get3A_792, %get3A_793] {strides = array<i32>} : memref<128x128xf32, #tpu.memory_space<vmem>>, vector<16xf32>,
      %mul3A_795 = arith.mulf %get3A_779, %get3A_791 : vector<16xf32>
      %mul3A_796 = arith.mulf %get3A_782, %get3A_794 : vector<16xf32>
      %sub3A_797 = arith.subf %mul3A_795, %mul3A_796 : vector<16xf32>
      %sub3A_798 = arith.subf %sub3A_797, %get3A_785 : vector<16xf32>
      %mul3A_799 = arith.mulf %get3A_779, %get3A_794 : vector<16xf32>
      %mul3A_800 = arith.mulf %get3A_782, %get3A_791 : vector<16xf32>
      %add3A_801 = arith.addf %mul3A_799, %mul3A_800 : vector<16xf32>
      %sub3A_802 = arith.subf %add3A_801, %get3A_788 : vector<16xf32>
      %mul3A_803 = arith.mulf %sub3A_798, %sub3A_798 : vector<16xf32>
      %mul3A_804 = arith.mulf %sub3A_802, %sub3A_802 : vector<16xf32>
      %add3A_805 = arith.addf %mul3A_803, %mul3A_804 : vector<16xf32>
      %bitcast_convert_type3A_806 = tpu.bitcast %add3A_805 : vector<16xf32> -> vector<16xi32>
      %shift_right_logical3A_807 = arith.constant 1 : i32
      %shift_right_logical3A_808 = vector.broadcast %shift_right_logical3A_807 : i32 to vector<16xi32>
      %shift_right_logical3A_809 = arith.shrui %bitcast_convert_type3A_806, %shift_right_logical3A_808 : vector<16xi32>
      %sub3A_810 = arith.constant 1597463007 : i32
      %sub3A_811 = vector.broadcast %sub3A_810 : i32 to vector<16xi32>
      %sub3A_812 = arith.subi %sub3A_811, %shift_right_logical3A_809 : vector<16xi32>
      %bitcast_convert_type3A_813 = tpu.bitcast %sub3A_812 : vector<16xi32> -> vector<16xf32>
      %mul3A_814 = arith.mulf %add3A_805, %bitcast_convert_type3A_813 : vector<16xf32>
      %mul3A_815 = arith.constant 1.500000e+00 : f32
      %mul3A_816 = vector.broadcast %mul3A_815 : f32 to vector<16xf32>
      %mul3A_817 = arith.mulf %mul3A_816, %mul3A_814 : vector<16xf32>
      %mul3A_818 = arith.constant 5.000000e-01 : f32
      %mul3A_819 = vector.broadcast %mul3A_818 : f32 to vector<16xf32>
      %mul3A_820 = arith.mulf %mul3A_819, %bitcast_convert_type3A_813 : vector<16xf32>
      %mul3A_821 = arith.mulf %mul3A_814, %mul3A_814 : vector<16xf32>
      %mul3A_822 = arith.mulf %mul3A_820, %mul3A_821 : vector<16xf32>
      %sub3A_823 = arith.subf %mul3A_817, %mul3A_822 : vector<16xf32>
      %add3A_824 = arith.addf %broadcast_in_dim3A_774, %sub3A_823 : vector<16xf32>
      %get3A_825 = arith.index_cast %scan3A_772 : i32 to index
      %get3A_826 = arith.constant 16 : index
      %get3A_827 = tpu.vector_load %arg11[%get3A_825, %get3A_826] {strides = array<i32>} : memref<128x128xf32, #tpu.memory_space<vmem>>, vector<16xf32>,
      %get3A_828 = arith.index_cast %scan3A_772 : i32 to index
      %get3A_829 = arith.constant 80 : index
      %get3A_830 = tpu.vector_load %arg11[%get3A_828, %get3A_829] {strides = array<i32>} : memref<128x128xf32, #tpu.memory_space<vmem>>, vector<16xf32>,
      %get3A_831 = arith.index_cast %scan3A_772 : i32 to index
      %get3A_832 = arith.constant 16 : index
      %get3A_833 = tpu.vector_load %arg12[%get3A_831, %get3A_832] {strides = array<i32>} : memref<128x128xf32, #tpu.memory_space<vmem>>, vector<16xf32>,
      %get3A_834 = arith.index_cast %scan3A_772 : i32 to index
      %get3A_835 = arith.constant 80 : index
      %get3A_836 = tpu.vector_load %arg12[%get3A_834, %get3A_835] {strides = array<i32>} : memref<128x128xf32, #tpu.memory_space<vmem>>, vector<16xf32>,
      %get3A_837 = arith.index_cast %scan3A_772 : i32 to index
      %get3A_838 = arith.constant 16 : index
      %get3A_839 = tpu.vector_load %arg13[%get3A_837, %get3A_838] {strides = array<i32>} : memref<128x128xf32, #tpu.memory_space<vmem>>, vector<16xf32>,
      %get3A_840 = arith.index_cast %scan3A_772 : i32 to index
      %get3A_841 = arith.constant 80 : index
      %get3A_842 = tpu.vector_load %arg13[%get3A_840, %get3A_841] {strides = array<i32>} : memref<128x128xf32, #tpu.memory_space<vmem>>, vector<16xf32>,
      %mul3A_843 = arith.mulf %get3A_827, %get3A_839 : vector<16xf32>
      %mul3A_844 = arith.mulf %get3A_830, %get3A_842 : vector<16xf32>
      %sub3A_845 = arith.subf %mul3A_843, %mul3A_844 : vector<16xf32>
      %sub3A_846 = arith.subf %sub3A_845, %get3A_833 : vector<16xf32>
      %mul3A_847 = arith.mulf %get3A_827, %get3A_842 : vector<16xf32>
      %mul3A_848 = arith.mulf %get3A_830, %get3A_839 : vector<16xf32>
      %add3A_849 = arith.addf %mul3A_847, %mul3A_848 : vector<16xf32>
      %sub3A_850 = arith.subf %add3A_849, %get3A_836 : vector<16xf32>
      %mul3A_851 = arith.mulf %sub3A_846, %sub3A_846 : vector<16xf32>
      %mul3A_852 = arith.mulf %sub3A_850, %sub3A_850 : vector<16xf32>
      %add3A_853 = arith.addf %mul3A_851, %mul3A_852 : vector<16xf32>
      %bitcast_convert_type3A_854 = tpu.bitcast %add3A_853 : vector<16xf32> -> vector<16xi32>
      %shift_right_logical3A_855 = arith.constant 1 : i32
      %shift_right_logical3A_856 = vector.broadcast %shift_right_logical3A_855 : i32 to vector<16xi32>
      %shift_right_logical3A_857 = arith.shrui %bitcast_convert_type3A_854, %shift_right_logical3A_856 : vector<16xi32>
      %sub3A_858 = arith.constant 1597463007 : i32
      %sub3A_859 = vector.broadcast %sub3A_858 : i32 to vector<16xi32>
      %sub3A_860 = arith.subi %sub3A_859, %shift_right_logical3A_857 : vector<16xi32>
      %bitcast_convert_type3A_861 = tpu.bitcast %sub3A_860 : vector<16xi32> -> vector<16xf32>
      %mul3A_862 = arith.mulf %add3A_853, %bitcast_convert_type3A_861 : vector<16xf32>
      %mul3A_863 = arith.constant 1.500000e+00 : f32
      %mul3A_864 = vector.broadcast %mul3A_863 : f32 to vector<16xf32>
      %mul3A_865 = arith.mulf %mul3A_864, %mul3A_862 : vector<16xf32>
      %mul3A_866 = arith.constant 5.000000e-01 : f32
      %mul3A_867 = vector.broadcast %mul3A_866 : f32 to vector<16xf32>
      %mul3A_868 = arith.mulf %mul3A_867, %bitcast_convert_type3A_861 : vector<16xf32>
      %mul3A_869 = arith.mulf %mul3A_862, %mul3A_862 : vector<16xf32>
      %mul3A_870 = arith.mulf %mul3A_868, %mul3A_869 : vector<16xf32>
      %sub3A_871 = arith.subf %mul3A_865, %mul3A_870 : vector<16xf32>
      %add3A_872 = arith.addf %broadcast_in_dim3A_776, %sub3A_871 : vector<16xf32>
      %get3A_873 = arith.index_cast %scan3A_772 : i32 to index
      %get3A_874 = arith.constant 32 : index
      %get3A_875 = tpu.vector_load %arg11[%get3A_873, %get3A_874] {strides = array<i32>} : memref<128x128xf32, #tpu.memory_space<vmem>>, vector<16xf32>,
      %get3A_876 = arith.index_cast %scan3A_772 : i32 to index
      %get3A_877 = arith.constant 96 : index
      %get3A_878 = tpu.vector_load %arg11[%get3A_876, %get3A_877] {strides = array<i32>} : memref<128x128xf32, #tpu.memory_space<vmem>>, vector<16xf32>,
      %get3A_879 = arith.index_cast %scan3A_772 : i32 to index
      %get3A_880 = arith.constant 32 : index
      %get3A_881 = tpu.vector_load %arg12[%get3A_879, %get3A_880] {strides = array<i32>} : memref<128x128xf32, #tpu.memory_space<vmem>>, vector<16xf32>,
      %get3A_882 = arith.index_cast %scan3A_772 : i32 to index
      %get3A_883 = arith.constant 96 : index
      %get3A_884 = tpu.vector_load %arg12[%get3A_882, %get3A_883] {strides = array<i32>} : memref<128x128xf32, #tpu.memory_space<vmem>>, vector<16xf32>,
      %get3A_885 = arith.index_cast %scan3A_772 : i32 to index
      %get3A_886 = arith.constant 32 : index
      %get3A_887 = tpu.vector_load %arg13[%get3A_885, %get3A_886] {strides = array<i32>} : memref<128x128xf32, #tpu.memory_space<vmem>>, vector<16xf32>,
      %get3A_888 = arith.index_cast %scan3A_772 : i32 to index
      %get3A_889 = arith.constant 96 : index
      %get3A_890 = tpu.vector_load %arg13[%get3A_888, %get3A_889] {strides = array<i32>} : memref<128x128xf32, #tpu.memory_space<vmem>>, vector<16xf32>,
      %mul3A_891 = arith.mulf %get3A_875, %get3A_887 : vector<16xf32>
      %mul3A_892 = arith.mulf %get3A_878, %get3A_890 : vector<16xf32>
      %sub3A_893 = arith.subf %mul3A_891, %mul3A_892 : vector<16xf32>
      %sub3A_894 = arith.subf %sub3A_893, %get3A_881 : vector<16xf32>
      %mul3A_895 = arith.mulf %get3A_875, %get3A_890 : vector<16xf32>
      %mul3A_896 = arith.mulf %get3A_878, %get3A_887 : vector<16xf32>
      %add3A_897 = arith.addf %mul3A_895, %mul3A_896 : vector<16xf32>
      %sub3A_898 = arith.subf %add3A_897, %get3A_884 : vector<16xf32>
      %mul3A_899 = arith.mulf %sub3A_894, %sub3A_894 : vector<16xf32>
      %mul3A_900 = arith.mulf %sub3A_898, %sub3A_898 : vector<16xf32>
      %add3A_901 = arith.addf %mul3A_899, %mul3A_900 : vector<16xf32>
      %bitcast_convert_type3A_902 = tpu.bitcast %add3A_901 : vector<16xf32> -> vector<16xi32>
      %shift_right_logical3A_903 = arith.constant 1 : i32
      %shift_right_logical3A_904 = vector.broadcast %shift_right_logical3A_903 : i32 to vector<16xi32>
      %shift_right_logical3A_905 = arith.shrui %bitcast_convert_type3A_902, %shift_right_logical3A_904 : vector<16xi32>
      %sub3A_906 = arith.constant 1597463007 : i32
      %sub3A_907 = vector.broadcast %sub3A_906 : i32 to vector<16xi32>
      %sub3A_908 = arith.subi %sub3A_907, %shift_right_logical3A_905 : vector<16xi32>
      %bitcast_convert_type3A_909 = tpu.bitcast %sub3A_908 : vector<16xi32> -> vector<16xf32>
      %mul3A_910 = arith.mulf %add3A_901, %bitcast_convert_type3A_909 : vector<16xf32>
      %mul3A_911 = arith.constant 1.500000e+00 : f32
      %mul3A_912 = vector.broadcast %mul3A_911 : f32 to vector<16xf32>
      %mul3A_913 = arith.mulf %mul3A_912, %mul3A_910 : vector<16xf32>
      %mul3A_914 = arith.constant 5.000000e-01 : f32
      %mul3A_915 = vector.broadcast %mul3A_914 : f32 to vector<16xf32>
      %mul3A_916 = arith.mulf %mul3A_915, %bitcast_convert_type3A_909 : vector<16xf32>
      %mul3A_917 = arith.mulf %mul3A_910, %mul3A_910 : vector<16xf32>
      %mul3A_918 = arith.mulf %mul3A_916, %mul3A_917 : vector<16xf32>
      %sub3A_919 = arith.subf %mul3A_913, %mul3A_918 : vector<16xf32>
      %add3A_920 = arith.addf %add3A_824, %sub3A_919 : vector<16xf32>
      %get3A_921 = arith.index_cast %scan3A_772 : i32 to index
      %get3A_922 = arith.constant 48 : index
      %get3A_923 = tpu.vector_load %arg11[%get3A_921, %get3A_922] {strides = array<i32>} : memref<128x128xf32, #tpu.memory_space<vmem>>, vector<16xf32>,
      %get3A_924 = arith.index_cast %scan3A_772 : i32 to index
      %get3A_925 = arith.constant 112 : index
      %get3A_926 = tpu.vector_load %arg11[%get3A_924, %get3A_925] {strides = array<i32>} : memref<128x128xf32, #tpu.memory_space<vmem>>, vector<16xf32>,
      %get3A_927 = arith.index_cast %scan3A_772 : i32 to index
      %get3A_928 = arith.constant 48 : index
      %get3A_929 = tpu.vector_load %arg12[%get3A_927, %get3A_928] {strides = array<i32>} : memref<128x128xf32, #tpu.memory_space<vmem>>, vector<16xf32>,
      %get3A_930 = arith.index_cast %scan3A_772 : i32 to index
      %get3A_931 = arith.constant 112 : index
      %get3A_932 = tpu.vector_load %arg12[%get3A_930, %get3A_931] {strides = array<i32>} : memref<128x128xf32, #tpu.memory_space<vmem>>, vector<16xf32>,
      %get3A_933 = arith.index_cast %scan3A_772 : i32 to index
      %get3A_934 = arith.constant 48 : index
      %get3A_935 = tpu.vector_load %arg13[%get3A_933, %get3A_934] {strides = array<i32>} : memref<128x128xf32, #tpu.memory_space<vmem>>, vector<16xf32>,
      %get3A_936 = arith.index_cast %scan3A_772 : i32 to index
      %get3A_937 = arith.constant 112 : index
      %get3A_938 = tpu.vector_load %arg13[%get3A_936, %get3A_937] {strides = array<i32>} : memref<128x128xf32, #tpu.memory_space<vmem>>, vector<16xf32>,
      %mul3A_939 = arith.mulf %get3A_923, %get3A_935 : vector<16xf32>
      %mul3A_940 = arith.mulf %get3A_926, %get3A_938 : vector<16xf32>
      %sub3A_941 = arith.subf %mul3A_939, %mul3A_940 : vector<16xf32>
      %sub3A_942 = arith.subf %sub3A_941, %get3A_929 : vector<16xf32>
      %mul3A_943 = arith.mulf %get3A_923, %get3A_938 : vector<16xf32>
      %mul3A_944 = arith.mulf %get3A_926, %get3A_935 : vector<16xf32>
      %add3A_945 = arith.addf %mul3A_943, %mul3A_944 : vector<16xf32>
      %sub3A_946 = arith.subf %add3A_945, %get3A_932 : vector<16xf32>
      %mul3A_947 = arith.mulf %sub3A_942, %sub3A_942 : vector<16xf32>
      %mul3A_948 = arith.mulf %sub3A_946, %sub3A_946 : vector<16xf32>
      %add3A_949 = arith.addf %mul3A_947, %mul3A_948 : vector<16xf32>
      %bitcast_convert_type3A_950 = tpu.bitcast %add3A_949 : vector<16xf32> -> vector<16xi32>
      %shift_right_logical3A_951 = arith.constant 1 : i32
      %shift_right_logical3A_952 = vector.broadcast %shift_right_logical3A_951 : i32 to vector<16xi32>
      %shift_right_logical3A_953 = arith.shrui %bitcast_convert_type3A_950, %shift_right_logical3A_952 : vector<16xi32>
      %sub3A_954 = arith.constant 1597463007 : i32
      %sub3A_955 = vector.broadcast %sub3A_954 : i32 to vector<16xi32>
      %sub3A_956 = arith.subi %sub3A_955, %shift_right_logical3A_953 : vector<16xi32>
      %bitcast_convert_type3A_957 = tpu.bitcast %sub3A_956 : vector<16xi32> -> vector<16xf32>
      %mul3A_958 = arith.mulf %add3A_949, %bitcast_convert_type3A_957 : vector<16xf32>
      %mul3A_959 = arith.constant 1.500000e+00 : f32
      %mul3A_960 = vector.broadcast %mul3A_959 : f32 to vector<16xf32>
      %mul3A_961 = arith.mulf %mul3A_960, %mul3A_958 : vector<16xf32>
      %mul3A_962 = arith.constant 5.000000e-01 : f32
      %mul3A_963 = vector.broadcast %mul3A_962 : f32 to vector<16xf32>
      %mul3A_964 = arith.mulf %mul3A_963, %bitcast_convert_type3A_957 : vector<16xf32>
      %mul3A_965 = arith.mulf %mul3A_958, %mul3A_958 : vector<16xf32>
      %mul3A_966 = arith.mulf %mul3A_964, %mul3A_965 : vector<16xf32>
      %sub3A_967 = arith.subf %mul3A_961, %mul3A_966 : vector<16xf32>
      %add3A_968 = arith.addf %add3A_872, %sub3A_967 : vector<16xf32>
      %add3A_969 = arith.addf %add3A_920, %add3A_968 : vector<16xf32>
      %broadcast_in_dim3A_970 = arith.constant true
      %broadcast_in_dim3A_971 = vector.broadcast %broadcast_in_dim3A_970 : i1 to vector<16xi1>
      %masked_cumsum3A_972 = tpu.scan <sum>, %add3A_969 masked %broadcast_in_dim3A_971 : vector<16xf32>, vector<16xi1> -> vector<16xf32>
      %broadcast_in_dim3A_973 = arith.constant 0 : i32
      %broadcast_in_dim3A_974 = vector.broadcast %broadcast_in_dim3A_973 : i32 to vector<16xi32>
      %add3A_975 = arith.constant 0 : i32
      %add3A_976 = arith.addi %add3A_975, %scan3A_772 : i32
      %add3A_977 = vector.broadcast %add3A_976 : i32 to vector<16xi32>
      %add3A_978 = arith.addi %broadcast_in_dim3A_974, %add3A_977 : vector<16xi32>
      %neg3A_979 = arith.constant 0.000000e+00 : f32
      %neg3A_980 = vector.broadcast %neg3A_979 : f32 to vector<16xf32>
      %neg3A_981 = arith.subf %neg3A_980, %masked_cumsum3A_972 : vector<16xf32>
      tpu.vector_store_idx %arg17[%add3A_978], %neg3A_981 masked %eq3A_4 : memref<512xf32, #tpu.memory_space<vmem>>[vector<16xi32>], vector<16xf32>, vector<16xi1>
    }
    %scan3A_52 = arith.constant 128 : i32
    %dma_wait3A_53 = arith.constant 128 : i32
    %dma_wait3A_54 = tpu.memref_slice %arg8[%dma_wait3A_53] : memref<512xi32, #tpu.memory_space<vmem>> -> memref<128xi32, #tpu.memory_space<vmem>>
    %dma_wait3A_55 = arith.constant 0 : i32
    %dma_wait3A_56 = arith.constant 0 : i32
    %dma_wait3A_57 = tpu.memref_slice %arg5[%dma_wait3A_55, %dma_wait3A_56] : memref<1000000x128xf32, #tpu.memory_space<hbm>> -> memref<1000000x128xf32, #tpu.memory_space<hbm>>
    tpu.wait_indirect_dma semaphore(%arg18 : memref<!tpu.dma_semaphore, #tpu.memory_space<semaphore_mem>>) src(%dma_wait3A_57 : memref<1000000x128xf32, #tpu.memory_space<hbm>>) dst(%arg14 : memref<128x128xf32, #tpu.memory_space<vmem>>)
    %dma_wait3A_58 = arith.constant 128 : i32
    %dma_wait3A_59 = tpu.memref_slice %arg10[%dma_wait3A_58] : memref<512xi32, #tpu.memory_space<vmem>> -> memref<128xi32, #tpu.memory_space<vmem>>
    %dma_wait3A_60 = arith.constant 0 : i32
    %dma_wait3A_61 = arith.constant 0 : i32
    %dma_wait3A_62 = tpu.memref_slice %arg5[%dma_wait3A_60, %dma_wait3A_61] : memref<1000000x128xf32, #tpu.memory_space<hbm>> -> memref<1000000x128xf32, #tpu.memory_space<hbm>>
    tpu.wait_indirect_dma semaphore(%arg19 : memref<!tpu.dma_semaphore, #tpu.memory_space<semaphore_mem>>) src(%dma_wait3A_62 : memref<1000000x128xf32, #tpu.memory_space<hbm>>) dst(%arg15 : memref<128x128xf32, #tpu.memory_space<vmem>>)
    %dma_wait3A_63 = arith.constant 128 : i32
    %dma_wait3A_64 = tpu.memref_slice %arg9[%dma_wait3A_63] : memref<512xi32, #tpu.memory_space<vmem>> -> memref<128xi32, #tpu.memory_space<vmem>>
    %dma_wait3A_65 = arith.constant 0 : i32
    %dma_wait3A_66 = arith.constant 0 : i32
    %dma_wait3A_67 = tpu.memref_slice %arg6[%dma_wait3A_65, %dma_wait3A_66] : memref<1000x128xf32, #tpu.memory_space<hbm>> -> memref<1000x128xf32, #tpu.memory_space<hbm>>
    tpu.wait_indirect_dma semaphore(%arg20 : memref<!tpu.dma_semaphore, #tpu.memory_space<semaphore_mem>>) src(%dma_wait3A_67 : memref<1000x128xf32, #tpu.memory_space<hbm>>) dst(%arg16 : memref<128x128xf32, #tpu.memory_space<vmem>>)
    %dma_start3A_68 = arith.constant 256 : i32
    %dma_start3A_69 = tpu.memref_slice %arg8[%dma_start3A_68] : memref<512xi32, #tpu.memory_space<vmem>> -> memref<128xi32, #tpu.memory_space<vmem>>
    %dma_start3A_70 = arith.constant 0 : i32
    %dma_start3A_71 = arith.constant 0 : i32
    %dma_start3A_72 = tpu.memref_slice %arg5[%dma_start3A_70, %dma_start3A_71] : memref<1000000x128xf32, #tpu.memory_space<hbm>> -> memref<1000000x128xf32, #tpu.memory_space<hbm>>
    tpu.enqueue_indirect_dma source(%dma_start3A_72 : memref<1000000x128xf32, #tpu.memory_space<hbm>>) target(%arg11 : memref<128x128xf32, #tpu.memory_space<vmem>>) offsets(%dma_start3A_69 : memref<128xi32, #tpu.memory_space<vmem>>) semaphore(%arg18 : memref<!tpu.dma_semaphore, #tpu.memory_space<semaphore_mem>>)
    %dma_start3A_73 = arith.constant 256 : i32
    %dma_start3A_74 = tpu.memref_slice %arg10[%dma_start3A_73] : memref<512xi32, #tpu.memory_space<vmem>> -> memref<128xi32, #tpu.memory_space<vmem>>
    %dma_start3A_75 = arith.constant 0 : i32
    %dma_start3A_76 = arith.constant 0 : i32
    %dma_start3A_77 = tpu.memref_slice %arg5[%dma_start3A_75, %dma_start3A_76] : memref<1000000x128xf32, #tpu.memory_space<hbm>> -> memref<1000000x128xf32, #tpu.memory_space<hbm>>
    tpu.enqueue_indirect_dma source(%dma_start3A_77 : memref<1000000x128xf32, #tpu.memory_space<hbm>>) target(%arg12 : memref<128x128xf32, #tpu.memory_space<vmem>>) offsets(%dma_start3A_74 : memref<128xi32, #tpu.memory_space<vmem>>) semaphore(%arg19 : memref<!tpu.dma_semaphore, #tpu.memory_space<semaphore_mem>>)
    %dma_start3A_78 = arith.constant 256 : i32
    %dma_start3A_79 = tpu.memref_slice %arg9[%dma_start3A_78] : memref<512xi32, #tpu.memory_space<vmem>> -> memref<128xi32, #tpu.memory_space<vmem>>
    %dma_start3A_80 = arith.constant 0 : i32
    %dma_start3A_81 = arith.constant 0 : i32
    %dma_start3A_82 = tpu.memref_slice %arg6[%dma_start3A_80, %dma_start3A_81] : memref<1000x128xf32, #tpu.memory_space<hbm>> -> memref<1000x128xf32, #tpu.memory_space<hbm>>
    tpu.enqueue_indirect_dma source(%dma_start3A_82 : memref<1000x128xf32, #tpu.memory_space<hbm>>) target(%arg13 : memref<128x128xf32, #tpu.memory_space<vmem>>) offsets(%dma_start3A_79 : memref<128xi32, #tpu.memory_space<vmem>>) semaphore(%arg20 : memref<!tpu.dma_semaphore, #tpu.memory_space<semaphore_mem>>)
    %scan3A_83 = arith.constant 0 : i32
    %scan3A_84 = arith.constant 0 : i32
    %scan3A_85 = arith.constant 128 : i32
    %scan3A_86 = arith.addi %scan3A_84, %scan3A_85 : i32
    %scan3A_87 = arith.constant 4 : i32
    scf.for %scan3A_146 = %scan3A_84 to %scan3A_86 step %scan3A_87  : i32 {
      %broadcast_in_dim3A = arith.constant 0.000000e+00 : f32
      %broadcast_in_dim3A_147 = vector.broadcast %broadcast_in_dim3A : f32 to vector<16xf32>
      %broadcast_in_dim3A_148 = arith.constant 0.000000e+00 : f32
      %broadcast_in_dim3A_149 = vector.broadcast %broadcast_in_dim3A_148 : f32 to vector<16xf32>
      %get3A = arith.index_cast %scan3A_146 : i32 to index
      %get3A_150 = arith.constant 0 : index
      %get3A_151 = tpu.vector_load %arg14[%get3A, %get3A_150] {strides = array<i32>} : memref<128x128xf32, #tpu.memory_space<vmem>>, vector<16xf32>,
      %get3A_152 = arith.index_cast %scan3A_146 : i32 to index
      %get3A_153 = arith.constant 64 : index
      %get3A_154 = tpu.vector_load %arg14[%get3A_152, %get3A_153] {strides = array<i32>} : memref<128x128xf32, #tpu.memory_space<vmem>>, vector<16xf32>,
      %get3A_155 = arith.index_cast %scan3A_146 : i32 to index
      %get3A_156 = arith.constant 0 : index
      %get3A_157 = tpu.vector_load %arg15[%get3A_155, %get3A_156] {strides = array<i32>} : memref<128x128xf32, #tpu.memory_space<vmem>>, vector<16xf32>,
      %get3A_158 = arith.index_cast %scan3A_146 : i32 to index
      %get3A_159 = arith.constant 64 : index
      %get3A_160 = tpu.vector_load %arg15[%get3A_158, %get3A_159] {strides = array<i32>} : memref<128x128xf32, #tpu.memory_space<vmem>>, vector<16xf32>,
      %get3A_161 = arith.index_cast %scan3A_146 : i32 to index
      %get3A_162 = arith.constant 0 : index
      %get3A_163 = tpu.vector_load %arg16[%get3A_161, %get3A_162] {strides = array<i32>} : memref<128x128xf32, #tpu.memory_space<vmem>>, vector<16xf32>,
      %get3A_164 = arith.index_cast %scan3A_146 : i32 to index
      %get3A_165 = arith.constant 64 : index
      %get3A_166 = tpu.vector_load %arg16[%get3A_164, %get3A_165] {strides = array<i32>} : memref<128x128xf32, #tpu.memory_space<vmem>>, vector<16xf32>,
      %mul3A_167 = arith.mulf %get3A_151, %get3A_163 : vector<16xf32>
      %mul3A_168 = arith.mulf %get3A_154, %get3A_166 : vector<16xf32>
      %sub3A = arith.subf %mul3A_167, %mul3A_168 : vector<16xf32>
      %sub3A_169 = arith.subf %sub3A, %get3A_157 : vector<16xf32>
      %mul3A_170 = arith.mulf %get3A_151, %get3A_166 : vector<16xf32>
      %mul3A_171 = arith.mulf %get3A_154, %get3A_163 : vector<16xf32>
      %add3A_172 = arith.addf %mul3A_170, %mul3A_171 : vector<16xf32>
      %sub3A_173 = arith.subf %add3A_172, %get3A_160 : vector<16xf32>
      %mul3A_174 = arith.mulf %sub3A_169, %sub3A_169 : vector<16xf32>
      %mul3A_175 = arith.mulf %sub3A_173, %sub3A_173 : vector<16xf32>
      %add3A_176 = arith.addf %mul3A_174, %mul3A_175 : vector<16xf32>
      %bitcast_convert_type3A = tpu.bitcast %add3A_176 : vector<16xf32> -> vector<16xi32>
      %shift_right_logical3A = arith.constant 1 : i32
      %shift_right_logical3A_177 = vector.broadcast %shift_right_logical3A : i32 to vector<16xi32>
      %shift_right_logical3A_178 = arith.shrui %bitcast_convert_type3A, %shift_right_logical3A_177 : vector<16xi32>
      %sub3A_179 = arith.constant 1597463007 : i32
      %sub3A_180 = vector.broadcast %sub3A_179 : i32 to vector<16xi32>
      %sub3A_181 = arith.subi %sub3A_180, %shift_right_logical3A_178 : vector<16xi32>
      %bitcast_convert_type3A_182 = tpu.bitcast %sub3A_181 : vector<16xi32> -> vector<16xf32>
      %mul3A_183 = arith.mulf %add3A_176, %bitcast_convert_type3A_182 : vector<16xf32>
      %mul3A_184 = arith.constant 1.500000e+00 : f32
      %mul3A_185 = vector.broadcast %mul3A_184 : f32 to vector<16xf32>
      %mul3A_186 = arith.mulf %mul3A_185, %mul3A_183 : vector<16xf32>
      %mul3A_187 = arith.constant 5.000000e-01 : f32
      %mul3A_188 = vector.broadcast %mul3A_187 : f32 to vector<16xf32>
      %mul3A_189 = arith.mulf %mul3A_188, %bitcast_convert_type3A_182 : vector<16xf32>
      %mul3A_190 = arith.mulf %mul3A_183, %mul3A_183 : vector<16xf32>
      %mul3A_191 = arith.mulf %mul3A_189, %mul3A_190 : vector<16xf32>
      %sub3A_192 = arith.subf %mul3A_186, %mul3A_191 : vector<16xf32>
      %add3A_193 = arith.addf %broadcast_in_dim3A_147, %sub3A_192 : vector<16xf32>
      %get3A_194 = arith.index_cast %scan3A_146 : i32 to index
      %get3A_195 = arith.constant 16 : index
      %get3A_196 = tpu.vector_load %arg14[%get3A_194, %get3A_195] {strides = array<i32>} : memref<128x128xf32, #tpu.memory_space<vmem>>, vector<16xf32>,
      %get3A_197 = arith.index_cast %scan3A_146 : i32 to index
      %get3A_198 = arith.constant 80 : index
      %get3A_199 = tpu.vector_load %arg14[%get3A_197, %get3A_198] {strides = array<i32>} : memref<128x128xf32, #tpu.memory_space<vmem>>, vector<16xf32>,
      %get3A_200 = arith.index_cast %scan3A_146 : i32 to index
      %get3A_201 = arith.constant 16 : index
      %get3A_202 = tpu.vector_load %arg15[%get3A_200, %get3A_201] {strides = array<i32>} : memref<128x128xf32, #tpu.memory_space<vmem>>, vector<16xf32>,
      %get3A_203 = arith.index_cast %scan3A_146 : i32 to index
      %get3A_204 = arith.constant 80 : index
      %get3A_205 = tpu.vector_load %arg15[%get3A_203, %get3A_204] {strides = array<i32>} : memref<128x128xf32, #tpu.memory_space<vmem>>, vector<16xf32>,
      %get3A_206 = arith.index_cast %scan3A_146 : i32 to index
      %get3A_207 = arith.constant 16 : index
      %get3A_208 = tpu.vector_load %arg16[%get3A_206, %get3A_207] {strides = array<i32>} : memref<128x128xf32, #tpu.memory_space<vmem>>, vector<16xf32>,
      %get3A_209 = arith.index_cast %scan3A_146 : i32 to index
      %get3A_210 = arith.constant 80 : index
      %get3A_211 = tpu.vector_load %arg16[%get3A_209, %get3A_210] {strides = array<i32>} : memref<128x128xf32, #tpu.memory_space<vmem>>, vector<16xf32>,
      %mul3A_212 = arith.mulf %get3A_196, %get3A_208 : vector<16xf32>
      %mul3A_213 = arith.mulf %get3A_199, %get3A_211 : vector<16xf32>
      %sub3A_214 = arith.subf %mul3A_212, %mul3A_213 : vector<16xf32>
      %sub3A_215 = arith.subf %sub3A_214, %get3A_202 : vector<16xf32>
      %mul3A_216 = arith.mulf %get3A_196, %get3A_211 : vector<16xf32>
      %mul3A_217 = arith.mulf %get3A_199, %get3A_208 : vector<16xf32>
      %add3A_218 = arith.addf %mul3A_216, %mul3A_217 : vector<16xf32>
      %sub3A_219 = arith.subf %add3A_218, %get3A_205 : vector<16xf32>
      %mul3A_220 = arith.mulf %sub3A_215, %sub3A_215 : vector<16xf32>
      %mul3A_221 = arith.mulf %sub3A_219, %sub3A_219 : vector<16xf32>
      %add3A_222 = arith.addf %mul3A_220, %mul3A_221 : vector<16xf32>
      %bitcast_convert_type3A_223 = tpu.bitcast %add3A_222 : vector<16xf32> -> vector<16xi32>
      %shift_right_logical3A_224 = arith.constant 1 : i32
      %shift_right_logical3A_225 = vector.broadcast %shift_right_logical3A_224 : i32 to vector<16xi32>
      %shift_right_logical3A_226 = arith.shrui %bitcast_convert_type3A_223, %shift_right_logical3A_225 : vector<16xi32>
      %sub3A_227 = arith.constant 1597463007 : i32
      %sub3A_228 = vector.broadcast %sub3A_227 : i32 to vector<16xi32>
      %sub3A_229 = arith.subi %sub3A_228, %shift_right_logical3A_226 : vector<16xi32>
      %bitcast_convert_type3A_230 = tpu.bitcast %sub3A_229 : vector<16xi32> -> vector<16xf32>
      %mul3A_231 = arith.mulf %add3A_222, %bitcast_convert_type3A_230 : vector<16xf32>
      %mul3A_232 = arith.constant 1.500000e+00 : f32
      %mul3A_233 = vector.broadcast %mul3A_232 : f32 to vector<16xf32>
      %mul3A_234 = arith.mulf %mul3A_233, %mul3A_231 : vector<16xf32>
      %mul3A_235 = arith.constant 5.000000e-01 : f32
      %mul3A_236 = vector.broadcast %mul3A_235 : f32 to vector<16xf32>
      %mul3A_237 = arith.mulf %mul3A_236, %bitcast_convert_type3A_230 : vector<16xf32>
      %mul3A_238 = arith.mulf %mul3A_231, %mul3A_231 : vector<16xf32>
      %mul3A_239 = arith.mulf %mul3A_237, %mul3A_238 : vector<16xf32>
      %sub3A_240 = arith.subf %mul3A_234, %mul3A_239 : vector<16xf32>
      %add3A_241 = arith.addf %broadcast_in_dim3A_149, %sub3A_240 : vector<16xf32>
      %get3A_242 = arith.index_cast %scan3A_146 : i32 to index
      %get3A_243 = arith.constant 32 : index
      %get3A_244 = tpu.vector_load %arg14[%get3A_242, %get3A_243] {strides = array<i32>} : memref<128x128xf32, #tpu.memory_space<vmem>>, vector<16xf32>,
      %get3A_245 = arith.index_cast %scan3A_146 : i32 to index
      %get3A_246 = arith.constant 96 : index
      %get3A_247 = tpu.vector_load %arg14[%get3A_245, %get3A_246] {strides = array<i32>} : memref<128x128xf32, #tpu.memory_space<vmem>>, vector<16xf32>,
      %get3A_248 = arith.index_cast %scan3A_146 : i32 to index
      %get3A_249 = arith.constant 32 : index
      %get3A_250 = tpu.vector_load %arg15[%get3A_248, %get3A_249] {strides = array<i32>} : memref<128x128xf32, #tpu.memory_space<vmem>>, vector<16xf32>,
      %get3A_251 = arith.index_cast %scan3A_146 : i32 to index
      %get3A_252 = arith.constant 96 : index
      %get3A_253 = tpu.vector_load %arg15[%get3A_251, %get3A_252] {strides = array<i32>} : memref<128x128xf32, #tpu.memory_space<vmem>>, vector<16xf32>,
      %get3A_254 = arith.index_cast %scan3A_146 : i32 to index
      %get3A_255 = arith.constant 32 : index
      %get3A_256 = tpu.vector_load %arg16[%get3A_254, %get3A_255] {strides = array<i32>} : memref<128x128xf32, #tpu.memory_space<vmem>>, vector<16xf32>,
      %get3A_257 = arith.index_cast %scan3A_146 : i32 to index
      %get3A_258 = arith.constant 96 : index
      %get3A_259 = tpu.vector_load %arg16[%get3A_257, %get3A_258] {strides = array<i32>} : memref<128x128xf32, #tpu.memory_space<vmem>>, vector<16xf32>,
      %mul3A_260 = arith.mulf %get3A_244, %get3A_256 : vector<16xf32>
      %mul3A_261 = arith.mulf %get3A_247, %get3A_259 : vector<16xf32>
      %sub3A_262 = arith.subf %mul3A_260, %mul3A_261 : vector<16xf32>
      %sub3A_263 = arith.subf %sub3A_262, %get3A_250 : vector<16xf32>
      %mul3A_264 = arith.mulf %get3A_244, %get3A_259 : vector<16xf32>
      %mul3A_265 = arith.mulf %get3A_247, %get3A_256 : vector<16xf32>
      %add3A_266 = arith.addf %mul3A_264, %mul3A_265 : vector<16xf32>
      %sub3A_267 = arith.subf %add3A_266, %get3A_253 : vector<16xf32>
      %mul3A_268 = arith.mulf %sub3A_263, %sub3A_263 : vector<16xf32>
      %mul3A_269 = arith.mulf %sub3A_267, %sub3A_267 : vector<16xf32>
      %add3A_270 = arith.addf %mul3A_268, %mul3A_269 : vector<16xf32>
      %bitcast_convert_type3A_271 = tpu.bitcast %add3A_270 : vector<16xf32> -> vector<16xi32>
      %shift_right_logical3A_272 = arith.constant 1 : i32
      %shift_right_logical3A_273 = vector.broadcast %shift_right_logical3A_272 : i32 to vector<16xi32>
      %shift_right_logical3A_274 = arith.shrui %bitcast_convert_type3A_271, %shift_right_logical3A_273 : vector<16xi32>
      %sub3A_275 = arith.constant 1597463007 : i32
      %sub3A_276 = vector.broadcast %sub3A_275 : i32 to vector<16xi32>
      %sub3A_277 = arith.subi %sub3A_276, %shift_right_logical3A_274 : vector<16xi32>
      %bitcast_convert_type3A_278 = tpu.bitcast %sub3A_277 : vector<16xi32> -> vector<16xf32>
      %mul3A_279 = arith.mulf %add3A_270, %bitcast_convert_type3A_278 : vector<16xf32>
      %mul3A_280 = arith.constant 1.500000e+00 : f32
      %mul3A_281 = vector.broadcast %mul3A_280 : f32 to vector<16xf32>
      %mul3A_282 = arith.mulf %mul3A_281, %mul3A_279 : vector<16xf32>
      %mul3A_283 = arith.constant 5.000000e-01 : f32
      %mul3A_284 = vector.broadcast %mul3A_283 : f32 to vector<16xf32>
      %mul3A_285 = arith.mulf %mul3A_284, %bitcast_convert_type3A_278 : vector<16xf32>
      %mul3A_286 = arith.mulf %mul3A_279, %mul3A_279 : vector<16xf32>
      %mul3A_287 = arith.mulf %mul3A_285, %mul3A_286 : vector<16xf32>
      %sub3A_288 = arith.subf %mul3A_282, %mul3A_287 : vector<16xf32>
      %add3A_289 = arith.addf %add3A_193, %sub3A_288 : vector<16xf32>
      %get3A_290 = arith.index_cast %scan3A_146 : i32 to index
      %get3A_291 = arith.constant 48 : index
      %get3A_292 = tpu.vector_load %arg14[%get3A_290, %get3A_291] {strides = array<i32>} : memref<128x128xf32, #tpu.memory_space<vmem>>, vector<16xf32>,
      %get3A_293 = arith.index_cast %scan3A_146 : i32 to index
      %get3A_294 = arith.constant 112 : index
      %get3A_295 = tpu.vector_load %arg14[%get3A_293, %get3A_294] {strides = array<i32>} : memref<128x128xf32, #tpu.memory_space<vmem>>, vector<16xf32>,
      %get3A_296 = arith.index_cast %scan3A_146 : i32 to index
      %get3A_297 = arith.constant 48 : index
      %get3A_298 = tpu.vector_load %arg15[%get3A_296, %get3A_297] {strides = array<i32>} : memref<128x128xf32, #tpu.memory_space<vmem>>, vector<16xf32>,
      %get3A_299 = arith.index_cast %scan3A_146 : i32 to index
      %get3A_300 = arith.constant 112 : index
      %get3A_301 = tpu.vector_load %arg15[%get3A_299, %get3A_300] {strides = array<i32>} : memref<128x128xf32, #tpu.memory_space<vmem>>, vector<16xf32>,
      %get3A_302 = arith.index_cast %scan3A_146 : i32 to index
      %get3A_303 = arith.constant 48 : index
      %get3A_304 = tpu.vector_load %arg16[%get3A_302, %get3A_303] {strides = array<i32>} : memref<128x128xf32, #tpu.memory_space<vmem>>, vector<16xf32>,
      %get3A_305 = arith.index_cast %scan3A_146 : i32 to index
      %get3A_306 = arith.constant 112 : index
      %get3A_307 = tpu.vector_load %arg16[%get3A_305, %get3A_306] {strides = array<i32>} : memref<128x128xf32, #tpu.memory_space<vmem>>, vector<16xf32>,
      %mul3A_308 = arith.mulf %get3A_292, %get3A_304 : vector<16xf32>
      %mul3A_309 = arith.mulf %get3A_295, %get3A_307 : vector<16xf32>
      %sub3A_310 = arith.subf %mul3A_308, %mul3A_309 : vector<16xf32>
      %sub3A_311 = arith.subf %sub3A_310, %get3A_298 : vector<16xf32>
      %mul3A_312 = arith.mulf %get3A_292, %get3A_307 : vector<16xf32>
      %mul3A_313 = arith.mulf %get3A_295, %get3A_304 : vector<16xf32>
      %add3A_314 = arith.addf %mul3A_312, %mul3A_313 : vector<16xf32>
      %sub3A_315 = arith.subf %add3A_314, %get3A_301 : vector<16xf32>
      %mul3A_316 = arith.mulf %sub3A_311, %sub3A_311 : vector<16xf32>
      %mul3A_317 = arith.mulf %sub3A_315, %sub3A_315 : vector<16xf32>
      %add3A_318 = arith.addf %mul3A_316, %mul3A_317 : vector<16xf32>
      %bitcast_convert_type3A_319 = tpu.bitcast %add3A_318 : vector<16xf32> -> vector<16xi32>
      %shift_right_logical3A_320 = arith.constant 1 : i32
      %shift_right_logical3A_321 = vector.broadcast %shift_right_logical3A_320 : i32 to vector<16xi32>
      %shift_right_logical3A_322 = arith.shrui %bitcast_convert_type3A_319, %shift_right_logical3A_321 : vector<16xi32>
      %sub3A_323 = arith.constant 1597463007 : i32
      %sub3A_324 = vector.broadcast %sub3A_323 : i32 to vector<16xi32>
      %sub3A_325 = arith.subi %sub3A_324, %shift_right_logical3A_322 : vector<16xi32>
      %bitcast_convert_type3A_326 = tpu.bitcast %sub3A_325 : vector<16xi32> -> vector<16xf32>
      %mul3A_327 = arith.mulf %add3A_318, %bitcast_convert_type3A_326 : vector<16xf32>
      %mul3A_328 = arith.constant 1.500000e+00 : f32
      %mul3A_329 = vector.broadcast %mul3A_328 : f32 to vector<16xf32>
      %mul3A_330 = arith.mulf %mul3A_329, %mul3A_327 : vector<16xf32>
      %mul3A_331 = arith.constant 5.000000e-01 : f32
      %mul3A_332 = vector.broadcast %mul3A_331 : f32 to vector<16xf32>
      %mul3A_333 = arith.mulf %mul3A_332, %bitcast_convert_type3A_326 : vector<16xf32>
      %mul3A_334 = arith.mulf %mul3A_327, %mul3A_327 : vector<16xf32>
      %mul3A_335 = arith.mulf %mul3A_333, %mul3A_334 : vector<16xf32>
      %sub3A_336 = arith.subf %mul3A_330, %mul3A_335 : vector<16xf32>
      %add3A_337 = arith.addf %add3A_241, %sub3A_336 : vector<16xf32>
      %add3A_338 = arith.addf %add3A_289, %add3A_337 : vector<16xf32>
      %broadcast_in_dim3A_339 = arith.constant true
      %broadcast_in_dim3A_340 = vector.broadcast %broadcast_in_dim3A_339 : i1 to vector<16xi1>
      %masked_cumsum3A = tpu.scan <sum>, %add3A_338 masked %broadcast_in_dim3A_340 : vector<16xf32>, vector<16xi1> -> vector<16xf32>
      %broadcast_in_dim3A_341 = arith.constant 0 : i32
      %broadcast_in_dim3A_342 = vector.broadcast %broadcast_in_dim3A_341 : i32 to vector<16xi32>
      %add3A_343 = arith.constant 128 : i32
      %add3A_344 = arith.addi %add3A_343, %scan3A_146 : i32
      %add3A_345 = vector.broadcast %add3A_344 : i32 to vector<16xi32>
      %add3A_346 = arith.addi %broadcast_in_dim3A_342, %add3A_345 : vector<16xi32>
      %neg3A = arith.constant 0.000000e+00 : f32
      %neg3A_347 = vector.broadcast %neg3A : f32 to vector<16xf32>
      %neg3A_348 = arith.subf %neg3A_347, %masked_cumsum3A : vector<16xf32>
      tpu.vector_store_idx %arg17[%add3A_346], %neg3A_348 masked %eq3A_4 : memref<512xf32, #tpu.memory_space<vmem>>[vector<16xi32>], vector<16xf32>, vector<16xi1>
      %scan3A_349 = arith.constant 1 : i32
      %scan3A_350 = arith.addi %scan3A_146, %scan3A_349 : i32
      %broadcast_in_dim3A_351 = arith.constant 0.000000e+00 : f32
      %broadcast_in_dim3A_352 = vector.broadcast %broadcast_in_dim3A_351 : f32 to vector<16xf32>
      %broadcast_in_dim3A_353 = arith.constant 0.000000e+00 : f32
      %broadcast_in_dim3A_354 = vector.broadcast %broadcast_in_dim3A_353 : f32 to vector<16xf32>
      %get3A_355 = arith.index_cast %scan3A_350 : i32 to index
      %get3A_356 = arith.constant 0 : index
      %get3A_357 = tpu.vector_load %arg14[%get3A_355, %get3A_356] {strides = array<i32>} : memref<128x128xf32, #tpu.memory_space<vmem>>, vector<16xf32>,
      %get3A_358 = arith.index_cast %scan3A_350 : i32 to index
      %get3A_359 = arith.constant 64 : index
      %get3A_360 = tpu.vector_load %arg14[%get3A_358, %get3A_359] {strides = array<i32>} : memref<128x128xf32, #tpu.memory_space<vmem>>, vector<16xf32>,
      %get3A_361 = arith.index_cast %scan3A_350 : i32 to index
      %get3A_362 = arith.constant 0 : index
      %get3A_363 = tpu.vector_load %arg15[%get3A_361, %get3A_362] {strides = array<i32>} : memref<128x128xf32, #tpu.memory_space<vmem>>, vector<16xf32>,
      %get3A_364 = arith.index_cast %scan3A_350 : i32 to index
      %get3A_365 = arith.constant 64 : index
      %get3A_366 = tpu.vector_load %arg15[%get3A_364, %get3A_365] {strides = array<i32>} : memref<128x128xf32, #tpu.memory_space<vmem>>, vector<16xf32>,
      %get3A_367 = arith.index_cast %scan3A_350 : i32 to index
      %get3A_368 = arith.constant 0 : index
      %get3A_369 = tpu.vector_load %arg16[%get3A_367, %get3A_368] {strides = array<i32>} : memref<128x128xf32, #tpu.memory_space<vmem>>, vector<16xf32>,
      %get3A_370 = arith.index_cast %scan3A_350 : i32 to index
      %get3A_371 = arith.constant 64 : index
      %get3A_372 = tpu.vector_load %arg16[%get3A_370, %get3A_371] {strides = array<i32>} : memref<128x128xf32, #tpu.memory_space<vmem>>, vector<16xf32>,
      %mul3A_373 = arith.mulf %get3A_357, %get3A_369 : vector<16xf32>
      %mul3A_374 = arith.mulf %get3A_360, %get3A_372 : vector<16xf32>
      %sub3A_375 = arith.subf %mul3A_373, %mul3A_374 : vector<16xf32>
      %sub3A_376 = arith.subf %sub3A_375, %get3A_363 : vector<16xf32>
      %mul3A_377 = arith.mulf %get3A_357, %get3A_372 : vector<16xf32>
      %mul3A_378 = arith.mulf %get3A_360, %get3A_369 : vector<16xf32>
      %add3A_379 = arith.addf %mul3A_377, %mul3A_378 : vector<16xf32>
      %sub3A_380 = arith.subf %add3A_379, %get3A_366 : vector<16xf32>
      %mul3A_381 = arith.mulf %sub3A_376, %sub3A_376 : vector<16xf32>
      %mul3A_382 = arith.mulf %sub3A_380, %sub3A_380 : vector<16xf32>
      %add3A_383 = arith.addf %mul3A_381, %mul3A_382 : vector<16xf32>
      %bitcast_convert_type3A_384 = tpu.bitcast %add3A_383 : vector<16xf32> -> vector<16xi32>
      %shift_right_logical3A_385 = arith.constant 1 : i32
      %shift_right_logical3A_386 = vector.broadcast %shift_right_logical3A_385 : i32 to vector<16xi32>
      %shift_right_logical3A_387 = arith.shrui %bitcast_convert_type3A_384, %shift_right_logical3A_386 : vector<16xi32>
      %sub3A_388 = arith.constant 1597463007 : i32
      %sub3A_389 = vector.broadcast %sub3A_388 : i32 to vector<16xi32>
      %sub3A_390 = arith.subi %sub3A_389, %shift_right_logical3A_387 : vector<16xi32>
      %bitcast_convert_type3A_391 = tpu.bitcast %sub3A_390 : vector<16xi32> -> vector<16xf32>
      %mul3A_392 = arith.mulf %add3A_383, %bitcast_convert_type3A_391 : vector<16xf32>
      %mul3A_393 = arith.constant 1.500000e+00 : f32
      %mul3A_394 = vector.broadcast %mul3A_393 : f32 to vector<16xf32>
      %mul3A_395 = arith.mulf %mul3A_394, %mul3A_392 : vector<16xf32>
      %mul3A_396 = arith.constant 5.000000e-01 : f32
      %mul3A_397 = vector.broadcast %mul3A_396 : f32 to vector<16xf32>
      %mul3A_398 = arith.mulf %mul3A_397, %bitcast_convert_type3A_391 : vector<16xf32>
      %mul3A_399 = arith.mulf %mul3A_392, %mul3A_392 : vector<16xf32>
      %mul3A_400 = arith.mulf %mul3A_398, %mul3A_399 : vector<16xf32>
      %sub3A_401 = arith.subf %mul3A_395, %mul3A_400 : vector<16xf32>
      %add3A_402 = arith.addf %broadcast_in_dim3A_352, %sub3A_401 : vector<16xf32>
      %get3A_403 = arith.index_cast %scan3A_350 : i32 to index
      %get3A_404 = arith.constant 16 : index
      %get3A_405 = tpu.vector_load %arg14[%get3A_403, %get3A_404] {strides = array<i32>} : memref<128x128xf32, #tpu.memory_space<vmem>>, vector<16xf32>,
      %get3A_406 = arith.index_cast %scan3A_350 : i32 to index
      %get3A_407 = arith.constant 80 : index
      %get3A_408 = tpu.vector_load %arg14[%get3A_406, %get3A_407] {strides = array<i32>} : memref<128x128xf32, #tpu.memory_space<vmem>>, vector<16xf32>,
      %get3A_409 = arith.index_cast %scan3A_350 : i32 to index
      %get3A_410 = arith.constant 16 : index
      %get3A_411 = tpu.vector_load %arg15[%get3A_409, %get3A_410] {strides = array<i32>} : memref<128x128xf32, #tpu.memory_space<vmem>>, vector<16xf32>,
      %get3A_412 = arith.index_cast %scan3A_350 : i32 to index
      %get3A_413 = arith.constant 80 : index
      %get3A_414 = tpu.vector_load %arg15[%get3A_412, %get3A_413] {strides = array<i32>} : memref<128x128xf32, #tpu.memory_space<vmem>>, vector<16xf32>,
      %get3A_415 = arith.index_cast %scan3A_350 : i32 to index
      %get3A_416 = arith.constant 16 : index
      %get3A_417 = tpu.vector_load %arg16[%get3A_415, %get3A_416] {strides = array<i32>} : memref<128x128xf32, #tpu.memory_space<vmem>>, vector<16xf32>,
      %get3A_418 = arith.index_cast %scan3A_350 : i32 to index
      %get3A_419 = arith.constant 80 : index
      %get3A_420 = tpu.vector_load %arg16[%get3A_418, %get3A_419] {strides = array<i32>} : memref<128x128xf32, #tpu.memory_space<vmem>>, vector<16xf32>,
      %mul3A_421 = arith.mulf %get3A_405, %get3A_417 : vector<16xf32>
      %mul3A_422 = arith.mulf %get3A_408, %get3A_420 : vector<16xf32>
      %sub3A_423 = arith.subf %mul3A_421, %mul3A_422 : vector<16xf32>
      %sub3A_424 = arith.subf %sub3A_423, %get3A_411 : vector<16xf32>
      %mul3A_425 = arith.mulf %get3A_405, %get3A_420 : vector<16xf32>
      %mul3A_426 = arith.mulf %get3A_408, %get3A_417 : vector<16xf32>
      %add3A_427 = arith.addf %mul3A_425, %mul3A_426 : vector<16xf32>
      %sub3A_428 = arith.subf %add3A_427, %get3A_414 : vector<16xf32>
      %mul3A_429 = arith.mulf %sub3A_424, %sub3A_424 : vector<16xf32>
      %mul3A_430 = arith.mulf %sub3A_428, %sub3A_428 : vector<16xf32>
      %add3A_431 = arith.addf %mul3A_429, %mul3A_430 : vector<16xf32>
      %bitcast_convert_type3A_432 = tpu.bitcast %add3A_431 : vector<16xf32> -> vector<16xi32>
      %shift_right_logical3A_433 = arith.constant 1 : i32
      %shift_right_logical3A_434 = vector.broadcast %shift_right_logical3A_433 : i32 to vector<16xi32>
      %shift_right_logical3A_435 = arith.shrui %bitcast_convert_type3A_432, %shift_right_logical3A_434 : vector<16xi32>
      %sub3A_436 = arith.constant 1597463007 : i32
      %sub3A_437 = vector.broadcast %sub3A_436 : i32 to vector<16xi32>
      %sub3A_438 = arith.subi %sub3A_437, %shift_right_logical3A_435 : vector<16xi32>
      %bitcast_convert_type3A_439 = tpu.bitcast %sub3A_438 : vector<16xi32> -> vector<16xf32>
      %mul3A_440 = arith.mulf %add3A_431, %bitcast_convert_type3A_439 : vector<16xf32>
      %mul3A_441 = arith.constant 1.500000e+00 : f32
      %mul3A_442 = vector.broadcast %mul3A_441 : f32 to vector<16xf32>
      %mul3A_443 = arith.mulf %mul3A_442, %mul3A_440 : vector<16xf32>
      %mul3A_444 = arith.constant 5.000000e-01 : f32
      %mul3A_445 = vector.broadcast %mul3A_444 : f32 to vector<16xf32>
      %mul3A_446 = arith.mulf %mul3A_445, %bitcast_convert_type3A_439 : vector<16xf32>
      %mul3A_447 = arith.mulf %mul3A_440, %mul3A_440 : vector<16xf32>
      %mul3A_448 = arith.mulf %mul3A_446, %mul3A_447 : vector<16xf32>
      %sub3A_449 = arith.subf %mul3A_443, %mul3A_448 : vector<16xf32>
      %add3A_450 = arith.addf %broadcast_in_dim3A_354, %sub3A_449 : vector<16xf32>
      %get3A_451 = arith.index_cast %scan3A_350 : i32 to index
      %get3A_452 = arith.constant 32 : index
      %get3A_453 = tpu.vector_load %arg14[%get3A_451, %get3A_452] {strides = array<i32>} : memref<128x128xf32, #tpu.memory_space<vmem>>, vector<16xf32>,
      %get3A_454 = arith.index_cast %scan3A_350 : i32 to index
      %get3A_455 = arith.constant 96 : index
      %get3A_456 = tpu.vector_load %arg14[%get3A_454, %get3A_455] {strides = array<i32>} : memref<128x128xf32, #tpu.memory_space<vmem>>, vector<16xf32>,
      %get3A_457 = arith.index_cast %scan3A_350 : i32 to index
      %get3A_458 = arith.constant 32 : index
      %get3A_459 = tpu.vector_load %arg15[%get3A_457, %get3A_458] {strides = array<i32>} : memref<128x128xf32, #tpu.memory_space<vmem>>, vector<16xf32>,
      %get3A_460 = arith.index_cast %scan3A_350 : i32 to index
      %get3A_461 = arith.constant 96 : index
      %get3A_462 = tpu.vector_load %arg15[%get3A_460, %get3A_461] {strides = array<i32>} : memref<128x128xf32, #tpu.memory_space<vmem>>, vector<16xf32>,
      %get3A_463 = arith.index_cast %scan3A_350 : i32 to index
      %get3A_464 = arith.constant 32 : index
      %get3A_465 = tpu.vector_load %arg16[%get3A_463, %get3A_464] {strides = array<i32>} : memref<128x128xf32, #tpu.memory_space<vmem>>, vector<16xf32>,
      %get3A_466 = arith.index_cast %scan3A_350 : i32 to index
      %get3A_467 = arith.constant 96 : index
      %get3A_468 = tpu.vector_load %arg16[%get3A_466, %get3A_467] {strides = array<i32>} : memref<128x128xf32, #tpu.memory_space<vmem>>, vector<16xf32>,
      %mul3A_469 = arith.mulf %get3A_453, %get3A_465 : vector<16xf32>
      %mul3A_470 = arith.mulf %get3A_456, %get3A_468 : vector<16xf32>
      %sub3A_471 = arith.subf %mul3A_469, %mul3A_470 : vector<16xf32>
      %sub3A_472 = arith.subf %sub3A_471, %get3A_459 : vector<16xf32>
      %mul3A_473 = arith.mulf %get3A_453, %get3A_468 : vector<16xf32>
      %mul3A_474 = arith.mulf %get3A_456, %get3A_465 : vector<16xf32>
      %add3A_475 = arith.addf %mul3A_473, %mul3A_474 : vector<16xf32>
      %sub3A_476 = arith.subf %add3A_475, %get3A_462 : vector<16xf32>
      %mul3A_477 = arith.mulf %sub3A_472, %sub3A_472 : vector<16xf32>
      %mul3A_478 = arith.mulf %sub3A_476, %sub3A_476 : vector<16xf32>
      %add3A_479 = arith.addf %mul3A_477, %mul3A_478 : vector<16xf32>
      %bitcast_convert_type3A_480 = tpu.bitcast %add3A_479 : vector<16xf32> -> vector<16xi32>
      %shift_right_logical3A_481 = arith.constant 1 : i32
      %shift_right_logical3A_482 = vector.broadcast %shift_right_logical3A_481 : i32 to vector<16xi32>
      %shift_right_logical3A_483 = arith.shrui %bitcast_convert_type3A_480, %shift_right_logical3A_482 : vector<16xi32>
      %sub3A_484 = arith.constant 1597463007 : i32
      %sub3A_485 = vector.broadcast %sub3A_484 : i32 to vector<16xi32>
      %sub3A_486 = arith.subi %sub3A_485, %shift_right_logical3A_483 : vector<16xi32>
      %bitcast_convert_type3A_487 = tpu.bitcast %sub3A_486 : vector<16xi32> -> vector<16xf32>
      %mul3A_488 = arith.mulf %add3A_479, %bitcast_convert_type3A_487 : vector<16xf32>
      %mul3A_489 = arith.constant 1.500000e+00 : f32
      %mul3A_490 = vector.broadcast %mul3A_489 : f32 to vector<16xf32>
      %mul3A_491 = arith.mulf %mul3A_490, %mul3A_488 : vector<16xf32>
      %mul3A_492 = arith.constant 5.000000e-01 : f32
      %mul3A_493 = vector.broadcast %mul3A_492 : f32 to vector<16xf32>
      %mul3A_494 = arith.mulf %mul3A_493, %bitcast_convert_type3A_487 : vector<16xf32>
      %mul3A_495 = arith.mulf %mul3A_488, %mul3A_488 : vector<16xf32>
      %mul3A_496 = arith.mulf %mul3A_494, %mul3A_495 : vector<16xf32>
      %sub3A_497 = arith.subf %mul3A_491, %mul3A_496 : vector<16xf32>
      %add3A_498 = arith.addf %add3A_402, %sub3A_497 : vector<16xf32>
      %get3A_499 = arith.index_cast %scan3A_350 : i32 to index
      %get3A_500 = arith.constant 48 : index
      %get3A_501 = tpu.vector_load %arg14[%get3A_499, %get3A_500] {strides = array<i32>} : memref<128x128xf32, #tpu.memory_space<vmem>>, vector<16xf32>,
      %get3A_502 = arith.index_cast %scan3A_350 : i32 to index
      %get3A_503 = arith.constant 112 : index
      %get3A_504 = tpu.vector_load %arg14[%get3A_502, %get3A_503] {strides = array<i32>} : memref<128x128xf32, #tpu.memory_space<vmem>>, vector<16xf32>,
      %get3A_505 = arith.index_cast %scan3A_350 : i32 to index
      %get3A_506 = arith.constant 48 : index
      %get3A_507 = tpu.vector_load %arg15[%get3A_505, %get3A_506] {strides = array<i32>} : memref<128x128xf32, #tpu.memory_space<vmem>>, vector<16xf32>,
      %get3A_508 = arith.index_cast %scan3A_350 : i32 to index
      %get3A_509 = arith.constant 112 : index
      %get3A_510 = tpu.vector_load %arg15[%get3A_508, %get3A_509] {strides = array<i32>} : memref<128x128xf32, #tpu.memory_space<vmem>>, vector<16xf32>,
      %get3A_511 = arith.index_cast %scan3A_350 : i32 to index
      %get3A_512 = arith.constant 48 : index
      %get3A_513 = tpu.vector_load %arg16[%get3A_511, %get3A_512] {strides = array<i32>} : memref<128x128xf32, #tpu.memory_space<vmem>>, vector<16xf32>,
      %get3A_514 = arith.index_cast %scan3A_350 : i32 to index
      %get3A_515 = arith.constant 112 : index
      %get3A_516 = tpu.vector_load %arg16[%get3A_514, %get3A_515] {strides = array<i32>} : memref<128x128xf32, #tpu.memory_space<vmem>>, vector<16xf32>,
      %mul3A_517 = arith.mulf %get3A_501, %get3A_513 : vector<16xf32>
      %mul3A_518 = arith.mulf %get3A_504, %get3A_516 : vector<16xf32>
      %sub3A_519 = arith.subf %mul3A_517, %mul3A_518 : vector<16xf32>
      %sub3A_520 = arith.subf %sub3A_519, %get3A_507 : vector<16xf32>
      %mul3A_521 = arith.mulf %get3A_501, %get3A_516 : vector<16xf32>
      %mul3A_522 = arith.mulf %get3A_504, %get3A_513 : vector<16xf32>
      %add3A_523 = arith.addf %mul3A_521, %mul3A_522 : vector<16xf32>
      %sub3A_524 = arith.subf %add3A_523, %get3A_510 : vector<16xf32>
      %mul3A_525 = arith.mulf %sub3A_520, %sub3A_520 : vector<16xf32>
      %mul3A_526 = arith.mulf %sub3A_524, %sub3A_524 : vector<16xf32>
      %add3A_527 = arith.addf %mul3A_525, %mul3A_526 : vector<16xf32>
      %bitcast_convert_type3A_528 = tpu.bitcast %add3A_527 : vector<16xf32> -> vector<16xi32>
      %shift_right_logical3A_529 = arith.constant 1 : i32
      %shift_right_logical3A_530 = vector.broadcast %shift_right_logical3A_529 : i32 to vector<16xi32>
      %shift_right_logical3A_531 = arith.shrui %bitcast_convert_type3A_528, %shift_right_logical3A_530 : vector<16xi32>
      %sub3A_532 = arith.constant 1597463007 : i32
      %sub3A_533 = vector.broadcast %sub3A_532 : i32 to vector<16xi32>
      %sub3A_534 = arith.subi %sub3A_533, %shift_right_logical3A_531 : vector<16xi32>
      %bitcast_convert_type3A_535 = tpu.bitcast %sub3A_534 : vector<16xi32> -> vector<16xf32>
      %mul3A_536 = arith.mulf %add3A_527, %bitcast_convert_type3A_535 : vector<16xf32>
      %mul3A_537 = arith.constant 1.500000e+00 : f32
      %mul3A_538 = vector.broadcast %mul3A_537 : f32 to vector<16xf32>
      %mul3A_539 = arith.mulf %mul3A_538, %mul3A_536 : vector<16xf32>
      %mul3A_540 = arith.constant 5.000000e-01 : f32
      %mul3A_541 = vector.broadcast %mul3A_540 : f32 to vector<16xf32>
      %mul3A_542 = arith.mulf %mul3A_541, %bitcast_convert_type3A_535 : vector<16xf32>
      %mul3A_543 = arith.mulf %mul3A_536, %mul3A_536 : vector<16xf32>
      %mul3A_544 = arith.mulf %mul3A_542, %mul3A_543 : vector<16xf32>
      %sub3A_545 = arith.subf %mul3A_539, %mul3A_544 : vector<16xf32>
      %add3A_546 = arith.addf %add3A_450, %sub3A_545 : vector<16xf32>
      %add3A_547 = arith.addf %add3A_498, %add3A_546 : vector<16xf32>
      %broadcast_in_dim3A_548 = arith.constant true
      %broadcast_in_dim3A_549 = vector.broadcast %broadcast_in_dim3A_548 : i1 to vector<16xi1>
      %masked_cumsum3A_550 = tpu.scan <sum>, %add3A_547 masked %broadcast_in_dim3A_549 : vector<16xf32>, vector<16xi1> -> vector<16xf32>
      %broadcast_in_dim3A_551 = arith.constant 0 : i32
      %broadcast_in_dim3A_552 = vector.broadcast %broadcast_in_dim3A_551 : i32 to vector<16xi32>
      %add3A_553 = arith.constant 128 : i32
      %add3A_554 = arith.addi %add3A_553, %scan3A_350 : i32
      %add3A_555 = vector.broadcast %add3A_554 : i32 to vector<16xi32>
      %add3A_556 = arith.addi %broadcast_in_dim3A_552, %add3A_555 : vector<16xi32>
      %neg3A_557 = arith.constant 0.000000e+00 : f32
      %neg3A_558 = vector.broadcast %neg3A_557 : f32 to vector<16xf32>
      %neg3A_559 = arith.subf %neg3A_558, %masked_cumsum3A_550 : vector<16xf32>
      tpu.vector_store_idx %arg17[%add3A_556], %neg3A_559 masked %eq3A_4 : memref<512xf32, #tpu.memory_space<vmem>>[vector<16xi32>], vector<16xf32>, vector<16xi1>
      %scan3A_560 = arith.constant 2 : i32
      %scan3A_561 = arith.addi %scan3A_146, %scan3A_560 : i32
      %broadcast_in_dim3A_562 = arith.constant 0.000000e+00 : f32
      %broadcast_in_dim3A_563 = vector.broadcast %broadcast_in_dim3A_562 : f32 to vector<16xf32>
      %broadcast_in_dim3A_564 = arith.constant 0.000000e+00 : f32
      %broadcast_in_dim3A_565 = vector.broadcast %broadcast_in_dim3A_564 : f32 to vector<16xf32>
      %get3A_566 = arith.index_cast %scan3A_561 : i32 to index
      %get3A_567 = arith.constant 0 : index
      %get3A_568 = tpu.vector_load %arg14[%get3A_566, %get3A_567] {strides = array<i32>} : memref<128x128xf32, #tpu.memory_space<vmem>>, vector<16xf32>,
      %get3A_569 = arith.index_cast %scan3A_561 : i32 to index
      %get3A_570 = arith.constant 64 : index
      %get3A_571 = tpu.vector_load %arg14[%get3A_569, %get3A_570] {strides = array<i32>} : memref<128x128xf32, #tpu.memory_space<vmem>>, vector<16xf32>,
      %get3A_572 = arith.index_cast %scan3A_561 : i32 to index
      %get3A_573 = arith.constant 0 : index
      %get3A_574 = tpu.vector_load %arg15[%get3A_572, %get3A_573] {strides = array<i32>} : memref<128x128xf32, #tpu.memory_space<vmem>>, vector<16xf32>,
      %get3A_575 = arith.index_cast %scan3A_561 : i32 to index
      %get3A_576 = arith.constant 64 : index
      %get3A_577 = tpu.vector_load %arg15[%get3A_575, %get3A_576] {strides = array<i32>} : memref<128x128xf32, #tpu.memory_space<vmem>>, vector<16xf32>,
      %get3A_578 = arith.index_cast %scan3A_561 : i32 to index
      %get3A_579 = arith.constant 0 : index
      %get3A_580 = tpu.vector_load %arg16[%get3A_578, %get3A_579] {strides = array<i32>} : memref<128x128xf32, #tpu.memory_space<vmem>>, vector<16xf32>,
      %get3A_581 = arith.index_cast %scan3A_561 : i32 to index
      %get3A_582 = arith.constant 64 : index
      %get3A_583 = tpu.vector_load %arg16[%get3A_581, %get3A_582] {strides = array<i32>} : memref<128x128xf32, #tpu.memory_space<vmem>>, vector<16xf32>,
      %mul3A_584 = arith.mulf %get3A_568, %get3A_580 : vector<16xf32>
      %mul3A_585 = arith.mulf %get3A_571, %get3A_583 : vector<16xf32>
      %sub3A_586 = arith.subf %mul3A_584, %mul3A_585 : vector<16xf32>
      %sub3A_587 = arith.subf %sub3A_586, %get3A_574 : vector<16xf32>
      %mul3A_588 = arith.mulf %get3A_568, %get3A_583 : vector<16xf32>
      %mul3A_589 = arith.mulf %get3A_571, %get3A_580 : vector<16xf32>
      %add3A_590 = arith.addf %mul3A_588, %mul3A_589 : vector<16xf32>
      %sub3A_591 = arith.subf %add3A_590, %get3A_577 : vector<16xf32>
      %mul3A_592 = arith.mulf %sub3A_587, %sub3A_587 : vector<16xf32>
      %mul3A_593 = arith.mulf %sub3A_591, %sub3A_591 : vector<16xf32>
      %add3A_594 = arith.addf %mul3A_592, %mul3A_593 : vector<16xf32>
      %bitcast_convert_type3A_595 = tpu.bitcast %add3A_594 : vector<16xf32> -> vector<16xi32>
      %shift_right_logical3A_596 = arith.constant 1 : i32
      %shift_right_logical3A_597 = vector.broadcast %shift_right_logical3A_596 : i32 to vector<16xi32>
      %shift_right_logical3A_598 = arith.shrui %bitcast_convert_type3A_595, %shift_right_logical3A_597 : vector<16xi32>
      %sub3A_599 = arith.constant 1597463007 : i32
      %sub3A_600 = vector.broadcast %sub3A_599 : i32 to vector<16xi32>
      %sub3A_601 = arith.subi %sub3A_600, %shift_right_logical3A_598 : vector<16xi32>
      %bitcast_convert_type3A_602 = tpu.bitcast %sub3A_601 : vector<16xi32> -> vector<16xf32>
      %mul3A_603 = arith.mulf %add3A_594, %bitcast_convert_type3A_602 : vector<16xf32>
      %mul3A_604 = arith.constant 1.500000e+00 : f32
      %mul3A_605 = vector.broadcast %mul3A_604 : f32 to vector<16xf32>
      %mul3A_606 = arith.mulf %mul3A_605, %mul3A_603 : vector<16xf32>
      %mul3A_607 = arith.constant 5.000000e-01 : f32
      %mul3A_608 = vector.broadcast %mul3A_607 : f32 to vector<16xf32>
      %mul3A_609 = arith.mulf %mul3A_608, %bitcast_convert_type3A_602 : vector<16xf32>
      %mul3A_610 = arith.mulf %mul3A_603, %mul3A_603 : vector<16xf32>
      %mul3A_611 = arith.mulf %mul3A_609, %mul3A_610 : vector<16xf32>
      %sub3A_612 = arith.subf %mul3A_606, %mul3A_611 : vector<16xf32>
      %add3A_613 = arith.addf %broadcast_in_dim3A_563, %sub3A_612 : vector<16xf32>
      %get3A_614 = arith.index_cast %scan3A_561 : i32 to index
      %get3A_615 = arith.constant 16 : index
      %get3A_616 = tpu.vector_load %arg14[%get3A_614, %get3A_615] {strides = array<i32>} : memref<128x128xf32, #tpu.memory_space<vmem>>, vector<16xf32>,
      %get3A_617 = arith.index_cast %scan3A_561 : i32 to index
      %get3A_618 = arith.constant 80 : index
      %get3A_619 = tpu.vector_load %arg14[%get3A_617, %get3A_618] {strides = array<i32>} : memref<128x128xf32, #tpu.memory_space<vmem>>, vector<16xf32>,
      %get3A_620 = arith.index_cast %scan3A_561 : i32 to index
      %get3A_621 = arith.constant 16 : index
      %get3A_622 = tpu.vector_load %arg15[%get3A_620, %get3A_621] {strides = array<i32>} : memref<128x128xf32, #tpu.memory_space<vmem>>, vector<16xf32>,
      %get3A_623 = arith.index_cast %scan3A_561 : i32 to index
      %get3A_624 = arith.constant 80 : index
      %get3A_625 = tpu.vector_load %arg15[%get3A_623, %get3A_624] {strides = array<i32>} : memref<128x128xf32, #tpu.memory_space<vmem>>, vector<16xf32>,
      %get3A_626 = arith.index_cast %scan3A_561 : i32 to index
      %get3A_627 = arith.constant 16 : index
      %get3A_628 = tpu.vector_load %arg16[%get3A_626, %get3A_627] {strides = array<i32>} : memref<128x128xf32, #tpu.memory_space<vmem>>, vector<16xf32>,
      %get3A_629 = arith.index_cast %scan3A_561 : i32 to index
      %get3A_630 = arith.constant 80 : index
      %get3A_631 = tpu.vector_load %arg16[%get3A_629, %get3A_630] {strides = array<i32>} : memref<128x128xf32, #tpu.memory_space<vmem>>, vector<16xf32>,
      %mul3A_632 = arith.mulf %get3A_616, %get3A_628 : vector<16xf32>
      %mul3A_633 = arith.mulf %get3A_619, %get3A_631 : vector<16xf32>
      %sub3A_634 = arith.subf %mul3A_632, %mul3A_633 : vector<16xf32>
      %sub3A_635 = arith.subf %sub3A_634, %get3A_622 : vector<16xf32>
      %mul3A_636 = arith.mulf %get3A_616, %get3A_631 : vector<16xf32>
      %mul3A_637 = arith.mulf %get3A_619, %get3A_628 : vector<16xf32>
      %add3A_638 = arith.addf %mul3A_636, %mul3A_637 : vector<16xf32>
      %sub3A_639 = arith.subf %add3A_638, %get3A_625 : vector<16xf32>
      %mul3A_640 = arith.mulf %sub3A_635, %sub3A_635 : vector<16xf32>
      %mul3A_641 = arith.mulf %sub3A_639, %sub3A_639 : vector<16xf32>
      %add3A_642 = arith.addf %mul3A_640, %mul3A_641 : vector<16xf32>
      %bitcast_convert_type3A_643 = tpu.bitcast %add3A_642 : vector<16xf32> -> vector<16xi32>
      %shift_right_logical3A_644 = arith.constant 1 : i32
      %shift_right_logical3A_645 = vector.broadcast %shift_right_logical3A_644 : i32 to vector<16xi32>
      %shift_right_logical3A_646 = arith.shrui %bitcast_convert_type3A_643, %shift_right_logical3A_645 : vector<16xi32>
      %sub3A_647 = arith.constant 1597463007 : i32
      %sub3A_648 = vector.broadcast %sub3A_647 : i32 to vector<16xi32>
      %sub3A_649 = arith.subi %sub3A_648, %shift_right_logical3A_646 : vector<16xi32>
      %bitcast_convert_type3A_650 = tpu.bitcast %sub3A_649 : vector<16xi32> -> vector<16xf32>
      %mul3A_651 = arith.mulf %add3A_642, %bitcast_convert_type3A_650 : vector<16xf32>
      %mul3A_652 = arith.constant 1.500000e+00 : f32
      %mul3A_653 = vector.broadcast %mul3A_652 : f32 to vector<16xf32>
      %mul3A_654 = arith.mulf %mul3A_653, %mul3A_651 : vector<16xf32>
      %mul3A_655 = arith.constant 5.000000e-01 : f32
      %mul3A_656 = vector.broadcast %mul3A_655 : f32 to vector<16xf32>
      %mul3A_657 = arith.mulf %mul3A_656, %bitcast_convert_type3A_650 : vector<16xf32>
      %mul3A_658 = arith.mulf %mul3A_651, %mul3A_651 : vector<16xf32>
      %mul3A_659 = arith.mulf %mul3A_657, %mul3A_658 : vector<16xf32>
      %sub3A_660 = arith.subf %mul3A_654, %mul3A_659 : vector<16xf32>
      %add3A_661 = arith.addf %broadcast_in_dim3A_565, %sub3A_660 : vector<16xf32>
      %get3A_662 = arith.index_cast %scan3A_561 : i32 to index
      %get3A_663 = arith.constant 32 : index
      %get3A_664 = tpu.vector_load %arg14[%get3A_662, %get3A_663] {strides = array<i32>} : memref<128x128xf32, #tpu.memory_space<vmem>>, vector<16xf32>,
      %get3A_665 = arith.index_cast %scan3A_561 : i32 to index
      %get3A_666 = arith.constant 96 : index
      %get3A_667 = tpu.vector_load %arg14[%get3A_665, %get3A_666] {strides = array<i32>} : memref<128x128xf32, #tpu.memory_space<vmem>>, vector<16xf32>,
      %get3A_668 = arith.index_cast %scan3A_561 : i32 to index
      %get3A_669 = arith.constant 32 : index
      %get3A_670 = tpu.vector_load %arg15[%get3A_668, %get3A_669] {strides = array<i32>} : memref<128x128xf32, #tpu.memory_space<vmem>>, vector<16xf32>,
      %get3A_671 = arith.index_cast %scan3A_561 : i32 to index
      %get3A_672 = arith.constant 96 : index
      %get3A_673 = tpu.vector_load %arg15[%get3A_671, %get3A_672] {strides = array<i32>} : memref<128x128xf32, #tpu.memory_space<vmem>>, vector<16xf32>,
      %get3A_674 = arith.index_cast %scan3A_561 : i32 to index
      %get3A_675 = arith.constant 32 : index
      %get3A_676 = tpu.vector_load %arg16[%get3A_674, %get3A_675] {strides = array<i32>} : memref<128x128xf32, #tpu.memory_space<vmem>>, vector<16xf32>,
      %get3A_677 = arith.index_cast %scan3A_561 : i32 to index
      %get3A_678 = arith.constant 96 : index
      %get3A_679 = tpu.vector_load %arg16[%get3A_677, %get3A_678] {strides = array<i32>} : memref<128x128xf32, #tpu.memory_space<vmem>>, vector<16xf32>,
      %mul3A_680 = arith.mulf %get3A_664, %get3A_676 : vector<16xf32>
      %mul3A_681 = arith.mulf %get3A_667, %get3A_679 : vector<16xf32>
      %sub3A_682 = arith.subf %mul3A_680, %mul3A_681 : vector<16xf32>
      %sub3A_683 = arith.subf %sub3A_682, %get3A_670 : vector<16xf32>
      %mul3A_684 = arith.mulf %get3A_664, %get3A_679 : vector<16xf32>
      %mul3A_685 = arith.mulf %get3A_667, %get3A_676 : vector<16xf32>
      %add3A_686 = arith.addf %mul3A_684, %mul3A_685 : vector<16xf32>
      %sub3A_687 = arith.subf %add3A_686, %get3A_673 : vector<16xf32>
      %mul3A_688 = arith.mulf %sub3A_683, %sub3A_683 : vector<16xf32>
      %mul3A_689 = arith.mulf %sub3A_687, %sub3A_687 : vector<16xf32>
      %add3A_690 = arith.addf %mul3A_688, %mul3A_689 : vector<16xf32>
      %bitcast_convert_type3A_691 = tpu.bitcast %add3A_690 : vector<16xf32> -> vector<16xi32>
      %shift_right_logical3A_692 = arith.constant 1 : i32
      %shift_right_logical3A_693 = vector.broadcast %shift_right_logical3A_692 : i32 to vector<16xi32>
      %shift_right_logical3A_694 = arith.shrui %bitcast_convert_type3A_691, %shift_right_logical3A_693 : vector<16xi32>
      %sub3A_695 = arith.constant 1597463007 : i32
      %sub3A_696 = vector.broadcast %sub3A_695 : i32 to vector<16xi32>
      %sub3A_697 = arith.subi %sub3A_696, %shift_right_logical3A_694 : vector<16xi32>
      %bitcast_convert_type3A_698 = tpu.bitcast %sub3A_697 : vector<16xi32> -> vector<16xf32>
      %mul3A_699 = arith.mulf %add3A_690, %bitcast_convert_type3A_698 : vector<16xf32>
      %mul3A_700 = arith.constant 1.500000e+00 : f32
      %mul3A_701 = vector.broadcast %mul3A_700 : f32 to vector<16xf32>
      %mul3A_702 = arith.mulf %mul3A_701, %mul3A_699 : vector<16xf32>
      %mul3A_703 = arith.constant 5.000000e-01 : f32
      %mul3A_704 = vector.broadcast %mul3A_703 : f32 to vector<16xf32>
      %mul3A_705 = arith.mulf %mul3A_704, %bitcast_convert_type3A_698 : vector<16xf32>
      %mul3A_706 = arith.mulf %mul3A_699, %mul3A_699 : vector<16xf32>
      %mul3A_707 = arith.mulf %mul3A_705, %mul3A_706 : vector<16xf32>
      %sub3A_708 = arith.subf %mul3A_702, %mul3A_707 : vector<16xf32>
      %add3A_709 = arith.addf %add3A_613, %sub3A_708 : vector<16xf32>
      %get3A_710 = arith.index_cast %scan3A_561 : i32 to index
      %get3A_711 = arith.constant 48 : index
      %get3A_712 = tpu.vector_load %arg14[%get3A_710, %get3A_711] {strides = array<i32>} : memref<128x128xf32, #tpu.memory_space<vmem>>, vector<16xf32>,
      %get3A_713 = arith.index_cast %scan3A_561 : i32 to index
      %get3A_714 = arith.constant 112 : index
      %get3A_715 = tpu.vector_load %arg14[%get3A_713, %get3A_714] {strides = array<i32>} : memref<128x128xf32, #tpu.memory_space<vmem>>, vector<16xf32>,
      %get3A_716 = arith.index_cast %scan3A_561 : i32 to index
      %get3A_717 = arith.constant 48 : index
      %get3A_718 = tpu.vector_load %arg15[%get3A_716, %get3A_717] {strides = array<i32>} : memref<128x128xf32, #tpu.memory_space<vmem>>, vector<16xf32>,
      %get3A_719 = arith.index_cast %scan3A_561 : i32 to index
      %get3A_720 = arith.constant 112 : index
      %get3A_721 = tpu.vector_load %arg15[%get3A_719, %get3A_720] {strides = array<i32>} : memref<128x128xf32, #tpu.memory_space<vmem>>, vector<16xf32>,
      %get3A_722 = arith.index_cast %scan3A_561 : i32 to index
      %get3A_723 = arith.constant 48 : index
      %get3A_724 = tpu.vector_load %arg16[%get3A_722, %get3A_723] {strides = array<i32>} : memref<128x128xf32, #tpu.memory_space<vmem>>, vector<16xf32>,
      %get3A_725 = arith.index_cast %scan3A_561 : i32 to index
      %get3A_726 = arith.constant 112 : index
      %get3A_727 = tpu.vector_load %arg16[%get3A_725, %get3A_726] {strides = array<i32>} : memref<128x128xf32, #tpu.memory_space<vmem>>, vector<16xf32>,
      %mul3A_728 = arith.mulf %get3A_712, %get3A_724 : vector<16xf32>
      %mul3A_729 = arith.mulf %get3A_715, %get3A_727 : vector<16xf32>
      %sub3A_730 = arith.subf %mul3A_728, %mul3A_729 : vector<16xf32>
      %sub3A_731 = arith.subf %sub3A_730, %get3A_718 : vector<16xf32>
      %mul3A_732 = arith.mulf %get3A_712, %get3A_727 : vector<16xf32>
      %mul3A_733 = arith.mulf %get3A_715, %get3A_724 : vector<16xf32>
      %add3A_734 = arith.addf %mul3A_732, %mul3A_733 : vector<16xf32>
      %sub3A_735 = arith.subf %add3A_734, %get3A_721 : vector<16xf32>
      %mul3A_736 = arith.mulf %sub3A_731, %sub3A_731 : vector<16xf32>
      %mul3A_737 = arith.mulf %sub3A_735, %sub3A_735 : vector<16xf32>
      %add3A_738 = arith.addf %mul3A_736, %mul3A_737 : vector<16xf32>
      %bitcast_convert_type3A_739 = tpu.bitcast %add3A_738 : vector<16xf32> -> vector<16xi32>
      %shift_right_logical3A_740 = arith.constant 1 : i32
      %shift_right_logical3A_741 = vector.broadcast %shift_right_logical3A_740 : i32 to vector<16xi32>
      %shift_right_logical3A_742 = arith.shrui %bitcast_convert_type3A_739, %shift_right_logical3A_741 : vector<16xi32>
      %sub3A_743 = arith.constant 1597463007 : i32
      %sub3A_744 = vector.broadcast %sub3A_743 : i32 to vector<16xi32>
      %sub3A_745 = arith.subi %sub3A_744, %shift_right_logical3A_742 : vector<16xi32>
      %bitcast_convert_type3A_746 = tpu.bitcast %sub3A_745 : vector<16xi32> -> vector<16xf32>
      %mul3A_747 = arith.mulf %add3A_738, %bitcast_convert_type3A_746 : vector<16xf32>
      %mul3A_748 = arith.constant 1.500000e+00 : f32
      %mul3A_749 = vector.broadcast %mul3A_748 : f32 to vector<16xf32>
      %mul3A_750 = arith.mulf %mul3A_749, %mul3A_747 : vector<16xf32>
      %mul3A_751 = arith.constant 5.000000e-01 : f32
      %mul3A_752 = vector.broadcast %mul3A_751 : f32 to vector<16xf32>
      %mul3A_753 = arith.mulf %mul3A_752, %bitcast_convert_type3A_746 : vector<16xf32>
      %mul3A_754 = arith.mulf %mul3A_747, %mul3A_747 : vector<16xf32>
      %mul3A_755 = arith.mulf %mul3A_753, %mul3A_754 : vector<16xf32>
      %sub3A_756 = arith.subf %mul3A_750, %mul3A_755 : vector<16xf32>
      %add3A_757 = arith.addf %add3A_661, %sub3A_756 : vector<16xf32>
      %add3A_758 = arith.addf %add3A_709, %add3A_757 : vector<16xf32>
      %broadcast_in_dim3A_759 = arith.constant true
      %broadcast_in_dim3A_760 = vector.broadcast %broadcast_in_dim3A_759 : i1 to vector<16xi1>
      %masked_cumsum3A_761 = tpu.scan <sum>, %add3A_758 masked %broadcast_in_dim3A_760 : vector<16xf32>, vector<16xi1> -> vector<16xf32>
      %broadcast_in_dim3A_762 = arith.constant 0 : i32
      %broadcast_in_dim3A_763 = vector.broadcast %broadcast_in_dim3A_762 : i32 to vector<16xi32>
      %add3A_764 = arith.constant 128 : i32
      %add3A_765 = arith.addi %add3A_764, %scan3A_561 : i32
      %add3A_766 = vector.broadcast %add3A_765 : i32 to vector<16xi32>
      %add3A_767 = arith.addi %broadcast_in_dim3A_763, %add3A_766 : vector<16xi32>
      %neg3A_768 = arith.constant 0.000000e+00 : f32
      %neg3A_769 = vector.broadcast %neg3A_768 : f32 to vector<16xf32>
      %neg3A_770 = arith.subf %neg3A_769, %masked_cumsum3A_761 : vector<16xf32>
      tpu.vector_store_idx %arg17[%add3A_767], %neg3A_770 masked %eq3A_4 : memref<512xf32, #tpu.memory_space<vmem>>[vector<16xi32>], vector<16xf32>, vector<16xi1>
      %scan3A_771 = arith.constant 3 : i32
      %scan3A_772 = arith.addi %scan3A_146, %scan3A_771 : i32
      %broadcast_in_dim3A_773 = arith.constant 0.000000e+00 : f32
      %broadcast_in_dim3A_774 = vector.broadcast %broadcast_in_dim3A_773 : f32 to vector<16xf32>
      %broadcast_in_dim3A_775 = arith.constant 0.000000e+00 : f32
      %broadcast_in_dim3A_776 = vector.broadcast %broadcast_in_dim3A_775 : f32 to vector<16xf32>
      %get3A_777 = arith.index_cast %scan3A_772 : i32 to index
      %get3A_778 = arith.constant 0 : index
      %get3A_779 = tpu.vector_load %arg14[%get3A_777, %get3A_778] {strides = array<i32>} : memref<128x128xf32, #tpu.memory_space<vmem>>, vector<16xf32>,
      %get3A_780 = arith.index_cast %scan3A_772 : i32 to index
      %get3A_781 = arith.constant 64 : index
      %get3A_782 = tpu.vector_load %arg14[%get3A_780, %get3A_781] {strides = array<i32>} : memref<128x128xf32, #tpu.memory_space<vmem>>, vector<16xf32>,
      %get3A_783 = arith.index_cast %scan3A_772 : i32 to index
      %get3A_784 = arith.constant 0 : index
      %get3A_785 = tpu.vector_load %arg15[%get3A_783, %get3A_784] {strides = array<i32>} : memref<128x128xf32, #tpu.memory_space<vmem>>, vector<16xf32>,
      %get3A_786 = arith.index_cast %scan3A_772 : i32 to index
      %get3A_787 = arith.constant 64 : index
      %get3A_788 = tpu.vector_load %arg15[%get3A_786, %get3A_787] {strides = array<i32>} : memref<128x128xf32, #tpu.memory_space<vmem>>, vector<16xf32>,
      %get3A_789 = arith.index_cast %scan3A_772 : i32 to index
      %get3A_790 = arith.constant 0 : index
      %get3A_791 = tpu.vector_load %arg16[%get3A_789, %get3A_790] {strides = array<i32>} : memref<128x128xf32, #tpu.memory_space<vmem>>, vector<16xf32>,
      %get3A_792 = arith.index_cast %scan3A_772 : i32 to index
      %get3A_793 = arith.constant 64 : index
      %get3A_794 = tpu.vector_load %arg16[%get3A_792, %get3A_793] {strides = array<i32>} : memref<128x128xf32, #tpu.memory_space<vmem>>, vector<16xf32>,
      %mul3A_795 = arith.mulf %get3A_779, %get3A_791 : vector<16xf32>
      %mul3A_796 = arith.mulf %get3A_782, %get3A_794 : vector<16xf32>
      %sub3A_797 = arith.subf %mul3A_795, %mul3A_796 : vector<16xf32>
      %sub3A_798 = arith.subf %sub3A_797, %get3A_785 : vector<16xf32>
      %mul3A_799 = arith.mulf %get3A_779, %get3A_794 : vector<16xf32>
      %mul3A_800 = arith.mulf %get3A_782, %get3A_791 : vector<16xf32>
      %add3A_801 = arith.addf %mul3A_799, %mul3A_800 : vector<16xf32>
      %sub3A_802 = arith.subf %add3A_801, %get3A_788 : vector<16xf32>
      %mul3A_803 = arith.mulf %sub3A_798, %sub3A_798 : vector<16xf32>
      %mul3A_804 = arith.mulf %sub3A_802, %sub3A_802 : vector<16xf32>
      %add3A_805 = arith.addf %mul3A_803, %mul3A_804 : vector<16xf32>
      %bitcast_convert_type3A_806 = tpu.bitcast %add3A_805 : vector<16xf32> -> vector<16xi32>
      %shift_right_logical3A_807 = arith.constant 1 : i32
      %shift_right_logical3A_808 = vector.broadcast %shift_right_logical3A_807 : i32 to vector<16xi32>
      %shift_right_logical3A_809 = arith.shrui %bitcast_convert_type3A_806, %shift_right_logical3A_808 : vector<16xi32>
      %sub3A_810 = arith.constant 1597463007 : i32
      %sub3A_811 = vector.broadcast %sub3A_810 : i32 to vector<16xi32>
      %sub3A_812 = arith.subi %sub3A_811, %shift_right_logical3A_809 : vector<16xi32>
      %bitcast_convert_type3A_813 = tpu.bitcast %sub3A_812 : vector<16xi32> -> vector<16xf32>
      %mul3A_814 = arith.mulf %add3A_805, %bitcast_convert_type3A_813 : vector<16xf32>
      %mul3A_815 = arith.constant 1.500000e+00 : f32
      %mul3A_816 = vector.broadcast %mul3A_815 : f32 to vector<16xf32>
      %mul3A_817 = arith.mulf %mul3A_816, %mul3A_814 : vector<16xf32>
      %mul3A_818 = arith.constant 5.000000e-01 : f32
      %mul3A_819 = vector.broadcast %mul3A_818 : f32 to vector<16xf32>
      %mul3A_820 = arith.mulf %mul3A_819, %bitcast_convert_type3A_813 : vector<16xf32>
      %mul3A_821 = arith.mulf %mul3A_814, %mul3A_814 : vector<16xf32>
      %mul3A_822 = arith.mulf %mul3A_820, %mul3A_821 : vector<16xf32>
      %sub3A_823 = arith.subf %mul3A_817, %mul3A_822 : vector<16xf32>
      %add3A_824 = arith.addf %broadcast_in_dim3A_774, %sub3A_823 : vector<16xf32>
      %get3A_825 = arith.index_cast %scan3A_772 : i32 to index
      %get3A_826 = arith.constant 16 : index
      %get3A_827 = tpu.vector_load %arg14[%get3A_825, %get3A_826] {strides = array<i32>} : memref<128x128xf32, #tpu.memory_space<vmem>>, vector<16xf32>,
      %get3A_828 = arith.index_cast %scan3A_772 : i32 to index
      %get3A_829 = arith.constant 80 : index
      %get3A_830 = tpu.vector_load %arg14[%get3A_828, %get3A_829] {strides = array<i32>} : memref<128x128xf32, #tpu.memory_space<vmem>>, vector<16xf32>,
      %get3A_831 = arith.index_cast %scan3A_772 : i32 to index
      %get3A_832 = arith.constant 16 : index
      %get3A_833 = tpu.vector_load %arg15[%get3A_831, %get3A_832] {strides = array<i32>} : memref<128x128xf32, #tpu.memory_space<vmem>>, vector<16xf32>,
      %get3A_834 = arith.index_cast %scan3A_772 : i32 to index
      %get3A_835 = arith.constant 80 : index
      %get3A_836 = tpu.vector_load %arg15[%get3A_834, %get3A_835] {strides = array<i32>} : memref<128x128xf32, #tpu.memory_space<vmem>>, vector<16xf32>,
      %get3A_837 = arith.index_cast %scan3A_772 : i32 to index
      %get3A_838 = arith.constant 16 : index
      %get3A_839 = tpu.vector_load %arg16[%get3A_837, %get3A_838] {strides = array<i32>} : memref<128x128xf32, #tpu.memory_space<vmem>>, vector<16xf32>,
      %get3A_840 = arith.index_cast %scan3A_772 : i32 to index
      %get3A_841 = arith.constant 80 : index
      %get3A_842 = tpu.vector_load %arg16[%get3A_840, %get3A_841] {strides = array<i32>} : memref<128x128xf32, #tpu.memory_space<vmem>>, vector<16xf32>,
      %mul3A_843 = arith.mulf %get3A_827, %get3A_839 : vector<16xf32>
      %mul3A_844 = arith.mulf %get3A_830, %get3A_842 : vector<16xf32>
      %sub3A_845 = arith.subf %mul3A_843, %mul3A_844 : vector<16xf32>
      %sub3A_846 = arith.subf %sub3A_845, %get3A_833 : vector<16xf32>
      %mul3A_847 = arith.mulf %get3A_827, %get3A_842 : vector<16xf32>
      %mul3A_848 = arith.mulf %get3A_830, %get3A_839 : vector<16xf32>
      %add3A_849 = arith.addf %mul3A_847, %mul3A_848 : vector<16xf32>
      %sub3A_850 = arith.subf %add3A_849, %get3A_836 : vector<16xf32>
      %mul3A_851 = arith.mulf %sub3A_846, %sub3A_846 : vector<16xf32>
      %mul3A_852 = arith.mulf %sub3A_850, %sub3A_850 : vector<16xf32>
      %add3A_853 = arith.addf %mul3A_851, %mul3A_852 : vector<16xf32>
      %bitcast_convert_type3A_854 = tpu.bitcast %add3A_853 : vector<16xf32> -> vector<16xi32>
      %shift_right_logical3A_855 = arith.constant 1 : i32
      %shift_right_logical3A_856 = vector.broadcast %shift_right_logical3A_855 : i32 to vector<16xi32>
      %shift_right_logical3A_857 = arith.shrui %bitcast_convert_type3A_854, %shift_right_logical3A_856 : vector<16xi32>
      %sub3A_858 = arith.constant 1597463007 : i32
      %sub3A_859 = vector.broadcast %sub3A_858 : i32 to vector<16xi32>
      %sub3A_860 = arith.subi %sub3A_859, %shift_right_logical3A_857 : vector<16xi32>
      %bitcast_convert_type3A_861 = tpu.bitcast %sub3A_860 : vector<16xi32> -> vector<16xf32>
      %mul3A_862 = arith.mulf %add3A_853, %bitcast_convert_type3A_861 : vector<16xf32>
      %mul3A_863 = arith.constant 1.500000e+00 : f32
      %mul3A_864 = vector.broadcast %mul3A_863 : f32 to vector<16xf32>
      %mul3A_865 = arith.mulf %mul3A_864, %mul3A_862 : vector<16xf32>
      %mul3A_866 = arith.constant 5.000000e-01 : f32
      %mul3A_867 = vector.broadcast %mul3A_866 : f32 to vector<16xf32>
      %mul3A_868 = arith.mulf %mul3A_867, %bitcast_convert_type3A_861 : vector<16xf32>
      %mul3A_869 = arith.mulf %mul3A_862, %mul3A_862 : vector<16xf32>
      %mul3A_870 = arith.mulf %mul3A_868, %mul3A_869 : vector<16xf32>
      %sub3A_871 = arith.subf %mul3A_865, %mul3A_870 : vector<16xf32>
      %add3A_872 = arith.addf %broadcast_in_dim3A_776, %sub3A_871 : vector<16xf32>
      %get3A_873 = arith.index_cast %scan3A_772 : i32 to index
      %get3A_874 = arith.constant 32 : index
      %get3A_875 = tpu.vector_load %arg14[%get3A_873, %get3A_874] {strides = array<i32>} : memref<128x128xf32, #tpu.memory_space<vmem>>, vector<16xf32>,
      %get3A_876 = arith.index_cast %scan3A_772 : i32 to index
      %get3A_877 = arith.constant 96 : index
      %get3A_878 = tpu.vector_load %arg14[%get3A_876, %get3A_877] {strides = array<i32>} : memref<128x128xf32, #tpu.memory_space<vmem>>, vector<16xf32>,
      %get3A_879 = arith.index_cast %scan3A_772 : i32 to index
      %get3A_880 = arith.constant 32 : index
      %get3A_881 = tpu.vector_load %arg15[%get3A_879, %get3A_880] {strides = array<i32>} : memref<128x128xf32, #tpu.memory_space<vmem>>, vector<16xf32>,
      %get3A_882 = arith.index_cast %scan3A_772 : i32 to index
      %get3A_883 = arith.constant 96 : index
      %get3A_884 = tpu.vector_load %arg15[%get3A_882, %get3A_883] {strides = array<i32>} : memref<128x128xf32, #tpu.memory_space<vmem>>, vector<16xf32>,
      %get3A_885 = arith.index_cast %scan3A_772 : i32 to index
      %get3A_886 = arith.constant 32 : index
      %get3A_887 = tpu.vector_load %arg16[%get3A_885, %get3A_886] {strides = array<i32>} : memref<128x128xf32, #tpu.memory_space<vmem>>, vector<16xf32>,
      %get3A_888 = arith.index_cast %scan3A_772 : i32 to index
      %get3A_889 = arith.constant 96 : index
      %get3A_890 = tpu.vector_load %arg16[%get3A_888, %get3A_889] {strides = array<i32>} : memref<128x128xf32, #tpu.memory_space<vmem>>, vector<16xf32>,
      %mul3A_891 = arith.mulf %get3A_875, %get3A_887 : vector<16xf32>
      %mul3A_892 = arith.mulf %get3A_878, %get3A_890 : vector<16xf32>
      %sub3A_893 = arith.subf %mul3A_891, %mul3A_892 : vector<16xf32>
      %sub3A_894 = arith.subf %sub3A_893, %get3A_881 : vector<16xf32>
      %mul3A_895 = arith.mulf %get3A_875, %get3A_890 : vector<16xf32>
      %mul3A_896 = arith.mulf %get3A_878, %get3A_887 : vector<16xf32>
      %add3A_897 = arith.addf %mul3A_895, %mul3A_896 : vector<16xf32>
      %sub3A_898 = arith.subf %add3A_897, %get3A_884 : vector<16xf32>
      %mul3A_899 = arith.mulf %sub3A_894, %sub3A_894 : vector<16xf32>
      %mul3A_900 = arith.mulf %sub3A_898, %sub3A_898 : vector<16xf32>
      %add3A_901 = arith.addf %mul3A_899, %mul3A_900 : vector<16xf32>
      %bitcast_convert_type3A_902 = tpu.bitcast %add3A_901 : vector<16xf32> -> vector<16xi32>
      %shift_right_logical3A_903 = arith.constant 1 : i32
      %shift_right_logical3A_904 = vector.broadcast %shift_right_logical3A_903 : i32 to vector<16xi32>
      %shift_right_logical3A_905 = arith.shrui %bitcast_convert_type3A_902, %shift_right_logical3A_904 : vector<16xi32>
      %sub3A_906 = arith.constant 1597463007 : i32
      %sub3A_907 = vector.broadcast %sub3A_906 : i32 to vector<16xi32>
      %sub3A_908 = arith.subi %sub3A_907, %shift_right_logical3A_905 : vector<16xi32>
      %bitcast_convert_type3A_909 = tpu.bitcast %sub3A_908 : vector<16xi32> -> vector<16xf32>
      %mul3A_910 = arith.mulf %add3A_901, %bitcast_convert_type3A_909 : vector<16xf32>
      %mul3A_911 = arith.constant 1.500000e+00 : f32
      %mul3A_912 = vector.broadcast %mul3A_911 : f32 to vector<16xf32>
      %mul3A_913 = arith.mulf %mul3A_912, %mul3A_910 : vector<16xf32>
      %mul3A_914 = arith.constant 5.000000e-01 : f32
      %mul3A_915 = vector.broadcast %mul3A_914 : f32 to vector<16xf32>
      %mul3A_916 = arith.mulf %mul3A_915, %bitcast_convert_type3A_909 : vector<16xf32>
      %mul3A_917 = arith.mulf %mul3A_910, %mul3A_910 : vector<16xf32>
      %mul3A_918 = arith.mulf %mul3A_916, %mul3A_917 : vector<16xf32>
      %sub3A_919 = arith.subf %mul3A_913, %mul3A_918 : vector<16xf32>
      %add3A_920 = arith.addf %add3A_824, %sub3A_919 : vector<16xf32>
      %get3A_921 = arith.index_cast %scan3A_772 : i32 to index
      %get3A_922 = arith.constant 48 : index
      %get3A_923 = tpu.vector_load %arg14[%get3A_921, %get3A_922] {strides = array<i32>} : memref<128x128xf32, #tpu.memory_space<vmem>>, vector<16xf32>,
      %get3A_924 = arith.index_cast %scan3A_772 : i32 to index
      %get3A_925 = arith.constant 112 : index
      %get3A_926 = tpu.vector_load %arg14[%get3A_924, %get3A_925] {strides = array<i32>} : memref<128x128xf32, #tpu.memory_space<vmem>>, vector<16xf32>,
      %get3A_927 = arith.index_cast %scan3A_772 : i32 to index
      %get3A_928 = arith.constant 48 : index
      %get3A_929 = tpu.vector_load %arg15[%get3A_927, %get3A_928] {strides = array<i32>} : memref<128x128xf32, #tpu.memory_space<vmem>>, vector<16xf32>,
      %get3A_930 = arith.index_cast %scan3A_772 : i32 to index
      %get3A_931 = arith.constant 112 : index
      %get3A_932 = tpu.vector_load %arg15[%get3A_930, %get3A_931] {strides = array<i32>} : memref<128x128xf32, #tpu.memory_space<vmem>>, vector<16xf32>,
      %get3A_933 = arith.index_cast %scan3A_772 : i32 to index
      %get3A_934 = arith.constant 48 : index
      %get3A_935 = tpu.vector_load %arg16[%get3A_933, %get3A_934] {strides = array<i32>} : memref<128x128xf32, #tpu.memory_space<vmem>>, vector<16xf32>,
      %get3A_936 = arith.index_cast %scan3A_772 : i32 to index
      %get3A_937 = arith.constant 112 : index
      %get3A_938 = tpu.vector_load %arg16[%get3A_936, %get3A_937] {strides = array<i32>} : memref<128x128xf32, #tpu.memory_space<vmem>>, vector<16xf32>,
      %mul3A_939 = arith.mulf %get3A_923, %get3A_935 : vector<16xf32>
      %mul3A_940 = arith.mulf %get3A_926, %get3A_938 : vector<16xf32>
      %sub3A_941 = arith.subf %mul3A_939, %mul3A_940 : vector<16xf32>
      %sub3A_942 = arith.subf %sub3A_941, %get3A_929 : vector<16xf32>
      %mul3A_943 = arith.mulf %get3A_923, %get3A_938 : vector<16xf32>
      %mul3A_944 = arith.mulf %get3A_926, %get3A_935 : vector<16xf32>
      %add3A_945 = arith.addf %mul3A_943, %mul3A_944 : vector<16xf32>
      %sub3A_946 = arith.subf %add3A_945, %get3A_932 : vector<16xf32>
      %mul3A_947 = arith.mulf %sub3A_942, %sub3A_942 : vector<16xf32>
      %mul3A_948 = arith.mulf %sub3A_946, %sub3A_946 : vector<16xf32>
      %add3A_949 = arith.addf %mul3A_947, %mul3A_948 : vector<16xf32>
      %bitcast_convert_type3A_950 = tpu.bitcast %add3A_949 : vector<16xf32> -> vector<16xi32>
      %shift_right_logical3A_951 = arith.constant 1 : i32
      %shift_right_logical3A_952 = vector.broadcast %shift_right_logical3A_951 : i32 to vector<16xi32>
      %shift_right_logical3A_953 = arith.shrui %bitcast_convert_type3A_950, %shift_right_logical3A_952 : vector<16xi32>
      %sub3A_954 = arith.constant 1597463007 : i32
      %sub3A_955 = vector.broadcast %sub3A_954 : i32 to vector<16xi32>
      %sub3A_956 = arith.subi %sub3A_955, %shift_right_logical3A_953 : vector<16xi32>
      %bitcast_convert_type3A_957 = tpu.bitcast %sub3A_956 : vector<16xi32> -> vector<16xf32>
      %mul3A_958 = arith.mulf %add3A_949, %bitcast_convert_type3A_957 : vector<16xf32>
      %mul3A_959 = arith.constant 1.500000e+00 : f32
      %mul3A_960 = vector.broadcast %mul3A_959 : f32 to vector<16xf32>
      %mul3A_961 = arith.mulf %mul3A_960, %mul3A_958 : vector<16xf32>
      %mul3A_962 = arith.constant 5.000000e-01 : f32
      %mul3A_963 = vector.broadcast %mul3A_962 : f32 to vector<16xf32>
      %mul3A_964 = arith.mulf %mul3A_963, %bitcast_convert_type3A_957 : vector<16xf32>
      %mul3A_965 = arith.mulf %mul3A_958, %mul3A_958 : vector<16xf32>
      %mul3A_966 = arith.mulf %mul3A_964, %mul3A_965 : vector<16xf32>
      %sub3A_967 = arith.subf %mul3A_961, %mul3A_966 : vector<16xf32>
      %add3A_968 = arith.addf %add3A_872, %sub3A_967 : vector<16xf32>
      %add3A_969 = arith.addf %add3A_920, %add3A_968 : vector<16xf32>
      %broadcast_in_dim3A_970 = arith.constant true
      %broadcast_in_dim3A_971 = vector.broadcast %broadcast_in_dim3A_970 : i1 to vector<16xi1>
      %masked_cumsum3A_972 = tpu.scan <sum>, %add3A_969 masked %broadcast_in_dim3A_971 : vector<16xf32>, vector<16xi1> -> vector<16xf32>
      %broadcast_in_dim3A_973 = arith.constant 0 : i32
      %broadcast_in_dim3A_974 = vector.broadcast %broadcast_in_dim3A_973 : i32 to vector<16xi32>
      %add3A_975 = arith.constant 128 : i32
      %add3A_976 = arith.addi %add3A_975, %scan3A_772 : i32
      %add3A_977 = vector.broadcast %add3A_976 : i32 to vector<16xi32>
      %add3A_978 = arith.addi %broadcast_in_dim3A_974, %add3A_977 : vector<16xi32>
      %neg3A_979 = arith.constant 0.000000e+00 : f32
      %neg3A_980 = vector.broadcast %neg3A_979 : f32 to vector<16xf32>
      %neg3A_981 = arith.subf %neg3A_980, %masked_cumsum3A_972 : vector<16xf32>
      tpu.vector_store_idx %arg17[%add3A_978], %neg3A_981 masked %eq3A_4 : memref<512xf32, #tpu.memory_space<vmem>>[vector<16xi32>], vector<16xf32>, vector<16xi1>
    }
    %scan3A_88 = arith.constant 128 : i32
    %dma_wait3A_89 = arith.constant 256 : i32
    %dma_wait3A_90 = tpu.memref_slice %arg8[%dma_wait3A_89] : memref<512xi32, #tpu.memory_space<vmem>> -> memref<128xi32, #tpu.memory_space<vmem>>
    %dma_wait3A_91 = arith.constant 0 : i32
    %dma_wait3A_92 = arith.constant 0 : i32
    %dma_wait3A_93 = tpu.memref_slice %arg5[%dma_wait3A_91, %dma_wait3A_92] : memref<1000000x128xf32, #tpu.memory_space<hbm>> -> memref<1000000x128xf32, #tpu.memory_space<hbm>>
    tpu.wait_indirect_dma semaphore(%arg18 : memref<!tpu.dma_semaphore, #tpu.memory_space<semaphore_mem>>) src(%dma_wait3A_93 : memref<1000000x128xf32, #tpu.memory_space<hbm>>) dst(%arg11 : memref<128x128xf32, #tpu.memory_space<vmem>>)
    %dma_wait3A_94 = arith.constant 256 : i32
    %dma_wait3A_95 = tpu.memref_slice %arg10[%dma_wait3A_94] : memref<512xi32, #tpu.memory_space<vmem>> -> memref<128xi32, #tpu.memory_space<vmem>>
    %dma_wait3A_96 = arith.constant 0 : i32
    %dma_wait3A_97 = arith.constant 0 : i32
    %dma_wait3A_98 = tpu.memref_slice %arg5[%dma_wait3A_96, %dma_wait3A_97] : memref<1000000x128xf32, #tpu.memory_space<hbm>> -> memref<1000000x128xf32, #tpu.memory_space<hbm>>
    tpu.wait_indirect_dma semaphore(%arg19 : memref<!tpu.dma_semaphore, #tpu.memory_space<semaphore_mem>>) src(%dma_wait3A_98 : memref<1000000x128xf32, #tpu.memory_space<hbm>>) dst(%arg12 : memref<128x128xf32, #tpu.memory_space<vmem>>)
    %dma_wait3A_99 = arith.constant 256 : i32
    %dma_wait3A_100 = tpu.memref_slice %arg9[%dma_wait3A_99] : memref<512xi32, #tpu.memory_space<vmem>> -> memref<128xi32, #tpu.memory_space<vmem>>
    %dma_wait3A_101 = arith.constant 0 : i32
    %dma_wait3A_102 = arith.constant 0 : i32
    %dma_wait3A_103 = tpu.memref_slice %arg6[%dma_wait3A_101, %dma_wait3A_102] : memref<1000x128xf32, #tpu.memory_space<hbm>> -> memref<1000x128xf32, #tpu.memory_space<hbm>>
    tpu.wait_indirect_dma semaphore(%arg20 : memref<!tpu.dma_semaphore, #tpu.memory_space<semaphore_mem>>) src(%dma_wait3A_103 : memref<1000x128xf32, #tpu.memory_space<hbm>>) dst(%arg13 : memref<128x128xf32, #tpu.memory_space<vmem>>)
    %dma_start3A_104 = arith.constant 384 : i32
    %dma_start3A_105 = tpu.memref_slice %arg8[%dma_start3A_104] : memref<512xi32, #tpu.memory_space<vmem>> -> memref<128xi32, #tpu.memory_space<vmem>>
    %dma_start3A_106 = arith.constant 0 : i32
    %dma_start3A_107 = arith.constant 0 : i32
    %dma_start3A_108 = tpu.memref_slice %arg5[%dma_start3A_106, %dma_start3A_107] : memref<1000000x128xf32, #tpu.memory_space<hbm>> -> memref<1000000x128xf32, #tpu.memory_space<hbm>>
    tpu.enqueue_indirect_dma source(%dma_start3A_108 : memref<1000000x128xf32, #tpu.memory_space<hbm>>) target(%arg14 : memref<128x128xf32, #tpu.memory_space<vmem>>) offsets(%dma_start3A_105 : memref<128xi32, #tpu.memory_space<vmem>>) semaphore(%arg18 : memref<!tpu.dma_semaphore, #tpu.memory_space<semaphore_mem>>)
    %dma_start3A_109 = arith.constant 384 : i32
    %dma_start3A_110 = tpu.memref_slice %arg10[%dma_start3A_109] : memref<512xi32, #tpu.memory_space<vmem>> -> memref<128xi32, #tpu.memory_space<vmem>>
    %dma_start3A_111 = arith.constant 0 : i32
    %dma_start3A_112 = arith.constant 0 : i32
    %dma_start3A_113 = tpu.memref_slice %arg5[%dma_start3A_111, %dma_start3A_112] : memref<1000000x128xf32, #tpu.memory_space<hbm>> -> memref<1000000x128xf32, #tpu.memory_space<hbm>>
    tpu.enqueue_indirect_dma source(%dma_start3A_113 : memref<1000000x128xf32, #tpu.memory_space<hbm>>) target(%arg15 : memref<128x128xf32, #tpu.memory_space<vmem>>) offsets(%dma_start3A_110 : memref<128xi32, #tpu.memory_space<vmem>>) semaphore(%arg19 : memref<!tpu.dma_semaphore, #tpu.memory_space<semaphore_mem>>)
    %dma_start3A_114 = arith.constant 384 : i32
    %dma_start3A_115 = tpu.memref_slice %arg9[%dma_start3A_114] : memref<512xi32, #tpu.memory_space<vmem>> -> memref<128xi32, #tpu.memory_space<vmem>>
    %dma_start3A_116 = arith.constant 0 : i32
    %dma_start3A_117 = arith.constant 0 : i32
    %dma_start3A_118 = tpu.memref_slice %arg6[%dma_start3A_116, %dma_start3A_117] : memref<1000x128xf32, #tpu.memory_space<hbm>> -> memref<1000x128xf32, #tpu.memory_space<hbm>>
    tpu.enqueue_indirect_dma source(%dma_start3A_118 : memref<1000x128xf32, #tpu.memory_space<hbm>>) target(%arg16 : memref<128x128xf32, #tpu.memory_space<vmem>>) offsets(%dma_start3A_115 : memref<128xi32, #tpu.memory_space<vmem>>) semaphore(%arg20 : memref<!tpu.dma_semaphore, #tpu.memory_space<semaphore_mem>>)
    %scan3A_119 = arith.constant 0 : i32
    %scan3A_120 = arith.constant 0 : i32
    %scan3A_121 = arith.constant 128 : i32
    %scan3A_122 = arith.addi %scan3A_120, %scan3A_121 : i32
    %scan3A_123 = arith.constant 4 : i32
    scf.for %scan3A_146 = %scan3A_120 to %scan3A_122 step %scan3A_123  : i32 {
      %broadcast_in_dim3A = arith.constant 0.000000e+00 : f32
      %broadcast_in_dim3A_147 = vector.broadcast %broadcast_in_dim3A : f32 to vector<16xf32>
      %broadcast_in_dim3A_148 = arith.constant 0.000000e+00 : f32
      %broadcast_in_dim3A_149 = vector.broadcast %broadcast_in_dim3A_148 : f32 to vector<16xf32>
      %get3A = arith.index_cast %scan3A_146 : i32 to index
      %get3A_150 = arith.constant 0 : index
      %get3A_151 = tpu.vector_load %arg11[%get3A, %get3A_150] {strides = array<i32>} : memref<128x128xf32, #tpu.memory_space<vmem>>, vector<16xf32>,
      %get3A_152 = arith.index_cast %scan3A_146 : i32 to index
      %get3A_153 = arith.constant 64 : index
      %get3A_154 = tpu.vector_load %arg11[%get3A_152, %get3A_153] {strides = array<i32>} : memref<128x128xf32, #tpu.memory_space<vmem>>, vector<16xf32>,
      %get3A_155 = arith.index_cast %scan3A_146 : i32 to index
      %get3A_156 = arith.constant 0 : index
      %get3A_157 = tpu.vector_load %arg12[%get3A_155, %get3A_156] {strides = array<i32>} : memref<128x128xf32, #tpu.memory_space<vmem>>, vector<16xf32>,
      %get3A_158 = arith.index_cast %scan3A_146 : i32 to index
      %get3A_159 = arith.constant 64 : index
      %get3A_160 = tpu.vector_load %arg12[%get3A_158, %get3A_159] {strides = array<i32>} : memref<128x128xf32, #tpu.memory_space<vmem>>, vector<16xf32>,
      %get3A_161 = arith.index_cast %scan3A_146 : i32 to index
      %get3A_162 = arith.constant 0 : index
      %get3A_163 = tpu.vector_load %arg13[%get3A_161, %get3A_162] {strides = array<i32>} : memref<128x128xf32, #tpu.memory_space<vmem>>, vector<16xf32>,
      %get3A_164 = arith.index_cast %scan3A_146 : i32 to index
      %get3A_165 = arith.constant 64 : index
      %get3A_166 = tpu.vector_load %arg13[%get3A_164, %get3A_165] {strides = array<i32>} : memref<128x128xf32, #tpu.memory_space<vmem>>, vector<16xf32>,
      %mul3A_167 = arith.mulf %get3A_151, %get3A_163 : vector<16xf32>
      %mul3A_168 = arith.mulf %get3A_154, %get3A_166 : vector<16xf32>
      %sub3A = arith.subf %mul3A_167, %mul3A_168 : vector<16xf32>
      %sub3A_169 = arith.subf %sub3A, %get3A_157 : vector<16xf32>
      %mul3A_170 = arith.mulf %get3A_151, %get3A_166 : vector<16xf32>
      %mul3A_171 = arith.mulf %get3A_154, %get3A_163 : vector<16xf32>
      %add3A_172 = arith.addf %mul3A_170, %mul3A_171 : vector<16xf32>
      %sub3A_173 = arith.subf %add3A_172, %get3A_160 : vector<16xf32>
      %mul3A_174 = arith.mulf %sub3A_169, %sub3A_169 : vector<16xf32>
      %mul3A_175 = arith.mulf %sub3A_173, %sub3A_173 : vector<16xf32>
      %add3A_176 = arith.addf %mul3A_174, %mul3A_175 : vector<16xf32>
      %bitcast_convert_type3A = tpu.bitcast %add3A_176 : vector<16xf32> -> vector<16xi32>
      %shift_right_logical3A = arith.constant 1 : i32
      %shift_right_logical3A_177 = vector.broadcast %shift_right_logical3A : i32 to vector<16xi32>
      %shift_right_logical3A_178 = arith.shrui %bitcast_convert_type3A, %shift_right_logical3A_177 : vector<16xi32>
      %sub3A_179 = arith.constant 1597463007 : i32
      %sub3A_180 = vector.broadcast %sub3A_179 : i32 to vector<16xi32>
      %sub3A_181 = arith.subi %sub3A_180, %shift_right_logical3A_178 : vector<16xi32>
      %bitcast_convert_type3A_182 = tpu.bitcast %sub3A_181 : vector<16xi32> -> vector<16xf32>
      %mul3A_183 = arith.mulf %add3A_176, %bitcast_convert_type3A_182 : vector<16xf32>
      %mul3A_184 = arith.constant 1.500000e+00 : f32
      %mul3A_185 = vector.broadcast %mul3A_184 : f32 to vector<16xf32>
      %mul3A_186 = arith.mulf %mul3A_185, %mul3A_183 : vector<16xf32>
      %mul3A_187 = arith.constant 5.000000e-01 : f32
      %mul3A_188 = vector.broadcast %mul3A_187 : f32 to vector<16xf32>
      %mul3A_189 = arith.mulf %mul3A_188, %bitcast_convert_type3A_182 : vector<16xf32>
      %mul3A_190 = arith.mulf %mul3A_183, %mul3A_183 : vector<16xf32>
      %mul3A_191 = arith.mulf %mul3A_189, %mul3A_190 : vector<16xf32>
      %sub3A_192 = arith.subf %mul3A_186, %mul3A_191 : vector<16xf32>
      %add3A_193 = arith.addf %broadcast_in_dim3A_147, %sub3A_192 : vector<16xf32>
      %get3A_194 = arith.index_cast %scan3A_146 : i32 to index
      %get3A_195 = arith.constant 16 : index
      %get3A_196 = tpu.vector_load %arg11[%get3A_194, %get3A_195] {strides = array<i32>} : memref<128x128xf32, #tpu.memory_space<vmem>>, vector<16xf32>,
      %get3A_197 = arith.index_cast %scan3A_146 : i32 to index
      %get3A_198 = arith.constant 80 : index
      %get3A_199 = tpu.vector_load %arg11[%get3A_197, %get3A_198] {strides = array<i32>} : memref<128x128xf32, #tpu.memory_space<vmem>>, vector<16xf32>,
      %get3A_200 = arith.index_cast %scan3A_146 : i32 to index
      %get3A_201 = arith.constant 16 : index
      %get3A_202 = tpu.vector_load %arg12[%get3A_200, %get3A_201] {strides = array<i32>} : memref<128x128xf32, #tpu.memory_space<vmem>>, vector<16xf32>,
      %get3A_203 = arith.index_cast %scan3A_146 : i32 to index
      %get3A_204 = arith.constant 80 : index
      %get3A_205 = tpu.vector_load %arg12[%get3A_203, %get3A_204] {strides = array<i32>} : memref<128x128xf32, #tpu.memory_space<vmem>>, vector<16xf32>,
      %get3A_206 = arith.index_cast %scan3A_146 : i32 to index
      %get3A_207 = arith.constant 16 : index
      %get3A_208 = tpu.vector_load %arg13[%get3A_206, %get3A_207] {strides = array<i32>} : memref<128x128xf32, #tpu.memory_space<vmem>>, vector<16xf32>,
      %get3A_209 = arith.index_cast %scan3A_146 : i32 to index
      %get3A_210 = arith.constant 80 : index
      %get3A_211 = tpu.vector_load %arg13[%get3A_209, %get3A_210] {strides = array<i32>} : memref<128x128xf32, #tpu.memory_space<vmem>>, vector<16xf32>,
      %mul3A_212 = arith.mulf %get3A_196, %get3A_208 : vector<16xf32>
      %mul3A_213 = arith.mulf %get3A_199, %get3A_211 : vector<16xf32>
      %sub3A_214 = arith.subf %mul3A_212, %mul3A_213 : vector<16xf32>
      %sub3A_215 = arith.subf %sub3A_214, %get3A_202 : vector<16xf32>
      %mul3A_216 = arith.mulf %get3A_196, %get3A_211 : vector<16xf32>
      %mul3A_217 = arith.mulf %get3A_199, %get3A_208 : vector<16xf32>
      %add3A_218 = arith.addf %mul3A_216, %mul3A_217 : vector<16xf32>
      %sub3A_219 = arith.subf %add3A_218, %get3A_205 : vector<16xf32>
      %mul3A_220 = arith.mulf %sub3A_215, %sub3A_215 : vector<16xf32>
      %mul3A_221 = arith.mulf %sub3A_219, %sub3A_219 : vector<16xf32>
      %add3A_222 = arith.addf %mul3A_220, %mul3A_221 : vector<16xf32>
      %bitcast_convert_type3A_223 = tpu.bitcast %add3A_222 : vector<16xf32> -> vector<16xi32>
      %shift_right_logical3A_224 = arith.constant 1 : i32
      %shift_right_logical3A_225 = vector.broadcast %shift_right_logical3A_224 : i32 to vector<16xi32>
      %shift_right_logical3A_226 = arith.shrui %bitcast_convert_type3A_223, %shift_right_logical3A_225 : vector<16xi32>
      %sub3A_227 = arith.constant 1597463007 : i32
      %sub3A_228 = vector.broadcast %sub3A_227 : i32 to vector<16xi32>
      %sub3A_229 = arith.subi %sub3A_228, %shift_right_logical3A_226 : vector<16xi32>
      %bitcast_convert_type3A_230 = tpu.bitcast %sub3A_229 : vector<16xi32> -> vector<16xf32>
      %mul3A_231 = arith.mulf %add3A_222, %bitcast_convert_type3A_230 : vector<16xf32>
      %mul3A_232 = arith.constant 1.500000e+00 : f32
      %mul3A_233 = vector.broadcast %mul3A_232 : f32 to vector<16xf32>
      %mul3A_234 = arith.mulf %mul3A_233, %mul3A_231 : vector<16xf32>
      %mul3A_235 = arith.constant 5.000000e-01 : f32
      %mul3A_236 = vector.broadcast %mul3A_235 : f32 to vector<16xf32>
      %mul3A_237 = arith.mulf %mul3A_236, %bitcast_convert_type3A_230 : vector<16xf32>
      %mul3A_238 = arith.mulf %mul3A_231, %mul3A_231 : vector<16xf32>
      %mul3A_239 = arith.mulf %mul3A_237, %mul3A_238 : vector<16xf32>
      %sub3A_240 = arith.subf %mul3A_234, %mul3A_239 : vector<16xf32>
      %add3A_241 = arith.addf %broadcast_in_dim3A_149, %sub3A_240 : vector<16xf32>
      %get3A_242 = arith.index_cast %scan3A_146 : i32 to index
      %get3A_243 = arith.constant 32 : index
      %get3A_244 = tpu.vector_load %arg11[%get3A_242, %get3A_243] {strides = array<i32>} : memref<128x128xf32, #tpu.memory_space<vmem>>, vector<16xf32>,
      %get3A_245 = arith.index_cast %scan3A_146 : i32 to index
      %get3A_246 = arith.constant 96 : index
      %get3A_247 = tpu.vector_load %arg11[%get3A_245, %get3A_246] {strides = array<i32>} : memref<128x128xf32, #tpu.memory_space<vmem>>, vector<16xf32>,
      %get3A_248 = arith.index_cast %scan3A_146 : i32 to index
      %get3A_249 = arith.constant 32 : index
      %get3A_250 = tpu.vector_load %arg12[%get3A_248, %get3A_249] {strides = array<i32>} : memref<128x128xf32, #tpu.memory_space<vmem>>, vector<16xf32>,
      %get3A_251 = arith.index_cast %scan3A_146 : i32 to index
      %get3A_252 = arith.constant 96 : index
      %get3A_253 = tpu.vector_load %arg12[%get3A_251, %get3A_252] {strides = array<i32>} : memref<128x128xf32, #tpu.memory_space<vmem>>, vector<16xf32>,
      %get3A_254 = arith.index_cast %scan3A_146 : i32 to index
      %get3A_255 = arith.constant 32 : index
      %get3A_256 = tpu.vector_load %arg13[%get3A_254, %get3A_255] {strides = array<i32>} : memref<128x128xf32, #tpu.memory_space<vmem>>, vector<16xf32>,
      %get3A_257 = arith.index_cast %scan3A_146 : i32 to index
      %get3A_258 = arith.constant 96 : index
      %get3A_259 = tpu.vector_load %arg13[%get3A_257, %get3A_258] {strides = array<i32>} : memref<128x128xf32, #tpu.memory_space<vmem>>, vector<16xf32>,
      %mul3A_260 = arith.mulf %get3A_244, %get3A_256 : vector<16xf32>
      %mul3A_261 = arith.mulf %get3A_247, %get3A_259 : vector<16xf32>
      %sub3A_262 = arith.subf %mul3A_260, %mul3A_261 : vector<16xf32>
      %sub3A_263 = arith.subf %sub3A_262, %get3A_250 : vector<16xf32>
      %mul3A_264 = arith.mulf %get3A_244, %get3A_259 : vector<16xf32>
      %mul3A_265 = arith.mulf %get3A_247, %get3A_256 : vector<16xf32>
      %add3A_266 = arith.addf %mul3A_264, %mul3A_265 : vector<16xf32>
      %sub3A_267 = arith.subf %add3A_266, %get3A_253 : vector<16xf32>
      %mul3A_268 = arith.mulf %sub3A_263, %sub3A_263 : vector<16xf32>
      %mul3A_269 = arith.mulf %sub3A_267, %sub3A_267 : vector<16xf32>
      %add3A_270 = arith.addf %mul3A_268, %mul3A_269 : vector<16xf32>
      %bitcast_convert_type3A_271 = tpu.bitcast %add3A_270 : vector<16xf32> -> vector<16xi32>
      %shift_right_logical3A_272 = arith.constant 1 : i32
      %shift_right_logical3A_273 = vector.broadcast %shift_right_logical3A_272 : i32 to vector<16xi32>
      %shift_right_logical3A_274 = arith.shrui %bitcast_convert_type3A_271, %shift_right_logical3A_273 : vector<16xi32>
      %sub3A_275 = arith.constant 1597463007 : i32
      %sub3A_276 = vector.broadcast %sub3A_275 : i32 to vector<16xi32>
      %sub3A_277 = arith.subi %sub3A_276, %shift_right_logical3A_274 : vector<16xi32>
      %bitcast_convert_type3A_278 = tpu.bitcast %sub3A_277 : vector<16xi32> -> vector<16xf32>
      %mul3A_279 = arith.mulf %add3A_270, %bitcast_convert_type3A_278 : vector<16xf32>
      %mul3A_280 = arith.constant 1.500000e+00 : f32
      %mul3A_281 = vector.broadcast %mul3A_280 : f32 to vector<16xf32>
      %mul3A_282 = arith.mulf %mul3A_281, %mul3A_279 : vector<16xf32>
      %mul3A_283 = arith.constant 5.000000e-01 : f32
      %mul3A_284 = vector.broadcast %mul3A_283 : f32 to vector<16xf32>
      %mul3A_285 = arith.mulf %mul3A_284, %bitcast_convert_type3A_278 : vector<16xf32>
      %mul3A_286 = arith.mulf %mul3A_279, %mul3A_279 : vector<16xf32>
      %mul3A_287 = arith.mulf %mul3A_285, %mul3A_286 : vector<16xf32>
      %sub3A_288 = arith.subf %mul3A_282, %mul3A_287 : vector<16xf32>
      %add3A_289 = arith.addf %add3A_193, %sub3A_288 : vector<16xf32>
      %get3A_290 = arith.index_cast %scan3A_146 : i32 to index
      %get3A_291 = arith.constant 48 : index
      %get3A_292 = tpu.vector_load %arg11[%get3A_290, %get3A_291] {strides = array<i32>} : memref<128x128xf32, #tpu.memory_space<vmem>>, vector<16xf32>,
      %get3A_293 = arith.index_cast %scan3A_146 : i32 to index
      %get3A_294 = arith.constant 112 : index
      %get3A_295 = tpu.vector_load %arg11[%get3A_293, %get3A_294] {strides = array<i32>} : memref<128x128xf32, #tpu.memory_space<vmem>>, vector<16xf32>,
      %get3A_296 = arith.index_cast %scan3A_146 : i32 to index
      %get3A_297 = arith.constant 48 : index
      %get3A_298 = tpu.vector_load %arg12[%get3A_296, %get3A_297] {strides = array<i32>} : memref<128x128xf32, #tpu.memory_space<vmem>>, vector<16xf32>,
      %get3A_299 = arith.index_cast %scan3A_146 : i32 to index
      %get3A_300 = arith.constant 112 : index
      %get3A_301 = tpu.vector_load %arg12[%get3A_299, %get3A_300] {strides = array<i32>} : memref<128x128xf32, #tpu.memory_space<vmem>>, vector<16xf32>,
      %get3A_302 = arith.index_cast %scan3A_146 : i32 to index
      %get3A_303 = arith.constant 48 : index
      %get3A_304 = tpu.vector_load %arg13[%get3A_302, %get3A_303] {strides = array<i32>} : memref<128x128xf32, #tpu.memory_space<vmem>>, vector<16xf32>,
      %get3A_305 = arith.index_cast %scan3A_146 : i32 to index
      %get3A_306 = arith.constant 112 : index
      %get3A_307 = tpu.vector_load %arg13[%get3A_305, %get3A_306] {strides = array<i32>} : memref<128x128xf32, #tpu.memory_space<vmem>>, vector<16xf32>,
      %mul3A_308 = arith.mulf %get3A_292, %get3A_304 : vector<16xf32>
      %mul3A_309 = arith.mulf %get3A_295, %get3A_307 : vector<16xf32>
      %sub3A_310 = arith.subf %mul3A_308, %mul3A_309 : vector<16xf32>
      %sub3A_311 = arith.subf %sub3A_310, %get3A_298 : vector<16xf32>
      %mul3A_312 = arith.mulf %get3A_292, %get3A_307 : vector<16xf32>
      %mul3A_313 = arith.mulf %get3A_295, %get3A_304 : vector<16xf32>
      %add3A_314 = arith.addf %mul3A_312, %mul3A_313 : vector<16xf32>
      %sub3A_315 = arith.subf %add3A_314, %get3A_301 : vector<16xf32>
      %mul3A_316 = arith.mulf %sub3A_311, %sub3A_311 : vector<16xf32>
      %mul3A_317 = arith.mulf %sub3A_315, %sub3A_315 : vector<16xf32>
      %add3A_318 = arith.addf %mul3A_316, %mul3A_317 : vector<16xf32>
      %bitcast_convert_type3A_319 = tpu.bitcast %add3A_318 : vector<16xf32> -> vector<16xi32>
      %shift_right_logical3A_320 = arith.constant 1 : i32
      %shift_right_logical3A_321 = vector.broadcast %shift_right_logical3A_320 : i32 to vector<16xi32>
      %shift_right_logical3A_322 = arith.shrui %bitcast_convert_type3A_319, %shift_right_logical3A_321 : vector<16xi32>
      %sub3A_323 = arith.constant 1597463007 : i32
      %sub3A_324 = vector.broadcast %sub3A_323 : i32 to vector<16xi32>
      %sub3A_325 = arith.subi %sub3A_324, %shift_right_logical3A_322 : vector<16xi32>
      %bitcast_convert_type3A_326 = tpu.bitcast %sub3A_325 : vector<16xi32> -> vector<16xf32>
      %mul3A_327 = arith.mulf %add3A_318, %bitcast_convert_type3A_326 : vector<16xf32>
      %mul3A_328 = arith.constant 1.500000e+00 : f32
      %mul3A_329 = vector.broadcast %mul3A_328 : f32 to vector<16xf32>
      %mul3A_330 = arith.mulf %mul3A_329, %mul3A_327 : vector<16xf32>
      %mul3A_331 = arith.constant 5.000000e-01 : f32
      %mul3A_332 = vector.broadcast %mul3A_331 : f32 to vector<16xf32>
      %mul3A_333 = arith.mulf %mul3A_332, %bitcast_convert_type3A_326 : vector<16xf32>
      %mul3A_334 = arith.mulf %mul3A_327, %mul3A_327 : vector<16xf32>
      %mul3A_335 = arith.mulf %mul3A_333, %mul3A_334 : vector<16xf32>
      %sub3A_336 = arith.subf %mul3A_330, %mul3A_335 : vector<16xf32>
      %add3A_337 = arith.addf %add3A_241, %sub3A_336 : vector<16xf32>
      %add3A_338 = arith.addf %add3A_289, %add3A_337 : vector<16xf32>
      %broadcast_in_dim3A_339 = arith.constant true
      %broadcast_in_dim3A_340 = vector.broadcast %broadcast_in_dim3A_339 : i1 to vector<16xi1>
      %masked_cumsum3A = tpu.scan <sum>, %add3A_338 masked %broadcast_in_dim3A_340 : vector<16xf32>, vector<16xi1> -> vector<16xf32>
      %broadcast_in_dim3A_341 = arith.constant 0 : i32
      %broadcast_in_dim3A_342 = vector.broadcast %broadcast_in_dim3A_341 : i32 to vector<16xi32>
      %add3A_343 = arith.constant 256 : i32
      %add3A_344 = arith.addi %add3A_343, %scan3A_146 : i32
      %add3A_345 = vector.broadcast %add3A_344 : i32 to vector<16xi32>
      %add3A_346 = arith.addi %broadcast_in_dim3A_342, %add3A_345 : vector<16xi32>
      %neg3A = arith.constant 0.000000e+00 : f32
      %neg3A_347 = vector.broadcast %neg3A : f32 to vector<16xf32>
      %neg3A_348 = arith.subf %neg3A_347, %masked_cumsum3A : vector<16xf32>
      tpu.vector_store_idx %arg17[%add3A_346], %neg3A_348 masked %eq3A_4 : memref<512xf32, #tpu.memory_space<vmem>>[vector<16xi32>], vector<16xf32>, vector<16xi1>
      %scan3A_349 = arith.constant 1 : i32
      %scan3A_350 = arith.addi %scan3A_146, %scan3A_349 : i32
      %broadcast_in_dim3A_351 = arith.constant 0.000000e+00 : f32
      %broadcast_in_dim3A_352 = vector.broadcast %broadcast_in_dim3A_351 : f32 to vector<16xf32>
      %broadcast_in_dim3A_353 = arith.constant 0.000000e+00 : f32
      %broadcast_in_dim3A_354 = vector.broadcast %broadcast_in_dim3A_353 : f32 to vector<16xf32>
      %get3A_355 = arith.index_cast %scan3A_350 : i32 to index
      %get3A_356 = arith.constant 0 : index
      %get3A_357 = tpu.vector_load %arg11[%get3A_355, %get3A_356] {strides = array<i32>} : memref<128x128xf32, #tpu.memory_space<vmem>>, vector<16xf32>,
      %get3A_358 = arith.index_cast %scan3A_350 : i32 to index
      %get3A_359 = arith.constant 64 : index
      %get3A_360 = tpu.vector_load %arg11[%get3A_358, %get3A_359] {strides = array<i32>} : memref<128x128xf32, #tpu.memory_space<vmem>>, vector<16xf32>,
      %get3A_361 = arith.index_cast %scan3A_350 : i32 to index
      %get3A_362 = arith.constant 0 : index
      %get3A_363 = tpu.vector_load %arg12[%get3A_361, %get3A_362] {strides = array<i32>} : memref<128x128xf32, #tpu.memory_space<vmem>>, vector<16xf32>,
      %get3A_364 = arith.index_cast %scan3A_350 : i32 to index
      %get3A_365 = arith.constant 64 : index
      %get3A_366 = tpu.vector_load %arg12[%get3A_364, %get3A_365] {strides = array<i32>} : memref<128x128xf32, #tpu.memory_space<vmem>>, vector<16xf32>,
      %get3A_367 = arith.index_cast %scan3A_350 : i32 to index
      %get3A_368 = arith.constant 0 : index
      %get3A_369 = tpu.vector_load %arg13[%get3A_367, %get3A_368] {strides = array<i32>} : memref<128x128xf32, #tpu.memory_space<vmem>>, vector<16xf32>,
      %get3A_370 = arith.index_cast %scan3A_350 : i32 to index
      %get3A_371 = arith.constant 64 : index
      %get3A_372 = tpu.vector_load %arg13[%get3A_370, %get3A_371] {strides = array<i32>} : memref<128x128xf32, #tpu.memory_space<vmem>>, vector<16xf32>,
      %mul3A_373 = arith.mulf %get3A_357, %get3A_369 : vector<16xf32>
      %mul3A_374 = arith.mulf %get3A_360, %get3A_372 : vector<16xf32>
      %sub3A_375 = arith.subf %mul3A_373, %mul3A_374 : vector<16xf32>
      %sub3A_376 = arith.subf %sub3A_375, %get3A_363 : vector<16xf32>
      %mul3A_377 = arith.mulf %get3A_357, %get3A_372 : vector<16xf32>
      %mul3A_378 = arith.mulf %get3A_360, %get3A_369 : vector<16xf32>
      %add3A_379 = arith.addf %mul3A_377, %mul3A_378 : vector<16xf32>
      %sub3A_380 = arith.subf %add3A_379, %get3A_366 : vector<16xf32>
      %mul3A_381 = arith.mulf %sub3A_376, %sub3A_376 : vector<16xf32>
      %mul3A_382 = arith.mulf %sub3A_380, %sub3A_380 : vector<16xf32>
      %add3A_383 = arith.addf %mul3A_381, %mul3A_382 : vector<16xf32>
      %bitcast_convert_type3A_384 = tpu.bitcast %add3A_383 : vector<16xf32> -> vector<16xi32>
      %shift_right_logical3A_385 = arith.constant 1 : i32
      %shift_right_logical3A_386 = vector.broadcast %shift_right_logical3A_385 : i32 to vector<16xi32>
      %shift_right_logical3A_387 = arith.shrui %bitcast_convert_type3A_384, %shift_right_logical3A_386 : vector<16xi32>
      %sub3A_388 = arith.constant 1597463007 : i32
      %sub3A_389 = vector.broadcast %sub3A_388 : i32 to vector<16xi32>
      %sub3A_390 = arith.subi %sub3A_389, %shift_right_logical3A_387 : vector<16xi32>
      %bitcast_convert_type3A_391 = tpu.bitcast %sub3A_390 : vector<16xi32> -> vector<16xf32>
      %mul3A_392 = arith.mulf %add3A_383, %bitcast_convert_type3A_391 : vector<16xf32>
      %mul3A_393 = arith.constant 1.500000e+00 : f32
      %mul3A_394 = vector.broadcast %mul3A_393 : f32 to vector<16xf32>
      %mul3A_395 = arith.mulf %mul3A_394, %mul3A_392 : vector<16xf32>
      %mul3A_396 = arith.constant 5.000000e-01 : f32
      %mul3A_397 = vector.broadcast %mul3A_396 : f32 to vector<16xf32>
      %mul3A_398 = arith.mulf %mul3A_397, %bitcast_convert_type3A_391 : vector<16xf32>
      %mul3A_399 = arith.mulf %mul3A_392, %mul3A_392 : vector<16xf32>
      %mul3A_400 = arith.mulf %mul3A_398, %mul3A_399 : vector<16xf32>
      %sub3A_401 = arith.subf %mul3A_395, %mul3A_400 : vector<16xf32>
      %add3A_402 = arith.addf %broadcast_in_dim3A_352, %sub3A_401 : vector<16xf32>
      %get3A_403 = arith.index_cast %scan3A_350 : i32 to index
      %get3A_404 = arith.constant 16 : index
      %get3A_405 = tpu.vector_load %arg11[%get3A_403, %get3A_404] {strides = array<i32>} : memref<128x128xf32, #tpu.memory_space<vmem>>, vector<16xf32>,
      %get3A_406 = arith.index_cast %scan3A_350 : i32 to index
      %get3A_407 = arith.constant 80 : index
      %get3A_408 = tpu.vector_load %arg11[%get3A_406, %get3A_407] {strides = array<i32>} : memref<128x128xf32, #tpu.memory_space<vmem>>, vector<16xf32>,
      %get3A_409 = arith.index_cast %scan3A_350 : i32 to index
      %get3A_410 = arith.constant 16 : index
      %get3A_411 = tpu.vector_load %arg12[%get3A_409, %get3A_410] {strides = array<i32>} : memref<128x128xf32, #tpu.memory_space<vmem>>, vector<16xf32>,
      %get3A_412 = arith.index_cast %scan3A_350 : i32 to index
      %get3A_413 = arith.constant 80 : index
      %get3A_414 = tpu.vector_load %arg12[%get3A_412, %get3A_413] {strides = array<i32>} : memref<128x128xf32, #tpu.memory_space<vmem>>, vector<16xf32>,
      %get3A_415 = arith.index_cast %scan3A_350 : i32 to index
      %get3A_416 = arith.constant 16 : index
      %get3A_417 = tpu.vector_load %arg13[%get3A_415, %get3A_416] {strides = array<i32>} : memref<128x128xf32, #tpu.memory_space<vmem>>, vector<16xf32>,
      %get3A_418 = arith.index_cast %scan3A_350 : i32 to index
      %get3A_419 = arith.constant 80 : index
      %get3A_420 = tpu.vector_load %arg13[%get3A_418, %get3A_419] {strides = array<i32>} : memref<128x128xf32, #tpu.memory_space<vmem>>, vector<16xf32>,
      %mul3A_421 = arith.mulf %get3A_405, %get3A_417 : vector<16xf32>
      %mul3A_422 = arith.mulf %get3A_408, %get3A_420 : vector<16xf32>
      %sub3A_423 = arith.subf %mul3A_421, %mul3A_422 : vector<16xf32>
      %sub3A_424 = arith.subf %sub3A_423, %get3A_411 : vector<16xf32>
      %mul3A_425 = arith.mulf %get3A_405, %get3A_420 : vector<16xf32>
      %mul3A_426 = arith.mulf %get3A_408, %get3A_417 : vector<16xf32>
      %add3A_427 = arith.addf %mul3A_425, %mul3A_426 : vector<16xf32>
      %sub3A_428 = arith.subf %add3A_427, %get3A_414 : vector<16xf32>
      %mul3A_429 = arith.mulf %sub3A_424, %sub3A_424 : vector<16xf32>
      %mul3A_430 = arith.mulf %sub3A_428, %sub3A_428 : vector<16xf32>
      %add3A_431 = arith.addf %mul3A_429, %mul3A_430 : vector<16xf32>
      %bitcast_convert_type3A_432 = tpu.bitcast %add3A_431 : vector<16xf32> -> vector<16xi32>
      %shift_right_logical3A_433 = arith.constant 1 : i32
      %shift_right_logical3A_434 = vector.broadcast %shift_right_logical3A_433 : i32 to vector<16xi32>
      %shift_right_logical3A_435 = arith.shrui %bitcast_convert_type3A_432, %shift_right_logical3A_434 : vector<16xi32>
      %sub3A_436 = arith.constant 1597463007 : i32
      %sub3A_437 = vector.broadcast %sub3A_436 : i32 to vector<16xi32>
      %sub3A_438 = arith.subi %sub3A_437, %shift_right_logical3A_435 : vector<16xi32>
      %bitcast_convert_type3A_439 = tpu.bitcast %sub3A_438 : vector<16xi32> -> vector<16xf32>
      %mul3A_440 = arith.mulf %add3A_431, %bitcast_convert_type3A_439 : vector<16xf32>
      %mul3A_441 = arith.constant 1.500000e+00 : f32
      %mul3A_442 = vector.broadcast %mul3A_441 : f32 to vector<16xf32>
      %mul3A_443 = arith.mulf %mul3A_442, %mul3A_440 : vector<16xf32>
      %mul3A_444 = arith.constant 5.000000e-01 : f32
      %mul3A_445 = vector.broadcast %mul3A_444 : f32 to vector<16xf32>
      %mul3A_446 = arith.mulf %mul3A_445, %bitcast_convert_type3A_439 : vector<16xf32>
      %mul3A_447 = arith.mulf %mul3A_440, %mul3A_440 : vector<16xf32>
      %mul3A_448 = arith.mulf %mul3A_446, %mul3A_447 : vector<16xf32>
      %sub3A_449 = arith.subf %mul3A_443, %mul3A_448 : vector<16xf32>
      %add3A_450 = arith.addf %broadcast_in_dim3A_354, %sub3A_449 : vector<16xf32>
      %get3A_451 = arith.index_cast %scan3A_350 : i32 to index
      %get3A_452 = arith.constant 32 : index
      %get3A_453 = tpu.vector_load %arg11[%get3A_451, %get3A_452] {strides = array<i32>} : memref<128x128xf32, #tpu.memory_space<vmem>>, vector<16xf32>,
      %get3A_454 = arith.index_cast %scan3A_350 : i32 to index
      %get3A_455 = arith.constant 96 : index
      %get3A_456 = tpu.vector_load %arg11[%get3A_454, %get3A_455] {strides = array<i32>} : memref<128x128xf32, #tpu.memory_space<vmem>>, vector<16xf32>,
      %get3A_457 = arith.index_cast %scan3A_350 : i32 to index
      %get3A_458 = arith.constant 32 : index
      %get3A_459 = tpu.vector_load %arg12[%get3A_457, %get3A_458] {strides = array<i32>} : memref<128x128xf32, #tpu.memory_space<vmem>>, vector<16xf32>,
      %get3A_460 = arith.index_cast %scan3A_350 : i32 to index
      %get3A_461 = arith.constant 96 : index
      %get3A_462 = tpu.vector_load %arg12[%get3A_460, %get3A_461] {strides = array<i32>} : memref<128x128xf32, #tpu.memory_space<vmem>>, vector<16xf32>,
      %get3A_463 = arith.index_cast %scan3A_350 : i32 to index
      %get3A_464 = arith.constant 32 : index
      %get3A_465 = tpu.vector_load %arg13[%get3A_463, %get3A_464] {strides = array<i32>} : memref<128x128xf32, #tpu.memory_space<vmem>>, vector<16xf32>,
      %get3A_466 = arith.index_cast %scan3A_350 : i32 to index
      %get3A_467 = arith.constant 96 : index
      %get3A_468 = tpu.vector_load %arg13[%get3A_466, %get3A_467] {strides = array<i32>} : memref<128x128xf32, #tpu.memory_space<vmem>>, vector<16xf32>,
      %mul3A_469 = arith.mulf %get3A_453, %get3A_465 : vector<16xf32>
      %mul3A_470 = arith.mulf %get3A_456, %get3A_468 : vector<16xf32>
      %sub3A_471 = arith.subf %mul3A_469, %mul3A_470 : vector<16xf32>
      %sub3A_472 = arith.subf %sub3A_471, %get3A_459 : vector<16xf32>
      %mul3A_473 = arith.mulf %get3A_453, %get3A_468 : vector<16xf32>
      %mul3A_474 = arith.mulf %get3A_456, %get3A_465 : vector<16xf32>
      %add3A_475 = arith.addf %mul3A_473, %mul3A_474 : vector<16xf32>
      %sub3A_476 = arith.subf %add3A_475, %get3A_462 : vector<16xf32>
      %mul3A_477 = arith.mulf %sub3A_472, %sub3A_472 : vector<16xf32>
      %mul3A_478 = arith.mulf %sub3A_476, %sub3A_476 : vector<16xf32>
      %add3A_479 = arith.addf %mul3A_477, %mul3A_478 : vector<16xf32>
      %bitcast_convert_type3A_480 = tpu.bitcast %add3A_479 : vector<16xf32> -> vector<16xi32>
      %shift_right_logical3A_481 = arith.constant 1 : i32
      %shift_right_logical3A_482 = vector.broadcast %shift_right_logical3A_481 : i32 to vector<16xi32>
      %shift_right_logical3A_483 = arith.shrui %bitcast_convert_type3A_480, %shift_right_logical3A_482 : vector<16xi32>
      %sub3A_484 = arith.constant 1597463007 : i32
      %sub3A_485 = vector.broadcast %sub3A_484 : i32 to vector<16xi32>
      %sub3A_486 = arith.subi %sub3A_485, %shift_right_logical3A_483 : vector<16xi32>
      %bitcast_convert_type3A_487 = tpu.bitcast %sub3A_486 : vector<16xi32> -> vector<16xf32>
      %mul3A_488 = arith.mulf %add3A_479, %bitcast_convert_type3A_487 : vector<16xf32>
      %mul3A_489 = arith.constant 1.500000e+00 : f32
      %mul3A_490 = vector.broadcast %mul3A_489 : f32 to vector<16xf32>
      %mul3A_491 = arith.mulf %mul3A_490, %mul3A_488 : vector<16xf32>
      %mul3A_492 = arith.constant 5.000000e-01 : f32
      %mul3A_493 = vector.broadcast %mul3A_492 : f32 to vector<16xf32>
      %mul3A_494 = arith.mulf %mul3A_493, %bitcast_convert_type3A_487 : vector<16xf32>
      %mul3A_495 = arith.mulf %mul3A_488, %mul3A_488 : vector<16xf32>
      %mul3A_496 = arith.mulf %mul3A_494, %mul3A_495 : vector<16xf32>
      %sub3A_497 = arith.subf %mul3A_491, %mul3A_496 : vector<16xf32>
      %add3A_498 = arith.addf %add3A_402, %sub3A_497 : vector<16xf32>
      %get3A_499 = arith.index_cast %scan3A_350 : i32 to index
      %get3A_500 = arith.constant 48 : index
      %get3A_501 = tpu.vector_load %arg11[%get3A_499, %get3A_500] {strides = array<i32>} : memref<128x128xf32, #tpu.memory_space<vmem>>, vector<16xf32>,
      %get3A_502 = arith.index_cast %scan3A_350 : i32 to index
      %get3A_503 = arith.constant 112 : index
      %get3A_504 = tpu.vector_load %arg11[%get3A_502, %get3A_503] {strides = array<i32>} : memref<128x128xf32, #tpu.memory_space<vmem>>, vector<16xf32>,
      %get3A_505 = arith.index_cast %scan3A_350 : i32 to index
      %get3A_506 = arith.constant 48 : index
      %get3A_507 = tpu.vector_load %arg12[%get3A_505, %get3A_506] {strides = array<i32>} : memref<128x128xf32, #tpu.memory_space<vmem>>, vector<16xf32>,
      %get3A_508 = arith.index_cast %scan3A_350 : i32 to index
      %get3A_509 = arith.constant 112 : index
      %get3A_510 = tpu.vector_load %arg12[%get3A_508, %get3A_509] {strides = array<i32>} : memref<128x128xf32, #tpu.memory_space<vmem>>, vector<16xf32>,
      %get3A_511 = arith.index_cast %scan3A_350 : i32 to index
      %get3A_512 = arith.constant 48 : index
      %get3A_513 = tpu.vector_load %arg13[%get3A_511, %get3A_512] {strides = array<i32>} : memref<128x128xf32, #tpu.memory_space<vmem>>, vector<16xf32>,
      %get3A_514 = arith.index_cast %scan3A_350 : i32 to index
      %get3A_515 = arith.constant 112 : index
      %get3A_516 = tpu.vector_load %arg13[%get3A_514, %get3A_515] {strides = array<i32>} : memref<128x128xf32, #tpu.memory_space<vmem>>, vector<16xf32>,
      %mul3A_517 = arith.mulf %get3A_501, %get3A_513 : vector<16xf32>
      %mul3A_518 = arith.mulf %get3A_504, %get3A_516 : vector<16xf32>
      %sub3A_519 = arith.subf %mul3A_517, %mul3A_518 : vector<16xf32>
      %sub3A_520 = arith.subf %sub3A_519, %get3A_507 : vector<16xf32>
      %mul3A_521 = arith.mulf %get3A_501, %get3A_516 : vector<16xf32>
      %mul3A_522 = arith.mulf %get3A_504, %get3A_513 : vector<16xf32>
      %add3A_523 = arith.addf %mul3A_521, %mul3A_522 : vector<16xf32>
      %sub3A_524 = arith.subf %add3A_523, %get3A_510 : vector<16xf32>
      %mul3A_525 = arith.mulf %sub3A_520, %sub3A_520 : vector<16xf32>
      %mul3A_526 = arith.mulf %sub3A_524, %sub3A_524 : vector<16xf32>
      %add3A_527 = arith.addf %mul3A_525, %mul3A_526 : vector<16xf32>
      %bitcast_convert_type3A_528 = tpu.bitcast %add3A_527 : vector<16xf32> -> vector<16xi32>
      %shift_right_logical3A_529 = arith.constant 1 : i32
      %shift_right_logical3A_530 = vector.broadcast %shift_right_logical3A_529 : i32 to vector<16xi32>
      %shift_right_logical3A_531 = arith.shrui %bitcast_convert_type3A_528, %shift_right_logical3A_530 : vector<16xi32>
      %sub3A_532 = arith.constant 1597463007 : i32
      %sub3A_533 = vector.broadcast %sub3A_532 : i32 to vector<16xi32>
      %sub3A_534 = arith.subi %sub3A_533, %shift_right_logical3A_531 : vector<16xi32>
      %bitcast_convert_type3A_535 = tpu.bitcast %sub3A_534 : vector<16xi32> -> vector<16xf32>
      %mul3A_536 = arith.mulf %add3A_527, %bitcast_convert_type3A_535 : vector<16xf32>
      %mul3A_537 = arith.constant 1.500000e+00 : f32
      %mul3A_538 = vector.broadcast %mul3A_537 : f32 to vector<16xf32>
      %mul3A_539 = arith.mulf %mul3A_538, %mul3A_536 : vector<16xf32>
      %mul3A_540 = arith.constant 5.000000e-01 : f32
      %mul3A_541 = vector.broadcast %mul3A_540 : f32 to vector<16xf32>
      %mul3A_542 = arith.mulf %mul3A_541, %bitcast_convert_type3A_535 : vector<16xf32>
      %mul3A_543 = arith.mulf %mul3A_536, %mul3A_536 : vector<16xf32>
      %mul3A_544 = arith.mulf %mul3A_542, %mul3A_543 : vector<16xf32>
      %sub3A_545 = arith.subf %mul3A_539, %mul3A_544 : vector<16xf32>
      %add3A_546 = arith.addf %add3A_450, %sub3A_545 : vector<16xf32>
      %add3A_547 = arith.addf %add3A_498, %add3A_546 : vector<16xf32>
      %broadcast_in_dim3A_548 = arith.constant true
      %broadcast_in_dim3A_549 = vector.broadcast %broadcast_in_dim3A_548 : i1 to vector<16xi1>
      %masked_cumsum3A_550 = tpu.scan <sum>, %add3A_547 masked %broadcast_in_dim3A_549 : vector<16xf32>, vector<16xi1> -> vector<16xf32>
      %broadcast_in_dim3A_551 = arith.constant 0 : i32
      %broadcast_in_dim3A_552 = vector.broadcast %broadcast_in_dim3A_551 : i32 to vector<16xi32>
      %add3A_553 = arith.constant 256 : i32
      %add3A_554 = arith.addi %add3A_553, %scan3A_350 : i32
      %add3A_555 = vector.broadcast %add3A_554 : i32 to vector<16xi32>
      %add3A_556 = arith.addi %broadcast_in_dim3A_552, %add3A_555 : vector<16xi32>
      %neg3A_557 = arith.constant 0.000000e+00 : f32
      %neg3A_558 = vector.broadcast %neg3A_557 : f32 to vector<16xf32>
      %neg3A_559 = arith.subf %neg3A_558, %masked_cumsum3A_550 : vector<16xf32>
      tpu.vector_store_idx %arg17[%add3A_556], %neg3A_559 masked %eq3A_4 : memref<512xf32, #tpu.memory_space<vmem>>[vector<16xi32>], vector<16xf32>, vector<16xi1>
      %scan3A_560 = arith.constant 2 : i32
      %scan3A_561 = arith.addi %scan3A_146, %scan3A_560 : i32
      %broadcast_in_dim3A_562 = arith.constant 0.000000e+00 : f32
      %broadcast_in_dim3A_563 = vector.broadcast %broadcast_in_dim3A_562 : f32 to vector<16xf32>
      %broadcast_in_dim3A_564 = arith.constant 0.000000e+00 : f32
      %broadcast_in_dim3A_565 = vector.broadcast %broadcast_in_dim3A_564 : f32 to vector<16xf32>
      %get3A_566 = arith.index_cast %scan3A_561 : i32 to index
      %get3A_567 = arith.constant 0 : index
      %get3A_568 = tpu.vector_load %arg11[%get3A_566, %get3A_567] {strides = array<i32>} : memref<128x128xf32, #tpu.memory_space<vmem>>, vector<16xf32>,
      %get3A_569 = arith.index_cast %scan3A_561 : i32 to index
      %get3A_570 = arith.constant 64 : index
      %get3A_571 = tpu.vector_load %arg11[%get3A_569, %get3A_570] {strides = array<i32>} : memref<128x128xf32, #tpu.memory_space<vmem>>, vector<16xf32>,
      %get3A_572 = arith.index_cast %scan3A_561 : i32 to index
      %get3A_573 = arith.constant 0 : index
      %get3A_574 = tpu.vector_load %arg12[%get3A_572, %get3A_573] {strides = array<i32>} : memref<128x128xf32, #tpu.memory_space<vmem>>, vector<16xf32>,
      %get3A_575 = arith.index_cast %scan3A_561 : i32 to index
      %get3A_576 = arith.constant 64 : index
      %get3A_577 = tpu.vector_load %arg12[%get3A_575, %get3A_576] {strides = array<i32>} : memref<128x128xf32, #tpu.memory_space<vmem>>, vector<16xf32>,
      %get3A_578 = arith.index_cast %scan3A_561 : i32 to index
      %get3A_579 = arith.constant 0 : index
      %get3A_580 = tpu.vector_load %arg13[%get3A_578, %get3A_579] {strides = array<i32>} : memref<128x128xf32, #tpu.memory_space<vmem>>, vector<16xf32>,
      %get3A_581 = arith.index_cast %scan3A_561 : i32 to index
      %get3A_582 = arith.constant 64 : index
      %get3A_583 = tpu.vector_load %arg13[%get3A_581, %get3A_582] {strides = array<i32>} : memref<128x128xf32, #tpu.memory_space<vmem>>, vector<16xf32>,
      %mul3A_584 = arith.mulf %get3A_568, %get3A_580 : vector<16xf32>
      %mul3A_585 = arith.mulf %get3A_571, %get3A_583 : vector<16xf32>
      %sub3A_586 = arith.subf %mul3A_584, %mul3A_585 : vector<16xf32>
      %sub3A_587 = arith.subf %sub3A_586, %get3A_574 : vector<16xf32>
      %mul3A_588 = arith.mulf %get3A_568, %get3A_583 : vector<16xf32>
      %mul3A_589 = arith.mulf %get3A_571, %get3A_580 : vector<16xf32>
      %add3A_590 = arith.addf %mul3A_588, %mul3A_589 : vector<16xf32>
      %sub3A_591 = arith.subf %add3A_590, %get3A_577 : vector<16xf32>
      %mul3A_592 = arith.mulf %sub3A_587, %sub3A_587 : vector<16xf32>
      %mul3A_593 = arith.mulf %sub3A_591, %sub3A_591 : vector<16xf32>
      %add3A_594 = arith.addf %mul3A_592, %mul3A_593 : vector<16xf32>
      %bitcast_convert_type3A_595 = tpu.bitcast %add3A_594 : vector<16xf32> -> vector<16xi32>
      %shift_right_logical3A_596 = arith.constant 1 : i32
      %shift_right_logical3A_597 = vector.broadcast %shift_right_logical3A_596 : i32 to vector<16xi32>
      %shift_right_logical3A_598 = arith.shrui %bitcast_convert_type3A_595, %shift_right_logical3A_597 : vector<16xi32>
      %sub3A_599 = arith.constant 1597463007 : i32
      %sub3A_600 = vector.broadcast %sub3A_599 : i32 to vector<16xi32>
      %sub3A_601 = arith.subi %sub3A_600, %shift_right_logical3A_598 : vector<16xi32>
      %bitcast_convert_type3A_602 = tpu.bitcast %sub3A_601 : vector<16xi32> -> vector<16xf32>
      %mul3A_603 = arith.mulf %add3A_594, %bitcast_convert_type3A_602 : vector<16xf32>
      %mul3A_604 = arith.constant 1.500000e+00 : f32
      %mul3A_605 = vector.broadcast %mul3A_604 : f32 to vector<16xf32>
      %mul3A_606 = arith.mulf %mul3A_605, %mul3A_603 : vector<16xf32>
      %mul3A_607 = arith.constant 5.000000e-01 : f32
      %mul3A_608 = vector.broadcast %mul3A_607 : f32 to vector<16xf32>
      %mul3A_609 = arith.mulf %mul3A_608, %bitcast_convert_type3A_602 : vector<16xf32>
      %mul3A_610 = arith.mulf %mul3A_603, %mul3A_603 : vector<16xf32>
      %mul3A_611 = arith.mulf %mul3A_609, %mul3A_610 : vector<16xf32>
      %sub3A_612 = arith.subf %mul3A_606, %mul3A_611 : vector<16xf32>
      %add3A_613 = arith.addf %broadcast_in_dim3A_563, %sub3A_612 : vector<16xf32>
      %get3A_614 = arith.index_cast %scan3A_561 : i32 to index
      %get3A_615 = arith.constant 16 : index
      %get3A_616 = tpu.vector_load %arg11[%get3A_614, %get3A_615] {strides = array<i32>} : memref<128x128xf32, #tpu.memory_space<vmem>>, vector<16xf32>,
      %get3A_617 = arith.index_cast %scan3A_561 : i32 to index
      %get3A_618 = arith.constant 80 : index
      %get3A_619 = tpu.vector_load %arg11[%get3A_617, %get3A_618] {strides = array<i32>} : memref<128x128xf32, #tpu.memory_space<vmem>>, vector<16xf32>,
      %get3A_620 = arith.index_cast %scan3A_561 : i32 to index
      %get3A_621 = arith.constant 16 : index
      %get3A_622 = tpu.vector_load %arg12[%get3A_620, %get3A_621] {strides = array<i32>} : memref<128x128xf32, #tpu.memory_space<vmem>>, vector<16xf32>,
      %get3A_623 = arith.index_cast %scan3A_561 : i32 to index
      %get3A_624 = arith.constant 80 : index
      %get3A_625 = tpu.vector_load %arg12[%get3A_623, %get3A_624] {strides = array<i32>} : memref<128x128xf32, #tpu.memory_space<vmem>>, vector<16xf32>,
      %get3A_626 = arith.index_cast %scan3A_561 : i32 to index
      %get3A_627 = arith.constant 16 : index
      %get3A_628 = tpu.vector_load %arg13[%get3A_626, %get3A_627] {strides = array<i32>} : memref<128x128xf32, #tpu.memory_space<vmem>>, vector<16xf32>,
      %get3A_629 = arith.index_cast %scan3A_561 : i32 to index
      %get3A_630 = arith.constant 80 : index
      %get3A_631 = tpu.vector_load %arg13[%get3A_629, %get3A_630] {strides = array<i32>} : memref<128x128xf32, #tpu.memory_space<vmem>>, vector<16xf32>,
      %mul3A_632 = arith.mulf %get3A_616, %get3A_628 : vector<16xf32>
      %mul3A_633 = arith.mulf %get3A_619, %get3A_631 : vector<16xf32>
      %sub3A_634 = arith.subf %mul3A_632, %mul3A_633 : vector<16xf32>
      %sub3A_635 = arith.subf %sub3A_634, %get3A_622 : vector<16xf32>
      %mul3A_636 = arith.mulf %get3A_616, %get3A_631 : vector<16xf32>
      %mul3A_637 = arith.mulf %get3A_619, %get3A_628 : vector<16xf32>
      %add3A_638 = arith.addf %mul3A_636, %mul3A_637 : vector<16xf32>
      %sub3A_639 = arith.subf %add3A_638, %get3A_625 : vector<16xf32>
      %mul3A_640 = arith.mulf %sub3A_635, %sub3A_635 : vector<16xf32>
      %mul3A_641 = arith.mulf %sub3A_639, %sub3A_639 : vector<16xf32>
      %add3A_642 = arith.addf %mul3A_640, %mul3A_641 : vector<16xf32>
      %bitcast_convert_type3A_643 = tpu.bitcast %add3A_642 : vector<16xf32> -> vector<16xi32>
      %shift_right_logical3A_644 = arith.constant 1 : i32
      %shift_right_logical3A_645 = vector.broadcast %shift_right_logical3A_644 : i32 to vector<16xi32>
      %shift_right_logical3A_646 = arith.shrui %bitcast_convert_type3A_643, %shift_right_logical3A_645 : vector<16xi32>
      %sub3A_647 = arith.constant 1597463007 : i32
      %sub3A_648 = vector.broadcast %sub3A_647 : i32 to vector<16xi32>
      %sub3A_649 = arith.subi %sub3A_648, %shift_right_logical3A_646 : vector<16xi32>
      %bitcast_convert_type3A_650 = tpu.bitcast %sub3A_649 : vector<16xi32> -> vector<16xf32>
      %mul3A_651 = arith.mulf %add3A_642, %bitcast_convert_type3A_650 : vector<16xf32>
      %mul3A_652 = arith.constant 1.500000e+00 : f32
      %mul3A_653 = vector.broadcast %mul3A_652 : f32 to vector<16xf32>
      %mul3A_654 = arith.mulf %mul3A_653, %mul3A_651 : vector<16xf32>
      %mul3A_655 = arith.constant 5.000000e-01 : f32
      %mul3A_656 = vector.broadcast %mul3A_655 : f32 to vector<16xf32>
      %mul3A_657 = arith.mulf %mul3A_656, %bitcast_convert_type3A_650 : vector<16xf32>
      %mul3A_658 = arith.mulf %mul3A_651, %mul3A_651 : vector<16xf32>
      %mul3A_659 = arith.mulf %mul3A_657, %mul3A_658 : vector<16xf32>
      %sub3A_660 = arith.subf %mul3A_654, %mul3A_659 : vector<16xf32>
      %add3A_661 = arith.addf %broadcast_in_dim3A_565, %sub3A_660 : vector<16xf32>
      %get3A_662 = arith.index_cast %scan3A_561 : i32 to index
      %get3A_663 = arith.constant 32 : index
      %get3A_664 = tpu.vector_load %arg11[%get3A_662, %get3A_663] {strides = array<i32>} : memref<128x128xf32, #tpu.memory_space<vmem>>, vector<16xf32>,
      %get3A_665 = arith.index_cast %scan3A_561 : i32 to index
      %get3A_666 = arith.constant 96 : index
      %get3A_667 = tpu.vector_load %arg11[%get3A_665, %get3A_666] {strides = array<i32>} : memref<128x128xf32, #tpu.memory_space<vmem>>, vector<16xf32>,
      %get3A_668 = arith.index_cast %scan3A_561 : i32 to index
      %get3A_669 = arith.constant 32 : index
      %get3A_670 = tpu.vector_load %arg12[%get3A_668, %get3A_669] {strides = array<i32>} : memref<128x128xf32, #tpu.memory_space<vmem>>, vector<16xf32>,
      %get3A_671 = arith.index_cast %scan3A_561 : i32 to index
      %get3A_672 = arith.constant 96 : index
      %get3A_673 = tpu.vector_load %arg12[%get3A_671, %get3A_672] {strides = array<i32>} : memref<128x128xf32, #tpu.memory_space<vmem>>, vector<16xf32>,
      %get3A_674 = arith.index_cast %scan3A_561 : i32 to index
      %get3A_675 = arith.constant 32 : index
      %get3A_676 = tpu.vector_load %arg13[%get3A_674, %get3A_675] {strides = array<i32>} : memref<128x128xf32, #tpu.memory_space<vmem>>, vector<16xf32>,
      %get3A_677 = arith.index_cast %scan3A_561 : i32 to index
      %get3A_678 = arith.constant 96 : index
      %get3A_679 = tpu.vector_load %arg13[%get3A_677, %get3A_678] {strides = array<i32>} : memref<128x128xf32, #tpu.memory_space<vmem>>, vector<16xf32>,
      %mul3A_680 = arith.mulf %get3A_664, %get3A_676 : vector<16xf32>
      %mul3A_681 = arith.mulf %get3A_667, %get3A_679 : vector<16xf32>
      %sub3A_682 = arith.subf %mul3A_680, %mul3A_681 : vector<16xf32>
      %sub3A_683 = arith.subf %sub3A_682, %get3A_670 : vector<16xf32>
      %mul3A_684 = arith.mulf %get3A_664, %get3A_679 : vector<16xf32>
      %mul3A_685 = arith.mulf %get3A_667, %get3A_676 : vector<16xf32>
      %add3A_686 = arith.addf %mul3A_684, %mul3A_685 : vector<16xf32>
      %sub3A_687 = arith.subf %add3A_686, %get3A_673 : vector<16xf32>
      %mul3A_688 = arith.mulf %sub3A_683, %sub3A_683 : vector<16xf32>
      %mul3A_689 = arith.mulf %sub3A_687, %sub3A_687 : vector<16xf32>
      %add3A_690 = arith.addf %mul3A_688, %mul3A_689 : vector<16xf32>
      %bitcast_convert_type3A_691 = tpu.bitcast %add3A_690 : vector<16xf32> -> vector<16xi32>
      %shift_right_logical3A_692 = arith.constant 1 : i32
      %shift_right_logical3A_693 = vector.broadcast %shift_right_logical3A_692 : i32 to vector<16xi32>
      %shift_right_logical3A_694 = arith.shrui %bitcast_convert_type3A_691, %shift_right_logical3A_693 : vector<16xi32>
      %sub3A_695 = arith.constant 1597463007 : i32
      %sub3A_696 = vector.broadcast %sub3A_695 : i32 to vector<16xi32>
      %sub3A_697 = arith.subi %sub3A_696, %shift_right_logical3A_694 : vector<16xi32>
      %bitcast_convert_type3A_698 = tpu.bitcast %sub3A_697 : vector<16xi32> -> vector<16xf32>
      %mul3A_699 = arith.mulf %add3A_690, %bitcast_convert_type3A_698 : vector<16xf32>
      %mul3A_700 = arith.constant 1.500000e+00 : f32
      %mul3A_701 = vector.broadcast %mul3A_700 : f32 to vector<16xf32>
      %mul3A_702 = arith.mulf %mul3A_701, %mul3A_699 : vector<16xf32>
      %mul3A_703 = arith.constant 5.000000e-01 : f32
      %mul3A_704 = vector.broadcast %mul3A_703 : f32 to vector<16xf32>
      %mul3A_705 = arith.mulf %mul3A_704, %bitcast_convert_type3A_698 : vector<16xf32>
      %mul3A_706 = arith.mulf %mul3A_699, %mul3A_699 : vector<16xf32>
      %mul3A_707 = arith.mulf %mul3A_705, %mul3A_706 : vector<16xf32>
      %sub3A_708 = arith.subf %mul3A_702, %mul3A_707 : vector<16xf32>
      %add3A_709 = arith.addf %add3A_613, %sub3A_708 : vector<16xf32>
      %get3A_710 = arith.index_cast %scan3A_561 : i32 to index
      %get3A_711 = arith.constant 48 : index
      %get3A_712 = tpu.vector_load %arg11[%get3A_710, %get3A_711] {strides = array<i32>} : memref<128x128xf32, #tpu.memory_space<vmem>>, vector<16xf32>,
      %get3A_713 = arith.index_cast %scan3A_561 : i32 to index
      %get3A_714 = arith.constant 112 : index
      %get3A_715 = tpu.vector_load %arg11[%get3A_713, %get3A_714] {strides = array<i32>} : memref<128x128xf32, #tpu.memory_space<vmem>>, vector<16xf32>,
      %get3A_716 = arith.index_cast %scan3A_561 : i32 to index
      %get3A_717 = arith.constant 48 : index
      %get3A_718 = tpu.vector_load %arg12[%get3A_716, %get3A_717] {strides = array<i32>} : memref<128x128xf32, #tpu.memory_space<vmem>>, vector<16xf32>,
      %get3A_719 = arith.index_cast %scan3A_561 : i32 to index
      %get3A_720 = arith.constant 112 : index
      %get3A_721 = tpu.vector_load %arg12[%get3A_719, %get3A_720] {strides = array<i32>} : memref<128x128xf32, #tpu.memory_space<vmem>>, vector<16xf32>,
      %get3A_722 = arith.index_cast %scan3A_561 : i32 to index
      %get3A_723 = arith.constant 48 : index
      %get3A_724 = tpu.vector_load %arg13[%get3A_722, %get3A_723] {strides = array<i32>} : memref<128x128xf32, #tpu.memory_space<vmem>>, vector<16xf32>,
      %get3A_725 = arith.index_cast %scan3A_561 : i32 to index
      %get3A_726 = arith.constant 112 : index
      %get3A_727 = tpu.vector_load %arg13[%get3A_725, %get3A_726] {strides = array<i32>} : memref<128x128xf32, #tpu.memory_space<vmem>>, vector<16xf32>,
      %mul3A_728 = arith.mulf %get3A_712, %get3A_724 : vector<16xf32>
      %mul3A_729 = arith.mulf %get3A_715, %get3A_727 : vector<16xf32>
      %sub3A_730 = arith.subf %mul3A_728, %mul3A_729 : vector<16xf32>
      %sub3A_731 = arith.subf %sub3A_730, %get3A_718 : vector<16xf32>
      %mul3A_732 = arith.mulf %get3A_712, %get3A_727 : vector<16xf32>
      %mul3A_733 = arith.mulf %get3A_715, %get3A_724 : vector<16xf32>
      %add3A_734 = arith.addf %mul3A_732, %mul3A_733 : vector<16xf32>
      %sub3A_735 = arith.subf %add3A_734, %get3A_721 : vector<16xf32>
      %mul3A_736 = arith.mulf %sub3A_731, %sub3A_731 : vector<16xf32>
      %mul3A_737 = arith.mulf %sub3A_735, %sub3A_735 : vector<16xf32>
      %add3A_738 = arith.addf %mul3A_736, %mul3A_737 : vector<16xf32>
      %bitcast_convert_type3A_739 = tpu.bitcast %add3A_738 : vector<16xf32> -> vector<16xi32>
      %shift_right_logical3A_740 = arith.constant 1 : i32
      %shift_right_logical3A_741 = vector.broadcast %shift_right_logical3A_740 : i32 to vector<16xi32>
      %shift_right_logical3A_742 = arith.shrui %bitcast_convert_type3A_739, %shift_right_logical3A_741 : vector<16xi32>
      %sub3A_743 = arith.constant 1597463007 : i32
      %sub3A_744 = vector.broadcast %sub3A_743 : i32 to vector<16xi32>
      %sub3A_745 = arith.subi %sub3A_744, %shift_right_logical3A_742 : vector<16xi32>
      %bitcast_convert_type3A_746 = tpu.bitcast %sub3A_745 : vector<16xi32> -> vector<16xf32>
      %mul3A_747 = arith.mulf %add3A_738, %bitcast_convert_type3A_746 : vector<16xf32>
      %mul3A_748 = arith.constant 1.500000e+00 : f32
      %mul3A_749 = vector.broadcast %mul3A_748 : f32 to vector<16xf32>
      %mul3A_750 = arith.mulf %mul3A_749, %mul3A_747 : vector<16xf32>
      %mul3A_751 = arith.constant 5.000000e-01 : f32
      %mul3A_752 = vector.broadcast %mul3A_751 : f32 to vector<16xf32>
      %mul3A_753 = arith.mulf %mul3A_752, %bitcast_convert_type3A_746 : vector<16xf32>
      %mul3A_754 = arith.mulf %mul3A_747, %mul3A_747 : vector<16xf32>
      %mul3A_755 = arith.mulf %mul3A_753, %mul3A_754 : vector<16xf32>
      %sub3A_756 = arith.subf %mul3A_750, %mul3A_755 : vector<16xf32>
      %add3A_757 = arith.addf %add3A_661, %sub3A_756 : vector<16xf32>
      %add3A_758 = arith.addf %add3A_709, %add3A_757 : vector<16xf32>
      %broadcast_in_dim3A_759 = arith.constant true
      %broadcast_in_dim3A_760 = vector.broadcast %broadcast_in_dim3A_759 : i1 to vector<16xi1>
      %masked_cumsum3A_761 = tpu.scan <sum>, %add3A_758 masked %broadcast_in_dim3A_760 : vector<16xf32>, vector<16xi1> -> vector<16xf32>
      %broadcast_in_dim3A_762 = arith.constant 0 : i32
      %broadcast_in_dim3A_763 = vector.broadcast %broadcast_in_dim3A_762 : i32 to vector<16xi32>
      %add3A_764 = arith.constant 256 : i32
      %add3A_765 = arith.addi %add3A_764, %scan3A_561 : i32
      %add3A_766 = vector.broadcast %add3A_765 : i32 to vector<16xi32>
      %add3A_767 = arith.addi %broadcast_in_dim3A_763, %add3A_766 : vector<16xi32>
      %neg3A_768 = arith.constant 0.000000e+00 : f32
      %neg3A_769 = vector.broadcast %neg3A_768 : f32 to vector<16xf32>
      %neg3A_770 = arith.subf %neg3A_769, %masked_cumsum3A_761 : vector<16xf32>
      tpu.vector_store_idx %arg17[%add3A_767], %neg3A_770 masked %eq3A_4 : memref<512xf32, #tpu.memory_space<vmem>>[vector<16xi32>], vector<16xf32>, vector<16xi1>
      %scan3A_771 = arith.constant 3 : i32
      %scan3A_772 = arith.addi %scan3A_146, %scan3A_771 : i32
      %broadcast_in_dim3A_773 = arith.constant 0.000000e+00 : f32
      %broadcast_in_dim3A_774 = vector.broadcast %broadcast_in_dim3A_773 : f32 to vector<16xf32>
      %broadcast_in_dim3A_775 = arith.constant 0.000000e+00 : f32
      %broadcast_in_dim3A_776 = vector.broadcast %broadcast_in_dim3A_775 : f32 to vector<16xf32>
      %get3A_777 = arith.index_cast %scan3A_772 : i32 to index
      %get3A_778 = arith.constant 0 : index
      %get3A_779 = tpu.vector_load %arg11[%get3A_777, %get3A_778] {strides = array<i32>} : memref<128x128xf32, #tpu.memory_space<vmem>>, vector<16xf32>,
      %get3A_780 = arith.index_cast %scan3A_772 : i32 to index
      %get3A_781 = arith.constant 64 : index
      %get3A_782 = tpu.vector_load %arg11[%get3A_780, %get3A_781] {strides = array<i32>} : memref<128x128xf32, #tpu.memory_space<vmem>>, vector<16xf32>,
      %get3A_783 = arith.index_cast %scan3A_772 : i32 to index
      %get3A_784 = arith.constant 0 : index
      %get3A_785 = tpu.vector_load %arg12[%get3A_783, %get3A_784] {strides = array<i32>} : memref<128x128xf32, #tpu.memory_space<vmem>>, vector<16xf32>,
      %get3A_786 = arith.index_cast %scan3A_772 : i32 to index
      %get3A_787 = arith.constant 64 : index
      %get3A_788 = tpu.vector_load %arg12[%get3A_786, %get3A_787] {strides = array<i32>} : memref<128x128xf32, #tpu.memory_space<vmem>>, vector<16xf32>,
      %get3A_789 = arith.index_cast %scan3A_772 : i32 to index
      %get3A_790 = arith.constant 0 : index
      %get3A_791 = tpu.vector_load %arg13[%get3A_789, %get3A_790] {strides = array<i32>} : memref<128x128xf32, #tpu.memory_space<vmem>>, vector<16xf32>,
      %get3A_792 = arith.index_cast %scan3A_772 : i32 to index
      %get3A_793 = arith.constant 64 : index
      %get3A_794 = tpu.vector_load %arg13[%get3A_792, %get3A_793] {strides = array<i32>} : memref<128x128xf32, #tpu.memory_space<vmem>>, vector<16xf32>,
      %mul3A_795 = arith.mulf %get3A_779, %get3A_791 : vector<16xf32>
      %mul3A_796 = arith.mulf %get3A_782, %get3A_794 : vector<16xf32>
      %sub3A_797 = arith.subf %mul3A_795, %mul3A_796 : vector<16xf32>
      %sub3A_798 = arith.subf %sub3A_797, %get3A_785 : vector<16xf32>
      %mul3A_799 = arith.mulf %get3A_779, %get3A_794 : vector<16xf32>
      %mul3A_800 = arith.mulf %get3A_782, %get3A_791 : vector<16xf32>
      %add3A_801 = arith.addf %mul3A_799, %mul3A_800 : vector<16xf32>
      %sub3A_802 = arith.subf %add3A_801, %get3A_788 : vector<16xf32>
      %mul3A_803 = arith.mulf %sub3A_798, %sub3A_798 : vector<16xf32>
      %mul3A_804 = arith.mulf %sub3A_802, %sub3A_802 : vector<16xf32>
      %add3A_805 = arith.addf %mul3A_803, %mul3A_804 : vector<16xf32>
      %bitcast_convert_type3A_806 = tpu.bitcast %add3A_805 : vector<16xf32> -> vector<16xi32>
      %shift_right_logical3A_807 = arith.constant 1 : i32
      %shift_right_logical3A_808 = vector.broadcast %shift_right_logical3A_807 : i32 to vector<16xi32>
      %shift_right_logical3A_809 = arith.shrui %bitcast_convert_type3A_806, %shift_right_logical3A_808 : vector<16xi32>
      %sub3A_810 = arith.constant 1597463007 : i32
      %sub3A_811 = vector.broadcast %sub3A_810 : i32 to vector<16xi32>
      %sub3A_812 = arith.subi %sub3A_811, %shift_right_logical3A_809 : vector<16xi32>
      %bitcast_convert_type3A_813 = tpu.bitcast %sub3A_812 : vector<16xi32> -> vector<16xf32>
      %mul3A_814 = arith.mulf %add3A_805, %bitcast_convert_type3A_813 : vector<16xf32>
      %mul3A_815 = arith.constant 1.500000e+00 : f32
      %mul3A_816 = vector.broadcast %mul3A_815 : f32 to vector<16xf32>
      %mul3A_817 = arith.mulf %mul3A_816, %mul3A_814 : vector<16xf32>
      %mul3A_818 = arith.constant 5.000000e-01 : f32
      %mul3A_819 = vector.broadcast %mul3A_818 : f32 to vector<16xf32>
      %mul3A_820 = arith.mulf %mul3A_819, %bitcast_convert_type3A_813 : vector<16xf32>
      %mul3A_821 = arith.mulf %mul3A_814, %mul3A_814 : vector<16xf32>
      %mul3A_822 = arith.mulf %mul3A_820, %mul3A_821 : vector<16xf32>
      %sub3A_823 = arith.subf %mul3A_817, %mul3A_822 : vector<16xf32>
      %add3A_824 = arith.addf %broadcast_in_dim3A_774, %sub3A_823 : vector<16xf32>
      %get3A_825 = arith.index_cast %scan3A_772 : i32 to index
      %get3A_826 = arith.constant 16 : index
      %get3A_827 = tpu.vector_load %arg11[%get3A_825, %get3A_826] {strides = array<i32>} : memref<128x128xf32, #tpu.memory_space<vmem>>, vector<16xf32>,
      %get3A_828 = arith.index_cast %scan3A_772 : i32 to index
      %get3A_829 = arith.constant 80 : index
      %get3A_830 = tpu.vector_load %arg11[%get3A_828, %get3A_829] {strides = array<i32>} : memref<128x128xf32, #tpu.memory_space<vmem>>, vector<16xf32>,
      %get3A_831 = arith.index_cast %scan3A_772 : i32 to index
      %get3A_832 = arith.constant 16 : index
      %get3A_833 = tpu.vector_load %arg12[%get3A_831, %get3A_832] {strides = array<i32>} : memref<128x128xf32, #tpu.memory_space<vmem>>, vector<16xf32>,
      %get3A_834 = arith.index_cast %scan3A_772 : i32 to index
      %get3A_835 = arith.constant 80 : index
      %get3A_836 = tpu.vector_load %arg12[%get3A_834, %get3A_835] {strides = array<i32>} : memref<128x128xf32, #tpu.memory_space<vmem>>, vector<16xf32>,
      %get3A_837 = arith.index_cast %scan3A_772 : i32 to index
      %get3A_838 = arith.constant 16 : index
      %get3A_839 = tpu.vector_load %arg13[%get3A_837, %get3A_838] {strides = array<i32>} : memref<128x128xf32, #tpu.memory_space<vmem>>, vector<16xf32>,
      %get3A_840 = arith.index_cast %scan3A_772 : i32 to index
      %get3A_841 = arith.constant 80 : index
      %get3A_842 = tpu.vector_load %arg13[%get3A_840, %get3A_841] {strides = array<i32>} : memref<128x128xf32, #tpu.memory_space<vmem>>, vector<16xf32>,
      %mul3A_843 = arith.mulf %get3A_827, %get3A_839 : vector<16xf32>
      %mul3A_844 = arith.mulf %get3A_830, %get3A_842 : vector<16xf32>
      %sub3A_845 = arith.subf %mul3A_843, %mul3A_844 : vector<16xf32>
      %sub3A_846 = arith.subf %sub3A_845, %get3A_833 : vector<16xf32>
      %mul3A_847 = arith.mulf %get3A_827, %get3A_842 : vector<16xf32>
      %mul3A_848 = arith.mulf %get3A_830, %get3A_839 : vector<16xf32>
      %add3A_849 = arith.addf %mul3A_847, %mul3A_848 : vector<16xf32>
      %sub3A_850 = arith.subf %add3A_849, %get3A_836 : vector<16xf32>
      %mul3A_851 = arith.mulf %sub3A_846, %sub3A_846 : vector<16xf32>
      %mul3A_852 = arith.mulf %sub3A_850, %sub3A_850 : vector<16xf32>
      %add3A_853 = arith.addf %mul3A_851, %mul3A_852 : vector<16xf32>
      %bitcast_convert_type3A_854 = tpu.bitcast %add3A_853 : vector<16xf32> -> vector<16xi32>
      %shift_right_logical3A_855 = arith.constant 1 : i32
      %shift_right_logical3A_856 = vector.broadcast %shift_right_logical3A_855 : i32 to vector<16xi32>
      %shift_right_logical3A_857 = arith.shrui %bitcast_convert_type3A_854, %shift_right_logical3A_856 : vector<16xi32>
      %sub3A_858 = arith.constant 1597463007 : i32
      %sub3A_859 = vector.broadcast %sub3A_858 : i32 to vector<16xi32>
      %sub3A_860 = arith.subi %sub3A_859, %shift_right_logical3A_857 : vector<16xi32>
      %bitcast_convert_type3A_861 = tpu.bitcast %sub3A_860 : vector<16xi32> -> vector<16xf32>
      %mul3A_862 = arith.mulf %add3A_853, %bitcast_convert_type3A_861 : vector<16xf32>
      %mul3A_863 = arith.constant 1.500000e+00 : f32
      %mul3A_864 = vector.broadcast %mul3A_863 : f32 to vector<16xf32>
      %mul3A_865 = arith.mulf %mul3A_864, %mul3A_862 : vector<16xf32>
      %mul3A_866 = arith.constant 5.000000e-01 : f32
      %mul3A_867 = vector.broadcast %mul3A_866 : f32 to vector<16xf32>
      %mul3A_868 = arith.mulf %mul3A_867, %bitcast_convert_type3A_861 : vector<16xf32>
      %mul3A_869 = arith.mulf %mul3A_862, %mul3A_862 : vector<16xf32>
      %mul3A_870 = arith.mulf %mul3A_868, %mul3A_869 : vector<16xf32>
      %sub3A_871 = arith.subf %mul3A_865, %mul3A_870 : vector<16xf32>
      %add3A_872 = arith.addf %broadcast_in_dim3A_776, %sub3A_871 : vector<16xf32>
      %get3A_873 = arith.index_cast %scan3A_772 : i32 to index
      %get3A_874 = arith.constant 32 : index
      %get3A_875 = tpu.vector_load %arg11[%get3A_873, %get3A_874] {strides = array<i32>} : memref<128x128xf32, #tpu.memory_space<vmem>>, vector<16xf32>,
      %get3A_876 = arith.index_cast %scan3A_772 : i32 to index
      %get3A_877 = arith.constant 96 : index
      %get3A_878 = tpu.vector_load %arg11[%get3A_876, %get3A_877] {strides = array<i32>} : memref<128x128xf32, #tpu.memory_space<vmem>>, vector<16xf32>,
      %get3A_879 = arith.index_cast %scan3A_772 : i32 to index
      %get3A_880 = arith.constant 32 : index
      %get3A_881 = tpu.vector_load %arg12[%get3A_879, %get3A_880] {strides = array<i32>} : memref<128x128xf32, #tpu.memory_space<vmem>>, vector<16xf32>,
      %get3A_882 = arith.index_cast %scan3A_772 : i32 to index
      %get3A_883 = arith.constant 96 : index
      %get3A_884 = tpu.vector_load %arg12[%get3A_882, %get3A_883] {strides = array<i32>} : memref<128x128xf32, #tpu.memory_space<vmem>>, vector<16xf32>,
      %get3A_885 = arith.index_cast %scan3A_772 : i32 to index
      %get3A_886 = arith.constant 32 : index
      %get3A_887 = tpu.vector_load %arg13[%get3A_885, %get3A_886] {strides = array<i32>} : memref<128x128xf32, #tpu.memory_space<vmem>>, vector<16xf32>,
      %get3A_888 = arith.index_cast %scan3A_772 : i32 to index
      %get3A_889 = arith.constant 96 : index
      %get3A_890 = tpu.vector_load %arg13[%get3A_888, %get3A_889] {strides = array<i32>} : memref<128x128xf32, #tpu.memory_space<vmem>>, vector<16xf32>,
      %mul3A_891 = arith.mulf %get3A_875, %get3A_887 : vector<16xf32>
      %mul3A_892 = arith.mulf %get3A_878, %get3A_890 : vector<16xf32>
      %sub3A_893 = arith.subf %mul3A_891, %mul3A_892 : vector<16xf32>
      %sub3A_894 = arith.subf %sub3A_893, %get3A_881 : vector<16xf32>
      %mul3A_895 = arith.mulf %get3A_875, %get3A_890 : vector<16xf32>
      %mul3A_896 = arith.mulf %get3A_878, %get3A_887 : vector<16xf32>
      %add3A_897 = arith.addf %mul3A_895, %mul3A_896 : vector<16xf32>
      %sub3A_898 = arith.subf %add3A_897, %get3A_884 : vector<16xf32>
      %mul3A_899 = arith.mulf %sub3A_894, %sub3A_894 : vector<16xf32>
      %mul3A_900 = arith.mulf %sub3A_898, %sub3A_898 : vector<16xf32>
      %add3A_901 = arith.addf %mul3A_899, %mul3A_900 : vector<16xf32>
      %bitcast_convert_type3A_902 = tpu.bitcast %add3A_901 : vector<16xf32> -> vector<16xi32>
      %shift_right_logical3A_903 = arith.constant 1 : i32
      %shift_right_logical3A_904 = vector.broadcast %shift_right_logical3A_903 : i32 to vector<16xi32>
      %shift_right_logical3A_905 = arith.shrui %bitcast_convert_type3A_902, %shift_right_logical3A_904 : vector<16xi32>
      %sub3A_906 = arith.constant 1597463007 : i32
      %sub3A_907 = vector.broadcast %sub3A_906 : i32 to vector<16xi32>
      %sub3A_908 = arith.subi %sub3A_907, %shift_right_logical3A_905 : vector<16xi32>
      %bitcast_convert_type3A_909 = tpu.bitcast %sub3A_908 : vector<16xi32> -> vector<16xf32>
      %mul3A_910 = arith.mulf %add3A_901, %bitcast_convert_type3A_909 : vector<16xf32>
      %mul3A_911 = arith.constant 1.500000e+00 : f32
      %mul3A_912 = vector.broadcast %mul3A_911 : f32 to vector<16xf32>
      %mul3A_913 = arith.mulf %mul3A_912, %mul3A_910 : vector<16xf32>
      %mul3A_914 = arith.constant 5.000000e-01 : f32
      %mul3A_915 = vector.broadcast %mul3A_914 : f32 to vector<16xf32>
      %mul3A_916 = arith.mulf %mul3A_915, %bitcast_convert_type3A_909 : vector<16xf32>
      %mul3A_917 = arith.mulf %mul3A_910, %mul3A_910 : vector<16xf32>
      %mul3A_918 = arith.mulf %mul3A_916, %mul3A_917 : vector<16xf32>
      %sub3A_919 = arith.subf %mul3A_913, %mul3A_918 : vector<16xf32>
      %add3A_920 = arith.addf %add3A_824, %sub3A_919 : vector<16xf32>
      %get3A_921 = arith.index_cast %scan3A_772 : i32 to index
      %get3A_922 = arith.constant 48 : index
      %get3A_923 = tpu.vector_load %arg11[%get3A_921, %get3A_922] {strides = array<i32>} : memref<128x128xf32, #tpu.memory_space<vmem>>, vector<16xf32>,
      %get3A_924 = arith.index_cast %scan3A_772 : i32 to index
      %get3A_925 = arith.constant 112 : index
      %get3A_926 = tpu.vector_load %arg11[%get3A_924, %get3A_925] {strides = array<i32>} : memref<128x128xf32, #tpu.memory_space<vmem>>, vector<16xf32>,
      %get3A_927 = arith.index_cast %scan3A_772 : i32 to index
      %get3A_928 = arith.constant 48 : index
      %get3A_929 = tpu.vector_load %arg12[%get3A_927, %get3A_928] {strides = array<i32>} : memref<128x128xf32, #tpu.memory_space<vmem>>, vector<16xf32>,
      %get3A_930 = arith.index_cast %scan3A_772 : i32 to index
      %get3A_931 = arith.constant 112 : index
      %get3A_932 = tpu.vector_load %arg12[%get3A_930, %get3A_931] {strides = array<i32>} : memref<128x128xf32, #tpu.memory_space<vmem>>, vector<16xf32>,
      %get3A_933 = arith.index_cast %scan3A_772 : i32 to index
      %get3A_934 = arith.constant 48 : index
      %get3A_935 = tpu.vector_load %arg13[%get3A_933, %get3A_934] {strides = array<i32>} : memref<128x128xf32, #tpu.memory_space<vmem>>, vector<16xf32>,
      %get3A_936 = arith.index_cast %scan3A_772 : i32 to index
      %get3A_937 = arith.constant 112 : index
      %get3A_938 = tpu.vector_load %arg13[%get3A_936, %get3A_937] {strides = array<i32>} : memref<128x128xf32, #tpu.memory_space<vmem>>, vector<16xf32>,
      %mul3A_939 = arith.mulf %get3A_923, %get3A_935 : vector<16xf32>
      %mul3A_940 = arith.mulf %get3A_926, %get3A_938 : vector<16xf32>
      %sub3A_941 = arith.subf %mul3A_939, %mul3A_940 : vector<16xf32>
      %sub3A_942 = arith.subf %sub3A_941, %get3A_929 : vector<16xf32>
      %mul3A_943 = arith.mulf %get3A_923, %get3A_938 : vector<16xf32>
      %mul3A_944 = arith.mulf %get3A_926, %get3A_935 : vector<16xf32>
      %add3A_945 = arith.addf %mul3A_943, %mul3A_944 : vector<16xf32>
      %sub3A_946 = arith.subf %add3A_945, %get3A_932 : vector<16xf32>
      %mul3A_947 = arith.mulf %sub3A_942, %sub3A_942 : vector<16xf32>
      %mul3A_948 = arith.mulf %sub3A_946, %sub3A_946 : vector<16xf32>
      %add3A_949 = arith.addf %mul3A_947, %mul3A_948 : vector<16xf32>
      %bitcast_convert_type3A_950 = tpu.bitcast %add3A_949 : vector<16xf32> -> vector<16xi32>
      %shift_right_logical3A_951 = arith.constant 1 : i32
      %shift_right_logical3A_952 = vector.broadcast %shift_right_logical3A_951 : i32 to vector<16xi32>
      %shift_right_logical3A_953 = arith.shrui %bitcast_convert_type3A_950, %shift_right_logical3A_952 : vector<16xi32>
      %sub3A_954 = arith.constant 1597463007 : i32
      %sub3A_955 = vector.broadcast %sub3A_954 : i32 to vector<16xi32>
      %sub3A_956 = arith.subi %sub3A_955, %shift_right_logical3A_953 : vector<16xi32>
      %bitcast_convert_type3A_957 = tpu.bitcast %sub3A_956 : vector<16xi32> -> vector<16xf32>
      %mul3A_958 = arith.mulf %add3A_949, %bitcast_convert_type3A_957 : vector<16xf32>
      %mul3A_959 = arith.constant 1.500000e+00 : f32
      %mul3A_960 = vector.broadcast %mul3A_959 : f32 to vector<16xf32>
      %mul3A_961 = arith.mulf %mul3A_960, %mul3A_958 : vector<16xf32>
      %mul3A_962 = arith.constant 5.000000e-01 : f32
      %mul3A_963 = vector.broadcast %mul3A_962 : f32 to vector<16xf32>
      %mul3A_964 = arith.mulf %mul3A_963, %bitcast_convert_type3A_957 : vector<16xf32>
      %mul3A_965 = arith.mulf %mul3A_958, %mul3A_958 : vector<16xf32>
      %mul3A_966 = arith.mulf %mul3A_964, %mul3A_965 : vector<16xf32>
      %sub3A_967 = arith.subf %mul3A_961, %mul3A_966 : vector<16xf32>
      %add3A_968 = arith.addf %add3A_872, %sub3A_967 : vector<16xf32>
      %add3A_969 = arith.addf %add3A_920, %add3A_968 : vector<16xf32>
      %broadcast_in_dim3A_970 = arith.constant true
      %broadcast_in_dim3A_971 = vector.broadcast %broadcast_in_dim3A_970 : i1 to vector<16xi1>
      %masked_cumsum3A_972 = tpu.scan <sum>, %add3A_969 masked %broadcast_in_dim3A_971 : vector<16xf32>, vector<16xi1> -> vector<16xf32>
      %broadcast_in_dim3A_973 = arith.constant 0 : i32
      %broadcast_in_dim3A_974 = vector.broadcast %broadcast_in_dim3A_973 : i32 to vector<16xi32>
      %add3A_975 = arith.constant 256 : i32
      %add3A_976 = arith.addi %add3A_975, %scan3A_772 : i32
      %add3A_977 = vector.broadcast %add3A_976 : i32 to vector<16xi32>
      %add3A_978 = arith.addi %broadcast_in_dim3A_974, %add3A_977 : vector<16xi32>
      %neg3A_979 = arith.constant 0.000000e+00 : f32
      %neg3A_980 = vector.broadcast %neg3A_979 : f32 to vector<16xf32>
      %neg3A_981 = arith.subf %neg3A_980, %masked_cumsum3A_972 : vector<16xf32>
      tpu.vector_store_idx %arg17[%add3A_978], %neg3A_981 masked %eq3A_4 : memref<512xf32, #tpu.memory_space<vmem>>[vector<16xi32>], vector<16xf32>, vector<16xi1>
    }
    %scan3A_124 = arith.constant 128 : i32
    %dma_wait3A_125 = arith.constant 384 : i32
    %dma_wait3A_126 = tpu.memref_slice %arg8[%dma_wait3A_125] : memref<512xi32, #tpu.memory_space<vmem>> -> memref<128xi32, #tpu.memory_space<vmem>>
    %dma_wait3A_127 = arith.constant 0 : i32
    %dma_wait3A_128 = arith.constant 0 : i32
    %dma_wait3A_129 = tpu.memref_slice %arg5[%dma_wait3A_127, %dma_wait3A_128] : memref<1000000x128xf32, #tpu.memory_space<hbm>> -> memref<1000000x128xf32, #tpu.memory_space<hbm>>
    tpu.wait_indirect_dma semaphore(%arg18 : memref<!tpu.dma_semaphore, #tpu.memory_space<semaphore_mem>>) src(%dma_wait3A_129 : memref<1000000x128xf32, #tpu.memory_space<hbm>>) dst(%arg14 : memref<128x128xf32, #tpu.memory_space<vmem>>)
    %dma_wait3A_130 = arith.constant 384 : i32
    %dma_wait3A_131 = tpu.memref_slice %arg10[%dma_wait3A_130] : memref<512xi32, #tpu.memory_space<vmem>> -> memref<128xi32, #tpu.memory_space<vmem>>
    %dma_wait3A_132 = arith.constant 0 : i32
    %dma_wait3A_133 = arith.constant 0 : i32
    %dma_wait3A_134 = tpu.memref_slice %arg5[%dma_wait3A_132, %dma_wait3A_133] : memref<1000000x128xf32, #tpu.memory_space<hbm>> -> memref<1000000x128xf32, #tpu.memory_space<hbm>>
    tpu.wait_indirect_dma semaphore(%arg19 : memref<!tpu.dma_semaphore, #tpu.memory_space<semaphore_mem>>) src(%dma_wait3A_134 : memref<1000000x128xf32, #tpu.memory_space<hbm>>) dst(%arg15 : memref<128x128xf32, #tpu.memory_space<vmem>>)
    %dma_wait3A_135 = arith.constant 384 : i32
    %dma_wait3A_136 = tpu.memref_slice %arg9[%dma_wait3A_135] : memref<512xi32, #tpu.memory_space<vmem>> -> memref<128xi32, #tpu.memory_space<vmem>>
    %dma_wait3A_137 = arith.constant 0 : i32
    %dma_wait3A_138 = arith.constant 0 : i32
    %dma_wait3A_139 = tpu.memref_slice %arg6[%dma_wait3A_137, %dma_wait3A_138] : memref<1000x128xf32, #tpu.memory_space<hbm>> -> memref<1000x128xf32, #tpu.memory_space<hbm>>
    tpu.wait_indirect_dma semaphore(%arg20 : memref<!tpu.dma_semaphore, #tpu.memory_space<semaphore_mem>>) src(%dma_wait3A_139 : memref<1000x128xf32, #tpu.memory_space<hbm>>) dst(%arg16 : memref<128x128xf32, #tpu.memory_space<vmem>>)
    %scan3A_140 = arith.constant 0 : i32
    %scan3A_141 = arith.constant 0 : i32
    %scan3A_142 = arith.constant 128 : i32
    %scan3A_143 = arith.addi %scan3A_141, %scan3A_142 : i32
    %scan3A_144 = arith.constant 4 : i32
    scf.for %scan3A_146 = %scan3A_141 to %scan3A_143 step %scan3A_144  : i32 {
      %broadcast_in_dim3A = arith.constant 0.000000e+00 : f32
      %broadcast_in_dim3A_147 = vector.broadcast %broadcast_in_dim3A : f32 to vector<16xf32>
      %broadcast_in_dim3A_148 = arith.constant 0.000000e+00 : f32
      %broadcast_in_dim3A_149 = vector.broadcast %broadcast_in_dim3A_148 : f32 to vector<16xf32>
      %get3A = arith.index_cast %scan3A_146 : i32 to index
      %get3A_150 = arith.constant 0 : index
      %get3A_151 = tpu.vector_load %arg14[%get3A, %get3A_150] {strides = array<i32>} : memref<128x128xf32, #tpu.memory_space<vmem>>, vector<16xf32>,
      %get3A_152 = arith.index_cast %scan3A_146 : i32 to index
      %get3A_153 = arith.constant 64 : index
      %get3A_154 = tpu.vector_load %arg14[%get3A_152, %get3A_153] {strides = array<i32>} : memref<128x128xf32, #tpu.memory_space<vmem>>, vector<16xf32>,
      %get3A_155 = arith.index_cast %scan3A_146 : i32 to index
      %get3A_156 = arith.constant 0 : index
      %get3A_157 = tpu.vector_load %arg15[%get3A_155, %get3A_156] {strides = array<i32>} : memref<128x128xf32, #tpu.memory_space<vmem>>, vector<16xf32>,
      %get3A_158 = arith.index_cast %scan3A_146 : i32 to index
      %get3A_159 = arith.constant 64 : index
      %get3A_160 = tpu.vector_load %arg15[%get3A_158, %get3A_159] {strides = array<i32>} : memref<128x128xf32, #tpu.memory_space<vmem>>, vector<16xf32>,
      %get3A_161 = arith.index_cast %scan3A_146 : i32 to index
      %get3A_162 = arith.constant 0 : index
      %get3A_163 = tpu.vector_load %arg16[%get3A_161, %get3A_162] {strides = array<i32>} : memref<128x128xf32, #tpu.memory_space<vmem>>, vector<16xf32>,
      %get3A_164 = arith.index_cast %scan3A_146 : i32 to index
      %get3A_165 = arith.constant 64 : index
      %get3A_166 = tpu.vector_load %arg16[%get3A_164, %get3A_165] {strides = array<i32>} : memref<128x128xf32, #tpu.memory_space<vmem>>, vector<16xf32>,
      %mul3A_167 = arith.mulf %get3A_151, %get3A_163 : vector<16xf32>
      %mul3A_168 = arith.mulf %get3A_154, %get3A_166 : vector<16xf32>
      %sub3A = arith.subf %mul3A_167, %mul3A_168 : vector<16xf32>
      %sub3A_169 = arith.subf %sub3A, %get3A_157 : vector<16xf32>
      %mul3A_170 = arith.mulf %get3A_151, %get3A_166 : vector<16xf32>
      %mul3A_171 = arith.mulf %get3A_154, %get3A_163 : vector<16xf32>
      %add3A_172 = arith.addf %mul3A_170, %mul3A_171 : vector<16xf32>
      %sub3A_173 = arith.subf %add3A_172, %get3A_160 : vector<16xf32>
      %mul3A_174 = arith.mulf %sub3A_169, %sub3A_169 : vector<16xf32>
      %mul3A_175 = arith.mulf %sub3A_173, %sub3A_173 : vector<16xf32>
      %add3A_176 = arith.addf %mul3A_174, %mul3A_175 : vector<16xf32>
      %bitcast_convert_type3A = tpu.bitcast %add3A_176 : vector<16xf32> -> vector<16xi32>
      %shift_right_logical3A = arith.constant 1 : i32
      %shift_right_logical3A_177 = vector.broadcast %shift_right_logical3A : i32 to vector<16xi32>
      %shift_right_logical3A_178 = arith.shrui %bitcast_convert_type3A, %shift_right_logical3A_177 : vector<16xi32>
      %sub3A_179 = arith.constant 1597463007 : i32
      %sub3A_180 = vector.broadcast %sub3A_179 : i32 to vector<16xi32>
      %sub3A_181 = arith.subi %sub3A_180, %shift_right_logical3A_178 : vector<16xi32>
      %bitcast_convert_type3A_182 = tpu.bitcast %sub3A_181 : vector<16xi32> -> vector<16xf32>
      %mul3A_183 = arith.mulf %add3A_176, %bitcast_convert_type3A_182 : vector<16xf32>
      %mul3A_184 = arith.constant 1.500000e+00 : f32
      %mul3A_185 = vector.broadcast %mul3A_184 : f32 to vector<16xf32>
      %mul3A_186 = arith.mulf %mul3A_185, %mul3A_183 : vector<16xf32>
      %mul3A_187 = arith.constant 5.000000e-01 : f32
      %mul3A_188 = vector.broadcast %mul3A_187 : f32 to vector<16xf32>
      %mul3A_189 = arith.mulf %mul3A_188, %bitcast_convert_type3A_182 : vector<16xf32>
      %mul3A_190 = arith.mulf %mul3A_183, %mul3A_183 : vector<16xf32>
      %mul3A_191 = arith.mulf %mul3A_189, %mul3A_190 : vector<16xf32>
      %sub3A_192 = arith.subf %mul3A_186, %mul3A_191 : vector<16xf32>
      %add3A_193 = arith.addf %broadcast_in_dim3A_147, %sub3A_192 : vector<16xf32>
      %get3A_194 = arith.index_cast %scan3A_146 : i32 to index
      %get3A_195 = arith.constant 16 : index
      %get3A_196 = tpu.vector_load %arg14[%get3A_194, %get3A_195] {strides = array<i32>} : memref<128x128xf32, #tpu.memory_space<vmem>>, vector<16xf32>,
      %get3A_197 = arith.index_cast %scan3A_146 : i32 to index
      %get3A_198 = arith.constant 80 : index
      %get3A_199 = tpu.vector_load %arg14[%get3A_197, %get3A_198] {strides = array<i32>} : memref<128x128xf32, #tpu.memory_space<vmem>>, vector<16xf32>,
      %get3A_200 = arith.index_cast %scan3A_146 : i32 to index
      %get3A_201 = arith.constant 16 : index
      %get3A_202 = tpu.vector_load %arg15[%get3A_200, %get3A_201] {strides = array<i32>} : memref<128x128xf32, #tpu.memory_space<vmem>>, vector<16xf32>,
      %get3A_203 = arith.index_cast %scan3A_146 : i32 to index
      %get3A_204 = arith.constant 80 : index
      %get3A_205 = tpu.vector_load %arg15[%get3A_203, %get3A_204] {strides = array<i32>} : memref<128x128xf32, #tpu.memory_space<vmem>>, vector<16xf32>,
      %get3A_206 = arith.index_cast %scan3A_146 : i32 to index
      %get3A_207 = arith.constant 16 : index
      %get3A_208 = tpu.vector_load %arg16[%get3A_206, %get3A_207] {strides = array<i32>} : memref<128x128xf32, #tpu.memory_space<vmem>>, vector<16xf32>,
      %get3A_209 = arith.index_cast %scan3A_146 : i32 to index
      %get3A_210 = arith.constant 80 : index
      %get3A_211 = tpu.vector_load %arg16[%get3A_209, %get3A_210] {strides = array<i32>} : memref<128x128xf32, #tpu.memory_space<vmem>>, vector<16xf32>,
      %mul3A_212 = arith.mulf %get3A_196, %get3A_208 : vector<16xf32>
      %mul3A_213 = arith.mulf %get3A_199, %get3A_211 : vector<16xf32>
      %sub3A_214 = arith.subf %mul3A_212, %mul3A_213 : vector<16xf32>
      %sub3A_215 = arith.subf %sub3A_214, %get3A_202 : vector<16xf32>
      %mul3A_216 = arith.mulf %get3A_196, %get3A_211 : vector<16xf32>
      %mul3A_217 = arith.mulf %get3A_199, %get3A_208 : vector<16xf32>
      %add3A_218 = arith.addf %mul3A_216, %mul3A_217 : vector<16xf32>
      %sub3A_219 = arith.subf %add3A_218, %get3A_205 : vector<16xf32>
      %mul3A_220 = arith.mulf %sub3A_215, %sub3A_215 : vector<16xf32>
      %mul3A_221 = arith.mulf %sub3A_219, %sub3A_219 : vector<16xf32>
      %add3A_222 = arith.addf %mul3A_220, %mul3A_221 : vector<16xf32>
      %bitcast_convert_type3A_223 = tpu.bitcast %add3A_222 : vector<16xf32> -> vector<16xi32>
      %shift_right_logical3A_224 = arith.constant 1 : i32
      %shift_right_logical3A_225 = vector.broadcast %shift_right_logical3A_224 : i32 to vector<16xi32>
      %shift_right_logical3A_226 = arith.shrui %bitcast_convert_type3A_223, %shift_right_logical3A_225 : vector<16xi32>
      %sub3A_227 = arith.constant 1597463007 : i32
      %sub3A_228 = vector.broadcast %sub3A_227 : i32 to vector<16xi32>
      %sub3A_229 = arith.subi %sub3A_228, %shift_right_logical3A_226 : vector<16xi32>
      %bitcast_convert_type3A_230 = tpu.bitcast %sub3A_229 : vector<16xi32> -> vector<16xf32>
      %mul3A_231 = arith.mulf %add3A_222, %bitcast_convert_type3A_230 : vector<16xf32>
      %mul3A_232 = arith.constant 1.500000e+00 : f32
      %mul3A_233 = vector.broadcast %mul3A_232 : f32 to vector<16xf32>
      %mul3A_234 = arith.mulf %mul3A_233, %mul3A_231 : vector<16xf32>
      %mul3A_235 = arith.constant 5.000000e-01 : f32
      %mul3A_236 = vector.broadcast %mul3A_235 : f32 to vector<16xf32>
      %mul3A_237 = arith.mulf %mul3A_236, %bitcast_convert_type3A_230 : vector<16xf32>
      %mul3A_238 = arith.mulf %mul3A_231, %mul3A_231 : vector<16xf32>
      %mul3A_239 = arith.mulf %mul3A_237, %mul3A_238 : vector<16xf32>
      %sub3A_240 = arith.subf %mul3A_234, %mul3A_239 : vector<16xf32>
      %add3A_241 = arith.addf %broadcast_in_dim3A_149, %sub3A_240 : vector<16xf32>
      %get3A_242 = arith.index_cast %scan3A_146 : i32 to index
      %get3A_243 = arith.constant 32 : index
      %get3A_244 = tpu.vector_load %arg14[%get3A_242, %get3A_243] {strides = array<i32>} : memref<128x128xf32, #tpu.memory_space<vmem>>, vector<16xf32>,
      %get3A_245 = arith.index_cast %scan3A_146 : i32 to index
      %get3A_246 = arith.constant 96 : index
      %get3A_247 = tpu.vector_load %arg14[%get3A_245, %get3A_246] {strides = array<i32>} : memref<128x128xf32, #tpu.memory_space<vmem>>, vector<16xf32>,
      %get3A_248 = arith.index_cast %scan3A_146 : i32 to index
      %get3A_249 = arith.constant 32 : index
      %get3A_250 = tpu.vector_load %arg15[%get3A_248, %get3A_249] {strides = array<i32>} : memref<128x128xf32, #tpu.memory_space<vmem>>, vector<16xf32>,
      %get3A_251 = arith.index_cast %scan3A_146 : i32 to index
      %get3A_252 = arith.constant 96 : index
      %get3A_253 = tpu.vector_load %arg15[%get3A_251, %get3A_252] {strides = array<i32>} : memref<128x128xf32, #tpu.memory_space<vmem>>, vector<16xf32>,
      %get3A_254 = arith.index_cast %scan3A_146 : i32 to index
      %get3A_255 = arith.constant 32 : index
      %get3A_256 = tpu.vector_load %arg16[%get3A_254, %get3A_255] {strides = array<i32>} : memref<128x128xf32, #tpu.memory_space<vmem>>, vector<16xf32>,
      %get3A_257 = arith.index_cast %scan3A_146 : i32 to index
      %get3A_258 = arith.constant 96 : index
      %get3A_259 = tpu.vector_load %arg16[%get3A_257, %get3A_258] {strides = array<i32>} : memref<128x128xf32, #tpu.memory_space<vmem>>, vector<16xf32>,
      %mul3A_260 = arith.mulf %get3A_244, %get3A_256 : vector<16xf32>
      %mul3A_261 = arith.mulf %get3A_247, %get3A_259 : vector<16xf32>
      %sub3A_262 = arith.subf %mul3A_260, %mul3A_261 : vector<16xf32>
      %sub3A_263 = arith.subf %sub3A_262, %get3A_250 : vector<16xf32>
      %mul3A_264 = arith.mulf %get3A_244, %get3A_259 : vector<16xf32>
      %mul3A_265 = arith.mulf %get3A_247, %get3A_256 : vector<16xf32>
      %add3A_266 = arith.addf %mul3A_264, %mul3A_265 : vector<16xf32>
      %sub3A_267 = arith.subf %add3A_266, %get3A_253 : vector<16xf32>
      %mul3A_268 = arith.mulf %sub3A_263, %sub3A_263 : vector<16xf32>
      %mul3A_269 = arith.mulf %sub3A_267, %sub3A_267 : vector<16xf32>
      %add3A_270 = arith.addf %mul3A_268, %mul3A_269 : vector<16xf32>
      %bitcast_convert_type3A_271 = tpu.bitcast %add3A_270 : vector<16xf32> -> vector<16xi32>
      %shift_right_logical3A_272 = arith.constant 1 : i32
      %shift_right_logical3A_273 = vector.broadcast %shift_right_logical3A_272 : i32 to vector<16xi32>
      %shift_right_logical3A_274 = arith.shrui %bitcast_convert_type3A_271, %shift_right_logical3A_273 : vector<16xi32>
      %sub3A_275 = arith.constant 1597463007 : i32
      %sub3A_276 = vector.broadcast %sub3A_275 : i32 to vector<16xi32>
      %sub3A_277 = arith.subi %sub3A_276, %shift_right_logical3A_274 : vector<16xi32>
      %bitcast_convert_type3A_278 = tpu.bitcast %sub3A_277 : vector<16xi32> -> vector<16xf32>
      %mul3A_279 = arith.mulf %add3A_270, %bitcast_convert_type3A_278 : vector<16xf32>
      %mul3A_280 = arith.constant 1.500000e+00 : f32
      %mul3A_281 = vector.broadcast %mul3A_280 : f32 to vector<16xf32>
      %mul3A_282 = arith.mulf %mul3A_281, %mul3A_279 : vector<16xf32>
      %mul3A_283 = arith.constant 5.000000e-01 : f32
      %mul3A_284 = vector.broadcast %mul3A_283 : f32 to vector<16xf32>
      %mul3A_285 = arith.mulf %mul3A_284, %bitcast_convert_type3A_278 : vector<16xf32>
      %mul3A_286 = arith.mulf %mul3A_279, %mul3A_279 : vector<16xf32>
      %mul3A_287 = arith.mulf %mul3A_285, %mul3A_286 : vector<16xf32>
      %sub3A_288 = arith.subf %mul3A_282, %mul3A_287 : vector<16xf32>
      %add3A_289 = arith.addf %add3A_193, %sub3A_288 : vector<16xf32>
      %get3A_290 = arith.index_cast %scan3A_146 : i32 to index
      %get3A_291 = arith.constant 48 : index
      %get3A_292 = tpu.vector_load %arg14[%get3A_290, %get3A_291] {strides = array<i32>} : memref<128x128xf32, #tpu.memory_space<vmem>>, vector<16xf32>,
      %get3A_293 = arith.index_cast %scan3A_146 : i32 to index
      %get3A_294 = arith.constant 112 : index
      %get3A_295 = tpu.vector_load %arg14[%get3A_293, %get3A_294] {strides = array<i32>} : memref<128x128xf32, #tpu.memory_space<vmem>>, vector<16xf32>,
      %get3A_296 = arith.index_cast %scan3A_146 : i32 to index
      %get3A_297 = arith.constant 48 : index
      %get3A_298 = tpu.vector_load %arg15[%get3A_296, %get3A_297] {strides = array<i32>} : memref<128x128xf32, #tpu.memory_space<vmem>>, vector<16xf32>,
      %get3A_299 = arith.index_cast %scan3A_146 : i32 to index
      %get3A_300 = arith.constant 112 : index
      %get3A_301 = tpu.vector_load %arg15[%get3A_299, %get3A_300] {strides = array<i32>} : memref<128x128xf32, #tpu.memory_space<vmem>>, vector<16xf32>,
      %get3A_302 = arith.index_cast %scan3A_146 : i32 to index
      %get3A_303 = arith.constant 48 : index
      %get3A_304 = tpu.vector_load %arg16[%get3A_302, %get3A_303] {strides = array<i32>} : memref<128x128xf32, #tpu.memory_space<vmem>>, vector<16xf32>,
      %get3A_305 = arith.index_cast %scan3A_146 : i32 to index
      %get3A_306 = arith.constant 112 : index
      %get3A_307 = tpu.vector_load %arg16[%get3A_305, %get3A_306] {strides = array<i32>} : memref<128x128xf32, #tpu.memory_space<vmem>>, vector<16xf32>,
      %mul3A_308 = arith.mulf %get3A_292, %get3A_304 : vector<16xf32>
      %mul3A_309 = arith.mulf %get3A_295, %get3A_307 : vector<16xf32>
      %sub3A_310 = arith.subf %mul3A_308, %mul3A_309 : vector<16xf32>
      %sub3A_311 = arith.subf %sub3A_310, %get3A_298 : vector<16xf32>
      %mul3A_312 = arith.mulf %get3A_292, %get3A_307 : vector<16xf32>
      %mul3A_313 = arith.mulf %get3A_295, %get3A_304 : vector<16xf32>
      %add3A_314 = arith.addf %mul3A_312, %mul3A_313 : vector<16xf32>
      %sub3A_315 = arith.subf %add3A_314, %get3A_301 : vector<16xf32>
      %mul3A_316 = arith.mulf %sub3A_311, %sub3A_311 : vector<16xf32>
      %mul3A_317 = arith.mulf %sub3A_315, %sub3A_315 : vector<16xf32>
      %add3A_318 = arith.addf %mul3A_316, %mul3A_317 : vector<16xf32>
      %bitcast_convert_type3A_319 = tpu.bitcast %add3A_318 : vector<16xf32> -> vector<16xi32>
      %shift_right_logical3A_320 = arith.constant 1 : i32
      %shift_right_logical3A_321 = vector.broadcast %shift_right_logical3A_320 : i32 to vector<16xi32>
      %shift_right_logical3A_322 = arith.shrui %bitcast_convert_type3A_319, %shift_right_logical3A_321 : vector<16xi32>
      %sub3A_323 = arith.constant 1597463007 : i32
      %sub3A_324 = vector.broadcast %sub3A_323 : i32 to vector<16xi32>
      %sub3A_325 = arith.subi %sub3A_324, %shift_right_logical3A_322 : vector<16xi32>
      %bitcast_convert_type3A_326 = tpu.bitcast %sub3A_325 : vector<16xi32> -> vector<16xf32>
      %mul3A_327 = arith.mulf %add3A_318, %bitcast_convert_type3A_326 : vector<16xf32>
      %mul3A_328 = arith.constant 1.500000e+00 : f32
      %mul3A_329 = vector.broadcast %mul3A_328 : f32 to vector<16xf32>
      %mul3A_330 = arith.mulf %mul3A_329, %mul3A_327 : vector<16xf32>
      %mul3A_331 = arith.constant 5.000000e-01 : f32
      %mul3A_332 = vector.broadcast %mul3A_331 : f32 to vector<16xf32>
      %mul3A_333 = arith.mulf %mul3A_332, %bitcast_convert_type3A_326 : vector<16xf32>
      %mul3A_334 = arith.mulf %mul3A_327, %mul3A_327 : vector<16xf32>
      %mul3A_335 = arith.mulf %mul3A_333, %mul3A_334 : vector<16xf32>
      %sub3A_336 = arith.subf %mul3A_330, %mul3A_335 : vector<16xf32>
      %add3A_337 = arith.addf %add3A_241, %sub3A_336 : vector<16xf32>
      %add3A_338 = arith.addf %add3A_289, %add3A_337 : vector<16xf32>
      %broadcast_in_dim3A_339 = arith.constant true
      %broadcast_in_dim3A_340 = vector.broadcast %broadcast_in_dim3A_339 : i1 to vector<16xi1>
      %masked_cumsum3A = tpu.scan <sum>, %add3A_338 masked %broadcast_in_dim3A_340 : vector<16xf32>, vector<16xi1> -> vector<16xf32>
      %broadcast_in_dim3A_341 = arith.constant 0 : i32
      %broadcast_in_dim3A_342 = vector.broadcast %broadcast_in_dim3A_341 : i32 to vector<16xi32>
      %add3A_343 = arith.constant 384 : i32
      %add3A_344 = arith.addi %add3A_343, %scan3A_146 : i32
      %add3A_345 = vector.broadcast %add3A_344 : i32 to vector<16xi32>
      %add3A_346 = arith.addi %broadcast_in_dim3A_342, %add3A_345 : vector<16xi32>
      %neg3A = arith.constant 0.000000e+00 : f32
      %neg3A_347 = vector.broadcast %neg3A : f32 to vector<16xf32>
      %neg3A_348 = arith.subf %neg3A_347, %masked_cumsum3A : vector<16xf32>
      tpu.vector_store_idx %arg17[%add3A_346], %neg3A_348 masked %eq3A_4 : memref<512xf32, #tpu.memory_space<vmem>>[vector<16xi32>], vector<16xf32>, vector<16xi1>
      %scan3A_349 = arith.constant 1 : i32
      %scan3A_350 = arith.addi %scan3A_146, %scan3A_349 : i32
      %broadcast_in_dim3A_351 = arith.constant 0.000000e+00 : f32
      %broadcast_in_dim3A_352 = vector.broadcast %broadcast_in_dim3A_351 : f32 to vector<16xf32>
      %broadcast_in_dim3A_353 = arith.constant 0.000000e+00 : f32
      %broadcast_in_dim3A_354 = vector.broadcast %broadcast_in_dim3A_353 : f32 to vector<16xf32>
      %get3A_355 = arith.index_cast %scan3A_350 : i32 to index
      %get3A_356 = arith.constant 0 : index
      %get3A_357 = tpu.vector_load %arg14[%get3A_355, %get3A_356] {strides = array<i32>} : memref<128x128xf32, #tpu.memory_space<vmem>>, vector<16xf32>,
      %get3A_358 = arith.index_cast %scan3A_350 : i32 to index
      %get3A_359 = arith.constant 64 : index
      %get3A_360 = tpu.vector_load %arg14[%get3A_358, %get3A_359] {strides = array<i32>} : memref<128x128xf32, #tpu.memory_space<vmem>>, vector<16xf32>,
      %get3A_361 = arith.index_cast %scan3A_350 : i32 to index
      %get3A_362 = arith.constant 0 : index
      %get3A_363 = tpu.vector_load %arg15[%get3A_361, %get3A_362] {strides = array<i32>} : memref<128x128xf32, #tpu.memory_space<vmem>>, vector<16xf32>,
      %get3A_364 = arith.index_cast %scan3A_350 : i32 to index
      %get3A_365 = arith.constant 64 : index
      %get3A_366 = tpu.vector_load %arg15[%get3A_364, %get3A_365] {strides = array<i32>} : memref<128x128xf32, #tpu.memory_space<vmem>>, vector<16xf32>,
      %get3A_367 = arith.index_cast %scan3A_350 : i32 to index
      %get3A_368 = arith.constant 0 : index
      %get3A_369 = tpu.vector_load %arg16[%get3A_367, %get3A_368] {strides = array<i32>} : memref<128x128xf32, #tpu.memory_space<vmem>>, vector<16xf32>,
      %get3A_370 = arith.index_cast %scan3A_350 : i32 to index
      %get3A_371 = arith.constant 64 : index
      %get3A_372 = tpu.vector_load %arg16[%get3A_370, %get3A_371] {strides = array<i32>} : memref<128x128xf32, #tpu.memory_space<vmem>>, vector<16xf32>,
      %mul3A_373 = arith.mulf %get3A_357, %get3A_369 : vector<16xf32>
      %mul3A_374 = arith.mulf %get3A_360, %get3A_372 : vector<16xf32>
      %sub3A_375 = arith.subf %mul3A_373, %mul3A_374 : vector<16xf32>
      %sub3A_376 = arith.subf %sub3A_375, %get3A_363 : vector<16xf32>
      %mul3A_377 = arith.mulf %get3A_357, %get3A_372 : vector<16xf32>
      %mul3A_378 = arith.mulf %get3A_360, %get3A_369 : vector<16xf32>
      %add3A_379 = arith.addf %mul3A_377, %mul3A_378 : vector<16xf32>
      %sub3A_380 = arith.subf %add3A_379, %get3A_366 : vector<16xf32>
      %mul3A_381 = arith.mulf %sub3A_376, %sub3A_376 : vector<16xf32>
      %mul3A_382 = arith.mulf %sub3A_380, %sub3A_380 : vector<16xf32>
      %add3A_383 = arith.addf %mul3A_381, %mul3A_382 : vector<16xf32>
      %bitcast_convert_type3A_384 = tpu.bitcast %add3A_383 : vector<16xf32> -> vector<16xi32>
      %shift_right_logical3A_385 = arith.constant 1 : i32
      %shift_right_logical3A_386 = vector.broadcast %shift_right_logical3A_385 : i32 to vector<16xi32>
      %shift_right_logical3A_387 = arith.shrui %bitcast_convert_type3A_384, %shift_right_logical3A_386 : vector<16xi32>
      %sub3A_388 = arith.constant 1597463007 : i32
      %sub3A_389 = vector.broadcast %sub3A_388 : i32 to vector<16xi32>
      %sub3A_390 = arith.subi %sub3A_389, %shift_right_logical3A_387 : vector<16xi32>
      %bitcast_convert_type3A_391 = tpu.bitcast %sub3A_390 : vector<16xi32> -> vector<16xf32>
      %mul3A_392 = arith.mulf %add3A_383, %bitcast_convert_type3A_391 : vector<16xf32>
      %mul3A_393 = arith.constant 1.500000e+00 : f32
      %mul3A_394 = vector.broadcast %mul3A_393 : f32 to vector<16xf32>
      %mul3A_395 = arith.mulf %mul3A_394, %mul3A_392 : vector<16xf32>
      %mul3A_396 = arith.constant 5.000000e-01 : f32
      %mul3A_397 = vector.broadcast %mul3A_396 : f32 to vector<16xf32>
      %mul3A_398 = arith.mulf %mul3A_397, %bitcast_convert_type3A_391 : vector<16xf32>
      %mul3A_399 = arith.mulf %mul3A_392, %mul3A_392 : vector<16xf32>
      %mul3A_400 = arith.mulf %mul3A_398, %mul3A_399 : vector<16xf32>
      %sub3A_401 = arith.subf %mul3A_395, %mul3A_400 : vector<16xf32>
      %add3A_402 = arith.addf %broadcast_in_dim3A_352, %sub3A_401 : vector<16xf32>
      %get3A_403 = arith.index_cast %scan3A_350 : i32 to index
      %get3A_404 = arith.constant 16 : index
      %get3A_405 = tpu.vector_load %arg14[%get3A_403, %get3A_404] {strides = array<i32>} : memref<128x128xf32, #tpu.memory_space<vmem>>, vector<16xf32>,
      %get3A_406 = arith.index_cast %scan3A_350 : i32 to index
      %get3A_407 = arith.constant 80 : index
      %get3A_408 = tpu.vector_load %arg14[%get3A_406, %get3A_407] {strides = array<i32>} : memref<128x128xf32, #tpu.memory_space<vmem>>, vector<16xf32>,
      %get3A_409 = arith.index_cast %scan3A_350 : i32 to index
      %get3A_410 = arith.constant 16 : index
      %get3A_411 = tpu.vector_load %arg15[%get3A_409, %get3A_410] {strides = array<i32>} : memref<128x128xf32, #tpu.memory_space<vmem>>, vector<16xf32>,
      %get3A_412 = arith.index_cast %scan3A_350 : i32 to index
      %get3A_413 = arith.constant 80 : index
      %get3A_414 = tpu.vector_load %arg15[%get3A_412, %get3A_413] {strides = array<i32>} : memref<128x128xf32, #tpu.memory_space<vmem>>, vector<16xf32>,
      %get3A_415 = arith.index_cast %scan3A_350 : i32 to index
      %get3A_416 = arith.constant 16 : index
      %get3A_417 = tpu.vector_load %arg16[%get3A_415, %get3A_416] {strides = array<i32>} : memref<128x128xf32, #tpu.memory_space<vmem>>, vector<16xf32>,
      %get3A_418 = arith.index_cast %scan3A_350 : i32 to index
      %get3A_419 = arith.constant 80 : index
      %get3A_420 = tpu.vector_load %arg16[%get3A_418, %get3A_419] {strides = array<i32>} : memref<128x128xf32, #tpu.memory_space<vmem>>, vector<16xf32>,
      %mul3A_421 = arith.mulf %get3A_405, %get3A_417 : vector<16xf32>
      %mul3A_422 = arith.mulf %get3A_408, %get3A_420 : vector<16xf32>
      %sub3A_423 = arith.subf %mul3A_421, %mul3A_422 : vector<16xf32>
      %sub3A_424 = arith.subf %sub3A_423, %get3A_411 : vector<16xf32>
      %mul3A_425 = arith.mulf %get3A_405, %get3A_420 : vector<16xf32>
      %mul3A_426 = arith.mulf %get3A_408, %get3A_417 : vector<16xf32>
      %add3A_427 = arith.addf %mul3A_425, %mul3A_426 : vector<16xf32>
      %sub3A_428 = arith.subf %add3A_427, %get3A_414 : vector<16xf32>
      %mul3A_429 = arith.mulf %sub3A_424, %sub3A_424 : vector<16xf32>
      %mul3A_430 = arith.mulf %sub3A_428, %sub3A_428 : vector<16xf32>
      %add3A_431 = arith.addf %mul3A_429, %mul3A_430 : vector<16xf32>
      %bitcast_convert_type3A_432 = tpu.bitcast %add3A_431 : vector<16xf32> -> vector<16xi32>
      %shift_right_logical3A_433 = arith.constant 1 : i32
      %shift_right_logical3A_434 = vector.broadcast %shift_right_logical3A_433 : i32 to vector<16xi32>
      %shift_right_logical3A_435 = arith.shrui %bitcast_convert_type3A_432, %shift_right_logical3A_434 : vector<16xi32>
      %sub3A_436 = arith.constant 1597463007 : i32
      %sub3A_437 = vector.broadcast %sub3A_436 : i32 to vector<16xi32>
      %sub3A_438 = arith.subi %sub3A_437, %shift_right_logical3A_435 : vector<16xi32>
      %bitcast_convert_type3A_439 = tpu.bitcast %sub3A_438 : vector<16xi32> -> vector<16xf32>
      %mul3A_440 = arith.mulf %add3A_431, %bitcast_convert_type3A_439 : vector<16xf32>
      %mul3A_441 = arith.constant 1.500000e+00 : f32
      %mul3A_442 = vector.broadcast %mul3A_441 : f32 to vector<16xf32>
      %mul3A_443 = arith.mulf %mul3A_442, %mul3A_440 : vector<16xf32>
      %mul3A_444 = arith.constant 5.000000e-01 : f32
      %mul3A_445 = vector.broadcast %mul3A_444 : f32 to vector<16xf32>
      %mul3A_446 = arith.mulf %mul3A_445, %bitcast_convert_type3A_439 : vector<16xf32>
      %mul3A_447 = arith.mulf %mul3A_440, %mul3A_440 : vector<16xf32>
      %mul3A_448 = arith.mulf %mul3A_446, %mul3A_447 : vector<16xf32>
      %sub3A_449 = arith.subf %mul3A_443, %mul3A_448 : vector<16xf32>
      %add3A_450 = arith.addf %broadcast_in_dim3A_354, %sub3A_449 : vector<16xf32>
      %get3A_451 = arith.index_cast %scan3A_350 : i32 to index
      %get3A_452 = arith.constant 32 : index
      %get3A_453 = tpu.vector_load %arg14[%get3A_451, %get3A_452] {strides = array<i32>} : memref<128x128xf32, #tpu.memory_space<vmem>>, vector<16xf32>,
      %get3A_454 = arith.index_cast %scan3A_350 : i32 to index
      %get3A_455 = arith.constant 96 : index
      %get3A_456 = tpu.vector_load %arg14[%get3A_454, %get3A_455] {strides = array<i32>} : memref<128x128xf32, #tpu.memory_space<vmem>>, vector<16xf32>,
      %get3A_457 = arith.index_cast %scan3A_350 : i32 to index
      %get3A_458 = arith.constant 32 : index
      %get3A_459 = tpu.vector_load %arg15[%get3A_457, %get3A_458] {strides = array<i32>} : memref<128x128xf32, #tpu.memory_space<vmem>>, vector<16xf32>,
      %get3A_460 = arith.index_cast %scan3A_350 : i32 to index
      %get3A_461 = arith.constant 96 : index
      %get3A_462 = tpu.vector_load %arg15[%get3A_460, %get3A_461] {strides = array<i32>} : memref<128x128xf32, #tpu.memory_space<vmem>>, vector<16xf32>,
      %get3A_463 = arith.index_cast %scan3A_350 : i32 to index
      %get3A_464 = arith.constant 32 : index
      %get3A_465 = tpu.vector_load %arg16[%get3A_463, %get3A_464] {strides = array<i32>} : memref<128x128xf32, #tpu.memory_space<vmem>>, vector<16xf32>,
      %get3A_466 = arith.index_cast %scan3A_350 : i32 to index
      %get3A_467 = arith.constant 96 : index
      %get3A_468 = tpu.vector_load %arg16[%get3A_466, %get3A_467] {strides = array<i32>} : memref<128x128xf32, #tpu.memory_space<vmem>>, vector<16xf32>,
      %mul3A_469 = arith.mulf %get3A_453, %get3A_465 : vector<16xf32>
      %mul3A_470 = arith.mulf %get3A_456, %get3A_468 : vector<16xf32>
      %sub3A_471 = arith.subf %mul3A_469, %mul3A_470 : vector<16xf32>
      %sub3A_472 = arith.subf %sub3A_471, %get3A_459 : vector<16xf32>
      %mul3A_473 = arith.mulf %get3A_453, %get3A_468 : vector<16xf32>
      %mul3A_474 = arith.mulf %get3A_456, %get3A_465 : vector<16xf32>
      %add3A_475 = arith.addf %mul3A_473, %mul3A_474 : vector<16xf32>
      %sub3A_476 = arith.subf %add3A_475, %get3A_462 : vector<16xf32>
      %mul3A_477 = arith.mulf %sub3A_472, %sub3A_472 : vector<16xf32>
      %mul3A_478 = arith.mulf %sub3A_476, %sub3A_476 : vector<16xf32>
      %add3A_479 = arith.addf %mul3A_477, %mul3A_478 : vector<16xf32>
      %bitcast_convert_type3A_480 = tpu.bitcast %add3A_479 : vector<16xf32> -> vector<16xi32>
      %shift_right_logical3A_481 = arith.constant 1 : i32
      %shift_right_logical3A_482 = vector.broadcast %shift_right_logical3A_481 : i32 to vector<16xi32>
      %shift_right_logical3A_483 = arith.shrui %bitcast_convert_type3A_480, %shift_right_logical3A_482 : vector<16xi32>
      %sub3A_484 = arith.constant 1597463007 : i32
      %sub3A_485 = vector.broadcast %sub3A_484 : i32 to vector<16xi32>
      %sub3A_486 = arith.subi %sub3A_485, %shift_right_logical3A_483 : vector<16xi32>
      %bitcast_convert_type3A_487 = tpu.bitcast %sub3A_486 : vector<16xi32> -> vector<16xf32>
      %mul3A_488 = arith.mulf %add3A_479, %bitcast_convert_type3A_487 : vector<16xf32>
      %mul3A_489 = arith.constant 1.500000e+00 : f32
      %mul3A_490 = vector.broadcast %mul3A_489 : f32 to vector<16xf32>
      %mul3A_491 = arith.mulf %mul3A_490, %mul3A_488 : vector<16xf32>
      %mul3A_492 = arith.constant 5.000000e-01 : f32
      %mul3A_493 = vector.broadcast %mul3A_492 : f32 to vector<16xf32>
      %mul3A_494 = arith.mulf %mul3A_493, %bitcast_convert_type3A_487 : vector<16xf32>
      %mul3A_495 = arith.mulf %mul3A_488, %mul3A_488 : vector<16xf32>
      %mul3A_496 = arith.mulf %mul3A_494, %mul3A_495 : vector<16xf32>
      %sub3A_497 = arith.subf %mul3A_491, %mul3A_496 : vector<16xf32>
      %add3A_498 = arith.addf %add3A_402, %sub3A_497 : vector<16xf32>
      %get3A_499 = arith.index_cast %scan3A_350 : i32 to index
      %get3A_500 = arith.constant 48 : index
      %get3A_501 = tpu.vector_load %arg14[%get3A_499, %get3A_500] {strides = array<i32>} : memref<128x128xf32, #tpu.memory_space<vmem>>, vector<16xf32>,
      %get3A_502 = arith.index_cast %scan3A_350 : i32 to index
      %get3A_503 = arith.constant 112 : index
      %get3A_504 = tpu.vector_load %arg14[%get3A_502, %get3A_503] {strides = array<i32>} : memref<128x128xf32, #tpu.memory_space<vmem>>, vector<16xf32>,
      %get3A_505 = arith.index_cast %scan3A_350 : i32 to index
      %get3A_506 = arith.constant 48 : index
      %get3A_507 = tpu.vector_load %arg15[%get3A_505, %get3A_506] {strides = array<i32>} : memref<128x128xf32, #tpu.memory_space<vmem>>, vector<16xf32>,
      %get3A_508 = arith.index_cast %scan3A_350 : i32 to index
      %get3A_509 = arith.constant 112 : index
      %get3A_510 = tpu.vector_load %arg15[%get3A_508, %get3A_509] {strides = array<i32>} : memref<128x128xf32, #tpu.memory_space<vmem>>, vector<16xf32>,
      %get3A_511 = arith.index_cast %scan3A_350 : i32 to index
      %get3A_512 = arith.constant 48 : index
      %get3A_513 = tpu.vector_load %arg16[%get3A_511, %get3A_512] {strides = array<i32>} : memref<128x128xf32, #tpu.memory_space<vmem>>, vector<16xf32>,
      %get3A_514 = arith.index_cast %scan3A_350 : i32 to index
      %get3A_515 = arith.constant 112 : index
      %get3A_516 = tpu.vector_load %arg16[%get3A_514, %get3A_515] {strides = array<i32>} : memref<128x128xf32, #tpu.memory_space<vmem>>, vector<16xf32>,
      %mul3A_517 = arith.mulf %get3A_501, %get3A_513 : vector<16xf32>
      %mul3A_518 = arith.mulf %get3A_504, %get3A_516 : vector<16xf32>
      %sub3A_519 = arith.subf %mul3A_517, %mul3A_518 : vector<16xf32>
      %sub3A_520 = arith.subf %sub3A_519, %get3A_507 : vector<16xf32>
      %mul3A_521 = arith.mulf %get3A_501, %get3A_516 : vector<16xf32>
      %mul3A_522 = arith.mulf %get3A_504, %get3A_513 : vector<16xf32>
      %add3A_523 = arith.addf %mul3A_521, %mul3A_522 : vector<16xf32>
      %sub3A_524 = arith.subf %add3A_523, %get3A_510 : vector<16xf32>
      %mul3A_525 = arith.mulf %sub3A_520, %sub3A_520 : vector<16xf32>
      %mul3A_526 = arith.mulf %sub3A_524, %sub3A_524 : vector<16xf32>
      %add3A_527 = arith.addf %mul3A_525, %mul3A_526 : vector<16xf32>
      %bitcast_convert_type3A_528 = tpu.bitcast %add3A_527 : vector<16xf32> -> vector<16xi32>
      %shift_right_logical3A_529 = arith.constant 1 : i32
      %shift_right_logical3A_530 = vector.broadcast %shift_right_logical3A_529 : i32 to vector<16xi32>
      %shift_right_logical3A_531 = arith.shrui %bitcast_convert_type3A_528, %shift_right_logical3A_530 : vector<16xi32>
      %sub3A_532 = arith.constant 1597463007 : i32
      %sub3A_533 = vector.broadcast %sub3A_532 : i32 to vector<16xi32>
      %sub3A_534 = arith.subi %sub3A_533, %shift_right_logical3A_531 : vector<16xi32>
      %bitcast_convert_type3A_535 = tpu.bitcast %sub3A_534 : vector<16xi32> -> vector<16xf32>
      %mul3A_536 = arith.mulf %add3A_527, %bitcast_convert_type3A_535 : vector<16xf32>
      %mul3A_537 = arith.constant 1.500000e+00 : f32
      %mul3A_538 = vector.broadcast %mul3A_537 : f32 to vector<16xf32>
      %mul3A_539 = arith.mulf %mul3A_538, %mul3A_536 : vector<16xf32>
      %mul3A_540 = arith.constant 5.000000e-01 : f32
      %mul3A_541 = vector.broadcast %mul3A_540 : f32 to vector<16xf32>
      %mul3A_542 = arith.mulf %mul3A_541, %bitcast_convert_type3A_535 : vector<16xf32>
      %mul3A_543 = arith.mulf %mul3A_536, %mul3A_536 : vector<16xf32>
      %mul3A_544 = arith.mulf %mul3A_542, %mul3A_543 : vector<16xf32>
      %sub3A_545 = arith.subf %mul3A_539, %mul3A_544 : vector<16xf32>
      %add3A_546 = arith.addf %add3A_450, %sub3A_545 : vector<16xf32>
      %add3A_547 = arith.addf %add3A_498, %add3A_546 : vector<16xf32>
      %broadcast_in_dim3A_548 = arith.constant true
      %broadcast_in_dim3A_549 = vector.broadcast %broadcast_in_dim3A_548 : i1 to vector<16xi1>
      %masked_cumsum3A_550 = tpu.scan <sum>, %add3A_547 masked %broadcast_in_dim3A_549 : vector<16xf32>, vector<16xi1> -> vector<16xf32>
      %broadcast_in_dim3A_551 = arith.constant 0 : i32
      %broadcast_in_dim3A_552 = vector.broadcast %broadcast_in_dim3A_551 : i32 to vector<16xi32>
      %add3A_553 = arith.constant 384 : i32
      %add3A_554 = arith.addi %add3A_553, %scan3A_350 : i32
      %add3A_555 = vector.broadcast %add3A_554 : i32 to vector<16xi32>
      %add3A_556 = arith.addi %broadcast_in_dim3A_552, %add3A_555 : vector<16xi32>
      %neg3A_557 = arith.constant 0.000000e+00 : f32
      %neg3A_558 = vector.broadcast %neg3A_557 : f32 to vector<16xf32>
      %neg3A_559 = arith.subf %neg3A_558, %masked_cumsum3A_550 : vector<16xf32>
      tpu.vector_store_idx %arg17[%add3A_556], %neg3A_559 masked %eq3A_4 : memref<512xf32, #tpu.memory_space<vmem>>[vector<16xi32>], vector<16xf32>, vector<16xi1>
      %scan3A_560 = arith.constant 2 : i32
      %scan3A_561 = arith.addi %scan3A_146, %scan3A_560 : i32
      %broadcast_in_dim3A_562 = arith.constant 0.000000e+00 : f32
      %broadcast_in_dim3A_563 = vector.broadcast %broadcast_in_dim3A_562 : f32 to vector<16xf32>
      %broadcast_in_dim3A_564 = arith.constant 0.000000e+00 : f32
      %broadcast_in_dim3A_565 = vector.broadcast %broadcast_in_dim3A_564 : f32 to vector<16xf32>
      %get3A_566 = arith.index_cast %scan3A_561 : i32 to index
      %get3A_567 = arith.constant 0 : index
      %get3A_568 = tpu.vector_load %arg14[%get3A_566, %get3A_567] {strides = array<i32>} : memref<128x128xf32, #tpu.memory_space<vmem>>, vector<16xf32>,
      %get3A_569 = arith.index_cast %scan3A_561 : i32 to index
      %get3A_570 = arith.constant 64 : index
      %get3A_571 = tpu.vector_load %arg14[%get3A_569, %get3A_570] {strides = array<i32>} : memref<128x128xf32, #tpu.memory_space<vmem>>, vector<16xf32>,
      %get3A_572 = arith.index_cast %scan3A_561 : i32 to index
      %get3A_573 = arith.constant 0 : index
      %get3A_574 = tpu.vector_load %arg15[%get3A_572, %get3A_573] {strides = array<i32>} : memref<128x128xf32, #tpu.memory_space<vmem>>, vector<16xf32>,
      %get3A_575 = arith.index_cast %scan3A_561 : i32 to index
      %get3A_576 = arith.constant 64 : index
      %get3A_577 = tpu.vector_load %arg15[%get3A_575, %get3A_576] {strides = array<i32>} : memref<128x128xf32, #tpu.memory_space<vmem>>, vector<16xf32>,
      %get3A_578 = arith.index_cast %scan3A_561 : i32 to index
      %get3A_579 = arith.constant 0 : index
      %get3A_580 = tpu.vector_load %arg16[%get3A_578, %get3A_579] {strides = array<i32>} : memref<128x128xf32, #tpu.memory_space<vmem>>, vector<16xf32>,
      %get3A_581 = arith.index_cast %scan3A_561 : i32 to index
      %get3A_582 = arith.constant 64 : index
      %get3A_583 = tpu.vector_load %arg16[%get3A_581, %get3A_582] {strides = array<i32>} : memref<128x128xf32, #tpu.memory_space<vmem>>, vector<16xf32>,
      %mul3A_584 = arith.mulf %get3A_568, %get3A_580 : vector<16xf32>
      %mul3A_585 = arith.mulf %get3A_571, %get3A_583 : vector<16xf32>
      %sub3A_586 = arith.subf %mul3A_584, %mul3A_585 : vector<16xf32>
      %sub3A_587 = arith.subf %sub3A_586, %get3A_574 : vector<16xf32>
      %mul3A_588 = arith.mulf %get3A_568, %get3A_583 : vector<16xf32>
      %mul3A_589 = arith.mulf %get3A_571, %get3A_580 : vector<16xf32>
      %add3A_590 = arith.addf %mul3A_588, %mul3A_589 : vector<16xf32>
      %sub3A_591 = arith.subf %add3A_590, %get3A_577 : vector<16xf32>
      %mul3A_592 = arith.mulf %sub3A_587, %sub3A_587 : vector<16xf32>
      %mul3A_593 = arith.mulf %sub3A_591, %sub3A_591 : vector<16xf32>
      %add3A_594 = arith.addf %mul3A_592, %mul3A_593 : vector<16xf32>
      %bitcast_convert_type3A_595 = tpu.bitcast %add3A_594 : vector<16xf32> -> vector<16xi32>
      %shift_right_logical3A_596 = arith.constant 1 : i32
      %shift_right_logical3A_597 = vector.broadcast %shift_right_logical3A_596 : i32 to vector<16xi32>
      %shift_right_logical3A_598 = arith.shrui %bitcast_convert_type3A_595, %shift_right_logical3A_597 : vector<16xi32>
      %sub3A_599 = arith.constant 1597463007 : i32
      %sub3A_600 = vector.broadcast %sub3A_599 : i32 to vector<16xi32>
      %sub3A_601 = arith.subi %sub3A_600, %shift_right_logical3A_598 : vector<16xi32>
      %bitcast_convert_type3A_602 = tpu.bitcast %sub3A_601 : vector<16xi32> -> vector<16xf32>
      %mul3A_603 = arith.mulf %add3A_594, %bitcast_convert_type3A_602 : vector<16xf32>
      %mul3A_604 = arith.constant 1.500000e+00 : f32
      %mul3A_605 = vector.broadcast %mul3A_604 : f32 to vector<16xf32>
      %mul3A_606 = arith.mulf %mul3A_605, %mul3A_603 : vector<16xf32>
      %mul3A_607 = arith.constant 5.000000e-01 : f32
      %mul3A_608 = vector.broadcast %mul3A_607 : f32 to vector<16xf32>
      %mul3A_609 = arith.mulf %mul3A_608, %bitcast_convert_type3A_602 : vector<16xf32>
      %mul3A_610 = arith.mulf %mul3A_603, %mul3A_603 : vector<16xf32>
      %mul3A_611 = arith.mulf %mul3A_609, %mul3A_610 : vector<16xf32>
      %sub3A_612 = arith.subf %mul3A_606, %mul3A_611 : vector<16xf32>
      %add3A_613 = arith.addf %broadcast_in_dim3A_563, %sub3A_612 : vector<16xf32>
      %get3A_614 = arith.index_cast %scan3A_561 : i32 to index
      %get3A_615 = arith.constant 16 : index
      %get3A_616 = tpu.vector_load %arg14[%get3A_614, %get3A_615] {strides = array<i32>} : memref<128x128xf32, #tpu.memory_space<vmem>>, vector<16xf32>,
      %get3A_617 = arith.index_cast %scan3A_561 : i32 to index
      %get3A_618 = arith.constant 80 : index
      %get3A_619 = tpu.vector_load %arg14[%get3A_617, %get3A_618] {strides = array<i32>} : memref<128x128xf32, #tpu.memory_space<vmem>>, vector<16xf32>,
      %get3A_620 = arith.index_cast %scan3A_561 : i32 to index
      %get3A_621 = arith.constant 16 : index
      %get3A_622 = tpu.vector_load %arg15[%get3A_620, %get3A_621] {strides = array<i32>} : memref<128x128xf32, #tpu.memory_space<vmem>>, vector<16xf32>,
      %get3A_623 = arith.index_cast %scan3A_561 : i32 to index
      %get3A_624 = arith.constant 80 : index
      %get3A_625 = tpu.vector_load %arg15[%get3A_623, %get3A_624] {strides = array<i32>} : memref<128x128xf32, #tpu.memory_space<vmem>>, vector<16xf32>,
      %get3A_626 = arith.index_cast %scan3A_561 : i32 to index
      %get3A_627 = arith.constant 16 : index
      %get3A_628 = tpu.vector_load %arg16[%get3A_626, %get3A_627] {strides = array<i32>} : memref<128x128xf32, #tpu.memory_space<vmem>>, vector<16xf32>,
      %get3A_629 = arith.index_cast %scan3A_561 : i32 to index
      %get3A_630 = arith.constant 80 : index
      %get3A_631 = tpu.vector_load %arg16[%get3A_629, %get3A_630] {strides = array<i32>} : memref<128x128xf32, #tpu.memory_space<vmem>>, vector<16xf32>,
      %mul3A_632 = arith.mulf %get3A_616, %get3A_628 : vector<16xf32>
      %mul3A_633 = arith.mulf %get3A_619, %get3A_631 : vector<16xf32>
      %sub3A_634 = arith.subf %mul3A_632, %mul3A_633 : vector<16xf32>
      %sub3A_635 = arith.subf %sub3A_634, %get3A_622 : vector<16xf32>
      %mul3A_636 = arith.mulf %get3A_616, %get3A_631 : vector<16xf32>
      %mul3A_637 = arith.mulf %get3A_619, %get3A_628 : vector<16xf32>
      %add3A_638 = arith.addf %mul3A_636, %mul3A_637 : vector<16xf32>
      %sub3A_639 = arith.subf %add3A_638, %get3A_625 : vector<16xf32>
      %mul3A_640 = arith.mulf %sub3A_635, %sub3A_635 : vector<16xf32>
      %mul3A_641 = arith.mulf %sub3A_639, %sub3A_639 : vector<16xf32>
      %add3A_642 = arith.addf %mul3A_640, %mul3A_641 : vector<16xf32>
      %bitcast_convert_type3A_643 = tpu.bitcast %add3A_642 : vector<16xf32> -> vector<16xi32>
      %shift_right_logical3A_644 = arith.constant 1 : i32
      %shift_right_logical3A_645 = vector.broadcast %shift_right_logical3A_644 : i32 to vector<16xi32>
      %shift_right_logical3A_646 = arith.shrui %bitcast_convert_type3A_643, %shift_right_logical3A_645 : vector<16xi32>
      %sub3A_647 = arith.constant 1597463007 : i32
      %sub3A_648 = vector.broadcast %sub3A_647 : i32 to vector<16xi32>
      %sub3A_649 = arith.subi %sub3A_648, %shift_right_logical3A_646 : vector<16xi32>
      %bitcast_convert_type3A_650 = tpu.bitcast %sub3A_649 : vector<16xi32> -> vector<16xf32>
      %mul3A_651 = arith.mulf %add3A_642, %bitcast_convert_type3A_650 : vector<16xf32>
      %mul3A_652 = arith.constant 1.500000e+00 : f32
      %mul3A_653 = vector.broadcast %mul3A_652 : f32 to vector<16xf32>
      %mul3A_654 = arith.mulf %mul3A_653, %mul3A_651 : vector<16xf32>
      %mul3A_655 = arith.constant 5.000000e-01 : f32
      %mul3A_656 = vector.broadcast %mul3A_655 : f32 to vector<16xf32>
      %mul3A_657 = arith.mulf %mul3A_656, %bitcast_convert_type3A_650 : vector<16xf32>
      %mul3A_658 = arith.mulf %mul3A_651, %mul3A_651 : vector<16xf32>
      %mul3A_659 = arith.mulf %mul3A_657, %mul3A_658 : vector<16xf32>
      %sub3A_660 = arith.subf %mul3A_654, %mul3A_659 : vector<16xf32>
      %add3A_661 = arith.addf %broadcast_in_dim3A_565, %sub3A_660 : vector<16xf32>
      %get3A_662 = arith.index_cast %scan3A_561 : i32 to index
      %get3A_663 = arith.constant 32 : index
      %get3A_664 = tpu.vector_load %arg14[%get3A_662, %get3A_663] {strides = array<i32>} : memref<128x128xf32, #tpu.memory_space<vmem>>, vector<16xf32>,
      %get3A_665 = arith.index_cast %scan3A_561 : i32 to index
      %get3A_666 = arith.constant 96 : index
      %get3A_667 = tpu.vector_load %arg14[%get3A_665, %get3A_666] {strides = array<i32>} : memref<128x128xf32, #tpu.memory_space<vmem>>, vector<16xf32>,
      %get3A_668 = arith.index_cast %scan3A_561 : i32 to index
      %get3A_669 = arith.constant 32 : index
      %get3A_670 = tpu.vector_load %arg15[%get3A_668, %get3A_669] {strides = array<i32>} : memref<128x128xf32, #tpu.memory_space<vmem>>, vector<16xf32>,
      %get3A_671 = arith.index_cast %scan3A_561 : i32 to index
      %get3A_672 = arith.constant 96 : index
      %get3A_673 = tpu.vector_load %arg15[%get3A_671, %get3A_672] {strides = array<i32>} : memref<128x128xf32, #tpu.memory_space<vmem>>, vector<16xf32>,
      %get3A_674 = arith.index_cast %scan3A_561 : i32 to index
      %get3A_675 = arith.constant 32 : index
      %get3A_676 = tpu.vector_load %arg16[%get3A_674, %get3A_675] {strides = array<i32>} : memref<128x128xf32, #tpu.memory_space<vmem>>, vector<16xf32>,
      %get3A_677 = arith.index_cast %scan3A_561 : i32 to index
      %get3A_678 = arith.constant 96 : index
      %get3A_679 = tpu.vector_load %arg16[%get3A_677, %get3A_678] {strides = array<i32>} : memref<128x128xf32, #tpu.memory_space<vmem>>, vector<16xf32>,
      %mul3A_680 = arith.mulf %get3A_664, %get3A_676 : vector<16xf32>
      %mul3A_681 = arith.mulf %get3A_667, %get3A_679 : vector<16xf32>
      %sub3A_682 = arith.subf %mul3A_680, %mul3A_681 : vector<16xf32>
      %sub3A_683 = arith.subf %sub3A_682, %get3A_670 : vector<16xf32>
      %mul3A_684 = arith.mulf %get3A_664, %get3A_679 : vector<16xf32>
      %mul3A_685 = arith.mulf %get3A_667, %get3A_676 : vector<16xf32>
      %add3A_686 = arith.addf %mul3A_684, %mul3A_685 : vector<16xf32>
      %sub3A_687 = arith.subf %add3A_686, %get3A_673 : vector<16xf32>
      %mul3A_688 = arith.mulf %sub3A_683, %sub3A_683 : vector<16xf32>
      %mul3A_689 = arith.mulf %sub3A_687, %sub3A_687 : vector<16xf32>
      %add3A_690 = arith.addf %mul3A_688, %mul3A_689 : vector<16xf32>
      %bitcast_convert_type3A_691 = tpu.bitcast %add3A_690 : vector<16xf32> -> vector<16xi32>
      %shift_right_logical3A_692 = arith.constant 1 : i32
      %shift_right_logical3A_693 = vector.broadcast %shift_right_logical3A_692 : i32 to vector<16xi32>
      %shift_right_logical3A_694 = arith.shrui %bitcast_convert_type3A_691, %shift_right_logical3A_693 : vector<16xi32>
      %sub3A_695 = arith.constant 1597463007 : i32
      %sub3A_696 = vector.broadcast %sub3A_695 : i32 to vector<16xi32>
      %sub3A_697 = arith.subi %sub3A_696, %shift_right_logical3A_694 : vector<16xi32>
      %bitcast_convert_type3A_698 = tpu.bitcast %sub3A_697 : vector<16xi32> -> vector<16xf32>
      %mul3A_699 = arith.mulf %add3A_690, %bitcast_convert_type3A_698 : vector<16xf32>
      %mul3A_700 = arith.constant 1.500000e+00 : f32
      %mul3A_701 = vector.broadcast %mul3A_700 : f32 to vector<16xf32>
      %mul3A_702 = arith.mulf %mul3A_701, %mul3A_699 : vector<16xf32>
      %mul3A_703 = arith.constant 5.000000e-01 : f32
      %mul3A_704 = vector.broadcast %mul3A_703 : f32 to vector<16xf32>
      %mul3A_705 = arith.mulf %mul3A_704, %bitcast_convert_type3A_698 : vector<16xf32>
      %mul3A_706 = arith.mulf %mul3A_699, %mul3A_699 : vector<16xf32>
      %mul3A_707 = arith.mulf %mul3A_705, %mul3A_706 : vector<16xf32>
      %sub3A_708 = arith.subf %mul3A_702, %mul3A_707 : vector<16xf32>
      %add3A_709 = arith.addf %add3A_613, %sub3A_708 : vector<16xf32>
      %get3A_710 = arith.index_cast %scan3A_561 : i32 to index
      %get3A_711 = arith.constant 48 : index
      %get3A_712 = tpu.vector_load %arg14[%get3A_710, %get3A_711] {strides = array<i32>} : memref<128x128xf32, #tpu.memory_space<vmem>>, vector<16xf32>,
      %get3A_713 = arith.index_cast %scan3A_561 : i32 to index
      %get3A_714 = arith.constant 112 : index
      %get3A_715 = tpu.vector_load %arg14[%get3A_713, %get3A_714] {strides = array<i32>} : memref<128x128xf32, #tpu.memory_space<vmem>>, vector<16xf32>,
      %get3A_716 = arith.index_cast %scan3A_561 : i32 to index
      %get3A_717 = arith.constant 48 : index
      %get3A_718 = tpu.vector_load %arg15[%get3A_716, %get3A_717] {strides = array<i32>} : memref<128x128xf32, #tpu.memory_space<vmem>>, vector<16xf32>,
      %get3A_719 = arith.index_cast %scan3A_561 : i32 to index
      %get3A_720 = arith.constant 112 : index
      %get3A_721 = tpu.vector_load %arg15[%get3A_719, %get3A_720] {strides = array<i32>} : memref<128x128xf32, #tpu.memory_space<vmem>>, vector<16xf32>,
      %get3A_722 = arith.index_cast %scan3A_561 : i32 to index
      %get3A_723 = arith.constant 48 : index
      %get3A_724 = tpu.vector_load %arg16[%get3A_722, %get3A_723] {strides = array<i32>} : memref<128x128xf32, #tpu.memory_space<vmem>>, vector<16xf32>,
      %get3A_725 = arith.index_cast %scan3A_561 : i32 to index
      %get3A_726 = arith.constant 112 : index
      %get3A_727 = tpu.vector_load %arg16[%get3A_725, %get3A_726] {strides = array<i32>} : memref<128x128xf32, #tpu.memory_space<vmem>>, vector<16xf32>,
      %mul3A_728 = arith.mulf %get3A_712, %get3A_724 : vector<16xf32>
      %mul3A_729 = arith.mulf %get3A_715, %get3A_727 : vector<16xf32>
      %sub3A_730 = arith.subf %mul3A_728, %mul3A_729 : vector<16xf32>
      %sub3A_731 = arith.subf %sub3A_730, %get3A_718 : vector<16xf32>
      %mul3A_732 = arith.mulf %get3A_712, %get3A_727 : vector<16xf32>
      %mul3A_733 = arith.mulf %get3A_715, %get3A_724 : vector<16xf32>
      %add3A_734 = arith.addf %mul3A_732, %mul3A_733 : vector<16xf32>
      %sub3A_735 = arith.subf %add3A_734, %get3A_721 : vector<16xf32>
      %mul3A_736 = arith.mulf %sub3A_731, %sub3A_731 : vector<16xf32>
      %mul3A_737 = arith.mulf %sub3A_735, %sub3A_735 : vector<16xf32>
      %add3A_738 = arith.addf %mul3A_736, %mul3A_737 : vector<16xf32>
      %bitcast_convert_type3A_739 = tpu.bitcast %add3A_738 : vector<16xf32> -> vector<16xi32>
      %shift_right_logical3A_740 = arith.constant 1 : i32
      %shift_right_logical3A_741 = vector.broadcast %shift_right_logical3A_740 : i32 to vector<16xi32>
      %shift_right_logical3A_742 = arith.shrui %bitcast_convert_type3A_739, %shift_right_logical3A_741 : vector<16xi32>
      %sub3A_743 = arith.constant 1597463007 : i32
      %sub3A_744 = vector.broadcast %sub3A_743 : i32 to vector<16xi32>
      %sub3A_745 = arith.subi %sub3A_744, %shift_right_logical3A_742 : vector<16xi32>
      %bitcast_convert_type3A_746 = tpu.bitcast %sub3A_745 : vector<16xi32> -> vector<16xf32>
      %mul3A_747 = arith.mulf %add3A_738, %bitcast_convert_type3A_746 : vector<16xf32>
      %mul3A_748 = arith.constant 1.500000e+00 : f32
      %mul3A_749 = vector.broadcast %mul3A_748 : f32 to vector<16xf32>
      %mul3A_750 = arith.mulf %mul3A_749, %mul3A_747 : vector<16xf32>
      %mul3A_751 = arith.constant 5.000000e-01 : f32
      %mul3A_752 = vector.broadcast %mul3A_751 : f32 to vector<16xf32>
      %mul3A_753 = arith.mulf %mul3A_752, %bitcast_convert_type3A_746 : vector<16xf32>
      %mul3A_754 = arith.mulf %mul3A_747, %mul3A_747 : vector<16xf32>
      %mul3A_755 = arith.mulf %mul3A_753, %mul3A_754 : vector<16xf32>
      %sub3A_756 = arith.subf %mul3A_750, %mul3A_755 : vector<16xf32>
      %add3A_757 = arith.addf %add3A_661, %sub3A_756 : vector<16xf32>
      %add3A_758 = arith.addf %add3A_709, %add3A_757 : vector<16xf32>
      %broadcast_in_dim3A_759 = arith.constant true
      %broadcast_in_dim3A_760 = vector.broadcast %broadcast_in_dim3A_759 : i1 to vector<16xi1>
      %masked_cumsum3A_761 = tpu.scan <sum>, %add3A_758 masked %broadcast_in_dim3A_760 : vector<16xf32>, vector<16xi1> -> vector<16xf32>
      %broadcast_in_dim3A_762 = arith.constant 0 : i32
      %broadcast_in_dim3A_763 = vector.broadcast %broadcast_in_dim3A_762 : i32 to vector<16xi32>
      %add3A_764 = arith.constant 384 : i32
      %add3A_765 = arith.addi %add3A_764, %scan3A_561 : i32
      %add3A_766 = vector.broadcast %add3A_765 : i32 to vector<16xi32>
      %add3A_767 = arith.addi %broadcast_in_dim3A_763, %add3A_766 : vector<16xi32>
      %neg3A_768 = arith.constant 0.000000e+00 : f32
      %neg3A_769 = vector.broadcast %neg3A_768 : f32 to vector<16xf32>
      %neg3A_770 = arith.subf %neg3A_769, %masked_cumsum3A_761 : vector<16xf32>
      tpu.vector_store_idx %arg17[%add3A_767], %neg3A_770 masked %eq3A_4 : memref<512xf32, #tpu.memory_space<vmem>>[vector<16xi32>], vector<16xf32>, vector<16xi1>
      %scan3A_771 = arith.constant 3 : i32
      %scan3A_772 = arith.addi %scan3A_146, %scan3A_771 : i32
      %broadcast_in_dim3A_773 = arith.constant 0.000000e+00 : f32
      %broadcast_in_dim3A_774 = vector.broadcast %broadcast_in_dim3A_773 : f32 to vector<16xf32>
      %broadcast_in_dim3A_775 = arith.constant 0.000000e+00 : f32
      %broadcast_in_dim3A_776 = vector.broadcast %broadcast_in_dim3A_775 : f32 to vector<16xf32>
      %get3A_777 = arith.index_cast %scan3A_772 : i32 to index
      %get3A_778 = arith.constant 0 : index
      %get3A_779 = tpu.vector_load %arg14[%get3A_777, %get3A_778] {strides = array<i32>} : memref<128x128xf32, #tpu.memory_space<vmem>>, vector<16xf32>,
      %get3A_780 = arith.index_cast %scan3A_772 : i32 to index
      %get3A_781 = arith.constant 64 : index
      %get3A_782 = tpu.vector_load %arg14[%get3A_780, %get3A_781] {strides = array<i32>} : memref<128x128xf32, #tpu.memory_space<vmem>>, vector<16xf32>,
      %get3A_783 = arith.index_cast %scan3A_772 : i32 to index
      %get3A_784 = arith.constant 0 : index
      %get3A_785 = tpu.vector_load %arg15[%get3A_783, %get3A_784] {strides = array<i32>} : memref<128x128xf32, #tpu.memory_space<vmem>>, vector<16xf32>,
      %get3A_786 = arith.index_cast %scan3A_772 : i32 to index
      %get3A_787 = arith.constant 64 : index
      %get3A_788 = tpu.vector_load %arg15[%get3A_786, %get3A_787] {strides = array<i32>} : memref<128x128xf32, #tpu.memory_space<vmem>>, vector<16xf32>,
      %get3A_789 = arith.index_cast %scan3A_772 : i32 to index
      %get3A_790 = arith.constant 0 : index
      %get3A_791 = tpu.vector_load %arg16[%get3A_789, %get3A_790] {strides = array<i32>} : memref<128x128xf32, #tpu.memory_space<vmem>>, vector<16xf32>,
      %get3A_792 = arith.index_cast %scan3A_772 : i32 to index
      %get3A_793 = arith.constant 64 : index
      %get3A_794 = tpu.vector_load %arg16[%get3A_792, %get3A_793] {strides = array<i32>} : memref<128x128xf32, #tpu.memory_space<vmem>>, vector<16xf32>,
      %mul3A_795 = arith.mulf %get3A_779, %get3A_791 : vector<16xf32>
      %mul3A_796 = arith.mulf %get3A_782, %get3A_794 : vector<16xf32>
      %sub3A_797 = arith.subf %mul3A_795, %mul3A_796 : vector<16xf32>
      %sub3A_798 = arith.subf %sub3A_797, %get3A_785 : vector<16xf32>
      %mul3A_799 = arith.mulf %get3A_779, %get3A_794 : vector<16xf32>
      %mul3A_800 = arith.mulf %get3A_782, %get3A_791 : vector<16xf32>
      %add3A_801 = arith.addf %mul3A_799, %mul3A_800 : vector<16xf32>
      %sub3A_802 = arith.subf %add3A_801, %get3A_788 : vector<16xf32>
      %mul3A_803 = arith.mulf %sub3A_798, %sub3A_798 : vector<16xf32>
      %mul3A_804 = arith.mulf %sub3A_802, %sub3A_802 : vector<16xf32>
      %add3A_805 = arith.addf %mul3A_803, %mul3A_804 : vector<16xf32>
      %bitcast_convert_type3A_806 = tpu.bitcast %add3A_805 : vector<16xf32> -> vector<16xi32>
      %shift_right_logical3A_807 = arith.constant 1 : i32
      %shift_right_logical3A_808 = vector.broadcast %shift_right_logical3A_807 : i32 to vector<16xi32>
      %shift_right_logical3A_809 = arith.shrui %bitcast_convert_type3A_806, %shift_right_logical3A_808 : vector<16xi32>
      %sub3A_810 = arith.constant 1597463007 : i32
      %sub3A_811 = vector.broadcast %sub3A_810 : i32 to vector<16xi32>
      %sub3A_812 = arith.subi %sub3A_811, %shift_right_logical3A_809 : vector<16xi32>
      %bitcast_convert_type3A_813 = tpu.bitcast %sub3A_812 : vector<16xi32> -> vector<16xf32>
      %mul3A_814 = arith.mulf %add3A_805, %bitcast_convert_type3A_813 : vector<16xf32>
      %mul3A_815 = arith.constant 1.500000e+00 : f32
      %mul3A_816 = vector.broadcast %mul3A_815 : f32 to vector<16xf32>
      %mul3A_817 = arith.mulf %mul3A_816, %mul3A_814 : vector<16xf32>
      %mul3A_818 = arith.constant 5.000000e-01 : f32
      %mul3A_819 = vector.broadcast %mul3A_818 : f32 to vector<16xf32>
      %mul3A_820 = arith.mulf %mul3A_819, %bitcast_convert_type3A_813 : vector<16xf32>
      %mul3A_821 = arith.mulf %mul3A_814, %mul3A_814 : vector<16xf32>
      %mul3A_822 = arith.mulf %mul3A_820, %mul3A_821 : vector<16xf32>
      %sub3A_823 = arith.subf %mul3A_817, %mul3A_822 : vector<16xf32>
      %add3A_824 = arith.addf %broadcast_in_dim3A_774, %sub3A_823 : vector<16xf32>
      %get3A_825 = arith.index_cast %scan3A_772 : i32 to index
      %get3A_826 = arith.constant 16 : index
      %get3A_827 = tpu.vector_load %arg14[%get3A_825, %get3A_826] {strides = array<i32>} : memref<128x128xf32, #tpu.memory_space<vmem>>, vector<16xf32>,
      %get3A_828 = arith.index_cast %scan3A_772 : i32 to index
      %get3A_829 = arith.constant 80 : index
      %get3A_830 = tpu.vector_load %arg14[%get3A_828, %get3A_829] {strides = array<i32>} : memref<128x128xf32, #tpu.memory_space<vmem>>, vector<16xf32>,
      %get3A_831 = arith.index_cast %scan3A_772 : i32 to index
      %get3A_832 = arith.constant 16 : index
      %get3A_833 = tpu.vector_load %arg15[%get3A_831, %get3A_832] {strides = array<i32>} : memref<128x128xf32, #tpu.memory_space<vmem>>, vector<16xf32>,
      %get3A_834 = arith.index_cast %scan3A_772 : i32 to index
      %get3A_835 = arith.constant 80 : index
      %get3A_836 = tpu.vector_load %arg15[%get3A_834, %get3A_835] {strides = array<i32>} : memref<128x128xf32, #tpu.memory_space<vmem>>, vector<16xf32>,
      %get3A_837 = arith.index_cast %scan3A_772 : i32 to index
      %get3A_838 = arith.constant 16 : index
      %get3A_839 = tpu.vector_load %arg16[%get3A_837, %get3A_838] {strides = array<i32>} : memref<128x128xf32, #tpu.memory_space<vmem>>, vector<16xf32>,
      %get3A_840 = arith.index_cast %scan3A_772 : i32 to index
      %get3A_841 = arith.constant 80 : index
      %get3A_842 = tpu.vector_load %arg16[%get3A_840, %get3A_841] {strides = array<i32>} : memref<128x128xf32, #tpu.memory_space<vmem>>, vector<16xf32>,
      %mul3A_843 = arith.mulf %get3A_827, %get3A_839 : vector<16xf32>
      %mul3A_844 = arith.mulf %get3A_830, %get3A_842 : vector<16xf32>
      %sub3A_845 = arith.subf %mul3A_843, %mul3A_844 : vector<16xf32>
      %sub3A_846 = arith.subf %sub3A_845, %get3A_833 : vector<16xf32>
      %mul3A_847 = arith.mulf %get3A_827, %get3A_842 : vector<16xf32>
      %mul3A_848 = arith.mulf %get3A_830, %get3A_839 : vector<16xf32>
      %add3A_849 = arith.addf %mul3A_847, %mul3A_848 : vector<16xf32>
      %sub3A_850 = arith.subf %add3A_849, %get3A_836 : vector<16xf32>
      %mul3A_851 = arith.mulf %sub3A_846, %sub3A_846 : vector<16xf32>
      %mul3A_852 = arith.mulf %sub3A_850, %sub3A_850 : vector<16xf32>
      %add3A_853 = arith.addf %mul3A_851, %mul3A_852 : vector<16xf32>
      %bitcast_convert_type3A_854 = tpu.bitcast %add3A_853 : vector<16xf32> -> vector<16xi32>
      %shift_right_logical3A_855 = arith.constant 1 : i32
      %shift_right_logical3A_856 = vector.broadcast %shift_right_logical3A_855 : i32 to vector<16xi32>
      %shift_right_logical3A_857 = arith.shrui %bitcast_convert_type3A_854, %shift_right_logical3A_856 : vector<16xi32>
      %sub3A_858 = arith.constant 1597463007 : i32
      %sub3A_859 = vector.broadcast %sub3A_858 : i32 to vector<16xi32>
      %sub3A_860 = arith.subi %sub3A_859, %shift_right_logical3A_857 : vector<16xi32>
      %bitcast_convert_type3A_861 = tpu.bitcast %sub3A_860 : vector<16xi32> -> vector<16xf32>
      %mul3A_862 = arith.mulf %add3A_853, %bitcast_convert_type3A_861 : vector<16xf32>
      %mul3A_863 = arith.constant 1.500000e+00 : f32
      %mul3A_864 = vector.broadcast %mul3A_863 : f32 to vector<16xf32>
      %mul3A_865 = arith.mulf %mul3A_864, %mul3A_862 : vector<16xf32>
      %mul3A_866 = arith.constant 5.000000e-01 : f32
      %mul3A_867 = vector.broadcast %mul3A_866 : f32 to vector<16xf32>
      %mul3A_868 = arith.mulf %mul3A_867, %bitcast_convert_type3A_861 : vector<16xf32>
      %mul3A_869 = arith.mulf %mul3A_862, %mul3A_862 : vector<16xf32>
      %mul3A_870 = arith.mulf %mul3A_868, %mul3A_869 : vector<16xf32>
      %sub3A_871 = arith.subf %mul3A_865, %mul3A_870 : vector<16xf32>
      %add3A_872 = arith.addf %broadcast_in_dim3A_776, %sub3A_871 : vector<16xf32>
      %get3A_873 = arith.index_cast %scan3A_772 : i32 to index
      %get3A_874 = arith.constant 32 : index
      %get3A_875 = tpu.vector_load %arg14[%get3A_873, %get3A_874] {strides = array<i32>} : memref<128x128xf32, #tpu.memory_space<vmem>>, vector<16xf32>,
      %get3A_876 = arith.index_cast %scan3A_772 : i32 to index
      %get3A_877 = arith.constant 96 : index
      %get3A_878 = tpu.vector_load %arg14[%get3A_876, %get3A_877] {strides = array<i32>} : memref<128x128xf32, #tpu.memory_space<vmem>>, vector<16xf32>,
      %get3A_879 = arith.index_cast %scan3A_772 : i32 to index
      %get3A_880 = arith.constant 32 : index
      %get3A_881 = tpu.vector_load %arg15[%get3A_879, %get3A_880] {strides = array<i32>} : memref<128x128xf32, #tpu.memory_space<vmem>>, vector<16xf32>,
      %get3A_882 = arith.index_cast %scan3A_772 : i32 to index
      %get3A_883 = arith.constant 96 : index
      %get3A_884 = tpu.vector_load %arg15[%get3A_882, %get3A_883] {strides = array<i32>} : memref<128x128xf32, #tpu.memory_space<vmem>>, vector<16xf32>,
      %get3A_885 = arith.index_cast %scan3A_772 : i32 to index
      %get3A_886 = arith.constant 32 : index
      %get3A_887 = tpu.vector_load %arg16[%get3A_885, %get3A_886] {strides = array<i32>} : memref<128x128xf32, #tpu.memory_space<vmem>>, vector<16xf32>,
      %get3A_888 = arith.index_cast %scan3A_772 : i32 to index
      %get3A_889 = arith.constant 96 : index
      %get3A_890 = tpu.vector_load %arg16[%get3A_888, %get3A_889] {strides = array<i32>} : memref<128x128xf32, #tpu.memory_space<vmem>>, vector<16xf32>,
      %mul3A_891 = arith.mulf %get3A_875, %get3A_887 : vector<16xf32>
      %mul3A_892 = arith.mulf %get3A_878, %get3A_890 : vector<16xf32>
      %sub3A_893 = arith.subf %mul3A_891, %mul3A_892 : vector<16xf32>
      %sub3A_894 = arith.subf %sub3A_893, %get3A_881 : vector<16xf32>
      %mul3A_895 = arith.mulf %get3A_875, %get3A_890 : vector<16xf32>
      %mul3A_896 = arith.mulf %get3A_878, %get3A_887 : vector<16xf32>
      %add3A_897 = arith.addf %mul3A_895, %mul3A_896 : vector<16xf32>
      %sub3A_898 = arith.subf %add3A_897, %get3A_884 : vector<16xf32>
      %mul3A_899 = arith.mulf %sub3A_894, %sub3A_894 : vector<16xf32>
      %mul3A_900 = arith.mulf %sub3A_898, %sub3A_898 : vector<16xf32>
      %add3A_901 = arith.addf %mul3A_899, %mul3A_900 : vector<16xf32>
      %bitcast_convert_type3A_902 = tpu.bitcast %add3A_901 : vector<16xf32> -> vector<16xi32>
      %shift_right_logical3A_903 = arith.constant 1 : i32
      %shift_right_logical3A_904 = vector.broadcast %shift_right_logical3A_903 : i32 to vector<16xi32>
      %shift_right_logical3A_905 = arith.shrui %bitcast_convert_type3A_902, %shift_right_logical3A_904 : vector<16xi32>
      %sub3A_906 = arith.constant 1597463007 : i32
      %sub3A_907 = vector.broadcast %sub3A_906 : i32 to vector<16xi32>
      %sub3A_908 = arith.subi %sub3A_907, %shift_right_logical3A_905 : vector<16xi32>
      %bitcast_convert_type3A_909 = tpu.bitcast %sub3A_908 : vector<16xi32> -> vector<16xf32>
      %mul3A_910 = arith.mulf %add3A_901, %bitcast_convert_type3A_909 : vector<16xf32>
      %mul3A_911 = arith.constant 1.500000e+00 : f32
      %mul3A_912 = vector.broadcast %mul3A_911 : f32 to vector<16xf32>
      %mul3A_913 = arith.mulf %mul3A_912, %mul3A_910 : vector<16xf32>
      %mul3A_914 = arith.constant 5.000000e-01 : f32
      %mul3A_915 = vector.broadcast %mul3A_914 : f32 to vector<16xf32>
      %mul3A_916 = arith.mulf %mul3A_915, %bitcast_convert_type3A_909 : vector<16xf32>
      %mul3A_917 = arith.mulf %mul3A_910, %mul3A_910 : vector<16xf32>
      %mul3A_918 = arith.mulf %mul3A_916, %mul3A_917 : vector<16xf32>
      %sub3A_919 = arith.subf %mul3A_913, %mul3A_918 : vector<16xf32>
      %add3A_920 = arith.addf %add3A_824, %sub3A_919 : vector<16xf32>
      %get3A_921 = arith.index_cast %scan3A_772 : i32 to index
      %get3A_922 = arith.constant 48 : index
      %get3A_923 = tpu.vector_load %arg14[%get3A_921, %get3A_922] {strides = array<i32>} : memref<128x128xf32, #tpu.memory_space<vmem>>, vector<16xf32>,
      %get3A_924 = arith.index_cast %scan3A_772 : i32 to index
      %get3A_925 = arith.constant 112 : index
      %get3A_926 = tpu.vector_load %arg14[%get3A_924, %get3A_925] {strides = array<i32>} : memref<128x128xf32, #tpu.memory_space<vmem>>, vector<16xf32>,
      %get3A_927 = arith.index_cast %scan3A_772 : i32 to index
      %get3A_928 = arith.constant 48 : index
      %get3A_929 = tpu.vector_load %arg15[%get3A_927, %get3A_928] {strides = array<i32>} : memref<128x128xf32, #tpu.memory_space<vmem>>, vector<16xf32>,
      %get3A_930 = arith.index_cast %scan3A_772 : i32 to index
      %get3A_931 = arith.constant 112 : index
      %get3A_932 = tpu.vector_load %arg15[%get3A_930, %get3A_931] {strides = array<i32>} : memref<128x128xf32, #tpu.memory_space<vmem>>, vector<16xf32>,
      %get3A_933 = arith.index_cast %scan3A_772 : i32 to index
      %get3A_934 = arith.constant 48 : index
      %get3A_935 = tpu.vector_load %arg16[%get3A_933, %get3A_934] {strides = array<i32>} : memref<128x128xf32, #tpu.memory_space<vmem>>, vector<16xf32>,
      %get3A_936 = arith.index_cast %scan3A_772 : i32 to index
      %get3A_937 = arith.constant 112 : index
      %get3A_938 = tpu.vector_load %arg16[%get3A_936, %get3A_937] {strides = array<i32>} : memref<128x128xf32, #tpu.memory_space<vmem>>, vector<16xf32>,
      %mul3A_939 = arith.mulf %get3A_923, %get3A_935 : vector<16xf32>
      %mul3A_940 = arith.mulf %get3A_926, %get3A_938 : vector<16xf32>
      %sub3A_941 = arith.subf %mul3A_939, %mul3A_940 : vector<16xf32>
      %sub3A_942 = arith.subf %sub3A_941, %get3A_929 : vector<16xf32>
      %mul3A_943 = arith.mulf %get3A_923, %get3A_938 : vector<16xf32>
      %mul3A_944 = arith.mulf %get3A_926, %get3A_935 : vector<16xf32>
      %add3A_945 = arith.addf %mul3A_943, %mul3A_944 : vector<16xf32>
      %sub3A_946 = arith.subf %add3A_945, %get3A_932 : vector<16xf32>
      %mul3A_947 = arith.mulf %sub3A_942, %sub3A_942 : vector<16xf32>
      %mul3A_948 = arith.mulf %sub3A_946, %sub3A_946 : vector<16xf32>
      %add3A_949 = arith.addf %mul3A_947, %mul3A_948 : vector<16xf32>
      %bitcast_convert_type3A_950 = tpu.bitcast %add3A_949 : vector<16xf32> -> vector<16xi32>
      %shift_right_logical3A_951 = arith.constant 1 : i32
      %shift_right_logical3A_952 = vector.broadcast %shift_right_logical3A_951 : i32 to vector<16xi32>
      %shift_right_logical3A_953 = arith.shrui %bitcast_convert_type3A_950, %shift_right_logical3A_952 : vector<16xi32>
      %sub3A_954 = arith.constant 1597463007 : i32
      %sub3A_955 = vector.broadcast %sub3A_954 : i32 to vector<16xi32>
      %sub3A_956 = arith.subi %sub3A_955, %shift_right_logical3A_953 : vector<16xi32>
      %bitcast_convert_type3A_957 = tpu.bitcast %sub3A_956 : vector<16xi32> -> vector<16xf32>
      %mul3A_958 = arith.mulf %add3A_949, %bitcast_convert_type3A_957 : vector<16xf32>
      %mul3A_959 = arith.constant 1.500000e+00 : f32
      %mul3A_960 = vector.broadcast %mul3A_959 : f32 to vector<16xf32>
      %mul3A_961 = arith.mulf %mul3A_960, %mul3A_958 : vector<16xf32>
      %mul3A_962 = arith.constant 5.000000e-01 : f32
      %mul3A_963 = vector.broadcast %mul3A_962 : f32 to vector<16xf32>
      %mul3A_964 = arith.mulf %mul3A_963, %bitcast_convert_type3A_957 : vector<16xf32>
      %mul3A_965 = arith.mulf %mul3A_958, %mul3A_958 : vector<16xf32>
      %mul3A_966 = arith.mulf %mul3A_964, %mul3A_965 : vector<16xf32>
      %sub3A_967 = arith.subf %mul3A_961, %mul3A_966 : vector<16xf32>
      %add3A_968 = arith.addf %add3A_872, %sub3A_967 : vector<16xf32>
      %add3A_969 = arith.addf %add3A_920, %add3A_968 : vector<16xf32>
      %broadcast_in_dim3A_970 = arith.constant true
      %broadcast_in_dim3A_971 = vector.broadcast %broadcast_in_dim3A_970 : i1 to vector<16xi1>
      %masked_cumsum3A_972 = tpu.scan <sum>, %add3A_969 masked %broadcast_in_dim3A_971 : vector<16xf32>, vector<16xi1> -> vector<16xf32>
      %broadcast_in_dim3A_973 = arith.constant 0 : i32
      %broadcast_in_dim3A_974 = vector.broadcast %broadcast_in_dim3A_973 : i32 to vector<16xi32>
      %add3A_975 = arith.constant 384 : i32
      %add3A_976 = arith.addi %add3A_975, %scan3A_772 : i32
      %add3A_977 = vector.broadcast %add3A_976 : i32 to vector<16xi32>
      %add3A_978 = arith.addi %broadcast_in_dim3A_974, %add3A_977 : vector<16xi32>
      %neg3A_979 = arith.constant 0.000000e+00 : f32
      %neg3A_980 = vector.broadcast %neg3A_979 : f32 to vector<16xf32>
      %neg3A_981 = arith.subf %neg3A_980, %masked_cumsum3A_972 : vector<16xf32>
      tpu.vector_store_idx %arg17[%add3A_978], %neg3A_981 masked %eq3A_4 : memref<512xf32, #tpu.memory_space<vmem>>[vector<16xi32>], vector<16xf32>, vector<16xi1>
    }
    %scan3A_145 = arith.constant 128 : i32
    "tpu.region"() ({
      %run_scoped3A = tpu.sem_alloc : memref<!tpu.dma_semaphore, #tpu.memory_space<semaphore_mem>>
      %dma_start3A_146 = tpu.memref_slice %arg7[%mul3A_2] : memref<16384xf32, #tpu.memory_space<hbm>> -> memref<512xf32, #tpu.memory_space<hbm>>
      %dma_start3A_147 = tpu.memref_slice %arg7[%mul3A_2] : memref<16384xf32, #tpu.memory_space<hbm>> -> memref<512xf32, #tpu.memory_space<hbm>>
      tpu.enqueue_dma source(%arg17 : memref<512xf32, #tpu.memory_space<vmem>>) target(%dma_start3A_147 : memref<512xf32, #tpu.memory_space<hbm>>) target_semaphore(%run_scoped3A : memref<!tpu.dma_semaphore, #tpu.memory_space<semaphore_mem>>)
      %dma_wait3A_148 = tpu.memref_slice %arg7[%mul3A_2] : memref<16384xf32, #tpu.memory_space<hbm>> -> memref<512xf32, #tpu.memory_space<hbm>>
      %dma_wait3A_149 = tpu.memref_slice %arg7[%mul3A_2] : memref<16384xf32, #tpu.memory_space<hbm>> -> memref<512xf32, #tpu.memory_space<hbm>>
      tpu.wait_dma2 semaphore(%run_scoped3A : memref<!tpu.dma_semaphore, #tpu.memory_space<semaphore_mem>>) src(%arg17 : memref<512xf32, #tpu.memory_space<vmem>>) dst(%dma_wait3A_149 : memref<512xf32, #tpu.memory_space<hbm>>)
      tpu.yield
    }) : () -> ()
    return
  }
}

module attributes {stable_mosaic.version = 14 : i64} {
  func.func @_cos_sin_body(%arg0: memref<1000x64xf32, #tpu.memory_space<vmem>>, %arg1: memref<1000x128xf32, #tpu.memory_space<vmem>>) attributes {dimension_semantics = [], scalar_prefetch = 0 : i64, scratch_operands = 0 : i64, tpu.core_type = #tpu.core_type<tc>} {
    %get3A = arith.constant 0 : index
    %get3A_0 = arith.constant 0 : index
    %get3A_1 = vector.load %arg0[%get3A, %get3A_0] : memref<1000x64xf32, #tpu.memory_space<vmem>>, vector<1000x64xf32>
    %cos3A = math.cos %get3A_1 : vector<1000x64xf32>
    %sin3A = math.sin %get3A_1 : vector<1000x64xf32>
    %concatenate3A = tpu.concatenate %cos3A, %sin3A in 1 : vector<1000x64xf32>, vector<1000x64xf32> -> vector<1000x128xf32>
    %swap3A = arith.constant 0 : index
    %swap3A_2 = arith.constant 0 : index
    %swap3A_3 = vector.load %arg1[%swap3A, %swap3A_2] : memref<1000x128xf32, #tpu.memory_space<vmem>>, vector<1000x128xf32>
    tpu.vector_store %arg1[%swap3A, %swap3A_2], %concatenate3A {strides = array<i32>} : memref<1000x128xf32, #tpu.memory_space<vmem>>, vector<1000x128xf32>,
    return
  }
}

</mosaic_0001>

<sc_bundles>
// kernel: kernel.4.cloned.1.call-start
scs
__scs_entry_jumppad:
0x0: {  	(pc) =	sbr.rel $0x88, $3  }
0x1: {  	(tag) =	ssettag $0x0;
	lr =	simm.s32 $0x1  }
0x2: {  	[smem:$0x3F9C] =	sst lr;
	_ =	strace $0xD0000000  }
0x3: {  	_ = 	snop  }
0x4: {  	_ = 	snop  }
0x5: {  	_ = 	snop  }
0x6: {  	_ = 	snop  }
0x7: {  	_ = 	snop  }
__scs_overlays_trampoline_lowered:
0x8: {  	[smem:$0x3FAB] =	sst s0  }
0x9: {  	[smem:$0x3FAC] =	sst s1  }
0xa: {  	[smem:$0x3FAD] =	sst s2  }
0xb: {  	[smem:$0x3FAE] =	sst s3  }
0xc: {  	[smem:$0x3FAF] =	sst s4  }
0xd: {  	[smem:$0x3FB0] =	sst s5  }
0xe: {  	[smem:$0x3FB1] =	sst s6  }
0xf: {  	[smem:$0x3FB2] =	sst s7  }
0x10: {  	[smem:$0x3FB3] =	sst s8  }
0x11: {  	[smem:$0x3FB4] =	sst s9;
	s0 =	simm.s32 @!p0 $0x0  }
0x12: {  	s1 =	sld [smem:$0x3F9A];
	s0 =	simm.s32 @p0 $0x1  }
0x13: {  	[smem:$0x3FB5] =	sst s0;
	s0 =	simm.s32 @!p1 $0x0  }
0x14: {  	s2 =	sld [smem:$0x3F99];
	s0 =	simm.s32 @p1 $0x1  }
0x15: {  	[smem:$0x3FB6] =	sst s0;
	s0 =	simm.s32 @!p2 $0x0  }
0x16: {  	s3 =	sld [smem:$0x3FDB];
	s0 =	simm.s32 @p2 $0x1  }
0x17: {  	s4 =	simm.s32 $0x1BF5;
	[smem:$0x3FB8] =	sst s0  }
0x18: {  	s0 =	sld [smem:$0x3F9B];
	_ =	swait.ge [sflag:s4], $0x0  }
0x19: {  	s7 =	sld [smem:$0x3F9C]  }
0x1a: {  	s8 =	sadd.s32 $0xFFFFE003, lr  }
0x1b: {  	s9 =	sadd.s32 $0xFFFFFEF7, lr;
	s5 =	simm.s32 $0xFFFFFFFF;
	p2 =	slt.u32 s8, $0xFFFFF086  }
0x1c: {  	p1 =	slt.u32 s9, $0xF7A;
	s5 =	simm.s32 @!p2 $0x0  }
0x1d: {  	s5 =	simm.s32 @p1 $0x1;
	p0 =	seq.s32 s7, s2  }
0x1e: {  	s7 =	smul.u32 @!p0 $0xF7A, s2;
	p2 =	seq.s32 @!p0 s5, $0x0  }
0x1f: {  	s9 =	smul.u32 $0xF7A, s1;
	s8 =	simm.s32 @!p0 $0x1BF5;
	p2 =	por !p2, p0  }
0x20: {  	[sflag:s8] =	ssyncset.s32 @!p0 $0xFFFFF086;
	s6 =	sadd.s32 @!p0 s3, s7;
	s7 =	simm.s32 @!p0 $0x108  }
0x21: {  	s3 =	sadd.s32 s3, s9;
	s6 =	sadd.s32 @!p0 $0x88, s6;
	s7 =	simm.s32 @p2 $0x1082  }
0x22: {  	[simem:s7], [sflag:s8] =	dma.local @!p0 [hbm:s6], $0xF7A  }
0x23: {  	s9 =	sor.u32 $0xD0000000, s2;
	s6 =	simm.s32 $0x108;
	_ =	swait.ge @!p0 [sflag:s8], $0x0  }
0x24: {  	s3 =	sadd.s32 $0x88, s3;
	s6 =	simm.s32 @!p1 $0x1082;
	[sflag:s4] =	ssyncset.s32 $0xFFFFF086  }
0x25: {  	[simem:s6], [sflag:s4] =	dma.local [hbm:s3], $0xF7A  }
0x26: {  	[smem:$0x3F9C] =	sst s1;
	(tag) =	ssettag s2;
	_ =	strace s9  }
0x27: {  	s1 =	sld [smem:$0x3FAC]  }
0x28: {  	s2 =	sld [smem:$0x3FAD]  }
0x29: {  	s4 =	sld [smem:$0x3FAF]  }
0x2a: {  	p0 =	seq.s32 s5, $0x0;
	s5 =	sld [smem:$0x3FB0]  }
0x2b: {  	s6 =	sld [smem:$0x3FB1]  }
0x2c: {  	s7 =	sld [smem:$0x3FB2]  }
0x2d: {  	s3 =	simm.s32 $0x108;
	s8 =	sld [smem:$0x3FB3]  }
0x2e: {  	s3 =	simm.s32 @!p0 $0x1082;
	s9 =	sld [smem:$0x3FB4]  }
0x2f: {  	lr =	sadd.s32 s0, s3;
	s0 =	sld [smem:$0x3FAB]  }
0x30: {  	s3 =	sld [smem:$0x3FAE]  }
0x31: {  	[smem:$0x3FB7] =	sst s10  }
0x32: {  	s10 =	sld [smem:$0x3FB5];
	_ =	sdelay $0x3  }
0x33: {  	p0 =	seq.s32 s10, $0x1;
	s10 =	sld [smem:$0x3FB7];
	_ =	sdelay $0x3  }
0x34: {  	[smem:$0x3FB7] =	sst s10  }
0x35: {  	s10 =	sld [smem:$0x3FB6];
	_ =	sdelay $0x3  }
0x36: {  	p1 =	seq.s32 s10, $0x1;
	s10 =	sld [smem:$0x3FB7];
	_ =	sdelay $0x3  }
0x37: {  	[smem:$0x3FB7] =	sst s10  }
0x38: {  	s10 =	sld [smem:$0x3FB8]  }
0x39: {  	_ = 	snop;
	(pc) =	sbr.ind lr, $3  }
0x3a: {  	_ = 	snop  }
0x3b: {  	_ = 	snop  }
0x3c: {  	p2 =	seq.s32 s10, $0x1;
	s10 =	sld [smem:$0x3FB7]  }
0x3d: {  	_ =	shalt  }
0x3e: {  	_ =	shalt  }
0x3f: {  	_ =	shalt  }
0x40: {  	_ =	shalt  }
0x41: {  	_ =	shalt  }
0x42: {  	_ =	shalt  }
0x43: {  	_ =	shalt  }
0x44: {  	_ =	shalt  }
0x45: {  	_ =	shalt  }
0x46: {  	_ =	shalt  }
0x47: {  	_ =	shalt  }
0x48: {  	_ =	shalt  }
0x49: {  	_ =	shalt  }
0x4a: {  	_ =	shalt  }
0x4b: {  	_ =	shalt  }
0x4c: {  	_ =	shalt  }
0x4d: {  	_ =	shalt  }
0x4e: {  	_ =	shalt  }
0x4f: {  	_ =	shalt  }
0x50: {  	_ =	shalt  }
0x51: {  	_ =	shalt  }
0x52: {  	_ =	shalt  }
0x53: {  	_ =	shalt  }
0x54: {  	_ =	shalt  }
0x55: {  	_ =	shalt  }
0x56: {  	_ =	shalt  }
0x57: {  	_ =	shalt  }
0x58: {  	_ =	shalt  }
0x59: {  	_ =	shalt  }
0x5a: {  	_ =	shalt  }
0x5b: {  	_ =	shalt  }
0x5c: {  	_ =	shalt  }
0x5d: {  	_ =	shalt  }
0x5e: {  	_ =	shalt  }
0x5f: {  	_ =	shalt  }
0x60: {  	_ =	shalt  }
0x61: {  	_ =	shalt  }
0x62: {  	_ =	shalt  }
0x63: {  	_ =	shalt  }
0x64: {  	_ =	shalt  }
0x65: {  	_ =	shalt  }
0x66: {  	_ =	shalt  }
0x67: {  	_ =	shalt  }
0x68: {  	_ =	shalt  }
0x69: {  	_ =	shalt  }
0x6a: {  	_ =	shalt  }
0x6b: {  	_ =	shalt  }
0x6c: {  	_ =	shalt  }
0x6d: {  	_ =	shalt  }
0x6e: {  	_ =	shalt  }
0x6f: {  	_ =	shalt  }
0x70: {  	_ =	shalt  }
0x71: {  	_ =	shalt  }
0x72: {  	_ =	shalt  }
0x73: {  	_ =	shalt  }
0x74: {  	_ =	shalt  }
0x75: {  	_ =	shalt  }
0x76: {  	_ =	shalt  }
0x77: {  	_ =	shalt  }
0x78: {  	_ =	shalt  }
0x79: {  	_ =	shalt  }
0x7a: {  	_ =	shalt  }
0x7b: {  	_ =	shalt  }
0x7c: {  	_ =	shalt  }
0x7d: {  	_ =	shalt  }
0x7e: {  	_ =	shalt  }
0x7f: {  	_ =	shalt  }
0x80: {  	_ =	shalt  }
0x81: {  	_ =	shalt  }
0x82: {  	_ =	shalt  }
0x83: {  	_ =	shalt  }
0x84: {  	_ =	shalt  }
0x85: {  	_ =	shalt  }
0x86: {  	_ =	shalt  }
0x87: {  	_ =	shalt  }
.Lfunc_end0:
.L_simem_size_0:
called_computation_lowered:
.L_overlay_start_0:
0x88: {  	s2 =	sld [smem:$0x3FD9]  }
0x89: {  	s3 =	sld [smem:$0x3FFE];
	_ =	sdelay $0x1  }
0x8a: {  	s1 =	srdreg.scid  }
0x8b: {  	s0 =	sand.u32 $0x1, s1  }
0x8c: {  	s17 =	sshll.u32 s0, $0xA;
	s2 =	sadd.s32 s3, s2  }
0x8d: {  	s2 =	sadd.s32 s2, s17  }
0x8e: {  	[smem:$0x3FC3] =	sst s2  }
0x8f: {  	_ = 	snop  }
0x90: {  	s2 =	sld [smem:$0x3FC9]  }
0x91: {  	s18 =	sld [smem:$0x3FC8]  }
0x92: {  	s4 =	sld [smem:$0x3FC7]  }
0x93: {  	s5 =	sld [smem:$0x3FC6]  }
0x94: {  	s6 =	sld [smem:$0x3FD0];
	(tm) =	ssettm $0x1  }
0x95: {  	s7 =	sld [smem:$0x3FFB];
	_ =	sdelay $0x3  }
0x96: {  	_ =	strace s7  }
0x97: {  	s7 =	sld [smem:$0x3FFC];
	_ =	sdelay $0x3  }
0x98: {  	_ =	strace s7  }
0x99: {  	s7 =	sld [smem:$0x3FFD];
	_ =	sdelay $0x3  }
0x9a: {  	_ =	strace s7  }
0x9b: {  	_ =	strace $0x8FFFFFFF  }
0x9c: {  	s19 =	sld [smem:$0x3FDB];
	_ =	sdelay $0x1  }
0x9d: {  	s8 =	simm.s32 $_scs_section_size  }
0x9e: {  	s9 =	simm.s32 $_size__tile_overlayer_lowered;
	s10 =	simm.s32 $_tile_overlayer_lowered  }
0x9f: {  	s22 =	simm.s32 $0x1BFF;
	s21 =	sshll.u32 s10, $0x1;
	s7 =	sadd.s32 s8, s19  }
0xa0: {  	s11 =	simm.s32 $0x0;
	s20 =	sshll.u32 s9, $0x1;
	s9 =	sadd.s32 s21, s7  }
0xa1: {  	[timem:s11], [sflag:s22] =	dma.local [hbm:s9], s20  }
0xa2: {  	_ =	swait.ge [sflag:s22], s20  }
0xa3: {  	s8 =	ssub.s32 $0x0, s20;
	[sflag:s22] =	ssyncset.done $0x0  }
0xa4: {  	[sflag:s22] =	ssyncadd.s32 s8;
	_ =	sdelay $0x1  }
0xa5: {  	s23 =	simm.s32 $0x1B8B  }
0xa6: {  	_ =	swait.ge [sflag:s23], $0x1  }
0xa7: {  	[sflag:s23] =	ssyncset.done $0x0  }
0xa8: {  	s25 =	simm.s32 $0x1B8E;
	s24 =	sld [smem:$0x3FFE];
	[sflag:s23] =	ssyncadd.s32 $0xFFFFFFFF  }
0xa9: {  	s26 =	simm.s32 $execute0_lowered;
	[smem:$0x3FD2] =	sst s25  }
0xaa: {  	s9 =	sshll.u32 s26, $0x1;
	_ =	strace $0x80000046;
	[dreg:$0x1] =	wrdreg $0xFFFFFFFF  }
0xab: {  	s28 =	simm.s32 $_size_execute0_lowered;
	s7 =	sadd.s32 s7, s9;
	[dreg:$0x0] =	wrdreg $0x0  }
0xac: {  	s9 =	sshll.u32 s28, $0x1;
	[dreg:$0x2] =	wrdreg s7  }
0xad: {  	[dreg:$0x3] =	wrdreg s9  }
0xae: {  	[dreg:$0x4] =	wrdreg $0xC0  }
0xaf: {  	_ =	task [dreg:s11], $0x5FFFF  }
0xb0: {  	[dreg:$0x1] =	wrdreg $0xFFFFFFFF  }
0xb1: {  	[dreg:$0x0] =	wrdreg $0x60  }
0xb2: {  	[dreg:$0x2] =	wrdreg s2  }
0xb3: {  	[dreg:$0x3] =	wrdreg s18  }
0xb4: {  	[dreg:$0x4] =	wrdreg s4  }
0xb5: {  	[dreg:$0x5] =	wrdreg s5  }
0xb6: {  	[dreg:$0x6] =	wrdreg s24  }
0xb7: {  	[dreg:$0x7] =	wrdreg s6  }
0xb8: {  	[dreg:$0x8] =	wrdreg $0x9  }
0xb9: {  	_ =	task.clear_ibuf [dreg:s11], $0x9FFFF;
	_ =	strace $0x90000046  }
0xba: {  	s29 =	simm.s32 $0x9;
	_ =	strace $0x80000048  }
0xbb: {  	_ =	swait.ge [sflag:s29], $0x1  }
0xbc: {  	[sflag:s29] =	ssyncadd.s32 $0xFFFFFFFF  }
0xbd: {  	_ =	strace $0x90000048  }
0xbe: {  	_ =	sfence  }
0xbf: {  	s30 =	sld [smem:$0x0];
	_ =	sdelay $0x2  }
0xc0: {  	s31 =	sshll.u32 s1, $0xD;
	s1 =	sshrl.u32 s1, $0x2  }
0xc1: {  	s3 =	sand.u32 $0x4000, s31;
	s1 =	sadd.s32 s1, s30  }
0xc2: {  	s0 =	sor.u32 s3, s0;
	s1 =	sshll.u32 s1, $0x11  }
0xc3: {  	s0 =	sor.u32 s1, s0  }
0xc4: {  	s0 =	sadd.s32 $0x8F2B, s0  }
0xc5: {  	[sflag:s0] =	ssyncadd.remote.s32 $0x1  }
0xc6: {  	_ =	sfence.sel $0xFFFF  }
0xc7: {  	[dreg:$0x0] =	wrdreg $0xFFFFFFFF;
	(pc) =	sbr.abs _section_cstart, $3  }
0xc8: {  	[dreg:$0x1] =	wrdreg $0xFFFFFFFF  }
0xc9: {  	_ =	task.clear_ibuf [dreg:s11], $0x2FFFF;
	_ =	strace $0x9FFFFFFF  }
0xca: {  	(tm) =	ssettm $0x7FFFFFFF  }
0xcb: {  	_ =	shalt  }
tec
execute0_lowered:
.L_overlay_start_1:
0x0: {  	(tag) =	ssettag $0x1  }
0x1: {  	s0 =	rddreg [dreg:$0x0]  }
0x2: {  	s2 =	rddreg [dreg:$0x1]  }
0x3: {  	s6 =	rddreg [dreg:$0x2]  }
0x4: {  	s1 =	rddreg [dreg:$0x3]  }
0x5: {  	s4 =	rddreg [dreg:$0x4]  }
0x6: {  	s8 =	rddreg [dreg:$0x5]  }
0x7: {  	s3 =	simm.s32 $0x0;
	s5 =	srdreg.scid;
	s9 =	stileid.u32  }
0x8: {  	s11 =	simm.s32 $0x400;
	s12 =	simm.s32 $0x200;
	s13 =	simm.s32 $0x80  }
0x9: {  	s14 =	simm.s32 $0x600;
	s15 =	simm.s32 $0x4600;
	s16 =	simm.s32 $0x8600  }
0xa: {  	s17 =	simm.s32 $0x1;
	s18 =	simm.s32 $0x2;
	s19 =	simm.s32 $0x3  }
0xb: {  	s20 =	simm.s32 $0xC600;
	s22 =	simm.s32 $0x10600;
	s24 =	simm.s32 $0x14600  }
0xc: {  	s25 =	simm.s32 $0x18600;
	s30 =	simm.s32 $0x180;
	s31 =	simm.s32 $0x580  }
0xd: {  	[smem:$0x7FF] =	sst s3;
	s5 =	sand.u32 $0x1, s5;
	s9 =	sshll.u32 s9, $0x7  }
0xe: {  	s4 =	sadd.s32 $0x600, s4;
	s7 =	ssub.s32 $0x2, s5;
	s5 =	sshll.u32 s5, $0x6  }
0xf: {  	_ =	strace $0x80000047;
	s10 =	sshrl.u32 s7, $0x1;
	s9 =	sor.u32 s5, s9  }
0x10: {  	s10 =	ssub.s32 s7, s10;
	s5 =	sadd.s32 s0, s9;
	s6 =	sadd.s32 s6, s9  }
0x11: {  	s7 =	sadd.s32 s2, s9;
	s8 =	sadd.s32 s8, s9;
	s0 =	simm.s32 $0x380  }
0x12: {  	vm0 =	vcmask $0x3F3C;
	s2 =	simm.s32 $0x0;
	s9 =	smax.u32 s10, $0x1;
	s10 =	simm.s32 $0x4  }
.LBB2_1:
0x13: {  	[tilespmem:s3], [sflag:$0x4] =	stream.linear.gather [hbm4b:s5+s3], $0x200, $0x38;
	[tilespmem:$0x18800] =	vst v63  }
0x14: {  	_ =	swait.ge [sflag:s10], $0x200  }
0x15: {  	[sflag:s10] =	ssyncset.done $0x0  }
0x16: {  	[sflag:s10] =	ssyncadd.s32 $0xFFFFFE00  }
0x17: {  	[tilespmem:s11], [sflag:$0x4] =	stream.linear.gather [hbm4b:s6+s3], $0x200, $0x38;
	[tilespmem:$0x18800] =	vst v63  }
0x18: {  	_ =	swait.ge [sflag:s10], $0x200  }
0x19: {  	[sflag:s10] =	ssyncset.done $0x0  }
0x1a: {  	[sflag:s10] =	ssyncadd.s32 $0xFFFFFE00  }
0x1b: {  	[tilespmem:s12], [sflag:$0x4] =	stream.linear.gather [hbm4b:s7+s3], $0x200, $0x38;
	[tilespmem:$0x18800] =	vst v63  }
0x1c: {  	_ =	swait.ge [sflag:s10], $0x200  }
0x1d: {  	[sflag:s10] =	ssyncset.done $0x0  }
0x1e: {  	[sflag:s10] =	ssyncadd.s32 $0xFFFFFE00  }
0x1f: {  	[tilespmem:s14], [sflag:$0x1] =	stream.indirect.gather [hbm4b:s1+s13], $0x80, s3, s13, $0xb8;
	[tilespmem:$0x18800] =	vst v63  }
0x20: {  	_ = 	snop  }
0x21: {  	[tilespmem:s15], [sflag:$0x2] =	stream.indirect.gather [hbm4b:s1+s13], $0x80, s11, s13, $0xb8;
	[tilespmem:$0x18800] =	vst v63  }
0x22: {  	_ = 	snop  }
0x23: {  	[tilespmem:s16], [sflag:$0x3] =	stream.indirect.gather [hbm4b:s4+s13], $0x80, s12, s13, $0xb8;
	[tilespmem:$0x18800] =	vst v63  }
0x24: {  	_ =	swait.ge [sflag:s17], $0x4000  }
0x25: {  	[sflag:s17] =	ssyncset.done $0x0  }
0x26: {  	[sflag:s17] =	ssyncadd.s32 $0xFFFFC000  }
0x27: {  	_ =	swait.ge [sflag:s18], $0x4000  }
0x28: {  	[sflag:s18] =	ssyncset.done $0x0  }
0x29: {  	[sflag:s18] =	ssyncadd.s32 $0xFFFFC000  }
0x2a: {  	_ =	swait.ge [sflag:s19], $0x4000  }
0x2b: {  	[sflag:s19] =	ssyncset.done $0x0  }
0x2c: {  	[sflag:s19] =	ssyncadd.s32 $0xFFFFC000  }
0x2d: {  	[tilespmem:s20], [sflag:$0x1] =	stream.indirect.gather [hbm4b:s1+s13], $0x80, s13, s13, $0xb8;
	[tilespmem:$0x18800] =	vst v63  }
0x2e: {  	s21 =	simm.s32 $0x480;
	s29 =	simm.s32 $0x280;
	s23 =	simm.s32 $0x8700  }
0x2f: {  	[tilespmem:s22], [sflag:$0x2] =	stream.indirect.gather [hbm4b:s1+s13], $0x80, s21, s13, $0xb8;
	[tilespmem:$0x18800] =	vst v63  }
0x30: {  	s26 =	simm.s32 $0x700;
	s28 =	simm.s32 $0x0;
	s21 =	simm.s32 $0x4700  }
0x31: {  	[tilespmem:s24], [sflag:$0x3] =	stream.indirect.gather [hbm4b:s4+s13], $0x80, s29, s13, $0xb8;
	[tilespmem:$0x18800] =	vst v63  }
.LBB2_2:
0x32: {  	v0 =	vld [tilespmem:s26+$0xFFFFFF00]  }
0x33: {  	v1 =	vld [tilespmem:s26+$0xFFFFFF40]  }
0x34: {  	v2 =	vld [tilespmem:s21+$0xFFFFFF00]  }
0x35: {  	v4 =	vld [tilespmem:s23+$0xFFFFFF00]  }
0x36: {  	v5 =	vld [tilespmem:s23+$0xFFFFFF40]  }
0x37: {  	v6 =	vld [tilespmem:s26+$0xFFFFFF10]  }
0x38: {  	v7 =	vld [tilespmem:s26+$0xFFFFFF50]  }
0x39: {  	v8 =	vld [tilespmem:s23+$0xFFFFFF10]  }
0x3a: {  	v9 =	vld [tilespmem:s23+$0xFFFFFF50]  }
0x3b: {  	v14 =	vld [tilespmem:s26+$0xFFFFFF20]  }
0x3c: {  	v57 =	vld [tilespmem:s26+$0xFFFFFF60]  }
0x3d: {  	v16 =	vld [tilespmem:s23+$0xFFFFFF20]  }
0x3e: {  	v59 =	vld [tilespmem:s23+$0xFFFFFF60]  }
0x3f: {  	v61 =	vld [tilespmem:s26+$0xFFFFFF30]  }
0x40: {  	v62 =	vld [tilespmem:s26+$0xFFFFFF70];
	v12 =	vmul.f32 v4, v0;
	v13 =	vmul.f32 v5, v1  }
0x41: {  	v63 =	vld [tilespmem:s23+$0xFFFFFF30];
	v0 =	vmul.f32 v5, v0;
	v1 =	vmul.f32 v4, v1  }
0x42: {  	v20 =	vld [tilespmem:s23+$0xFFFFFF70];
	v58 =	vmul.f32 v8, v6;
	v15 =	vmul.f32 v9, v7  }
0x43: {  	v3 =	vld [tilespmem:s21+$0xFFFFFF40];
	v6 =	vmul.f32 v9, v6;
	v7 =	vmul.f32 v8, v7  }
0x44: {  	v10 =	vld [tilespmem:s21+$0xFFFFFF10];
	v23 =	vmul.f32 v16, v14;
	v24 =	vmul.f32 v59, v57  }
0x45: {  	v11 =	vld [tilespmem:s21+$0xFFFFFF50];
	v8 =	vmul.f32 v59, v14;
	v4 =	vmul.f32 v16, v57  }
0x46: {  	v21 =	vld [tilespmem:s21+$0xFFFFFF20];
	v27 =	vmul.f32 v63, v61;
	v60 =	vsub.f32 v12, v13;
	v0 =	vadd.f32 v0, v1  }
0x47: {  	v22 =	vld [tilespmem:s21+$0xFFFFFF60];
	v28 =	vmul.f32 v20, v62;
	v5 =	vsub.f32 v58, v15;
	v6 =	vadd.f32 v6, v7  }
0x48: {  	v30 =	vsub.f32 v23, v24;
	v4 =	vadd.f32 v8, v4  }
0x49: {  	v25 =	vld [tilespmem:s21+$0xFFFFFF30];
	v31 =	vsub.f32 v27, v28;
	v2 =	vsub.f32 v60, v2  }
0x4a: {  	v26 =	vld [tilespmem:s21+$0xFFFFFF70];
	v1 =	vmul.f32 v20, v61;
	v0 =	vsub.f32 v0, v3;
	v5 =	vsub.f32 v5, v10  }
0x4b: {  	v6 =	vsub.f32 v6, v11;
	v3 =	vmul.f32 v63, v62;
	v32 =	vsub.f32 v30, v21  }
0x4c: {  	v4 =	vsub.f32 v4, v22;
	v2 =	vmul.f32 v2, v2;
	v0 =	vmul.f32 v0, v0  }
0x4d: {  	v5 =	vmul.f32 v5, v5;
	v6 =	vmul.f32 v6, v6;
	v1 =	vadd.f32 v1, v3  }
0x4e: {  	v33 =	vsub.f32 v31, v25;
	v0 =	vadd.f32 v0, v2  }
0x4f: {  	v34 =	vmul.f32 v32, v32;
	v5 =	vadd.f32 v6, v5;
	v1 =	vsub.f32 v1, v26  }
0x50: {  	v35 =	vmul.f32 v4, v4;
	v7 =	vmul.f32 v33, v33  }
0x51: {  	v29 =	vshrl.u32 v0, $0x1;
	v36 =	vshrl.u32 v5, $0x1;
	v1 =	vmul.f32 v1, v1  }
0x52: {  	v2 =	vadd.f32 v35, v34;
	v6 =	vsub.s32 $0x5F3759DF, v29;
	v4 =	vsub.s32 $0x5F3759DF, v36  }
0x53: {  	v0 =	vmul.f32 v6, v0;
	v38 =	vmul.f32 v4, v5;
	v1 =	vadd.f32 v1, v7  }
0x54: {  	v40 =	vshrl.u32 v2, $0x1;
	v6 =	vmul.f32 $5.000000000e-01, v6;
	v4 =	vmul.f32 $5.000000000e-01, v4  }
0x55: {  	v37 =	vmul.f32 v0, v0;
	v41 =	vmul.f32 v38, v38;
	v42 =	vshrl.u32 v1, $0x1  }
0x56: {  	v0 =	vmul.f32 $1.500000000e+00, v0;
	v3 =	vmul.f32 $1.500000000e+00, v38;
	v8 =	vsub.s32 $0x5F3759DF, v42  }
0x57: {  	v39 =	vmul.f32 v37, v6;
	v6 =	vsub.s32 $0x5F3759DF, v40;
	v4 =	vmul.f32 v41, v4  }
0x58: {  	v1 =	vmul.f32 v8, v1;
	v2 =	vmul.f32 v6, v2  }
0x59: {  	v44 =	vmul.f32 $5.000000000e-01, v8;
	v6 =	vmul.f32 $5.000000000e-01, v6  }
0x5a: {  	v0 =	vsub.f32 v0, v39;
	v45 =	vmul.f32 v1, v1;
	v43 =	vmul.f32 v2, v2  }
0x5b: {  	v3 =	vsub.f32 v3, v4;
	v1 =	vmul.f32 $1.500000000e+00, v1;
	v2 =	vmul.f32 $1.500000000e+00, v2  }
0x5c: {  	v5 =	vmul.f32 v45, v44;
	v46 =	vmul.f32 v43, v6  }
0x5d: {  	v0 =	vadd.f32 $0.0e+00, v0;
	v3 =	vadd.f32 $0.0e+00, v3  }
0x5e: {  	v1 =	vsub.f32 v1, v5;
	v2 =	vsub.f32 v2, v46;
	_ =	sdelay $0x1  }
0x5f: {  	v1 =	vadd.f32 v1, v3;
	v0 =	vadd.f32 v2, v0;
	_ =	sdelay $0x1  }
0x60: {  	v0 =	vadd.f32 v1, v0;
	_ =	sdelay $0x1  }
0x61: {  	(xrf2) =	vadd.scan.msk.f32 $0xffff, v0;
	_ =	sdelay $0x4  }
0x62: {  	v47 =	vmov s28  }
0x63: {  	v0 =	vand.u32 $0xFFFFFFFC, v47  }
0x64: {  	v0 =	vbroadcast v0, $0x0;
	_ =	sdelay $0x2  }
0x65: {  	v48, _, _ =	vpop (xrf2)  }
0x66: {  	v1 =	vsub.f32 $0.0e+00, v48;
	_ =	sdelay $0x1  }
0x67: {  	[tilespmem:v0+s25+$0x0] =	vst.idx.msk vm0, v1  }
0x68: {  	v0 =	vld [tilespmem:s26+$0xFFFFFF80]  }
0x69: {  	v1 =	vld [tilespmem:s26+$0xFFFFFFC0]  }
0x6a: {  	v51 =	vld [tilespmem:s23+$0xFFFFFF80]  }
0x6b: {  	v52 =	vld [tilespmem:s23+$0xFFFFFFC0]  }
0x6c: {  	v53 =	vld [tilespmem:s26+$0xFFFFFF90]  }
0x6d: {  	v54 =	vld [tilespmem:s26+$0xFFFFFFD0]  }
0x6e: {  	v55 =	vld [tilespmem:s23+$0xFFFFFF90]  }
0x6f: {  	v56 =	vld [tilespmem:s23+$0xFFFFFFD0]  }
0x70: {  	v61 =	vld [tilespmem:s26+$0xFFFFFFA0]  }
0x71: {  	v62 =	vld [tilespmem:s26+$0xFFFFFFE0]  }
0x72: {  	v21 =	vld [tilespmem:s23+$0xFFFFFFA0]  }
0x73: {  	v22 =	vld [tilespmem:s23+$0xFFFFFFE0]  }
0x74: {  	v24 =	vld [tilespmem:s26+$0xFFFFFFB0]  }
0x75: {  	v25 =	vld [tilespmem:s26+$0xFFFFFFF0];
	v59 =	vmul.f32 v51, v0;
	v60 =	vmul.f32 v52, v1  }
0x76: {  	v26 =	vld [tilespmem:s23+$0xFFFFFFB0];
	v0 =	vmul.f32 v52, v0;
	v1 =	vmul.f32 v51, v1  }
0x77: {  	v27 =	vld [tilespmem:s23+$0xFFFFFFF0];
	v63 =	vmul.f32 v55, v53;
	v20 =	vmul.f32 v56, v54  }
0x78: {  	v49 =	vld [tilespmem:s21+$0xFFFFFF80];
	v6 =	vmul.f32 v56, v53;
	v7 =	vmul.f32 v55, v54  }
0x79: {  	v50 =	vld [tilespmem:s21+$0xFFFFFFC0];
	v30 =	vmul.f32 v21, v61;
	v31 =	vmul.f32 v22, v62  }
0x7a: {  	v57 =	vld [tilespmem:s21+$0xFFFFFF90];
	v8 =	vmul.f32 v22, v61;
	v4 =	vmul.f32 v21, v62  }
0x7b: {  	v58 =	vld [tilespmem:s21+$0xFFFFFFD0];
	v34 =	vmul.f32 v26, v24;
	v23 =	vsub.f32 v59, v60;
	v0 =	vadd.f32 v0, v1  }
0x7c: {  	v28 =	vld [tilespmem:s21+$0xFFFFFFA0];
	v35 =	vmul.f32 v27, v25;
	v5 =	vsub.f32 v63, v20;
	v6 =	vadd.f32 v6, v7  }
0x7d: {  	v32 =	vld [tilespmem:s21+$0xFFFFFFB0];
	v3 =	vmul.f32 v26, v25;
	v37 =	vsub.f32 v30, v31;
	v4 =	vadd.f32 v8, v4  }
0x7e: {  	v33 =	vld [tilespmem:s21+$0xFFFFFFF0];
	v1 =	vmul.f32 v27, v24;
	v38 =	vsub.f32 v34, v35;
	v2 =	vsub.f32 v23, v49  }
0x7f: {  	v29 =	vld [tilespmem:s21+$0xFFFFFFE0];
	v0 =	vsub.f32 v0, v50;
	v5 =	vsub.f32 v5, v57  }
0x80: {  	v6 =	vsub.f32 v6, v58;
	v1 =	vadd.f32 v1, v3  }
0x81: {  	v39 =	vsub.f32 v37, v28;
	v2 =	vmul.f32 v2, v2;
	v0 =	vmul.f32 v0, v0  }
0x82: {  	v40 =	vsub.f32 v38, v32;
	v5 =	vmul.f32 v5, v5;
	v6 =	vmul.f32 v6, v6  }
0x83: {  	v1 =	vsub.f32 v1, v33;
	v0 =	vadd.f32 v0, v2  }
0x84: {  	v4 =	vsub.f32 v4, v29;
	v41 =	vmul.f32 v39, v39;
	v5 =	vadd.f32 v6, v5  }
0x85: {  	v7 =	vmul.f32 v40, v40;
	v1 =	vmul.f32 v1, v1;
	v36 =	vshrl.u32 v0, $0x1  }
0x86: {  	v42 =	vmul.f32 v4, v4;
	v43 =	vshrl.u32 v5, $0x1;
	v6 =	vsub.s32 $0x5F3759DF, v36  }
0x87: {  	v1 =	vadd.f32 v1, v7;
	v4 =	vsub.s32 $0x5F3759DF, v43;
	v0 =	vmul.f32 v6, v0  }
0x88: {  	v2 =	vadd.f32 v42, v41;
	v6 =	vmul.f32 $5.000000000e-01, v6;
	v45 =	vmul.f32 v4, v5  }
0x89: {  	v4 =	vmul.f32 $5.000000000e-01, v4;
	v49 =	vshrl.u32 v1, $0x1;
	v44 =	vmul.f32 v0, v0  }
0x8a: {  	v8 =	vsub.s32 $0x5F3759DF, v49;
	v0 =	vmul.f32 $1.500000000e+00, v0;
	v48 =	vmul.f32 v45, v45  }
0x8b: {  	v47 =	vshrl.u32 v2, $0x1;
	v3 =	vmul.f32 $1.500000000e+00, v45;
	v1 =	vmul.f32 v8, v1  }
0x8c: {  	v51 =	vmul.f32 $5.000000000e-01, v8;
	v46 =	vmul.f32 v44, v6;
	v6 =	vsub.s32 $0x5F3759DF, v47  }
0x8d: {  	v4 =	vmul.f32 v48, v4;
	v2 =	vmul.f32 v6, v2  }
0x8e: {  	v52 =	vmul.f32 v1, v1;
	v1 =	vmul.f32 $1.500000000e+00, v1  }
0x8f: {  	v6 =	vmul.f32 $5.000000000e-01, v6;
	v50 =	vmul.f32 v2, v2  }
0x90: {  	v0 =	vsub.f32 v0, v46;
	v3 =	vsub.f32 v3, v4;
	v5 =	vmul.f32 v52, v51  }
0x91: {  	v2 =	vmul.f32 $1.500000000e+00, v2;
	v53 =	vmul.f32 v50, v6  }
0x92: {  	v0 =	vadd.f32 $0.0e+00, v0;
	v3 =	vadd.f32 $0.0e+00, v3  }
0x93: {  	v1 =	vsub.f32 v1, v5;
	v2 =	vsub.f32 v2, v53;
	_ =	sdelay $0x1  }
0x94: {  	v1 =	vadd.f32 v1, v3;
	v0 =	vadd.f32 v2, v0;
	_ =	sdelay $0x1  }
0x95: {  	v0 =	vadd.f32 v1, v0;
	_ =	sdelay $0x1  }
0x96: {  	(xrf2) =	vadd.scan.msk.f32 $0xffff, v0;
	_ =	sdelay $0x3  }
0x97: {  	s29 =	sadd.s32 $0x1, s28  }
0x98: {  	v54 =	vmov s29  }
0x99: {  	v0 =	vand.u32 $0xFFFFFFFD, v54  }
0x9a: {  	v0 =	vbroadcast v0, $0x0;
	_ =	sdelay $0x2  }
0x9b: {  	v55, _, _ =	vpop (xrf2)  }
0x9c: {  	v1 =	vsub.f32 $0.0e+00, v55;
	_ =	sdelay $0x1  }
0x9d: {  	[tilespmem:v0+s25+$0x0] =	vst.idx.msk vm0, v1  }
0x9e: {  	v0 =	vld [tilespmem:s26+$0x0]  }
0x9f: {  	v1 =	vld [tilespmem:s26+$0x40]  }
0xa0: {  	v58 =	vld [tilespmem:s23+$0x0]  }
0xa1: {  	v59 =	vld [tilespmem:s23+$0x40]  }
0xa2: {  	v60 =	vld [tilespmem:s26+$0x10]  }
0xa3: {  	v61 =	vld [tilespmem:s26+$0x50]  }
0xa4: {  	v62 =	vld [tilespmem:s23+$0x10]  }
0xa5: {  	v63 =	vld [tilespmem:s23+$0x50]  }
0xa6: {  	v24 =	vld [tilespmem:s26+$0x20]  }
0xa7: {  	v25 =	vld [tilespmem:s26+$0x60]  }
0xa8: {  	v28 =	vld [tilespmem:s23+$0x20]  }
0xa9: {  	v29 =	vld [tilespmem:s23+$0x60]  }
0xaa: {  	v31 =	vld [tilespmem:s26+$0x30]  }
0xab: {  	v32 =	vld [tilespmem:s26+$0x70];
	v22 =	vmul.f32 v58, v0;
	v23 =	vmul.f32 v59, v1  }
0xac: {  	v33 =	vld [tilespmem:s23+$0x30];
	v0 =	vmul.f32 v59, v0;
	v1 =	vmul.f32 v58, v1  }
0xad: {  	v34 =	vld [tilespmem:s23+$0x70];
	v26 =	vmul.f32 v62, v60;
	v27 =	vmul.f32 v63, v61  }
0xae: {  	v56 =	vld [tilespmem:s21+$0x0];
	v6 =	vmul.f32 v63, v60;
	v7 =	vmul.f32 v62, v61  }
0xaf: {  	v57 =	vld [tilespmem:s21+$0x40];
	v37 =	vmul.f32 v28, v24;
	v38 =	vmul.f32 v29, v25  }
0xb0: {  	v20 =	vld [tilespmem:s21+$0x10];
	v8 =	vmul.f32 v29, v24;
	v4 =	vmul.f32 v28, v25  }
0xb1: {  	v21 =	vld [tilespmem:s21+$0x50];
	v41 =	vmul.f32 v33, v31;
	v30 =	vsub.f32 v22, v23;
	v0 =	vadd.f32 v0, v1  }
0xb2: {  	v35 =	vld [tilespmem:s21+$0x20];
	v42 =	vmul.f32 v34, v32;
	v5 =	vsub.f32 v26, v27;
	v6 =	vadd.f32 v6, v7  }
0xb3: {  	v39 =	vld [tilespmem:s21+$0x30];
	v3 =	vmul.f32 v33, v32;
	v44 =	vsub.f32 v37, v38;
	v4 =	vadd.f32 v8, v4  }
0xb4: {  	v40 =	vld [tilespmem:s21+$0x70];
	v1 =	vmul.f32 v34, v31;
	v45 =	vsub.f32 v41, v42;
	v2 =	vsub.f32 v30, v56  }
0xb5: {  	v36 =	vld [tilespmem:s21+$0x60];
	v0 =	vsub.f32 v0, v57;
	v5 =	vsub.f32 v5, v20  }
0xb6: {  	v6 =	vsub.f32 v6, v21;
	v1 =	vadd.f32 v1, v3  }
0xb7: {  	v46 =	vsub.f32 v44, v35;
	v2 =	vmul.f32 v2, v2;
	v0 =	vmul.f32 v0, v0  }
0xb8: {  	v47 =	vsub.f32 v45, v39;
	v5 =	vmul.f32 v5, v5;
	v6 =	vmul.f32 v6, v6  }
0xb9: {  	v1 =	vsub.f32 v1, v40;
	v0 =	vadd.f32 v0, v2  }
0xba: {  	v4 =	vsub.f32 v4, v36;
	v48 =	vmul.f32 v46, v46;
	v5 =	vadd.f32 v6, v5  }
0xbb: {  	v7 =	vmul.f32 v47, v47;
	v1 =	vmul.f32 v1, v1;
	v43 =	vshrl.u32 v0, $0x1  }
0xbc: {  	v49 =	vmul.f32 v4, v4;
	v50 =	vshrl.u32 v5, $0x1;
	v6 =	vsub.s32 $0x5F3759DF, v43  }
0xbd: {  	v1 =	vadd.f32 v1, v7;
	v4 =	vsub.s32 $0x5F3759DF, v50;
	v0 =	vmul.f32 v6, v0  }
0xbe: {  	v2 =	vadd.f32 v49, v48;
	v6 =	vmul.f32 $5.000000000e-01, v6;
	v52 =	vmul.f32 v4, v5  }
0xbf: {  	v4 =	vmul.f32 $5.000000000e-01, v4;
	v56 =	vshrl.u32 v1, $0x1;
	v51 =	vmul.f32 v0, v0  }
0xc0: {  	v8 =	vsub.s32 $0x5F3759DF, v56;
	v0 =	vmul.f32 $1.500000000e+00, v0;
	v55 =	vmul.f32 v52, v52  }
0xc1: {  	v54 =	vshrl.u32 v2, $0x1;
	v3 =	vmul.f32 $1.500000000e+00, v52;
	v1 =	vmul.f32 v8, v1  }
0xc2: {  	v58 =	vmul.f32 $5.000000000e-01, v8;
	v53 =	vmul.f32 v51, v6;
	v6 =	vsub.s32 $0x5F3759DF, v54  }
0xc3: {  	v4 =	vmul.f32 v55, v4;
	v2 =	vmul.f32 v6, v2  }
0xc4: {  	v59 =	vmul.f32 v1, v1;
	v1 =	vmul.f32 $1.500000000e+00, v1  }
0xc5: {  	v6 =	vmul.f32 $5.000000000e-01, v6;
	v57 =	vmul.f32 v2, v2  }
0xc6: {  	v0 =	vsub.f32 v0, v53;
	v3 =	vsub.f32 v3, v4;
	v5 =	vmul.f32 v59, v58  }
0xc7: {  	v2 =	vmul.f32 $1.500000000e+00, v2;
	v60 =	vmul.f32 v57, v6  }
0xc8: {  	v0 =	vadd.f32 $0.0e+00, v0;
	v3 =	vadd.f32 $0.0e+00, v3  }
0xc9: {  	v1 =	vsub.f32 v1, v5;
	v2 =	vsub.f32 v2, v60;
	_ =	sdelay $0x1  }
0xca: {  	v1 =	vadd.f32 v1, v3;
	v0 =	vadd.f32 v2, v0;
	_ =	sdelay $0x1  }
0xcb: {  	v0 =	vadd.f32 v1, v0;
	_ =	sdelay $0x1  }
0xcc: {  	(xrf2) =	vadd.scan.msk.f32 $0xffff, v0;
	_ =	sdelay $0x3  }
0xcd: {  	s29 =	sadd.s32 $0x2, s28  }
0xce: {  	v61 =	vmov s29  }
0xcf: {  	v0 =	vand.u32 $0xFFFFFFFE, v61  }
0xd0: {  	v0 =	vbroadcast v0, $0x0;
	_ =	sdelay $0x2  }
0xd1: {  	v62, _, _ =	vpop (xrf2)  }
0xd2: {  	v1 =	vsub.f32 $0.0e+00, v62;
	_ =	sdelay $0x1  }
0xd3: {  	[tilespmem:v0+s25+$0x0] =	vst.idx.msk vm0, v1  }
0xd4: {  	v0 =	vld [tilespmem:s26+$0x80]  }
0xd5: {  	v1 =	vld [tilespmem:s26+$0xC0]  }
0xd6: {  	v63 =	vld [tilespmem:s21+$0x80]  }
0xd7: {  	v17 =	vld [tilespmem:s23+$0x80]  }
0xd8: {  	v18 =	vld [tilespmem:s23+$0xC0]  }
0xd9: {  	v19 =	vld [tilespmem:s26+$0x90]  }
0xda: {  	v20 =	vld [tilespmem:s26+$0xD0]  }
0xdb: {  	v21 =	vld [tilespmem:s23+$0x90]  }
0xdc: {  	v22 =	vld [tilespmem:s23+$0xD0]  }
0xdd: {  	v23 =	vld [tilespmem:s21+$0xC0]  }
0xde: {  	v28 =	vld [tilespmem:s26+$0xA0]  }
0xdf: {  	v31 =	vld [tilespmem:s26+$0xE0]  }
0xe0: {  	v32 =	vld [tilespmem:s23+$0xA0]  }
0xe1: {  	v34 =	vld [tilespmem:s23+$0xE0]  }
0xe2: {  	v35 =	vld [tilespmem:s26+$0xB0];
	v25 =	vmul.f32 v17, v0  }
0xe3: {  	v36 =	vld [tilespmem:s23+$0xB0];
	v26 =	vmul.f32 v18, v1;
	v0 =	vmul.f32 v18, v0  }
0xe4: {  	v38 =	vld [tilespmem:s26+$0xF0];
	v1 =	vmul.f32 v17, v1;
	v29 =	vmul.f32 v21, v19  }
0xe5: {  	v24 =	vld [tilespmem:s21+$0x90];
	v30 =	vmul.f32 v22, v20;
	v5 =	vmul.f32 v22, v19  }
0xe6: {  	v37 =	vld [tilespmem:s23+$0xF0];
	v6 =	vmul.f32 v21, v20;
	v41 =	vmul.f32 v32, v28  }
0xe7: {  	v27 =	vld [tilespmem:s21+$0xD0];
	v42 =	vmul.f32 v34, v31;
	v43 =	vmul.f32 v32, v31  }
0xe8: {  	v46 =	vmul.f32 v36, v35;
	v33 =	vsub.f32 v25, v26;
	v0 =	vadd.f32 v0, v1  }
0xe9: {  	v39 =	vld [tilespmem:s21+$0xA0];
	v8 =	vmul.f32 v36, v38;
	v4 =	vsub.f32 v29, v30;
	v5 =	vadd.f32 v5, v6  }
0xea: {  	v40 =	vld [tilespmem:s21+$0xE0];
	v1 =	vmul.f32 v34, v28;
	v48 =	vsub.f32 v41, v42;
	v2 =	vsub.f32 v33, v63  }
0xeb: {  	v6 =	vmul.f32 v37, v35;
	v0 =	vsub.f32 v0, v23;
	v4 =	vsub.f32 v4, v24  }
0xec: {  	v45 =	vld [tilespmem:s21+$0xF0];
	v47 =	vmul.f32 v37, v38;
	v5 =	vsub.f32 v5, v27;
	v1 =	vadd.f32 v1, v43  }
0xed: {  	v44 =	vld [tilespmem:s21+$0xB0];
	v6 =	vadd.f32 v6, v8;
	v2 =	vmul.f32 v2, v2;
	v0 =	vmul.f32 v0, v0  }
0xee: {  	v50 =	vsub.f32 v48, v39;
	v4 =	vmul.f32 v4, v4;
	v5 =	vmul.f32 v5, v5  }
0xef: {  	v1 =	vsub.f32 v1, v40;
	v0 =	vadd.f32 v0, v2  }
0xf0: {  	v51 =	vmul.f32 v50, v50;
	v4 =	vadd.f32 v5, v4;
	v5 =	vsub.f32 v46, v47  }
0xf1: {  	v2 =	vsub.f32 v6, v45;
	v1 =	vmul.f32 v1, v1;
	v49 =	vshrl.u32 v0, $0x1  }
0xf2: {  	v5 =	vsub.f32 v5, v44;
	v52 =	vshrl.u32 v4, $0x1;
	v3 =	vsub.s32 $0x5F3759DF, v49  }
0xf3: {  	v2 =	vmul.f32 v2, v2;
	v1 =	vadd.f32 v1, v51;
	v0 =	vmul.f32 v3, v0  }
0xf4: {  	v7 =	vsub.s32 $0x5F3759DF, v52;
	v3 =	vmul.f32 $5.000000000e-01, v3;
	v5 =	vmul.f32 v5, v5  }
0xf5: {  	v4 =	vmul.f32 v7, v4;
	v54 =	vmul.f32 $5.000000000e-01, v7  }
0xf6: {  	v6 =	vshrl.u32 v1, $0x1;
	v53 =	vmul.f32 v0, v0;
	v2 =	vadd.f32 v2, v5  }
0xf7: {  	v6 =	vsub.s32 $0x5F3759DF, v6;
	v0 =	vmul.f32 $1.500000000e+00, v0;
	v55 =	vmul.f32 v4, v4  }
0xf8: {  	v4 =	vmul.f32 $1.500000000e+00, v4;
	v1 =	vmul.f32 v6, v1;
	v56 =	vshrl.u32 v2, $0x1  }
0xf9: {  	v6 =	vmul.f32 $5.000000000e-01, v6;
	v3 =	vmul.f32 v53, v3;
	v8 =	vsub.s32 $0x5F3759DF, v56  }
0xfa: {  	v5 =	vmul.f32 v55, v54;
	v2 =	vmul.f32 v8, v2  }
0xfb: {  	v57 =	vmul.f32 v1, v1;
	v1 =	vmul.f32 $1.500000000e+00, v1  }
0xfc: {  	v58 =	vmul.f32 $5.000000000e-01, v8;
	v59 =	vmul.f32 v2, v2  }
0xfd: {  	v0 =	vsub.f32 v0, v3;
	v4 =	vsub.f32 v4, v5;
	v60 =	vmul.f32 v57, v6  }
0xfe: {  	v2 =	vmul.f32 $1.500000000e+00, v2;
	v3 =	vmul.f32 v59, v58  }
0xff: {  	v0 =	vadd.f32 $0.0e+00, v0;
	v4 =	vadd.f32 $0.0e+00, v4  }
0x100: {  	v1 =	vsub.f32 v1, v60;
	v2 =	vsub.f32 v2, v3;
	_ =	sdelay $0x1  }
0x101: {  	v0 =	vadd.f32 v1, v0;
	v61 =	vadd.f32 v2, v4;
	_ =	sdelay $0x1  }
0x102: {  	v0 =	vadd.f32 v61, v0;
	_ =	sdelay $0x1  }
0x103: {  	(xrf2) =	vadd.scan.msk.f32 $0xffff, v0;
	_ =	sdelay $0x6  }
0x104: {  	s29 =	sadd.s32 $0x3, s28  }
0x105: {  	p0 =	slt.u32 s28, $0x7C;
	v62 =	vmov s29  }
.Ltmp0:
0x106: {  	_ = 	snop;
	(pc) =	sbr.rel @p0 .LBB2_2-.Ltmp0, $4  }
0x107: {  	v63, _, _ =	vpop (xrf2)  }
0x108: {  	v1 =	vsub.f32 $0.0e+00, v63  }
0x109: {  	s28 =	sadd.s32 $0x4, s28  }
0x10a: {  	s21 =	sadd.s32 $0x200, s21;
	s23 =	sadd.s32 $0x200, s23;
	s26 =	sadd.s32 $0x200, s26;
	[tilespmem:v62+s25+$0x0] =	vst.idx.msk vm0, v1  }
0x10b: {  	_ =	swait.ge [sflag:s17], $0x4000  }
0x10c: {  	[sflag:s17] =	ssyncset.done $0x0  }
0x10d: {  	[sflag:s17] =	ssyncadd.s32 $0xFFFFC000  }
0x10e: {  	_ =	swait.ge [sflag:s18], $0x4000  }
0x10f: {  	[sflag:s18] =	ssyncset.done $0x0  }
0x110: {  	[sflag:s18] =	ssyncadd.s32 $0xFFFFC000  }
0x111: {  	_ =	swait.ge [sflag:s19], $0x4000  }
0x112: {  	[sflag:s19] =	ssyncset.done $0x0  }
0x113: {  	s21 =	simm.s32 $0x100;
	[sflag:s19] =	ssyncadd.s32 $0xFFFFC000  }
0x114: {  	[tilespmem:s14], [sflag:$0x1] =	stream.indirect.gather [hbm4b:s1+s13], $0x80, s21, s13, $0xb8;
	[tilespmem:$0x18800] =	vst v63  }
0x115: {  	s26 =	simm.s32 $0x500;
	s29 =	simm.s32 $0x300;
	s23 =	simm.s32 $0xC700  }
0x116: {  	[tilespmem:s15], [sflag:$0x2] =	stream.indirect.gather [hbm4b:s1+s13], $0x80, s26, s13, $0xb8;
	[tilespmem:$0x18800] =	vst v63  }
0x117: {  	s28 =	simm.s32 $0x14700;
	s21 =	simm.s32 $0xFFFFFFFC;
	s26 =	simm.s32 $0x10700  }
0x118: {  	[tilespmem:s16], [sflag:$0x3] =	stream.indirect.gather [hbm4b:s4+s13], $0x80, s29, s13, $0xb8;
	[tilespmem:$0x18800] =	vst v63  }
.LBB2_4:
0x119: {  	v0 =	vld [tilespmem:s23+$0xFFFFFF00]  }
0x11a: {  	v1 =	vld [tilespmem:s23+$0xFFFFFF40]  }
0x11b: {  	v2 =	vld [tilespmem:s26+$0xFFFFFF00]  }
0x11c: {  	v4 =	vld [tilespmem:s28+$0xFFFFFF00]  }
0x11d: {  	v5 =	vld [tilespmem:s28+$0xFFFFFF40]  }
0x11e: {  	v6 =	vld [tilespmem:s23+$0xFFFFFF10]  }
0x11f: {  	v7 =	vld [tilespmem:s23+$0xFFFFFF50]  }
0x120: {  	v8 =	vld [tilespmem:s28+$0xFFFFFF10]  }
0x121: {  	v9 =	vld [tilespmem:s28+$0xFFFFFF50]  }
0x122: {  	v14 =	vld [tilespmem:s23+$0xFFFFFF20]  }
0x123: {  	v57 =	vld [tilespmem:s23+$0xFFFFFF60]  }
0x124: {  	v16 =	vld [tilespmem:s28+$0xFFFFFF20]  }
0x125: {  	v59 =	vld [tilespmem:s28+$0xFFFFFF60]  }
0x126: {  	v61 =	vld [tilespmem:s23+$0xFFFFFF30]  }
0x127: {  	v62 =	vld [tilespmem:s23+$0xFFFFFF70];
	v12 =	vmul.f32 v4, v0;
	v13 =	vmul.f32 v5, v1  }
0x128: {  	v63 =	vld [tilespmem:s28+$0xFFFFFF30];
	v0 =	vmul.f32 v5, v0;
	v1 =	vmul.f32 v4, v1  }
0x129: {  	v20 =	vld [tilespmem:s28+$0xFFFFFF70];
	v58 =	vmul.f32 v8, v6;
	v15 =	vmul.f32 v9, v7  }
0x12a: {  	v3 =	vld [tilespmem:s26+$0xFFFFFF40];
	v6 =	vmul.f32 v9, v6;
	v7 =	vmul.f32 v8, v7  }
0x12b: {  	v10 =	vld [tilespmem:s26+$0xFFFFFF10];
	v23 =	vmul.f32 v16, v14;
	v24 =	vmul.f32 v59, v57  }
0x12c: {  	v11 =	vld [tilespmem:s26+$0xFFFFFF50];
	v8 =	vmul.f32 v59, v14;
	v4 =	vmul.f32 v16, v57  }
0x12d: {  	v21 =	vld [tilespmem:s26+$0xFFFFFF20];
	v27 =	vmul.f32 v63, v61;
	v60 =	vsub.f32 v12, v13;
	v0 =	vadd.f32 v0, v1  }
0x12e: {  	v22 =	vld [tilespmem:s26+$0xFFFFFF60];
	v28 =	vmul.f32 v20, v62;
	v5 =	vsub.f32 v58, v15;
	v6 =	vadd.f32 v6, v7  }
0x12f: {  	v30 =	vsub.f32 v23, v24;
	v4 =	vadd.f32 v8, v4  }
0x130: {  	v25 =	vld [tilespmem:s26+$0xFFFFFF30];
	v31 =	vsub.f32 v27, v28;
	v2 =	vsub.f32 v60, v2  }
0x131: {  	v26 =	vld [tilespmem:s26+$0xFFFFFF70];
	v1 =	vmul.f32 v20, v61;
	v0 =	vsub.f32 v0, v3;
	v5 =	vsub.f32 v5, v10  }
0x132: {  	v6 =	vsub.f32 v6, v11;
	v3 =	vmul.f32 v63, v62;
	v32 =	vsub.f32 v30, v21  }
0x133: {  	v4 =	vsub.f32 v4, v22;
	v2 =	vmul.f32 v2, v2;
	v0 =	vmul.f32 v0, v0  }
0x134: {  	v5 =	vmul.f32 v5, v5;
	v6 =	vmul.f32 v6, v6;
	v1 =	vadd.f32 v1, v3  }
0x135: {  	v33 =	vsub.f32 v31, v25;
	v0 =	vadd.f32 v0, v2  }
0x136: {  	v34 =	vmul.f32 v32, v32;
	v5 =	vadd.f32 v6, v5;
	v1 =	vsub.f32 v1, v26  }
0x137: {  	v35 =	vmul.f32 v4, v4;
	v7 =	vmul.f32 v33, v33  }
0x138: {  	v29 =	vshrl.u32 v0, $0x1;
	v36 =	vshrl.u32 v5, $0x1;
	v1 =	vmul.f32 v1, v1  }
0x139: {  	v2 =	vadd.f32 v35, v34;
	v6 =	vsub.s32 $0x5F3759DF, v29;
	v4 =	vsub.s32 $0x5F3759DF, v36  }
0x13a: {  	v0 =	vmul.f32 v6, v0;
	v38 =	vmul.f32 v4, v5;
	v1 =	vadd.f32 v1, v7  }
0x13b: {  	v40 =	vshrl.u32 v2, $0x1;
	v6 =	vmul.f32 $5.000000000e-01, v6;
	v4 =	vmul.f32 $5.000000000e-01, v4  }
0x13c: {  	v37 =	vmul.f32 v0, v0;
	v41 =	vmul.f32 v38, v38;
	v42 =	vshrl.u32 v1, $0x1  }
0x13d: {  	v0 =	vmul.f32 $1.500000000e+00, v0;
	v3 =	vmul.f32 $1.500000000e+00, v38;
	v8 =	vsub.s32 $0x5F3759DF, v42  }
0x13e: {  	v39 =	vmul.f32 v37, v6;
	v6 =	vsub.s32 $0x5F3759DF, v40;
	v4 =	vmul.f32 v41, v4  }
0x13f: {  	v1 =	vmul.f32 v8, v1;
	v2 =	vmul.f32 v6, v2  }
0x140: {  	v44 =	vmul.f32 $5.000000000e-01, v8;
	v6 =	vmul.f32 $5.000000000e-01, v6  }
0x141: {  	v0 =	vsub.f32 v0, v39;
	v45 =	vmul.f32 v1, v1;
	v43 =	vmul.f32 v2, v2  }
0x142: {  	v3 =	vsub.f32 v3, v4;
	v1 =	vmul.f32 $1.500000000e+00, v1;
	v2 =	vmul.f32 $1.500000000e+00, v2  }
0x143: {  	v5 =	vmul.f32 v45, v44;
	v46 =	vmul.f32 v43, v6  }
0x144: {  	v0 =	vadd.f32 $0.0e+00, v0;
	v3 =	vadd.f32 $0.0e+00, v3  }
0x145: {  	v1 =	vsub.f32 v1, v5;
	v2 =	vsub.f32 v2, v46;
	_ =	sdelay $0x1  }
0x146: {  	v1 =	vadd.f32 v1, v3;
	v0 =	vadd.f32 v2, v0;
	_ =	sdelay $0x1  }
0x147: {  	v0 =	vadd.f32 v1, v0;
	_ =	sdelay $0x1  }
0x148: {  	(xrf2) =	vadd.scan.msk.f32 $0xffff, v0;
	_ =	sdelay $0x3  }
0x149: {  	s29 =	sadd.s32 $0x84, s21  }
0x14a: {  	v47 =	vmov s29  }
0x14b: {  	v0 =	vand.u32 $0xFFFFFFFC, v47  }
0x14c: {  	v0 =	vbroadcast v0, $0x0;
	_ =	sdelay $0x2  }
0x14d: {  	v48, _, _ =	vpop (xrf2)  }
0x14e: {  	v1 =	vsub.f32 $0.0e+00, v48;
	_ =	sdelay $0x1  }
0x14f: {  	[tilespmem:v0+s25+$0x0] =	vst.idx.msk vm0, v1  }
0x150: {  	v0 =	vld [tilespmem:s23+$0xFFFFFF80]  }
0x151: {  	v1 =	vld [tilespmem:s23+$0xFFFFFFC0]  }
0x152: {  	v51 =	vld [tilespmem:s28+$0xFFFFFF80]  }
0x153: {  	v52 =	vld [tilespmem:s28+$0xFFFFFFC0]  }
0x154: {  	v53 =	vld [tilespmem:s23+$0xFFFFFF90]  }
0x155: {  	v54 =	vld [tilespmem:s23+$0xFFFFFFD0]  }
0x156: {  	v55 =	vld [tilespmem:s28+$0xFFFFFF90]  }
0x157: {  	v56 =	vld [tilespmem:s28+$0xFFFFFFD0]  }
0x158: {  	v61 =	vld [tilespmem:s23+$0xFFFFFFA0]  }
0x159: {  	v62 =	vld [tilespmem:s23+$0xFFFFFFE0]  }
0x15a: {  	v21 =	vld [tilespmem:s28+$0xFFFFFFA0]  }
0x15b: {  	v22 =	vld [tilespmem:s28+$0xFFFFFFE0]  }
0x15c: {  	v24 =	vld [tilespmem:s23+$0xFFFFFFB0]  }
0x15d: {  	v25 =	vld [tilespmem:s23+$0xFFFFFFF0];
	v59 =	vmul.f32 v51, v0;
	v60 =	vmul.f32 v52, v1  }
0x15e: {  	v26 =	vld [tilespmem:s28+$0xFFFFFFB0];
	v0 =	vmul.f32 v52, v0;
	v1 =	vmul.f32 v51, v1  }
0x15f: {  	v27 =	vld [tilespmem:s28+$0xFFFFFFF0];
	v63 =	vmul.f32 v55, v53;
	v20 =	vmul.f32 v56, v54  }
0x160: {  	v49 =	vld [tilespmem:s26+$0xFFFFFF80];
	v6 =	vmul.f32 v56, v53;
	v7 =	vmul.f32 v55, v54  }
0x161: {  	v50 =	vld [tilespmem:s26+$0xFFFFFFC0];
	v30 =	vmul.f32 v21, v61;
	v31 =	vmul.f32 v22, v62  }
0x162: {  	v57 =	vld [tilespmem:s26+$0xFFFFFF90];
	v8 =	vmul.f32 v22, v61;
	v4 =	vmul.f32 v21, v62  }
0x163: {  	v58 =	vld [tilespmem:s26+$0xFFFFFFD0];
	v34 =	vmul.f32 v26, v24;
	v23 =	vsub.f32 v59, v60;
	v0 =	vadd.f32 v0, v1  }
0x164: {  	v28 =	vld [tilespmem:s26+$0xFFFFFFA0];
	v35 =	vmul.f32 v27, v25;
	v5 =	vsub.f32 v63, v20;
	v6 =	vadd.f32 v6, v7  }
0x165: {  	v32 =	vld [tilespmem:s26+$0xFFFFFFB0];
	v3 =	vmul.f32 v26, v25;
	v37 =	vsub.f32 v30, v31;
	v4 =	vadd.f32 v8, v4  }
0x166: {  	v33 =	vld [tilespmem:s26+$0xFFFFFFF0];
	v1 =	vmul.f32 v27, v24;
	v38 =	vsub.f32 v34, v35;
	v2 =	vsub.f32 v23, v49  }
0x167: {  	v29 =	vld [tilespmem:s26+$0xFFFFFFE0];
	v0 =	vsub.f32 v0, v50;
	v5 =	vsub.f32 v5, v57  }
0x168: {  	v6 =	vsub.f32 v6, v58;
	v1 =	vadd.f32 v1, v3  }
0x169: {  	v39 =	vsub.f32 v37, v28;
	v2 =	vmul.f32 v2, v2;
	v0 =	vmul.f32 v0, v0  }
0x16a: {  	v40 =	vsub.f32 v38, v32;
	v5 =	vmul.f32 v5, v5;
	v6 =	vmul.f32 v6, v6  }
0x16b: {  	v1 =	vsub.f32 v1, v33;
	v0 =	vadd.f32 v0, v2  }
0x16c: {  	v4 =	vsub.f32 v4, v29;
	v41 =	vmul.f32 v39, v39;
	v5 =	vadd.f32 v6, v5  }
0x16d: {  	v7 =	vmul.f32 v40, v40;
	v1 =	vmul.f32 v1, v1;
	v36 =	vshrl.u32 v0, $0x1  }
0x16e: {  	v42 =	vmul.f32 v4, v4;
	v43 =	vshrl.u32 v5, $0x1;
	v6 =	vsub.s32 $0x5F3759DF, v36  }
0x16f: {  	v1 =	vadd.f32 v1, v7;
	v4 =	vsub.s32 $0x5F3759DF, v43;
	v0 =	vmul.f32 v6, v0  }
0x170: {  	v2 =	vadd.f32 v42, v41;
	v6 =	vmul.f32 $5.000000000e-01, v6;
	v45 =	vmul.f32 v4, v5  }
0x171: {  	v4 =	vmul.f32 $5.000000000e-01, v4;
	v49 =	vshrl.u32 v1, $0x1;
	v44 =	vmul.f32 v0, v0  }
0x172: {  	v8 =	vsub.s32 $0x5F3759DF, v49;
	v0 =	vmul.f32 $1.500000000e+00, v0;
	v48 =	vmul.f32 v45, v45  }
0x173: {  	v47 =	vshrl.u32 v2, $0x1;
	v3 =	vmul.f32 $1.500000000e+00, v45;
	v1 =	vmul.f32 v8, v1  }
0x174: {  	v51 =	vmul.f32 $5.000000000e-01, v8;
	v46 =	vmul.f32 v44, v6;
	v6 =	vsub.s32 $0x5F3759DF, v47  }
0x175: {  	v4 =	vmul.f32 v48, v4;
	v2 =	vmul.f32 v6, v2  }
0x176: {  	v52 =	vmul.f32 v1, v1;
	v1 =	vmul.f32 $1.500000000e+00, v1  }
0x177: {  	v6 =	vmul.f32 $5.000000000e-01, v6;
	v50 =	vmul.f32 v2, v2  }
0x178: {  	v0 =	vsub.f32 v0, v46;
	v3 =	vsub.f32 v3, v4;
	v5 =	vmul.f32 v52, v51  }
0x179: {  	v2 =	vmul.f32 $1.500000000e+00, v2;
	v53 =	vmul.f32 v50, v6  }
0x17a: {  	v0 =	vadd.f32 $0.0e+00, v0;
	v3 =	vadd.f32 $0.0e+00, v3  }
0x17b: {  	v1 =	vsub.f32 v1, v5;
	v2 =	vsub.f32 v2, v53;
	_ =	sdelay $0x1  }
0x17c: {  	v1 =	vadd.f32 v1, v3;
	v0 =	vadd.f32 v2, v0;
	_ =	sdelay $0x1  }
0x17d: {  	v0 =	vadd.f32 v1, v0;
	_ =	sdelay $0x1  }
0x17e: {  	(xrf2) =	vadd.scan.msk.f32 $0xffff, v0;
	_ =	sdelay $0x3  }
0x17f: {  	s29 =	sadd.s32 $0x85, s21  }
0x180: {  	v54 =	vmov s29  }
0x181: {  	v0 =	vand.u32 $0xFFFFFFFD, v54  }
0x182: {  	v0 =	vbroadcast v0, $0x0;
	_ =	sdelay $0x2  }
0x183: {  	v55, _, _ =	vpop (xrf2)  }
0x184: {  	v1 =	vsub.f32 $0.0e+00, v55;
	_ =	sdelay $0x1  }
0x185: {  	[tilespmem:v0+s25+$0x0] =	vst.idx.msk vm0, v1  }
0x186: {  	v0 =	vld [tilespmem:s23+$0x0]  }
0x187: {  	v1 =	vld [tilespmem:s23+$0x40]  }
0x188: {  	v58 =	vld [tilespmem:s28+$0x0]  }
0x189: {  	v59 =	vld [tilespmem:s28+$0x40]  }
0x18a: {  	v60 =	vld [tilespmem:s23+$0x10]  }
0x18b: {  	v61 =	vld [tilespmem:s23+$0x50]  }
0x18c: {  	v62 =	vld [tilespmem:s28+$0x10]  }
0x18d: {  	v63 =	vld [tilespmem:s28+$0x50]  }
0x18e: {  	v24 =	vld [tilespmem:s23+$0x20]  }
0x18f: {  	v25 =	vld [tilespmem:s23+$0x60]  }
0x190: {  	v28 =	vld [tilespmem:s28+$0x20]  }
0x191: {  	v29 =	vld [tilespmem:s28+$0x60]  }
0x192: {  	v31 =	vld [tilespmem:s23+$0x30]  }
0x193: {  	v32 =	vld [tilespmem:s23+$0x70];
	v22 =	vmul.f32 v58, v0;
	v23 =	vmul.f32 v59, v1  }
0x194: {  	v33 =	vld [tilespmem:s28+$0x30];
	v0 =	vmul.f32 v59, v0;
	v1 =	vmul.f32 v58, v1  }
0x195: {  	v34 =	vld [tilespmem:s28+$0x70];
	v26 =	vmul.f32 v62, v60;
	v27 =	vmul.f32 v63, v61  }
0x196: {  	v56 =	vld [tilespmem:s26+$0x0];
	v6 =	vmul.f32 v63, v60;
	v7 =	vmul.f32 v62, v61  }
0x197: {  	v57 =	vld [tilespmem:s26+$0x40];
	v37 =	vmul.f32 v28, v24;
	v38 =	vmul.f32 v29, v25  }
0x198: {  	v20 =	vld [tilespmem:s26+$0x10];
	v8 =	vmul.f32 v29, v24;
	v4 =	vmul.f32 v28, v25  }
0x199: {  	v21 =	vld [tilespmem:s26+$0x50];
	v41 =	vmul.f32 v33, v31;
	v30 =	vsub.f32 v22, v23;
	v0 =	vadd.f32 v0, v1  }
0x19a: {  	v35 =	vld [tilespmem:s26+$0x20];
	v42 =	vmul.f32 v34, v32;
	v5 =	vsub.f32 v26, v27;
	v6 =	vadd.f32 v6, v7  }
0x19b: {  	v39 =	vld [tilespmem:s26+$0x30];
	v3 =	vmul.f32 v33, v32;
	v44 =	vsub.f32 v37, v38;
	v4 =	vadd.f32 v8, v4  }
0x19c: {  	v40 =	vld [tilespmem:s26+$0x70];
	v1 =	vmul.f32 v34, v31;
	v45 =	vsub.f32 v41, v42;
	v2 =	vsub.f32 v30, v56  }
0x19d: {  	v36 =	vld [tilespmem:s26+$0x60];
	v0 =	vsub.f32 v0, v57;
	v5 =	vsub.f32 v5, v20  }
0x19e: {  	v6 =	vsub.f32 v6, v21;
	v1 =	vadd.f32 v1, v3  }
0x19f: {  	v46 =	vsub.f32 v44, v35;
	v2 =	vmul.f32 v2, v2;
	v0 =	vmul.f32 v0, v0  }
0x1a0: {  	v47 =	vsub.f32 v45, v39;
	v5 =	vmul.f32 v5, v5;
	v6 =	vmul.f32 v6, v6  }
0x1a1: {  	v1 =	vsub.f32 v1, v40;
	v0 =	vadd.f32 v0, v2  }
0x1a2: {  	v4 =	vsub.f32 v4, v36;
	v48 =	vmul.f32 v46, v46;
	v5 =	vadd.f32 v6, v5  }
0x1a3: {  	v7 =	vmul.f32 v47, v47;
	v1 =	vmul.f32 v1, v1;
	v43 =	vshrl.u32 v0, $0x1  }
0x1a4: {  	v49 =	vmul.f32 v4, v4;
	v50 =	vshrl.u32 v5, $0x1;
	v6 =	vsub.s32 $0x5F3759DF, v43  }
0x1a5: {  	v1 =	vadd.f32 v1, v7;
	v4 =	vsub.s32 $0x5F3759DF, v50;
	v0 =	vmul.f32 v6, v0  }
0x1a6: {  	v2 =	vadd.f32 v49, v48;
	v6 =	vmul.f32 $5.000000000e-01, v6;
	v52 =	vmul.f32 v4, v5  }
0x1a7: {  	v4 =	vmul.f32 $5.000000000e-01, v4;
	v56 =	vshrl.u32 v1, $0x1;
	v51 =	vmul.f32 v0, v0  }
0x1a8: {  	v8 =	vsub.s32 $0x5F3759DF, v56;
	v0 =	vmul.f32 $1.500000000e+00, v0;
	v55 =	vmul.f32 v52, v52  }
0x1a9: {  	v54 =	vshrl.u32 v2, $0x1;
	v3 =	vmul.f32 $1.500000000e+00, v52;
	v1 =	vmul.f32 v8, v1  }
0x1aa: {  	v58 =	vmul.f32 $5.000000000e-01, v8;
	v53 =	vmul.f32 v51, v6;
	v6 =	vsub.s32 $0x5F3759DF, v54  }
0x1ab: {  	v4 =	vmul.f32 v55, v4;
	v2 =	vmul.f32 v6, v2  }
0x1ac: {  	v59 =	vmul.f32 v1, v1;
	v1 =	vmul.f32 $1.500000000e+00, v1  }
0x1ad: {  	v6 =	vmul.f32 $5.000000000e-01, v6;
	v57 =	vmul.f32 v2, v2  }
0x1ae: {  	v0 =	vsub.f32 v0, v53;
	v3 =	vsub.f32 v3, v4;
	v5 =	vmul.f32 v59, v58  }
0x1af: {  	v2 =	vmul.f32 $1.500000000e+00, v2;
	v60 =	vmul.f32 v57, v6  }
0x1b0: {  	v0 =	vadd.f32 $0.0e+00, v0;
	v3 =	vadd.f32 $0.0e+00, v3  }
0x1b1: {  	v1 =	vsub.f32 v1, v5;
	v2 =	vsub.f32 v2, v60;
	_ =	sdelay $0x1  }
0x1b2: {  	v1 =	vadd.f32 v1, v3;
	v0 =	vadd.f32 v2, v0;
	_ =	sdelay $0x1  }
0x1b3: {  	v0 =	vadd.f32 v1, v0;
	_ =	sdelay $0x1  }
0x1b4: {  	(xrf2) =	vadd.scan.msk.f32 $0xffff, v0;
	_ =	sdelay $0x3  }
0x1b5: {  	s29 =	sadd.s32 $0x86, s21  }
0x1b6: {  	v61 =	vmov s29  }
0x1b7: {  	v0 =	vand.u32 $0xFFFFFFFE, v61  }
0x1b8: {  	v0 =	vbroadcast v0, $0x0;
	_ =	sdelay $0x2  }
0x1b9: {  	v62, _, _ =	vpop (xrf2)  }
0x1ba: {  	v1 =	vsub.f32 $0.0e+00, v62;
	_ =	sdelay $0x1  }
0x1bb: {  	[tilespmem:v0+s25+$0x0] =	vst.idx.msk vm0, v1  }
0x1bc: {  	v0 =	vld [tilespmem:s23+$0x80]  }
0x1bd: {  	v1 =	vld [tilespmem:s23+$0xC0]  }
0x1be: {  	v63 =	vld [tilespmem:s26+$0x80]  }
0x1bf: {  	v17 =	vld [tilespmem:s28+$0x80]  }
0x1c0: {  	v18 =	vld [tilespmem:s28+$0xC0]  }
0x1c1: {  	v19 =	vld [tilespmem:s23+$0x90]  }
0x1c2: {  	v20 =	vld [tilespmem:s23+$0xD0]  }
0x1c3: {  	v21 =	vld [tilespmem:s28+$0x90]  }
0x1c4: {  	v22 =	vld [tilespmem:s28+$0xD0]  }
0x1c5: {  	v23 =	vld [tilespmem:s26+$0xC0]  }
0x1c6: {  	v28 =	vld [tilespmem:s23+$0xA0]  }
0x1c7: {  	v31 =	vld [tilespmem:s23+$0xE0]  }
0x1c8: {  	v32 =	vld [tilespmem:s28+$0xA0]  }
0x1c9: {  	v34 =	vld [tilespmem:s28+$0xE0]  }
0x1ca: {  	v35 =	vld [tilespmem:s23+$0xB0];
	v25 =	vmul.f32 v17, v0  }
0x1cb: {  	v36 =	vld [tilespmem:s28+$0xB0];
	v26 =	vmul.f32 v18, v1;
	v0 =	vmul.f32 v18, v0  }
0x1cc: {  	v38 =	vld [tilespmem:s23+$0xF0];
	v1 =	vmul.f32 v17, v1;
	v29 =	vmul.f32 v21, v19  }
0x1cd: {  	v24 =	vld [tilespmem:s26+$0x90];
	v30 =	vmul.f32 v22, v20;
	v5 =	vmul.f32 v22, v19  }
0x1ce: {  	v37 =	vld [tilespmem:s28+$0xF0];
	v6 =	vmul.f32 v21, v20;
	v41 =	vmul.f32 v32, v28  }
0x1cf: {  	v27 =	vld [tilespmem:s26+$0xD0];
	v42 =	vmul.f32 v34, v31;
	v43 =	vmul.f32 v32, v31  }
0x1d0: {  	v46 =	vmul.f32 v36, v35;
	v33 =	vsub.f32 v25, v26;
	v0 =	vadd.f32 v0, v1  }
0x1d1: {  	v39 =	vld [tilespmem:s26+$0xA0];
	v8 =	vmul.f32 v36, v38;
	v4 =	vsub.f32 v29, v30;
	v5 =	vadd.f32 v5, v6  }
0x1d2: {  	v40 =	vld [tilespmem:s26+$0xE0];
	v1 =	vmul.f32 v34, v28;
	v48 =	vsub.f32 v41, v42;
	v2 =	vsub.f32 v33, v63  }
0x1d3: {  	v6 =	vmul.f32 v37, v35;
	v0 =	vsub.f32 v0, v23;
	v4 =	vsub.f32 v4, v24  }
0x1d4: {  	v45 =	vld [tilespmem:s26+$0xF0];
	v47 =	vmul.f32 v37, v38;
	v5 =	vsub.f32 v5, v27;
	v1 =	vadd.f32 v1, v43  }
0x1d5: {  	v44 =	vld [tilespmem:s26+$0xB0];
	v6 =	vadd.f32 v6, v8;
	v2 =	vmul.f32 v2, v2;
	v0 =	vmul.f32 v0, v0  }
0x1d6: {  	v50 =	vsub.f32 v48, v39;
	v4 =	vmul.f32 v4, v4;
	v5 =	vmul.f32 v5, v5  }
0x1d7: {  	v1 =	vsub.f32 v1, v40;
	v0 =	vadd.f32 v0, v2  }
0x1d8: {  	v51 =	vmul.f32 v50, v50;
	v4 =	vadd.f32 v5, v4;
	v5 =	vsub.f32 v46, v47  }
0x1d9: {  	v2 =	vsub.f32 v6, v45;
	v1 =	vmul.f32 v1, v1;
	v49 =	vshrl.u32 v0, $0x1  }
0x1da: {  	v5 =	vsub.f32 v5, v44;
	v52 =	vshrl.u32 v4, $0x1;
	v3 =	vsub.s32 $0x5F3759DF, v49  }
0x1db: {  	v2 =	vmul.f32 v2, v2;
	v1 =	vadd.f32 v1, v51;
	v0 =	vmul.f32 v3, v0  }
0x1dc: {  	v7 =	vsub.s32 $0x5F3759DF, v52;
	v3 =	vmul.f32 $5.000000000e-01, v3;
	v5 =	vmul.f32 v5, v5  }
0x1dd: {  	v4 =	vmul.f32 v7, v4;
	v54 =	vmul.f32 $5.000000000e-01, v7  }
0x1de: {  	v6 =	vshrl.u32 v1, $0x1;
	v53 =	vmul.f32 v0, v0;
	v2 =	vadd.f32 v2, v5  }
0x1df: {  	v6 =	vsub.s32 $0x5F3759DF, v6;
	v0 =	vmul.f32 $1.500000000e+00, v0;
	v55 =	vmul.f32 v4, v4  }
0x1e0: {  	v4 =	vmul.f32 $1.500000000e+00, v4;
	v1 =	vmul.f32 v6, v1;
	v56 =	vshrl.u32 v2, $0x1  }
0x1e1: {  	v6 =	vmul.f32 $5.000000000e-01, v6;
	v3 =	vmul.f32 v53, v3;
	v8 =	vsub.s32 $0x5F3759DF, v56  }
0x1e2: {  	v5 =	vmul.f32 v55, v54;
	v2 =	vmul.f32 v8, v2  }
0x1e3: {  	v57 =	vmul.f32 v1, v1;
	v1 =	vmul.f32 $1.500000000e+00, v1  }
0x1e4: {  	v58 =	vmul.f32 $5.000000000e-01, v8;
	v59 =	vmul.f32 v2, v2  }
0x1e5: {  	v0 =	vsub.f32 v0, v3;
	v4 =	vsub.f32 v4, v5;
	v60 =	vmul.f32 v57, v6  }
0x1e6: {  	v2 =	vmul.f32 $1.500000000e+00, v2;
	v3 =	vmul.f32 v59, v58  }
0x1e7: {  	v0 =	vadd.f32 $0.0e+00, v0;
	v4 =	vadd.f32 $0.0e+00, v4  }
0x1e8: {  	v1 =	vsub.f32 v1, v60;
	v2 =	vsub.f32 v2, v3;
	_ =	sdelay $0x1  }
0x1e9: {  	v0 =	vadd.f32 v1, v0;
	v61 =	vadd.f32 v2, v4;
	_ =	sdelay $0x1  }
0x1ea: {  	v0 =	vadd.f32 v61, v0;
	_ =	sdelay $0x1  }
0x1eb: {  	(xrf2) =	vadd.scan.msk.f32 $0xffff, v0;
	_ =	sdelay $0x6  }
0x1ec: {  	s29 =	sadd.s32 $0x87, s21;
	s21 =	sadd.s32 $0x4, s21  }
0x1ed: {  	p0 =	slt.u32 s21, $0x7C;
	v62 =	vmov s29  }
.Ltmp1:
0x1ee: {  	_ = 	snop;
	(pc) =	sbr.rel @p0 .LBB2_4-.Ltmp1, $3  }
0x1ef: {  	v63, _, _ =	vpop (xrf2)  }
0x1f0: {  	v1 =	vsub.f32 $0.0e+00, v63;
	_ =	sdelay $0x1  }
0x1f1: {  	s23 =	sadd.s32 $0x200, s23;
	s26 =	sadd.s32 $0x200, s26;
	s28 =	sadd.s32 $0x200, s28;
	[tilespmem:v62+s25+$0x0] =	vst.idx.msk vm0, v1  }
0x1f2: {  	_ =	swait.ge [sflag:s17], $0x4000  }
0x1f3: {  	[sflag:s17] =	ssyncset.done $0x0  }
0x1f4: {  	[sflag:s17] =	ssyncadd.s32 $0xFFFFC000  }
0x1f5: {  	_ =	swait.ge [sflag:s18], $0x4000  }
0x1f6: {  	[sflag:s18] =	ssyncset.done $0x0  }
0x1f7: {  	[sflag:s18] =	ssyncadd.s32 $0xFFFFC000  }
0x1f8: {  	_ =	swait.ge [sflag:s19], $0x4000  }
0x1f9: {  	[sflag:s19] =	ssyncset.done $0x0  }
0x1fa: {  	[sflag:s19] =	ssyncadd.s32 $0xFFFFC000  }
0x1fb: {  	[tilespmem:s20], [sflag:$0x1] =	stream.indirect.gather [hbm4b:s1+s13], $0x80, s30, s13, $0xb8;
	[tilespmem:$0x18800] =	vst v63  }
0x1fc: {  	s21 =	simm.s32 $0xFFFFFFFC  }
0x1fd: {  	[tilespmem:s22], [sflag:$0x2] =	stream.indirect.gather [hbm4b:s1+s13], $0x80, s31, s13, $0xb8;
	[tilespmem:$0x18800] =	vst v63  }
0x1fe: {  	s23 =	simm.s32 $0x700;
	s26 =	simm.s32 $0x4700;
	s28 =	simm.s32 $0x8700  }
0x1ff: {  	[tilespmem:s24], [sflag:$0x3] =	stream.indirect.gather [hbm4b:s4+s13], $0x80, s0, s13, $0xb8;
	[tilespmem:$0x18800] =	vst v63  }
.LBB2_6:
0x200: {  	v0 =	vld [tilespmem:s23+$0xFFFFFF00]  }
0x201: {  	v1 =	vld [tilespmem:s23+$0xFFFFFF40]  }
0x202: {  	v2 =	vld [tilespmem:s26+$0xFFFFFF00]  }
0x203: {  	v4 =	vld [tilespmem:s28+$0xFFFFFF00]  }
0x204: {  	v5 =	vld [tilespmem:s28+$0xFFFFFF40]  }
0x205: {  	v6 =	vld [tilespmem:s23+$0xFFFFFF10]  }
0x206: {  	v7 =	vld [tilespmem:s23+$0xFFFFFF50]  }
0x207: {  	v8 =	vld [tilespmem:s28+$0xFFFFFF10]  }
0x208: {  	v9 =	vld [tilespmem:s28+$0xFFFFFF50]  }
0x209: {  	v14 =	vld [tilespmem:s23+$0xFFFFFF20]  }
0x20a: {  	v57 =	vld [tilespmem:s23+$0xFFFFFF60]  }
0x20b: {  	v16 =	vld [tilespmem:s28+$0xFFFFFF20]  }
0x20c: {  	v59 =	vld [tilespmem:s28+$0xFFFFFF60]  }
0x20d: {  	v61 =	vld [tilespmem:s23+$0xFFFFFF30]  }
0x20e: {  	v62 =	vld [tilespmem:s23+$0xFFFFFF70];
	v12 =	vmul.f32 v4, v0;
	v13 =	vmul.f32 v5, v1  }
0x20f: {  	v63 =	vld [tilespmem:s28+$0xFFFFFF30];
	v0 =	vmul.f32 v5, v0;
	v1 =	vmul.f32 v4, v1  }
0x210: {  	v20 =	vld [tilespmem:s28+$0xFFFFFF70];
	v58 =	vmul.f32 v8, v6;
	v15 =	vmul.f32 v9, v7  }
0x211: {  	v3 =	vld [tilespmem:s26+$0xFFFFFF40];
	v6 =	vmul.f32 v9, v6;
	v7 =	vmul.f32 v8, v7  }
0x212: {  	v10 =	vld [tilespmem:s26+$0xFFFFFF10];
	v23 =	vmul.f32 v16, v14;
	v24 =	vmul.f32 v59, v57  }
0x213: {  	v11 =	vld [tilespmem:s26+$0xFFFFFF50];
	v8 =	vmul.f32 v59, v14;
	v4 =	vmul.f32 v16, v57  }
0x214: {  	v21 =	vld [tilespmem:s26+$0xFFFFFF20];
	v27 =	vmul.f32 v63, v61;
	v60 =	vsub.f32 v12, v13;
	v0 =	vadd.f32 v0, v1  }
0x215: {  	v22 =	vld [tilespmem:s26+$0xFFFFFF60];
	v28 =	vmul.f32 v20, v62;
	v5 =	vsub.f32 v58, v15;
	v6 =	vadd.f32 v6, v7  }
0x216: {  	v30 =	vsub.f32 v23, v24;
	v4 =	vadd.f32 v8, v4  }
0x217: {  	v25 =	vld [tilespmem:s26+$0xFFFFFF30];
	v31 =	vsub.f32 v27, v28;
	v2 =	vsub.f32 v60, v2  }
0x218: {  	v26 =	vld [tilespmem:s26+$0xFFFFFF70];
	v1 =	vmul.f32 v20, v61;
	v0 =	vsub.f32 v0, v3;
	v5 =	vsub.f32 v5, v10  }
0x219: {  	v6 =	vsub.f32 v6, v11;
	v3 =	vmul.f32 v63, v62;
	v32 =	vsub.f32 v30, v21  }
0x21a: {  	v4 =	vsub.f32 v4, v22;
	v2 =	vmul.f32 v2, v2;
	v0 =	vmul.f32 v0, v0  }
0x21b: {  	v5 =	vmul.f32 v5, v5;
	v6 =	vmul.f32 v6, v6;
	v1 =	vadd.f32 v1, v3  }
0x21c: {  	v33 =	vsub.f32 v31, v25;
	v0 =	vadd.f32 v0, v2  }
0x21d: {  	v34 =	vmul.f32 v32, v32;
	v5 =	vadd.f32 v6, v5;
	v1 =	vsub.f32 v1, v26  }
0x21e: {  	v35 =	vmul.f32 v4, v4;
	v7 =	vmul.f32 v33, v33  }
0x21f: {  	v29 =	vshrl.u32 v0, $0x1;
	v36 =	vshrl.u32 v5, $0x1;
	v1 =	vmul.f32 v1, v1  }
0x220: {  	v2 =	vadd.f32 v35, v34;
	v6 =	vsub.s32 $0x5F3759DF, v29;
	v4 =	vsub.s32 $0x5F3759DF, v36  }
0x221: {  	v0 =	vmul.f32 v6, v0;
	v38 =	vmul.f32 v4, v5;
	v1 =	vadd.f32 v1, v7  }
0x222: {  	v40 =	vshrl.u32 v2, $0x1;
	v6 =	vmul.f32 $5.000000000e-01, v6;
	v4 =	vmul.f32 $5.000000000e-01, v4  }
0x223: {  	v37 =	vmul.f32 v0, v0;
	v41 =	vmul.f32 v38, v38;
	v42 =	vshrl.u32 v1, $0x1  }
0x224: {  	v0 =	vmul.f32 $1.500000000e+00, v0;
	v3 =	vmul.f32 $1.500000000e+00, v38;
	v8 =	vsub.s32 $0x5F3759DF, v42  }
0x225: {  	v39 =	vmul.f32 v37, v6;
	v6 =	vsub.s32 $0x5F3759DF, v40;
	v4 =	vmul.f32 v41, v4  }
0x226: {  	v1 =	vmul.f32 v8, v1;
	v2 =	vmul.f32 v6, v2  }
0x227: {  	v44 =	vmul.f32 $5.000000000e-01, v8;
	v6 =	vmul.f32 $5.000000000e-01, v6  }
0x228: {  	v0 =	vsub.f32 v0, v39;
	v45 =	vmul.f32 v1, v1;
	v43 =	vmul.f32 v2, v2  }
0x229: {  	v3 =	vsub.f32 v3, v4;
	v1 =	vmul.f32 $1.500000000e+00, v1;
	v2 =	vmul.f32 $1.500000000e+00, v2  }
0x22a: {  	v5 =	vmul.f32 v45, v44;
	v46 =	vmul.f32 v43, v6  }
0x22b: {  	v0 =	vadd.f32 $0.0e+00, v0;
	v3 =	vadd.f32 $0.0e+00, v3  }
0x22c: {  	v1 =	vsub.f32 v1, v5;
	v2 =	vsub.f32 v2, v46;
	_ =	sdelay $0x1  }
0x22d: {  	v1 =	vadd.f32 v1, v3;
	v0 =	vadd.f32 v2, v0;
	_ =	sdelay $0x1  }
0x22e: {  	v0 =	vadd.f32 v1, v0;
	_ =	sdelay $0x1  }
0x22f: {  	(xrf2) =	vadd.scan.msk.f32 $0xffff, v0;
	_ =	sdelay $0x3  }
0x230: {  	s29 =	sadd.s32 $0x104, s21  }
0x231: {  	v47 =	vmov s29  }
0x232: {  	v0 =	vand.u32 $0xFFFFFFFC, v47  }
0x233: {  	v0 =	vbroadcast v0, $0x0;
	_ =	sdelay $0x2  }
0x234: {  	v48, _, _ =	vpop (xrf2)  }
0x235: {  	v1 =	vsub.f32 $0.0e+00, v48;
	_ =	sdelay $0x1  }
0x236: {  	[tilespmem:v0+s25+$0x0] =	vst.idx.msk vm0, v1  }
0x237: {  	v0 =	vld [tilespmem:s23+$0xFFFFFF80]  }
0x238: {  	v1 =	vld [tilespmem:s23+$0xFFFFFFC0]  }
0x239: {  	v51 =	vld [tilespmem:s28+$0xFFFFFF80]  }
0x23a: {  	v52 =	vld [tilespmem:s28+$0xFFFFFFC0]  }
0x23b: {  	v53 =	vld [tilespmem:s23+$0xFFFFFF90]  }
0x23c: {  	v54 =	vld [tilespmem:s23+$0xFFFFFFD0]  }
0x23d: {  	v55 =	vld [tilespmem:s28+$0xFFFFFF90]  }
0x23e: {  	v56 =	vld [tilespmem:s28+$0xFFFFFFD0]  }
0x23f: {  	v61 =	vld [tilespmem:s23+$0xFFFFFFA0]  }
0x240: {  	v62 =	vld [tilespmem:s23+$0xFFFFFFE0]  }
0x241: {  	v21 =	vld [tilespmem:s28+$0xFFFFFFA0]  }
0x242: {  	v22 =	vld [tilespmem:s28+$0xFFFFFFE0]  }
0x243: {  	v24 =	vld [tilespmem:s23+$0xFFFFFFB0]  }
0x244: {  	v25 =	vld [tilespmem:s23+$0xFFFFFFF0];
	v59 =	vmul.f32 v51, v0;
	v60 =	vmul.f32 v52, v1  }
0x245: {  	v26 =	vld [tilespmem:s28+$0xFFFFFFB0];
	v0 =	vmul.f32 v52, v0;
	v1 =	vmul.f32 v51, v1  }
0x246: {  	v27 =	vld [tilespmem:s28+$0xFFFFFFF0];
	v63 =	vmul.f32 v55, v53;
	v20 =	vmul.f32 v56, v54  }
0x247: {  	v49 =	vld [tilespmem:s26+$0xFFFFFF80];
	v6 =	vmul.f32 v56, v53;
	v7 =	vmul.f32 v55, v54  }
0x248: {  	v50 =	vld [tilespmem:s26+$0xFFFFFFC0];
	v30 =	vmul.f32 v21, v61;
	v31 =	vmul.f32 v22, v62  }
0x249: {  	v57 =	vld [tilespmem:s26+$0xFFFFFF90];
	v8 =	vmul.f32 v22, v61;
	v4 =	vmul.f32 v21, v62  }
0x24a: {  	v58 =	vld [tilespmem:s26+$0xFFFFFFD0];
	v34 =	vmul.f32 v26, v24;
	v23 =	vsub.f32 v59, v60;
	v0 =	vadd.f32 v0, v1  }
0x24b: {  	v28 =	vld [tilespmem:s26+$0xFFFFFFA0];
	v35 =	vmul.f32 v27, v25;
	v5 =	vsub.f32 v63, v20;
	v6 =	vadd.f32 v6, v7  }
0x24c: {  	v32 =	vld [tilespmem:s26+$0xFFFFFFB0];
	v3 =	vmul.f32 v26, v25;
	v37 =	vsub.f32 v30, v31;
	v4 =	vadd.f32 v8, v4  }
0x24d: {  	v33 =	vld [tilespmem:s26+$0xFFFFFFF0];
	v1 =	vmul.f32 v27, v24;
	v38 =	vsub.f32 v34, v35;
	v2 =	vsub.f32 v23, v49  }
0x24e: {  	v29 =	vld [tilespmem:s26+$0xFFFFFFE0];
	v0 =	vsub.f32 v0, v50;
	v5 =	vsub.f32 v5, v57  }
0x24f: {  	v6 =	vsub.f32 v6, v58;
	v1 =	vadd.f32 v1, v3  }
0x250: {  	v39 =	vsub.f32 v37, v28;
	v2 =	vmul.f32 v2, v2;
	v0 =	vmul.f32 v0, v0  }
0x251: {  	v40 =	vsub.f32 v38, v32;
	v5 =	vmul.f32 v5, v5;
	v6 =	vmul.f32 v6, v6  }
0x252: {  	v1 =	vsub.f32 v1, v33;
	v0 =	vadd.f32 v0, v2  }
0x253: {  	v4 =	vsub.f32 v4, v29;
	v41 =	vmul.f32 v39, v39;
	v5 =	vadd.f32 v6, v5  }
0x254: {  	v7 =	vmul.f32 v40, v40;
	v1 =	vmul.f32 v1, v1;
	v36 =	vshrl.u32 v0, $0x1  }
0x255: {  	v42 =	vmul.f32 v4, v4;
	v43 =	vshrl.u32 v5, $0x1;
	v6 =	vsub.s32 $0x5F3759DF, v36  }
0x256: {  	v1 =	vadd.f32 v1, v7;
	v4 =	vsub.s32 $0x5F3759DF, v43;
	v0 =	vmul.f32 v6, v0  }
0x257: {  	v2 =	vadd.f32 v42, v41;
	v6 =	vmul.f32 $5.000000000e-01, v6;
	v45 =	vmul.f32 v4, v5  }
0x258: {  	v4 =	vmul.f32 $5.000000000e-01, v4;
	v49 =	vshrl.u32 v1, $0x1;
	v44 =	vmul.f32 v0, v0  }
0x259: {  	v8 =	vsub.s32 $0x5F3759DF, v49;
	v0 =	vmul.f32 $1.500000000e+00, v0;
	v48 =	vmul.f32 v45, v45  }
0x25a: {  	v47 =	vshrl.u32 v2, $0x1;
	v3 =	vmul.f32 $1.500000000e+00, v45;
	v1 =	vmul.f32 v8, v1  }
0x25b: {  	v51 =	vmul.f32 $5.000000000e-01, v8;
	v46 =	vmul.f32 v44, v6;
	v6 =	vsub.s32 $0x5F3759DF, v47  }
0x25c: {  	v4 =	vmul.f32 v48, v4;
	v2 =	vmul.f32 v6, v2  }
0x25d: {  	v52 =	vmul.f32 v1, v1;
	v1 =	vmul.f32 $1.500000000e+00, v1  }
0x25e: {  	v6 =	vmul.f32 $5.000000000e-01, v6;
	v50 =	vmul.f32 v2, v2  }
0x25f: {  	v0 =	vsub.f32 v0, v46;
	v3 =	vsub.f32 v3, v4;
	v5 =	vmul.f32 v52, v51  }
0x260: {  	v2 =	vmul.f32 $1.500000000e+00, v2;
	v53 =	vmul.f32 v50, v6  }
0x261: {  	v0 =	vadd.f32 $0.0e+00, v0;
	v3 =	vadd.f32 $0.0e+00, v3  }
0x262: {  	v1 =	vsub.f32 v1, v5;
	v2 =	vsub.f32 v2, v53;
	_ =	sdelay $0x1  }
0x263: {  	v1 =	vadd.f32 v1, v3;
	v0 =	vadd.f32 v2, v0;
	_ =	sdelay $0x1  }
0x264: {  	v0 =	vadd.f32 v1, v0;
	_ =	sdelay $0x1  }
0x265: {  	(xrf2) =	vadd.scan.msk.f32 $0xffff, v0;
	_ =	sdelay $0x3  }
0x266: {  	s29 =	sadd.s32 $0x105, s21  }
0x267: {  	v54 =	vmov s29  }
0x268: {  	v0 =	vand.u32 $0xFFFFFFFD, v54  }
0x269: {  	v0 =	vbroadcast v0, $0x0;
	_ =	sdelay $0x2  }
0x26a: {  	v55, _, _ =	vpop (xrf2)  }
0x26b: {  	v1 =	vsub.f32 $0.0e+00, v55;
	_ =	sdelay $0x1  }
0x26c: {  	[tilespmem:v0+s25+$0x0] =	vst.idx.msk vm0, v1  }
0x26d: {  	v0 =	vld [tilespmem:s23+$0x0]  }
0x26e: {  	v1 =	vld [tilespmem:s23+$0x40]  }
0x26f: {  	v58 =	vld [tilespmem:s28+$0x0]  }
0x270: {  	v59 =	vld [tilespmem:s28+$0x40]  }
0x271: {  	v60 =	vld [tilespmem:s23+$0x10]  }
0x272: {  	v61 =	vld [tilespmem:s23+$0x50]  }
0x273: {  	v62 =	vld [tilespmem:s28+$0x10]  }
0x274: {  	v63 =	vld [tilespmem:s28+$0x50]  }
0x275: {  	v24 =	vld [tilespmem:s23+$0x20]  }
0x276: {  	v25 =	vld [tilespmem:s23+$0x60]  }
0x277: {  	v28 =	vld [tilespmem:s28+$0x20]  }
0x278: {  	v29 =	vld [tilespmem:s28+$0x60]  }
0x279: {  	v31 =	vld [tilespmem:s23+$0x30]  }
0x27a: {  	v32 =	vld [tilespmem:s23+$0x70];
	v22 =	vmul.f32 v58, v0;
	v23 =	vmul.f32 v59, v1  }
0x27b: {  	v33 =	vld [tilespmem:s28+$0x30];
	v0 =	vmul.f32 v59, v0;
	v1 =	vmul.f32 v58, v1  }
0x27c: {  	v34 =	vld [tilespmem:s28+$0x70];
	v26 =	vmul.f32 v62, v60;
	v27 =	vmul.f32 v63, v61  }
0x27d: {  	v56 =	vld [tilespmem:s26+$0x0];
	v6 =	vmul.f32 v63, v60;
	v7 =	vmul.f32 v62, v61  }
0x27e: {  	v57 =	vld [tilespmem:s26+$0x40];
	v37 =	vmul.f32 v28, v24;
	v38 =	vmul.f32 v29, v25  }
0x27f: {  	v20 =	vld [tilespmem:s26+$0x10];
	v8 =	vmul.f32 v29, v24;
	v4 =	vmul.f32 v28, v25  }
0x280: {  	v21 =	vld [tilespmem:s26+$0x50];
	v41 =	vmul.f32 v33, v31;
	v30 =	vsub.f32 v22, v23;
	v0 =	vadd.f32 v0, v1  }
0x281: {  	v35 =	vld [tilespmem:s26+$0x20];
	v42 =	vmul.f32 v34, v32;
	v5 =	vsub.f32 v26, v27;
	v6 =	vadd.f32 v6, v7  }
0x282: {  	v39 =	vld [tilespmem:s26+$0x30];
	v3 =	vmul.f32 v33, v32;
	v44 =	vsub.f32 v37, v38;
	v4 =	vadd.f32 v8, v4  }
0x283: {  	v40 =	vld [tilespmem:s26+$0x70];
	v1 =	vmul.f32 v34, v31;
	v45 =	vsub.f32 v41, v42;
	v2 =	vsub.f32 v30, v56  }
0x284: {  	v36 =	vld [tilespmem:s26+$0x60];
	v0 =	vsub.f32 v0, v57;
	v5 =	vsub.f32 v5, v20  }
0x285: {  	v6 =	vsub.f32 v6, v21;
	v1 =	vadd.f32 v1, v3  }
0x286: {  	v46 =	vsub.f32 v44, v35;
	v2 =	vmul.f32 v2, v2;
	v0 =	vmul.f32 v0, v0  }
0x287: {  	v47 =	vsub.f32 v45, v39;
	v5 =	vmul.f32 v5, v5;
	v6 =	vmul.f32 v6, v6  }
0x288: {  	v1 =	vsub.f32 v1, v40;
	v0 =	vadd.f32 v0, v2  }
0x289: {  	v4 =	vsub.f32 v4, v36;
	v48 =	vmul.f32 v46, v46;
	v5 =	vadd.f32 v6, v5  }
0x28a: {  	v7 =	vmul.f32 v47, v47;
	v1 =	vmul.f32 v1, v1;
	v43 =	vshrl.u32 v0, $0x1  }
0x28b: {  	v49 =	vmul.f32 v4, v4;
	v50 =	vshrl.u32 v5, $0x1;
	v6 =	vsub.s32 $0x5F3759DF, v43  }
0x28c: {  	v1 =	vadd.f32 v1, v7;
	v4 =	vsub.s32 $0x5F3759DF, v50;
	v0 =	vmul.f32 v6, v0  }
0x28d: {  	v2 =	vadd.f32 v49, v48;
	v6 =	vmul.f32 $5.000000000e-01, v6;
	v52 =	vmul.f32 v4, v5  }
0x28e: {  	v4 =	vmul.f32 $5.000000000e-01, v4;
	v56 =	vshrl.u32 v1, $0x1;
	v51 =	vmul.f32 v0, v0  }
0x28f: {  	v8 =	vsub.s32 $0x5F3759DF, v56;
	v0 =	vmul.f32 $1.500000000e+00, v0;
	v55 =	vmul.f32 v52, v52  }
0x290: {  	v54 =	vshrl.u32 v2, $0x1;
	v3 =	vmul.f32 $1.500000000e+00, v52;
	v1 =	vmul.f32 v8, v1  }
0x291: {  	v58 =	vmul.f32 $5.000000000e-01, v8;
	v53 =	vmul.f32 v51, v6;
	v6 =	vsub.s32 $0x5F3759DF, v54  }
0x292: {  	v4 =	vmul.f32 v55, v4;
	v2 =	vmul.f32 v6, v2  }
0x293: {  	v59 =	vmul.f32 v1, v1;
	v1 =	vmul.f32 $1.500000000e+00, v1  }
0x294: {  	v6 =	vmul.f32 $5.000000000e-01, v6;
	v57 =	vmul.f32 v2, v2  }
0x295: {  	v0 =	vsub.f32 v0, v53;
	v3 =	vsub.f32 v3, v4;
	v5 =	vmul.f32 v59, v58  }
0x296: {  	v2 =	vmul.f32 $1.500000000e+00, v2;
	v60 =	vmul.f32 v57, v6  }
0x297: {  	v0 =	vadd.f32 $0.0e+00, v0;
	v3 =	vadd.f32 $0.0e+00, v3  }
0x298: {  	v1 =	vsub.f32 v1, v5;
	v2 =	vsub.f32 v2, v60;
	_ =	sdelay $0x1  }
0x299: {  	v1 =	vadd.f32 v1, v3;
	v0 =	vadd.f32 v2, v0;
	_ =	sdelay $0x1  }
0x29a: {  	v0 =	vadd.f32 v1, v0;
	_ =	sdelay $0x1  }
0x29b: {  	(xrf2) =	vadd.scan.msk.f32 $0xffff, v0;
	_ =	sdelay $0x3  }
0x29c: {  	s29 =	sadd.s32 $0x106, s21  }
0x29d: {  	v61 =	vmov s29  }
0x29e: {  	v0 =	vand.u32 $0xFFFFFFFE, v61  }
0x29f: {  	v0 =	vbroadcast v0, $0x0;
	_ =	sdelay $0x2  }
0x2a0: {  	v62, _, _ =	vpop (xrf2)  }
0x2a1: {  	v1 =	vsub.f32 $0.0e+00, v62;
	_ =	sdelay $0x1  }
0x2a2: {  	[tilespmem:v0+s25+$0x0] =	vst.idx.msk vm0, v1  }
0x2a3: {  	v0 =	vld [tilespmem:s23+$0x80]  }
0x2a4: {  	v1 =	vld [tilespmem:s23+$0xC0]  }
0x2a5: {  	v63 =	vld [tilespmem:s26+$0x80]  }
0x2a6: {  	v17 =	vld [tilespmem:s28+$0x80]  }
0x2a7: {  	v18 =	vld [tilespmem:s28+$0xC0]  }
0x2a8: {  	v19 =	vld [tilespmem:s23+$0x90]  }
0x2a9: {  	v20 =	vld [tilespmem:s23+$0xD0]  }
0x2aa: {  	v21 =	vld [tilespmem:s28+$0x90]  }
0x2ab: {  	v22 =	vld [tilespmem:s28+$0xD0]  }
0x2ac: {  	v23 =	vld [tilespmem:s26+$0xC0]  }
0x2ad: {  	v28 =	vld [tilespmem:s23+$0xA0]  }
0x2ae: {  	v31 =	vld [tilespmem:s23+$0xE0]  }
0x2af: {  	v32 =	vld [tilespmem:s28+$0xA0]  }
0x2b0: {  	v34 =	vld [tilespmem:s28+$0xE0]  }
0x2b1: {  	v35 =	vld [tilespmem:s23+$0xB0];
	v25 =	vmul.f32 v17, v0  }
0x2b2: {  	v36 =	vld [tilespmem:s28+$0xB0];
	v26 =	vmul.f32 v18, v1;
	v0 =	vmul.f32 v18, v0  }
0x2b3: {  	v38 =	vld [tilespmem:s23+$0xF0];
	v1 =	vmul.f32 v17, v1;
	v29 =	vmul.f32 v21, v19  }
0x2b4: {  	v24 =	vld [tilespmem:s26+$0x90];
	v30 =	vmul.f32 v22, v20;
	v5 =	vmul.f32 v22, v19  }
0x2b5: {  	v37 =	vld [tilespmem:s28+$0xF0];
	v6 =	vmul.f32 v21, v20;
	v41 =	vmul.f32 v32, v28  }
0x2b6: {  	v27 =	vld [tilespmem:s26+$0xD0];
	v42 =	vmul.f32 v34, v31;
	v43 =	vmul.f32 v32, v31  }
0x2b7: {  	v46 =	vmul.f32 v36, v35;
	v33 =	vsub.f32 v25, v26;
	v0 =	vadd.f32 v0, v1  }
0x2b8: {  	v39 =	vld [tilespmem:s26+$0xA0];
	v8 =	vmul.f32 v36, v38;
	v4 =	vsub.f32 v29, v30;
	v5 =	vadd.f32 v5, v6  }
0x2b9: {  	v40 =	vld [tilespmem:s26+$0xE0];
	v1 =	vmul.f32 v34, v28;
	v48 =	vsub.f32 v41, v42;
	v2 =	vsub.f32 v33, v63  }
0x2ba: {  	v6 =	vmul.f32 v37, v35;
	v0 =	vsub.f32 v0, v23;
	v4 =	vsub.f32 v4, v24  }
0x2bb: {  	v45 =	vld [tilespmem:s26+$0xF0];
	v47 =	vmul.f32 v37, v38;
	v5 =	vsub.f32 v5, v27;
	v1 =	vadd.f32 v1, v43  }
0x2bc: {  	v44 =	vld [tilespmem:s26+$0xB0];
	v6 =	vadd.f32 v6, v8;
	v2 =	vmul.f32 v2, v2;
	v0 =	vmul.f32 v0, v0  }
0x2bd: {  	v50 =	vsub.f32 v48, v39;
	v4 =	vmul.f32 v4, v4;
	v5 =	vmul.f32 v5, v5  }
0x2be: {  	v1 =	vsub.f32 v1, v40;
	v0 =	vadd.f32 v0, v2  }
0x2bf: {  	v51 =	vmul.f32 v50, v50;
	v4 =	vadd.f32 v5, v4;
	v5 =	vsub.f32 v46, v47  }
0x2c0: {  	v2 =	vsub.f32 v6, v45;
	v1 =	vmul.f32 v1, v1;
	v49 =	vshrl.u32 v0, $0x1  }
0x2c1: {  	v5 =	vsub.f32 v5, v44;
	v52 =	vshrl.u32 v4, $0x1;
	v3 =	vsub.s32 $0x5F3759DF, v49  }
0x2c2: {  	v2 =	vmul.f32 v2, v2;
	v1 =	vadd.f32 v1, v51;
	v0 =	vmul.f32 v3, v0  }
0x2c3: {  	v7 =	vsub.s32 $0x5F3759DF, v52;
	v3 =	vmul.f32 $5.000000000e-01, v3;
	v5 =	vmul.f32 v5, v5  }
0x2c4: {  	v4 =	vmul.f32 v7, v4;
	v54 =	vmul.f32 $5.000000000e-01, v7  }
0x2c5: {  	v6 =	vshrl.u32 v1, $0x1;
	v53 =	vmul.f32 v0, v0;
	v2 =	vadd.f32 v2, v5  }
0x2c6: {  	v6 =	vsub.s32 $0x5F3759DF, v6;
	v0 =	vmul.f32 $1.500000000e+00, v0;
	v55 =	vmul.f32 v4, v4  }
0x2c7: {  	v4 =	vmul.f32 $1.500000000e+00, v4;
	v1 =	vmul.f32 v6, v1;
	v56 =	vshrl.u32 v2, $0x1  }
0x2c8: {  	v6 =	vmul.f32 $5.000000000e-01, v6;
	v3 =	vmul.f32 v53, v3;
	v8 =	vsub.s32 $0x5F3759DF, v56  }
0x2c9: {  	v5 =	vmul.f32 v55, v54;
	v2 =	vmul.f32 v8, v2  }
0x2ca: {  	v57 =	vmul.f32 v1, v1;
	v1 =	vmul.f32 $1.500000000e+00, v1  }
0x2cb: {  	v58 =	vmul.f32 $5.000000000e-01, v8;
	v59 =	vmul.f32 v2, v2  }
0x2cc: {  	v0 =	vsub.f32 v0, v3;
	v4 =	vsub.f32 v4, v5;
	v60 =	vmul.f32 v57, v6  }
0x2cd: {  	v2 =	vmul.f32 $1.500000000e+00, v2;
	v3 =	vmul.f32 v59, v58  }
0x2ce: {  	v0 =	vadd.f32 $0.0e+00, v0;
	v4 =	vadd.f32 $0.0e+00, v4  }
0x2cf: {  	v1 =	vsub.f32 v1, v60;
	v2 =	vsub.f32 v2, v3;
	_ =	sdelay $0x1  }
0x2d0: {  	v0 =	vadd.f32 v1, v0;
	v61 =	vadd.f32 v2, v4;
	_ =	sdelay $0x1  }
0x2d1: {  	v0 =	vadd.f32 v61, v0;
	_ =	sdelay $0x1  }
0x2d2: {  	(xrf2) =	vadd.scan.msk.f32 $0xffff, v0;
	_ =	sdelay $0x6  }
0x2d3: {  	s29 =	sadd.s32 $0x107, s21;
	s21 =	sadd.s32 $0x4, s21  }
0x2d4: {  	p0 =	slt.u32 s21, $0x7C;
	v62 =	vmov s29  }
.Ltmp2:
0x2d5: {  	_ = 	snop;
	(pc) =	sbr.rel @p0 .LBB2_6-.Ltmp2, $3  }
0x2d6: {  	v63, _, _ =	vpop (xrf2)  }
0x2d7: {  	v1 =	vsub.f32 $0.0e+00, v63;
	_ =	sdelay $0x1  }
0x2d8: {  	s23 =	sadd.s32 $0x200, s23;
	s26 =	sadd.s32 $0x200, s26;
	s28 =	sadd.s32 $0x200, s28;
	[tilespmem:v62+s25+$0x0] =	vst.idx.msk vm0, v1  }
0x2d9: {  	_ =	swait.ge [sflag:s17], $0x4000  }
0x2da: {  	[sflag:s17] =	ssyncset.done $0x0  }
0x2db: {  	[sflag:s17] =	ssyncadd.s32 $0xFFFFC000  }
0x2dc: {  	_ =	swait.ge [sflag:s18], $0x4000  }
0x2dd: {  	[sflag:s18] =	ssyncset.done $0x0  }
0x2de: {  	[sflag:s18] =	ssyncadd.s32 $0xFFFFC000  }
0x2df: {  	_ =	swait.ge [sflag:s19], $0x4000  }
0x2e0: {  	s21 =	simm.s32 $0xFFFFFFFC;
	s23 =	simm.s32 $0xC700;
	[sflag:s19] =	ssyncset.done $0x0  }
0x2e1: {  	s26 =	simm.s32 $0x10700;
	s28 =	simm.s32 $0x14700;
	[sflag:s19] =	ssyncadd.s32 $0xFFFFC000  }
.LBB2_8:
0x2e2: {  	v0 =	vld [tilespmem:s23+$0xFFFFFF00]  }
0x2e3: {  	v1 =	vld [tilespmem:s23+$0xFFFFFF40]  }
0x2e4: {  	v2 =	vld [tilespmem:s26+$0xFFFFFF00]  }
0x2e5: {  	v4 =	vld [tilespmem:s28+$0xFFFFFF00]  }
0x2e6: {  	v5 =	vld [tilespmem:s28+$0xFFFFFF40]  }
0x2e7: {  	v6 =	vld [tilespmem:s23+$0xFFFFFF10]  }
0x2e8: {  	v7 =	vld [tilespmem:s23+$0xFFFFFF50]  }
0x2e9: {  	v8 =	vld [tilespmem:s28+$0xFFFFFF10]  }
0x2ea: {  	v9 =	vld [tilespmem:s28+$0xFFFFFF50]  }
0x2eb: {  	v14 =	vld [tilespmem:s23+$0xFFFFFF20]  }
0x2ec: {  	v57 =	vld [tilespmem:s23+$0xFFFFFF60]  }
0x2ed: {  	v16 =	vld [tilespmem:s28+$0xFFFFFF20]  }
0x2ee: {  	v59 =	vld [tilespmem:s28+$0xFFFFFF60]  }
0x2ef: {  	v61 =	vld [tilespmem:s23+$0xFFFFFF30]  }
0x2f0: {  	v62 =	vld [tilespmem:s23+$0xFFFFFF70];
	v12 =	vmul.f32 v4, v0;
	v13 =	vmul.f32 v5, v1  }
0x2f1: {  	v63 =	vld [tilespmem:s28+$0xFFFFFF30];
	v0 =	vmul.f32 v5, v0;
	v1 =	vmul.f32 v4, v1  }
0x2f2: {  	v20 =	vld [tilespmem:s28+$0xFFFFFF70];
	v58 =	vmul.f32 v8, v6;
	v15 =	vmul.f32 v9, v7  }
0x2f3: {  	v3 =	vld [tilespmem:s26+$0xFFFFFF40];
	v6 =	vmul.f32 v9, v6;
	v7 =	vmul.f32 v8, v7  }
0x2f4: {  	v10 =	vld [tilespmem:s26+$0xFFFFFF10];
	v23 =	vmul.f32 v16, v14;
	v24 =	vmul.f32 v59, v57  }
0x2f5: {  	v11 =	vld [tilespmem:s26+$0xFFFFFF50];
	v8 =	vmul.f32 v59, v14;
	v4 =	vmul.f32 v16, v57  }
0x2f6: {  	v21 =	vld [tilespmem:s26+$0xFFFFFF20];
	v27 =	vmul.f32 v63, v61;
	v60 =	vsub.f32 v12, v13;
	v0 =	vadd.f32 v0, v1  }
0x2f7: {  	v22 =	vld [tilespmem:s26+$0xFFFFFF60];
	v28 =	vmul.f32 v20, v62;
	v5 =	vsub.f32 v58, v15;
	v6 =	vadd.f32 v6, v7  }
0x2f8: {  	v30 =	vsub.f32 v23, v24;
	v4 =	vadd.f32 v8, v4  }
0x2f9: {  	v25 =	vld [tilespmem:s26+$0xFFFFFF30];
	v31 =	vsub.f32 v27, v28;
	v2 =	vsub.f32 v60, v2  }
0x2fa: {  	v26 =	vld [tilespmem:s26+$0xFFFFFF70];
	v1 =	vmul.f32 v20, v61;
	v0 =	vsub.f32 v0, v3;
	v5 =	vsub.f32 v5, v10  }
0x2fb: {  	v6 =	vsub.f32 v6, v11;
	v3 =	vmul.f32 v63, v62;
	v32 =	vsub.f32 v30, v21  }
0x2fc: {  	v4 =	vsub.f32 v4, v22;
	v2 =	vmul.f32 v2, v2;
	v0 =	vmul.f32 v0, v0  }
0x2fd: {  	v5 =	vmul.f32 v5, v5;
	v6 =	vmul.f32 v6, v6;
	v1 =	vadd.f32 v1, v3  }
0x2fe: {  	v33 =	vsub.f32 v31, v25;
	v0 =	vadd.f32 v0, v2  }
0x2ff: {  	v34 =	vmul.f32 v32, v32;
	v5 =	vadd.f32 v6, v5;
	v1 =	vsub.f32 v1, v26  }
0x300: {  	v35 =	vmul.f32 v4, v4;
	v7 =	vmul.f32 v33, v33  }
0x301: {  	v29 =	vshrl.u32 v0, $0x1;
	v36 =	vshrl.u32 v5, $0x1;
	v1 =	vmul.f32 v1, v1  }
0x302: {  	v2 =	vadd.f32 v35, v34;
	v6 =	vsub.s32 $0x5F3759DF, v29;
	v4 =	vsub.s32 $0x5F3759DF, v36  }
0x303: {  	v0 =	vmul.f32 v6, v0;
	v38 =	vmul.f32 v4, v5;
	v1 =	vadd.f32 v1, v7  }
0x304: {  	v40 =	vshrl.u32 v2, $0x1;
	v6 =	vmul.f32 $5.000000000e-01, v6;
	v4 =	vmul.f32 $5.000000000e-01, v4  }
0x305: {  	v37 =	vmul.f32 v0, v0;
	v41 =	vmul.f32 v38, v38;
	v42 =	vshrl.u32 v1, $0x1  }
0x306: {  	v0 =	vmul.f32 $1.500000000e+00, v0;
	v3 =	vmul.f32 $1.500000000e+00, v38;
	v8 =	vsub.s32 $0x5F3759DF, v42  }
0x307: {  	v39 =	vmul.f32 v37, v6;
	v6 =	vsub.s32 $0x5F3759DF, v40;
	v4 =	vmul.f32 v41, v4  }
0x308: {  	v1 =	vmul.f32 v8, v1;
	v2 =	vmul.f32 v6, v2  }
0x309: {  	v44 =	vmul.f32 $5.000000000e-01, v8;
	v6 =	vmul.f32 $5.000000000e-01, v6  }
0x30a: {  	v0 =	vsub.f32 v0, v39;
	v45 =	vmul.f32 v1, v1;
	v43 =	vmul.f32 v2, v2  }
0x30b: {  	v3 =	vsub.f32 v3, v4;
	v1 =	vmul.f32 $1.500000000e+00, v1;
	v2 =	vmul.f32 $1.500000000e+00, v2  }
0x30c: {  	v5 =	vmul.f32 v45, v44;
	v46 =	vmul.f32 v43, v6  }
0x30d: {  	v0 =	vadd.f32 $0.0e+00, v0;
	v3 =	vadd.f32 $0.0e+00, v3  }
0x30e: {  	v1 =	vsub.f32 v1, v5;
	v2 =	vsub.f32 v2, v46;
	_ =	sdelay $0x1  }
0x30f: {  	v1 =	vadd.f32 v1, v3;
	v0 =	vadd.f32 v2, v0;
	_ =	sdelay $0x1  }
0x310: {  	v0 =	vadd.f32 v1, v0;
	_ =	sdelay $0x1  }
0x311: {  	(xrf2) =	vadd.scan.msk.f32 $0xffff, v0;
	_ =	sdelay $0x3  }
0x312: {  	s29 =	sadd.s32 $0x184, s21  }
0x313: {  	v47 =	vmov s29  }
0x314: {  	v0 =	vand.u32 $0xFFFFFFFC, v47  }
0x315: {  	v0 =	vbroadcast v0, $0x0;
	_ =	sdelay $0x2  }
0x316: {  	v48, _, _ =	vpop (xrf2)  }
0x317: {  	v1 =	vsub.f32 $0.0e+00, v48;
	_ =	sdelay $0x1  }
0x318: {  	[tilespmem:v0+s25+$0x0] =	vst.idx.msk vm0, v1  }
0x319: {  	v0 =	vld [tilespmem:s23+$0xFFFFFF80]  }
0x31a: {  	v1 =	vld [tilespmem:s23+$0xFFFFFFC0]  }
0x31b: {  	v51 =	vld [tilespmem:s28+$0xFFFFFF80]  }
0x31c: {  	v52 =	vld [tilespmem:s28+$0xFFFFFFC0]  }
0x31d: {  	v53 =	vld [tilespmem:s23+$0xFFFFFF90]  }
0x31e: {  	v54 =	vld [tilespmem:s23+$0xFFFFFFD0]  }
0x31f: {  	v55 =	vld [tilespmem:s28+$0xFFFFFF90]  }
0x320: {  	v56 =	vld [tilespmem:s28+$0xFFFFFFD0]  }
0x321: {  	v61 =	vld [tilespmem:s23+$0xFFFFFFA0]  }
0x322: {  	v62 =	vld [tilespmem:s23+$0xFFFFFFE0]  }
0x323: {  	v21 =	vld [tilespmem:s28+$0xFFFFFFA0]  }
0x324: {  	v22 =	vld [tilespmem:s28+$0xFFFFFFE0]  }
0x325: {  	v24 =	vld [tilespmem:s23+$0xFFFFFFB0]  }
0x326: {  	v25 =	vld [tilespmem:s23+$0xFFFFFFF0];
	v59 =	vmul.f32 v51, v0;
	v60 =	vmul.f32 v52, v1  }
0x327: {  	v26 =	vld [tilespmem:s28+$0xFFFFFFB0];
	v0 =	vmul.f32 v52, v0;
	v1 =	vmul.f32 v51, v1  }
0x328: {  	v27 =	vld [tilespmem:s28+$0xFFFFFFF0];
	v63 =	vmul.f32 v55, v53;
	v20 =	vmul.f32 v56, v54  }
0x329: {  	v49 =	vld [tilespmem:s26+$0xFFFFFF80];
	v6 =	vmul.f32 v56, v53;
	v7 =	vmul.f32 v55, v54  }
0x32a: {  	v50 =	vld [tilespmem:s26+$0xFFFFFFC0];
	v30 =	vmul.f32 v21, v61;
	v31 =	vmul.f32 v22, v62  }
0x32b: {  	v57 =	vld [tilespmem:s26+$0xFFFFFF90];
	v8 =	vmul.f32 v22, v61;
	v4 =	vmul.f32 v21, v62  }
0x32c: {  	v58 =	vld [tilespmem:s26+$0xFFFFFFD0];
	v34 =	vmul.f32 v26, v24;
	v23 =	vsub.f32 v59, v60;
	v0 =	vadd.f32 v0, v1  }
0x32d: {  	v28 =	vld [tilespmem:s26+$0xFFFFFFA0];
	v35 =	vmul.f32 v27, v25;
	v5 =	vsub.f32 v63, v20;
	v6 =	vadd.f32 v6, v7  }
0x32e: {  	v32 =	vld [tilespmem:s26+$0xFFFFFFB0];
	v3 =	vmul.f32 v26, v25;
	v37 =	vsub.f32 v30, v31;
	v4 =	vadd.f32 v8, v4  }
0x32f: {  	v33 =	vld [tilespmem:s26+$0xFFFFFFF0];
	v1 =	vmul.f32 v27, v24;
	v38 =	vsub.f32 v34, v35;
	v2 =	vsub.f32 v23, v49  }
0x330: {  	v29 =	vld [tilespmem:s26+$0xFFFFFFE0];
	v0 =	vsub.f32 v0, v50;
	v5 =	vsub.f32 v5, v57  }
0x331: {  	v6 =	vsub.f32 v6, v58;
	v1 =	vadd.f32 v1, v3  }
0x332: {  	v39 =	vsub.f32 v37, v28;
	v2 =	vmul.f32 v2, v2;
	v0 =	vmul.f32 v0, v0  }
0x333: {  	v40 =	vsub.f32 v38, v32;
	v5 =	vmul.f32 v5, v5;
	v6 =	vmul.f32 v6, v6  }
0x334: {  	v1 =	vsub.f32 v1, v33;
	v0 =	vadd.f32 v0, v2  }
0x335: {  	v4 =	vsub.f32 v4, v29;
	v41 =	vmul.f32 v39, v39;
	v5 =	vadd.f32 v6, v5  }
0x336: {  	v7 =	vmul.f32 v40, v40;
	v1 =	vmul.f32 v1, v1;
	v36 =	vshrl.u32 v0, $0x1  }
0x337: {  	v42 =	vmul.f32 v4, v4;
	v43 =	vshrl.u32 v5, $0x1;
	v6 =	vsub.s32 $0x5F3759DF, v36  }
0x338: {  	v1 =	vadd.f32 v1, v7;
	v4 =	vsub.s32 $0x5F3759DF, v43;
	v0 =	vmul.f32 v6, v0  }
0x339: {  	v2 =	vadd.f32 v42, v41;
	v6 =	vmul.f32 $5.000000000e-01, v6;
	v45 =	vmul.f32 v4, v5  }
0x33a: {  	v4 =	vmul.f32 $5.000000000e-01, v4;
	v49 =	vshrl.u32 v1, $0x1;
	v44 =	vmul.f32 v0, v0  }
0x33b: {  	v8 =	vsub.s32 $0x5F3759DF, v49;
	v0 =	vmul.f32 $1.500000000e+00, v0;
	v48 =	vmul.f32 v45, v45  }
0x33c: {  	v47 =	vshrl.u32 v2, $0x1;
	v3 =	vmul.f32 $1.500000000e+00, v45;
	v1 =	vmul.f32 v8, v1  }
0x33d: {  	v51 =	vmul.f32 $5.000000000e-01, v8;
	v46 =	vmul.f32 v44, v6;
	v6 =	vsub.s32 $0x5F3759DF, v47  }
0x33e: {  	v4 =	vmul.f32 v48, v4;
	v2 =	vmul.f32 v6, v2  }
0x33f: {  	v52 =	vmul.f32 v1, v1;
	v1 =	vmul.f32 $1.500000000e+00, v1  }
0x340: {  	v6 =	vmul.f32 $5.000000000e-01, v6;
	v50 =	vmul.f32 v2, v2  }
0x341: {  	v0 =	vsub.f32 v0, v46;
	v3 =	vsub.f32 v3, v4;
	v5 =	vmul.f32 v52, v51  }
0x342: {  	v2 =	vmul.f32 $1.500000000e+00, v2;
	v53 =	vmul.f32 v50, v6  }
0x343: {  	v0 =	vadd.f32 $0.0e+00, v0;
	v3 =	vadd.f32 $0.0e+00, v3  }
0x344: {  	v1 =	vsub.f32 v1, v5;
	v2 =	vsub.f32 v2, v53;
	_ =	sdelay $0x1  }
0x345: {  	v1 =	vadd.f32 v1, v3;
	v0 =	vadd.f32 v2, v0;
	_ =	sdelay $0x1  }
0x346: {  	v0 =	vadd.f32 v1, v0;
	_ =	sdelay $0x1  }
0x347: {  	(xrf2) =	vadd.scan.msk.f32 $0xffff, v0;
	_ =	sdelay $0x3  }
0x348: {  	s29 =	sadd.s32 $0x185, s21  }
0x349: {  	v54 =	vmov s29  }
0x34a: {  	v0 =	vand.u32 $0xFFFFFFFD, v54  }
0x34b: {  	v0 =	vbroadcast v0, $0x0;
	_ =	sdelay $0x2  }
0x34c: {  	v55, _, _ =	vpop (xrf2)  }
0x34d: {  	v1 =	vsub.f32 $0.0e+00, v55;
	_ =	sdelay $0x1  }
0x34e: {  	[tilespmem:v0+s25+$0x0] =	vst.idx.msk vm0, v1  }
0x34f: {  	v0 =	vld [tilespmem:s23+$0x0]  }
0x350: {  	v1 =	vld [tilespmem:s23+$0x40]  }
0x351: {  	v58 =	vld [tilespmem:s28+$0x0]  }
0x352: {  	v59 =	vld [tilespmem:s28+$0x40]  }
0x353: {  	v60 =	vld [tilespmem:s23+$0x10]  }
0x354: {  	v61 =	vld [tilespmem:s23+$0x50]  }
0x355: {  	v62 =	vld [tilespmem:s28+$0x10]  }
0x356: {  	v63 =	vld [tilespmem:s28+$0x50]  }
0x357: {  	v24 =	vld [tilespmem:s23+$0x20]  }
0x358: {  	v25 =	vld [tilespmem:s23+$0x60]  }
0x359: {  	v28 =	vld [tilespmem:s28+$0x20]  }
0x35a: {  	v29 =	vld [tilespmem:s28+$0x60]  }
0x35b: {  	v31 =	vld [tilespmem:s23+$0x30]  }
0x35c: {  	v32 =	vld [tilespmem:s23+$0x70];
	v22 =	vmul.f32 v58, v0;
	v23 =	vmul.f32 v59, v1  }
0x35d: {  	v33 =	vld [tilespmem:s28+$0x30];
	v0 =	vmul.f32 v59, v0;
	v1 =	vmul.f32 v58, v1  }
0x35e: {  	v34 =	vld [tilespmem:s28+$0x70];
	v26 =	vmul.f32 v62, v60;
	v27 =	vmul.f32 v63, v61  }
0x35f: {  	v56 =	vld [tilespmem:s26+$0x0];
	v6 =	vmul.f32 v63, v60;
	v7 =	vmul.f32 v62, v61  }
0x360: {  	v57 =	vld [tilespmem:s26+$0x40];
	v37 =	vmul.f32 v28, v24;
	v38 =	vmul.f32 v29, v25  }
0x361: {  	v20 =	vld [tilespmem:s26+$0x10];
	v8 =	vmul.f32 v29, v24;
	v4 =	vmul.f32 v28, v25  }
0x362: {  	v21 =	vld [tilespmem:s26+$0x50];
	v41 =	vmul.f32 v33, v31;
	v30 =	vsub.f32 v22, v23;
	v0 =	vadd.f32 v0, v1  }
0x363: {  	v35 =	vld [tilespmem:s26+$0x20];
	v42 =	vmul.f32 v34, v32;
	v5 =	vsub.f32 v26, v27;
	v6 =	vadd.f32 v6, v7  }
0x364: {  	v39 =	vld [tilespmem:s26+$0x30];
	v3 =	vmul.f32 v33, v32;
	v44 =	vsub.f32 v37, v38;
	v4 =	vadd.f32 v8, v4  }
0x365: {  	v40 =	vld [tilespmem:s26+$0x70];
	v1 =	vmul.f32 v34, v31;
	v45 =	vsub.f32 v41, v42;
	v2 =	vsub.f32 v30, v56  }
0x366: {  	v36 =	vld [tilespmem:s26+$0x60];
	v0 =	vsub.f32 v0, v57;
	v5 =	vsub.f32 v5, v20  }
0x367: {  	v6 =	vsub.f32 v6, v21;
	v1 =	vadd.f32 v1, v3  }
0x368: {  	v46 =	vsub.f32 v44, v35;
	v2 =	vmul.f32 v2, v2;
	v0 =	vmul.f32 v0, v0  }
0x369: {  	v47 =	vsub.f32 v45, v39;
	v5 =	vmul.f32 v5, v5;
	v6 =	vmul.f32 v6, v6  }
0x36a: {  	v1 =	vsub.f32 v1, v40;
	v0 =	vadd.f32 v0, v2  }
0x36b: {  	v4 =	vsub.f32 v4, v36;
	v48 =	vmul.f32 v46, v46;
	v5 =	vadd.f32 v6, v5  }
0x36c: {  	v7 =	vmul.f32 v47, v47;
	v1 =	vmul.f32 v1, v1;
	v43 =	vshrl.u32 v0, $0x1  }
0x36d: {  	v49 =	vmul.f32 v4, v4;
	v50 =	vshrl.u32 v5, $0x1;
	v6 =	vsub.s32 $0x5F3759DF, v43  }
0x36e: {  	v1 =	vadd.f32 v1, v7;
	v4 =	vsub.s32 $0x5F3759DF, v50;
	v0 =	vmul.f32 v6, v0  }
0x36f: {  	v2 =	vadd.f32 v49, v48;
	v6 =	vmul.f32 $5.000000000e-01, v6;
	v52 =	vmul.f32 v4, v5  }
0x370: {  	v4 =	vmul.f32 $5.000000000e-01, v4;
	v56 =	vshrl.u32 v1, $0x1;
	v51 =	vmul.f32 v0, v0  }
0x371: {  	v8 =	vsub.s32 $0x5F3759DF, v56;
	v0 =	vmul.f32 $1.500000000e+00, v0;
	v55 =	vmul.f32 v52, v52  }
0x372: {  	v54 =	vshrl.u32 v2, $0x1;
	v3 =	vmul.f32 $1.500000000e+00, v52;
	v1 =	vmul.f32 v8, v1  }
0x373: {  	v58 =	vmul.f32 $5.000000000e-01, v8;
	v53 =	vmul.f32 v51, v6;
	v6 =	vsub.s32 $0x5F3759DF, v54  }
0x374: {  	v4 =	vmul.f32 v55, v4;
	v2 =	vmul.f32 v6, v2  }
0x375: {  	v59 =	vmul.f32 v1, v1;
	v1 =	vmul.f32 $1.500000000e+00, v1  }
0x376: {  	v6 =	vmul.f32 $5.000000000e-01, v6;
	v57 =	vmul.f32 v2, v2  }
0x377: {  	v0 =	vsub.f32 v0, v53;
	v3 =	vsub.f32 v3, v4;
	v5 =	vmul.f32 v59, v58  }
0x378: {  	v2 =	vmul.f32 $1.500000000e+00, v2;
	v60 =	vmul.f32 v57, v6  }
0x379: {  	v0 =	vadd.f32 $0.0e+00, v0;
	v3 =	vadd.f32 $0.0e+00, v3  }
0x37a: {  	v1 =	vsub.f32 v1, v5;
	v2 =	vsub.f32 v2, v60;
	_ =	sdelay $0x1  }
0x37b: {  	v1 =	vadd.f32 v1, v3;
	v0 =	vadd.f32 v2, v0;
	_ =	sdelay $0x1  }
0x37c: {  	v0 =	vadd.f32 v1, v0;
	_ =	sdelay $0x1  }
0x37d: {  	(xrf2) =	vadd.scan.msk.f32 $0xffff, v0;
	_ =	sdelay $0x3  }
0x37e: {  	s29 =	sadd.s32 $0x186, s21  }
0x37f: {  	v61 =	vmov s29  }
0x380: {  	v0 =	vand.u32 $0xFFFFFFFE, v61  }
0x381: {  	v0 =	vbroadcast v0, $0x0;
	_ =	sdelay $0x2  }
0x382: {  	v62, _, _ =	vpop (xrf2)  }
0x383: {  	v1 =	vsub.f32 $0.0e+00, v62;
	_ =	sdelay $0x1  }
0x384: {  	[tilespmem:v0+s25+$0x0] =	vst.idx.msk vm0, v1  }
0x385: {  	v0 =	vld [tilespmem:s23+$0x80]  }
0x386: {  	v1 =	vld [tilespmem:s23+$0xC0]  }
0x387: {  	v63 =	vld [tilespmem:s26+$0x80]  }
0x388: {  	v17 =	vld [tilespmem:s28+$0x80]  }
0x389: {  	v18 =	vld [tilespmem:s28+$0xC0]  }
0x38a: {  	v19 =	vld [tilespmem:s23+$0x90]  }
0x38b: {  	v20 =	vld [tilespmem:s23+$0xD0]  }
0x38c: {  	v21 =	vld [tilespmem:s28+$0x90]  }
0x38d: {  	v22 =	vld [tilespmem:s28+$0xD0]  }
0x38e: {  	v23 =	vld [tilespmem:s26+$0xC0]  }
0x38f: {  	v28 =	vld [tilespmem:s23+$0xA0]  }
0x390: {  	v31 =	vld [tilespmem:s23+$0xE0]  }
0x391: {  	v32 =	vld [tilespmem:s28+$0xA0]  }
0x392: {  	v34 =	vld [tilespmem:s28+$0xE0]  }
0x393: {  	v35 =	vld [tilespmem:s23+$0xB0];
	v25 =	vmul.f32 v17, v0  }
0x394: {  	v36 =	vld [tilespmem:s28+$0xB0];
	v26 =	vmul.f32 v18, v1;
	v0 =	vmul.f32 v18, v0  }
0x395: {  	v38 =	vld [tilespmem:s23+$0xF0];
	v1 =	vmul.f32 v17, v1;
	v29 =	vmul.f32 v21, v19  }
0x396: {  	v24 =	vld [tilespmem:s26+$0x90];
	v30 =	vmul.f32 v22, v20;
	v5 =	vmul.f32 v22, v19  }
0x397: {  	v37 =	vld [tilespmem:s28+$0xF0];
	v6 =	vmul.f32 v21, v20;
	v41 =	vmul.f32 v32, v28  }
0x398: {  	v27 =	vld [tilespmem:s26+$0xD0];
	v42 =	vmul.f32 v34, v31;
	v43 =	vmul.f32 v32, v31  }
0x399: {  	v46 =	vmul.f32 v36, v35;
	v33 =	vsub.f32 v25, v26;
	v0 =	vadd.f32 v0, v1  }
0x39a: {  	v39 =	vld [tilespmem:s26+$0xA0];
	v8 =	vmul.f32 v36, v38;
	v4 =	vsub.f32 v29, v30;
	v5 =	vadd.f32 v5, v6  }
0x39b: {  	v40 =	vld [tilespmem:s26+$0xE0];
	v1 =	vmul.f32 v34, v28;
	v48 =	vsub.f32 v41, v42;
	v2 =	vsub.f32 v33, v63  }
0x39c: {  	v6 =	vmul.f32 v37, v35;
	v0 =	vsub.f32 v0, v23;
	v4 =	vsub.f32 v4, v24  }
0x39d: {  	v45 =	vld [tilespmem:s26+$0xF0];
	v47 =	vmul.f32 v37, v38;
	v5 =	vsub.f32 v5, v27;
	v1 =	vadd.f32 v1, v43  }
0x39e: {  	v44 =	vld [tilespmem:s26+$0xB0];
	v6 =	vadd.f32 v6, v8;
	v2 =	vmul.f32 v2, v2;
	v0 =	vmul.f32 v0, v0  }
0x39f: {  	v50 =	vsub.f32 v48, v39;
	v4 =	vmul.f32 v4, v4;
	v5 =	vmul.f32 v5, v5  }
0x3a0: {  	v1 =	vsub.f32 v1, v40;
	v0 =	vadd.f32 v0, v2  }
0x3a1: {  	v51 =	vmul.f32 v50, v50;
	v4 =	vadd.f32 v5, v4;
	v5 =	vsub.f32 v46, v47  }
0x3a2: {  	v2 =	vsub.f32 v6, v45;
	v1 =	vmul.f32 v1, v1;
	v49 =	vshrl.u32 v0, $0x1  }
0x3a3: {  	v5 =	vsub.f32 v5, v44;
	v52 =	vshrl.u32 v4, $0x1;
	v3 =	vsub.s32 $0x5F3759DF, v49  }
0x3a4: {  	v2 =	vmul.f32 v2, v2;
	v1 =	vadd.f32 v1, v51;
	v0 =	vmul.f32 v3, v0  }
0x3a5: {  	v7 =	vsub.s32 $0x5F3759DF, v52;
	v3 =	vmul.f32 $5.000000000e-01, v3;
	v5 =	vmul.f32 v5, v5  }
0x3a6: {  	v4 =	vmul.f32 v7, v4;
	v54 =	vmul.f32 $5.000000000e-01, v7  }
0x3a7: {  	v6 =	vshrl.u32 v1, $0x1;
	v53 =	vmul.f32 v0, v0;
	v2 =	vadd.f32 v2, v5  }
0x3a8: {  	v6 =	vsub.s32 $0x5F3759DF, v6;
	v0 =	vmul.f32 $1.500000000e+00, v0;
	v55 =	vmul.f32 v4, v4  }
0x3a9: {  	v4 =	vmul.f32 $1.500000000e+00, v4;
	v1 =	vmul.f32 v6, v1;
	v56 =	vshrl.u32 v2, $0x1  }
0x3aa: {  	v6 =	vmul.f32 $5.000000000e-01, v6;
	v3 =	vmul.f32 v53, v3;
	v8 =	vsub.s32 $0x5F3759DF, v56  }
0x3ab: {  	v5 =	vmul.f32 v55, v54;
	v2 =	vmul.f32 v8, v2  }
0x3ac: {  	v57 =	vmul.f32 v1, v1;
	v1 =	vmul.f32 $1.500000000e+00, v1  }
0x3ad: {  	v58 =	vmul.f32 $5.000000000e-01, v8;
	v59 =	vmul.f32 v2, v2  }
0x3ae: {  	v0 =	vsub.f32 v0, v3;
	v4 =	vsub.f32 v4, v5;
	v60 =	vmul.f32 v57, v6  }
0x3af: {  	v2 =	vmul.f32 $1.500000000e+00, v2;
	v3 =	vmul.f32 v59, v58  }
0x3b0: {  	v0 =	vadd.f32 $0.0e+00, v0;
	v4 =	vadd.f32 $0.0e+00, v4  }
0x3b1: {  	v1 =	vsub.f32 v1, v60;
	v2 =	vsub.f32 v2, v3;
	_ =	sdelay $0x1  }
0x3b2: {  	v0 =	vadd.f32 v1, v0;
	v61 =	vadd.f32 v2, v4;
	_ =	sdelay $0x1  }
0x3b3: {  	v0 =	vadd.f32 v61, v0;
	_ =	sdelay $0x1  }
0x3b4: {  	(xrf2) =	vadd.scan.msk.f32 $0xffff, v0;
	_ =	sdelay $0x6  }
0x3b5: {  	s29 =	sadd.s32 $0x187, s21;
	s21 =	sadd.s32 $0x4, s21  }
0x3b6: {  	p0 =	slt.u32 s21, $0x7C;
	v62 =	vmov s29  }
.Ltmp3:
0x3b7: {  	_ = 	snop;
	(pc) =	sbr.rel @p0 .LBB2_8-.Ltmp3, $3  }
0x3b8: {  	v63, _, _ =	vpop (xrf2)  }
0x3b9: {  	v1 =	vsub.f32 $0.0e+00, v63;
	_ =	sdelay $0x1  }
0x3ba: {  	s23 =	sadd.s32 $0x200, s23;
	s26 =	sadd.s32 $0x200, s26;
	s28 =	sadd.s32 $0x200, s28;
	[tilespmem:v62+s25+$0x0] =	vst.idx.msk vm0, v1  }
0x3bb: {  	s2 =	sadd.s32 $0x1, s2  }
0x3bc: {  	p0 =	sne.s32 s2, s9  }
.Ltmp4:
0x3bd: {  	_ = 	snop;
	(pc) =	sbr.rel @p0 .LBB2_1-.Ltmp4, $4  }
0x3be: {  	[hbm4b:s8+s3] =	stream.linear.scatter [tilespmem:s25], [sflag:$0x4], $0x200, $0x38;
	[tilespmem:$0x18800] =	vst v63  }
0x3bf: {  	_ =	swait.ge [sflag:s10], $0x200  }
0x3c0: {  	[sflag:s10] =	ssyncset.done $0x0  }
0x3c1: {  	[sflag:s10] =	ssyncadd.s32 $0xFFFFFE00  }
0x3c2: {  	_ =	sfence.sel $0x180000  }
0x3c3: {  	[bflag:$0x0] =	sbarrier.arrive $0xFFFF  }
0x3c4: {  	_ =	strace $0x90000047  }
0x3c5: {  	s0 =	stileid.u32;
	[bflag:$0x2] =	sbarrier.arrive $0xFFFF  }
0x3c6: {  	p0 =	sne.s32 s0, $0x0;
	s0 =	rddreg [dreg:$0x6]  }
0x3c7: {  	s0 =	sadd.s32 @!p0 $0x100000, s0  }
0x3c8: {  	[sflag:s0] =	ssyncadd.tile.s32 @!p0 $0x1;
	_ =	shalt  }
.Lfunc_end2:
_tile_overlayer_lowered:
.L_overlay_start_2:
0x3c9: {  	(tag) =	ssettag $0x2  }
0x3ca: {  	s0 =	rddreg [dreg:$0x0];
	s2 =	stileid.u32  }
0x3cb: {  	s1 =	rddreg [dreg:$0x1];
	p0 =	sne.s32 s2, $0x0  }
0x3cc: {  	s3 =	rddreg [dreg:$0x2];
	[bflag:$0x3] =	sbarrier.arrive $0xFFFF;
	s2 =	simm.s32 @!p0 $0x1C04  }
0x3cd: {  	[timem:s3], [sflag:s2] =	dma.local @!p0 [hbm:s0], s1  }
0x3ce: {  	s0 =	simm.s32 @!p0 $0x4  }
0x3cf: {  	_ =	swait.ge @!p0 [sflag:s0], s1  }
0x3d0: {  	s1 =	ssub.s32 @!p0 $0x0, s1;
	[sflag:s0] =	ssyncset.done @!p0 $0x0  }
0x3d1: {  	[sflag:s0] =	ssyncadd.s32 @!p0 s1  }
0x3d2: {  	[bflag:$0x3] =	sbarrier.arrive $0xFFFF  }
0x3d3: {  	_ =	shalt  }

</sc_bundles>
